<compile_context>
chip_gen: v7x
topology: tpu7x:2x2x1
jax: 0.10.2.dev20260603
libtpu: 0.0.44.dev20260713+nightly
codegen_flags: <defaults>
</compile_context>

<pallas_src>
import functools

import jax
import jax.numpy as jnp
import numpy as np
from jax import lax
from jax.experimental import pallas as pl
from jax.experimental.pallas import tpu as pltpu
from jax.experimental.pallas import tpu_sc as plsc

_NC, _NS, _L = 2, 16, 16
_NW = _NC * _NS
_C = 19
_BINS = _C * _C
_HSTR = 369
_HLEN = _HSTR * _L
_CHUNKS = 2
_NHIST = 4
_W = 512


def _argmax_body(tgt_ref, x_ref, idx_ref):
    x = x_ref[0]
    t = tgt_ref[0]
    m = x[0]
    p = jnp.zeros_like(t)
    for c in range(1, _C):
        xc = x[c]
        g = xc > m
        m = jnp.where(g, xc, m)
        p = jnp.where(g, c, p)
    idx_ref[0] = t * _C + p


def _bincount_body(rows, wpb, idx_hbm, out_hbm, chunk_v, hists, sem):
    wid = lax.axis_index("s") * _NC + lax.axis_index("c")
    b = wid // wpb
    r0 = (wid % wpb) * rows
    zeros16 = jnp.zeros((_L,), jnp.float32)
    ones16 = jnp.ones((_L,), jnp.float32)
    lane_base = lax.iota(jnp.int32, _L) * _HSTR

    cp = pltpu.async_copy(idx_hbm.at[b, pl.ds(r0, rows)], chunk_v, sem)

    @plsc.parallel_loop(0, _HLEN // _L, 1, unroll=4)
    def zero_body(i):
        for h in hists:
            h[pl.ds(i * _L, _L)] = zeros16

    cp.wait()

    @plsc.parallel_loop(0, _W // _L, 1, unroll=2)
    def body(i):
        col = i * _L
        for r in range(rows):
            v = chunk_v[r, pl.ds(col, _L)]
            si = lane_base + v
            plsc.addupdate_scatter(hists[r % _NHIST], [si], ones16)

    @plsc.parallel_loop(0, _HLEN // _L, 1, unroll=4)
    def merge_body(i):
        s = i * _L
        acc = hists[0][pl.ds(s, _L)]
        for h in hists[1:]:
            acc = acc + h[pl.ds(s, _L)]
        hists[0][pl.ds(s, _L)] = acc

    pltpu.sync_copy(hists[0], out_hbm.at[wid])


def _bincount_wrapper(rows, wpb, idx_hbm, out_hbm, chunk_v, *rest):
    hists, sem = rest[:-1], rest[-1]
    _bincount_body(rows, wpb, idx_hbm, out_hbm, chunk_v, hists, sem)


def _epilogue_body(n_total, *refs):
    (*part_refs, mrow_ref, mcol_ref, mdiag_ref, loss_ref) = refs
    flat = jnp.sum(part_refs[0][...], axis=0)
    for pr in part_refs[1:]:
        flat = flat + jnp.sum(pr[...], axis=0)
    f = flat[None, :]
    ht = jnp.sum(mrow_ref[...] * f, axis=1)
    hp = jnp.sum(mcol_ref[...] * f, axis=1)
    tp = jnp.sum(mdiag_ref[...] * f, axis=1)
    smooth = jnp.float32(1e-6)
    ntot = jnp.float32(n_total)
    sens = (tp + smooth) / (hp + smooth)
    spec = (ntot - ht - hp + tp + smooth) / (ntot - hp + smooth)
    mean = jnp.sum(0.5 * sens + 0.5 * spec) / _C
    loss_ref[...] = 1.0 - mean.reshape(1, 1)


def _masks():
    j = np.arange(_HLEN) % _HSTR
    t, p = j // _C, j % _C
    valid = j < _BINS
    r = np.arange(_C)[:, None]
    mrow = ((t[None, :] == r) & valid[None, :]).astype(np.float32)
    mcol = ((p[None, :] == r) & valid[None, :]).astype(np.float32)
    mdiag = ((j[None, :] == 20 * r) & valid[None, :]).astype(np.float32)
    return mrow, mcol, mdiag


_MROW, _MCOL, _MDIAG = _masks()


def kernel(output, target):
    B, C, H, W = output.shape
    Hb = 256
    n_total = B * H * W
    nb = B // _CHUNKS
    wpb = _NW // nb
    rows = H // wpb

    sc_bincount = functools.partial(
        pl.kernel,
        mesh=plsc.VectorSubcoreMesh(core_axis_name="c", subcore_axis_name="s"),
        out_type=jax.ShapeDtypeStruct((_NW, _HLEN), jnp.float32),
        scratch_types=[
            pltpu.VMEM((rows, W), jnp.int32),
        ] + [pltpu.VMEM((_HLEN,), jnp.float32)] * _NHIST
          + [pltpu.SemaphoreType.DMA],
        compiler_params=pltpu.CompilerParams(
            needs_layout_passes=False, disable_bounds_checks=True,
        ),
    )(functools.partial(_bincount_wrapper, rows, wpb))

    parts = []
    for k in range(_CHUNKS):
        idx_k = pl.pallas_call(
            _argmax_body,
            grid=(nb, H // Hb),
            in_specs=[
                pl.BlockSpec((1, Hb, W),
                             lambda b, r, k=k: (b + k * nb, r, 0)),
                pl.BlockSpec((1, C, Hb, W),
                             lambda b, r, k=k: (b + k * nb, 0, r, 0)),
            ],
            out_specs=pl.BlockSpec((1, Hb, W), lambda b, r: (b, r, 0)),
            out_shape=jax.ShapeDtypeStruct((nb, H, W), jnp.int32),
            compiler_params=pltpu.CompilerParams(
                dimension_semantics=("parallel", "parallel"),
            ),
        )(target, output)
        parts.append(sc_bincount(idx_k))

    loss = pl.pallas_call(
        functools.partial(_epilogue_body, n_total),
        out_shape=jax.ShapeDtypeStruct((1, 1), jnp.float32),
    )(*parts, _MROW, _MCOL, _MDIAG)
    return loss[0, 0]

# --- scband reference (transcript-rebuilt; emitter-appended) ---
"""Pipeline reference for scband-sensitivity-specificity-loss-57492432224511 (READ-ONLY COPY).

The authoritative reference and input builder live on the scoring server;
editing this copy changes nothing except your own understanding.
"""

import jax, jax.numpy as jnp
import numpy as np

W = 0.5

def setup_inputs(seed: int = 0) -> dict:
    key = jax.random.key(seed)
    k1, k2 = jax.random.split(key)
    output = jax.random.normal(k1, (8, 19, 512, 512), dtype=jnp.float32)
    target = jax.random.randint(k2, (8, 512, 512), 0, 19, dtype=jnp.int32)
    return {"output": output, "target": target}


def reference(output, target):
    num_classes = output.shape[1]
    # target -> one-hot [B, C, H, W] float (mirrors F.one_hot(...).permute(0,3,1,2))
    y_true_oh = jax.nn.one_hot(target, num_classes, dtype=jnp.float32).transpose(0, 3, 1, 2)
    probs = jax.nn.softmax(output, axis=1)
    # argmax over class dim, then flatten across batch+spatial (the torch loop of
    # per-item bincounts summed into one confusion matrix == one global bincount)
    y_true = jnp.argmax(y_true_oh, axis=1).reshape(-1)
    y_pred = jnp.argmax(probs, axis=1).reshape(-1)
    cm = jnp.bincount(num_classes * y_true + y_pred, length=num_classes * num_classes)
    cm = cm.astype(jnp.float32).reshape(num_classes, num_classes)
    sum_along_classified = jnp.sum(cm, axis=1)
    sum_along_actual = jnp.sum(cm, axis=0)
    tp = jnp.diagonal(cm)
    fp = sum_along_classified - tp
    fn = sum_along_actual - tp
    tn = jnp.ones((num_classes,), dtype=jnp.float32) * jnp.sum(cm) - tp - fp - fn
    smooth = jnp.ones((num_classes,), dtype=jnp.float32) * 1e-06
    sensitivity = (tp + smooth) / (tp + fn + smooth)
    specificity = (tn + smooth) / (tn + fp + smooth)
    return 1.0 - jnp.mean(W * sensitivity + (1.0 - W) * specificity)

if __name__ == "__main__":
    import jax
    _d = setup_inputs()
    print(jax.jit(kernel)(*tuple(_d.values())))

</pallas_src>

<mosaic_0001>
#map = affine_map<(d0, d1) -> (0, 0, 0)>
#map1 = affine_map<(d0, d1) -> (0, 0)>
module attributes {stable_mosaic.version = 14 : i64} {
  func.func @_bincount_wrapper(%arg0: i32, %arg1: i32, %arg2: memref<4x512x512xi32, #tpu.memory_space<hbm>>, %arg3: memref<32x5904xf32, #tpu.memory_space<hbm>>, %arg4: memref<64x512xi32, #tpu.memory_space<vmem>>, %arg5: memref<5904xf32, #tpu.memory_space<vmem>>, %arg6: memref<5904xf32, #tpu.memory_space<vmem>>, %arg7: memref<5904xf32, #tpu.memory_space<vmem>>, %arg8: memref<5904xf32, #tpu.memory_space<vmem>>, %arg9: memref<!tpu.dma_semaphore, #tpu.memory_space<semaphore_mem>>) attributes {dimension_semantics = [#tpu.dimension_semantics<core_parallel>, #tpu.dimension_semantics<subcore_parallel>], iteration_bounds = array<i64: 2, 16>, scalar_prefetch = 0 : i64, scratch_operands = 6 : i64, tpu.core_type = #tpu.core_type<sc_vector_subcore>, window_params = [{transform_indices = #map}, {transform_indices = #map1}]} {
    %mul3A = arith.constant 2 : i32
    %mul3A_0 = arith.muli %arg1, %mul3A : i32
    %add3A = arith.addi %mul3A_0, %arg0 : i32
    %jit3A = arith.constant 8 : i32
    %div3A = arith.divsi %add3A, %jit3A : i32
    %sign3A = arith.constant 0 : i32
    %sign3A_1 = arith.cmpi sgt, %add3A, %sign3A : i32
    %sign3A_2 = arith.extui %sign3A_1 : i1 to i32
    %sign3A_3 = arith.constant 0 : i32
    %sign3A_4 = arith.cmpi slt, %add3A, %sign3A_3 : i32
    %sign3A_5 = arith.extui %sign3A_4 : i1 to i32
    %sign3A_6 = arith.subi %sign3A_2, %sign3A_5 : i32
    %sign3A_7 = arith.constant 0 : i32
    %sign3A_8 = arith.cmpi sgt, %jit3A, %sign3A_7 : i32
    %sign3A_9 = arith.extui %sign3A_8 : i1 to i32
    %sign3A_10 = arith.constant 0 : i32
    %sign3A_11 = arith.cmpi slt, %jit3A, %sign3A_10 : i32
    %sign3A_12 = arith.extui %sign3A_11 : i1 to i32
    %sign3A_13 = arith.subi %sign3A_9, %sign3A_12 : i32
    %ne3A = arith.cmpi ne, %sign3A_6, %sign3A_13 : i32
    %rem3A = arith.remsi %add3A, %jit3A : i32
    %ne3A_14 = arith.constant 0 : i32
    %ne3A_15 = arith.cmpi ne, %rem3A, %ne3A_14 : i32
    %and3A = arith.andi %ne3A, %ne3A_15 : i1
    %sub3A = arith.constant 1 : i32
    %sub3A_16 = arith.subi %div3A, %sub3A : i32
    %select_n3A = arith.select %and3A, %sub3A_16, %div3A : i32
    %jit3A_17 = arith.constant 8 : i32
    %eq3A = arith.constant 0 : i32
    %eq3A_18 = arith.cmpi eq, %jit3A_17, %eq3A : i32
    %jit3A_19 = arith.constant 1 : i32
    %select_n3A_20 = arith.select %eq3A_18, %jit3A_19, %jit3A_17 : i32
    %rem3A_21 = arith.remsi %add3A, %select_n3A_20 : i32
    %ne3A_22 = arith.constant 0 : i32
    %ne3A_23 = arith.cmpi ne, %rem3A_21, %ne3A_22 : i32
    %lt3A = arith.constant 0 : i32
    %lt3A_24 = arith.cmpi slt, %rem3A_21, %lt3A : i32
    %lt3A_25 = arith.constant 0 : i32
    %lt3A_26 = arith.cmpi slt, %select_n3A_20, %lt3A_25 : i32
    %ne3A_27 = arith.xori %lt3A_24, %lt3A_26 : i1
    %and3A_28 = arith.andi %ne3A_27, %ne3A_23 : i1
    %add3A_29 = arith.addi %rem3A_21, %select_n3A_20 : i32
    %select_n3A_30 = arith.select %and3A_28, %add3A_29, %rem3A_21 : i32
    %mul3A_31 = arith.constant 64 : i32
    %mul3A_32 = arith.muli %select_n3A_30, %mul3A_31 : i32
    %broadcast_in_dim3A = arith.constant 0.000000e+00 : f32
    %broadcast_in_dim3A_33 = vector.broadcast %broadcast_in_dim3A : f32 to vector<16xf32>
    %broadcast_in_dim3A_34 = arith.constant 1.000000e+00 : f32
    %broadcast_in_dim3A_35 = vector.broadcast %broadcast_in_dim3A_34 : f32 to vector<16xf32>
    %iota3A = tpu.iota {dimensions = array<i32: 0>} : vector<16xi32>
    %mul3A_36 = arith.constant 369 : i32
    %mul3A_37 = vector.broadcast %mul3A_36 : i32 to vector<16xi32>
    %mul3A_38 = arith.muli %iota3A, %mul3A_37 : vector<16xi32>
    %dma_start3A = arith.constant 0 : i32
    %dma_start3A_39 = tpu.memref_slice %arg2[%select_n3A, %mul3A_32, %dma_start3A] : memref<4x512x512xi32, #tpu.memory_space<hbm>> -> memref<1x64x512xi32, #tpu.memory_space<hbm>>
    %dma_start3A_40 = tpu.memref_squeeze %dma_start3A_39 : memref<1x64x512xi32, #tpu.memory_space<hbm>> -> memref<64x512xi32, #tpu.memory_space<hbm>>
    %dma_start3A_41 = arith.constant 0 : i32
    %dma_start3A_42 = tpu.memref_slice %arg2[%select_n3A, %mul3A_32, %dma_start3A_41] : memref<4x512x512xi32, #tpu.memory_space<hbm>> -> memref<1x64x512xi32, #tpu.memory_space<hbm>>
    %dma_start3A_43 = tpu.memref_squeeze %dma_start3A_42 : memref<1x64x512xi32, #tpu.memory_space<hbm>> -> memref<64x512xi32, #tpu.memory_space<hbm>>
    tpu.enqueue_dma source(%dma_start3A_43 : memref<64x512xi32, #tpu.memory_space<hbm>>) target(%arg4 : memref<64x512xi32, #tpu.memory_space<vmem>>) target_semaphore(%arg9 : memref<!tpu.dma_semaphore, #tpu.memory_space<semaphore_mem>>)
    %parallel_loop3A = arith.constant 0 : i32
    %parallel_loop3A_44 = arith.constant 369 : i32
    %parallel_loop3A_45 = arith.constant 1 : i32
    scf.for %parallel_loop3A_57 = %parallel_loop3A to %parallel_loop3A_44 step %parallel_loop3A_45  : i32 {
      %parallel_loop3A_58 = arith.constant 16 : i32
      %parallel_loop3A_59 = arith.muli %parallel_loop3A_57, %parallel_loop3A_58 : i32
      %parallel_loop3A_60 = arith.index_cast %parallel_loop3A_59 : i32 to index
      %parallel_loop3A_61 = tpu.vector_load %arg5[%parallel_loop3A_60] {strides = array<i32>} : memref<5904xf32, #tpu.memory_space<vmem>>, vector<16xf32>,
      tpu.vector_store %arg5[%parallel_loop3A_60], %broadcast_in_dim3A_33 {strides = array<i32>} : memref<5904xf32, #tpu.memory_space<vmem>>, vector<16xf32>,
      %parallel_loop3A_62 = arith.constant 16 : i32
      %parallel_loop3A_63 = arith.muli %parallel_loop3A_57, %parallel_loop3A_62 : i32
      %parallel_loop3A_64 = arith.index_cast %parallel_loop3A_63 : i32 to index
      %parallel_loop3A_65 = tpu.vector_load %arg6[%parallel_loop3A_64] {strides = array<i32>} : memref<5904xf32, #tpu.memory_space<vmem>>, vector<16xf32>,
      tpu.vector_store %arg6[%parallel_loop3A_64], %broadcast_in_dim3A_33 {strides = array<i32>} : memref<5904xf32, #tpu.memory_space<vmem>>, vector<16xf32>,
      %parallel_loop3A_66 = arith.constant 16 : i32
      %parallel_loop3A_67 = arith.muli %parallel_loop3A_57, %parallel_loop3A_66 : i32
      %parallel_loop3A_68 = arith.index_cast %parallel_loop3A_67 : i32 to index
      %parallel_loop3A_69 = tpu.vector_load %arg7[%parallel_loop3A_68] {strides = array<i32>} : memref<5904xf32, #tpu.memory_space<vmem>>, vector<16xf32>,
      tpu.vector_store %arg7[%parallel_loop3A_68], %broadcast_in_dim3A_33 {strides = array<i32>} : memref<5904xf32, #tpu.memory_space<vmem>>, vector<16xf32>,
      %parallel_loop3A_70 = arith.constant 16 : i32
      %parallel_loop3A_71 = arith.muli %parallel_loop3A_57, %parallel_loop3A_70 : i32
      %parallel_loop3A_72 = arith.index_cast %parallel_loop3A_71 : i32 to index
      %parallel_loop3A_73 = tpu.vector_load %arg8[%parallel_loop3A_72] {strides = array<i32>} : memref<5904xf32, #tpu.memory_space<vmem>>, vector<16xf32>,
      tpu.vector_store %arg8[%parallel_loop3A_72], %broadcast_in_dim3A_33 {strides = array<i32>} : memref<5904xf32, #tpu.memory_space<vmem>>, vector<16xf32>,
    } {sc.loop_unroll_factor = 4 : i64, sc.parallel_access}
    %dma_wait3A = arith.constant 0 : i32
    %dma_wait3A_46 = tpu.memref_slice %arg2[%select_n3A, %mul3A_32, %dma_wait3A] : memref<4x512x512xi32, #tpu.memory_space<hbm>> -> memref<1x64x512xi32, #tpu.memory_space<hbm>>
    %dma_wait3A_47 = tpu.memref_squeeze %dma_wait3A_46 : memref<1x64x512xi32, #tpu.memory_space<hbm>> -> memref<64x512xi32, #tpu.memory_space<hbm>>
    %dma_wait3A_48 = arith.constant 0 : i32
    %dma_wait3A_49 = tpu.memref_slice %arg2[%select_n3A, %mul3A_32, %dma_wait3A_48] : memref<4x512x512xi32, #tpu.memory_space<hbm>> -> memref<1x64x512xi32, #tpu.memory_space<hbm>>
    %dma_wait3A_50 = tpu.memref_squeeze %dma_wait3A_49 : memref<1x64x512xi32, #tpu.memory_space<hbm>> -> memref<64x512xi32, #tpu.memory_space<hbm>>
    tpu.wait_dma2 semaphore(%arg9 : memref<!tpu.dma_semaphore, #tpu.memory_space<semaphore_mem>>) src(%dma_wait3A_50 : memref<64x512xi32, #tpu.memory_space<hbm>>) dst(%arg4 : memref<64x512xi32, #tpu.memory_space<vmem>>)
    %parallel_loop3A_51 = arith.constant 0 : i32
    %parallel_loop3A_52 = arith.constant 32 : i32
    %parallel_loop3A_53 = arith.constant 1 : i32
    scf.for %parallel_loop3A_57 = %parallel_loop3A_51 to %parallel_loop3A_52 step %parallel_loop3A_53  : i32 {
      %parallel_loop3A_58 = arith.constant 16 : i32
      %parallel_loop3A_59 = arith.muli %parallel_loop3A_57, %parallel_loop3A_58 : i32
      %parallel_loop3A_60 = arith.constant 0 : i32
      %parallel_loop3A_61 = arith.index_cast %parallel_loop3A_60 : i32 to index
      %parallel_loop3A_62 = arith.index_cast %parallel_loop3A_59 : i32 to index
      %parallel_loop3A_63 = tpu.vector_load %arg4[%parallel_loop3A_61, %parallel_loop3A_62] {strides = array<i32>} : memref<64x512xi32, #tpu.memory_space<vmem>>, vector<16xi32>,
      %parallel_loop3A_64 = arith.addi %mul3A_38, %parallel_loop3A_63 : vector<16xi32>
      tpu.vector_store_idx %arg5[%parallel_loop3A_64], %broadcast_in_dim3A_35 {add = true} : memref<5904xf32, #tpu.memory_space<vmem>>[vector<16xi32>], vector<16xf32>,
      %parallel_loop3A_65 = arith.constant 1 : i32
      %parallel_loop3A_66 = arith.index_cast %parallel_loop3A_65 : i32 to index
      %parallel_loop3A_67 = arith.index_cast %parallel_loop3A_59 : i32 to index
      %parallel_loop3A_68 = tpu.vector_load %arg4[%parallel_loop3A_66, %parallel_loop3A_67] {strides = array<i32>} : memref<64x512xi32, #tpu.memory_space<vmem>>, vector<16xi32>,
      %parallel_loop3A_69 = arith.addi %mul3A_38, %parallel_loop3A_68 : vector<16xi32>
      tpu.vector_store_idx %arg6[%parallel_loop3A_69], %broadcast_in_dim3A_35 {add = true} : memref<5904xf32, #tpu.memory_space<vmem>>[vector<16xi32>], vector<16xf32>,
      %parallel_loop3A_70 = arith.constant 2 : i32
      %parallel_loop3A_71 = arith.index_cast %parallel_loop3A_70 : i32 to index
      %parallel_loop3A_72 = arith.index_cast %parallel_loop3A_59 : i32 to index
      %parallel_loop3A_73 = tpu.vector_load %arg4[%parallel_loop3A_71, %parallel_loop3A_72] {strides = array<i32>} : memref<64x512xi32, #tpu.memory_space<vmem>>, vector<16xi32>,
      %parallel_loop3A_74 = arith.addi %mul3A_38, %parallel_loop3A_73 : vector<16xi32>
      tpu.vector_store_idx %arg7[%parallel_loop3A_74], %broadcast_in_dim3A_35 {add = true} : memref<5904xf32, #tpu.memory_space<vmem>>[vector<16xi32>], vector<16xf32>,
      %parallel_loop3A_75 = arith.constant 3 : i32
      %parallel_loop3A_76 = arith.index_cast %parallel_loop3A_75 : i32 to index
      %parallel_loop3A_77 = arith.index_cast %parallel_loop3A_59 : i32 to index
      %parallel_loop3A_78 = tpu.vector_load %arg4[%parallel_loop3A_76, %parallel_loop3A_77] {strides = array<i32>} : memref<64x512xi32, #tpu.memory_space<vmem>>, vector<16xi32>,
      %parallel_loop3A_79 = arith.addi %mul3A_38, %parallel_loop3A_78 : vector<16xi32>
      tpu.vector_store_idx %arg8[%parallel_loop3A_79], %broadcast_in_dim3A_35 {add = true} : memref<5904xf32, #tpu.memory_space<vmem>>[vector<16xi32>], vector<16xf32>,
      %parallel_loop3A_80 = arith.constant 4 : i32
      %parallel_loop3A_81 = arith.index_cast %parallel_loop3A_80 : i32 to index
      %parallel_loop3A_82 = arith.index_cast %parallel_loop3A_59 : i32 to index
      %parallel_loop3A_83 = tpu.vector_load %arg4[%parallel_loop3A_81, %parallel_loop3A_82] {strides = array<i32>} : memref<64x512xi32, #tpu.memory_space<vmem>>, vector<16xi32>,
      %parallel_loop3A_84 = arith.addi %mul3A_38, %parallel_loop3A_83 : vector<16xi32>
      tpu.vector_store_idx %arg5[%parallel_loop3A_84], %broadcast_in_dim3A_35 {add = true} : memref<5904xf32, #tpu.memory_space<vmem>>[vector<16xi32>], vector<16xf32>,
      %parallel_loop3A_85 = arith.constant 5 : i32
      %parallel_loop3A_86 = arith.index_cast %parallel_loop3A_85 : i32 to index
      %parallel_loop3A_87 = arith.index_cast %parallel_loop3A_59 : i32 to index
      %parallel_loop3A_88 = tpu.vector_load %arg4[%parallel_loop3A_86, %parallel_loop3A_87] {strides = array<i32>} : memref<64x512xi32, #tpu.memory_space<vmem>>, vector<16xi32>,
      %parallel_loop3A_89 = arith.addi %mul3A_38, %parallel_loop3A_88 : vector<16xi32>
      tpu.vector_store_idx %arg6[%parallel_loop3A_89], %broadcast_in_dim3A_35 {add = true} : memref<5904xf32, #tpu.memory_space<vmem>>[vector<16xi32>], vector<16xf32>,
      %parallel_loop3A_90 = arith.constant 6 : i32
      %parallel_loop3A_91 = arith.index_cast %parallel_loop3A_90 : i32 to index
      %parallel_loop3A_92 = arith.index_cast %parallel_loop3A_59 : i32 to index
      %parallel_loop3A_93 = tpu.vector_load %arg4[%parallel_loop3A_91, %parallel_loop3A_92] {strides = array<i32>} : memref<64x512xi32, #tpu.memory_space<vmem>>, vector<16xi32>,
      %parallel_loop3A_94 = arith.addi %mul3A_38, %parallel_loop3A_93 : vector<16xi32>
      tpu.vector_store_idx %arg7[%parallel_loop3A_94], %broadcast_in_dim3A_35 {add = true} : memref<5904xf32, #tpu.memory_space<vmem>>[vector<16xi32>], vector<16xf32>,
      %parallel_loop3A_95 = arith.constant 7 : i32
      %parallel_loop3A_96 = arith.index_cast %parallel_loop3A_95 : i32 to index
      %parallel_loop3A_97 = arith.index_cast %parallel_loop3A_59 : i32 to index
      %parallel_loop3A_98 = tpu.vector_load %arg4[%parallel_loop3A_96, %parallel_loop3A_97] {strides = array<i32>} : memref<64x512xi32, #tpu.memory_space<vmem>>, vector<16xi32>,
      %parallel_loop3A_99 = arith.addi %mul3A_38, %parallel_loop3A_98 : vector<16xi32>
      tpu.vector_store_idx %arg8[%parallel_loop3A_99], %broadcast_in_dim3A_35 {add = true} : memref<5904xf32, #tpu.memory_space<vmem>>[vector<16xi32>], vector<16xf32>,
      %parallel_loop3A_100 = arith.constant 8 : i32
      %parallel_loop3A_101 = arith.index_cast %parallel_loop3A_100 : i32 to index
      %parallel_loop3A_102 = arith.index_cast %parallel_loop3A_59 : i32 to index
      %parallel_loop3A_103 = tpu.vector_load %arg4[%parallel_loop3A_101, %parallel_loop3A_102] {strides = array<i32>} : memref<64x512xi32, #tpu.memory_space<vmem>>, vector<16xi32>,
      %parallel_loop3A_104 = arith.addi %mul3A_38, %parallel_loop3A_103 : vector<16xi32>
      tpu.vector_store_idx %arg5[%parallel_loop3A_104], %broadcast_in_dim3A_35 {add = true} : memref<5904xf32, #tpu.memory_space<vmem>>[vector<16xi32>], vector<16xf32>,
      %parallel_loop3A_105 = arith.constant 9 : i32
      %parallel_loop3A_106 = arith.index_cast %parallel_loop3A_105 : i32 to index
      %parallel_loop3A_107 = arith.index_cast %parallel_loop3A_59 : i32 to index
      %parallel_loop3A_108 = tpu.vector_load %arg4[%parallel_loop3A_106, %parallel_loop3A_107] {strides = array<i32>} : memref<64x512xi32, #tpu.memory_space<vmem>>, vector<16xi32>,
      %parallel_loop3A_109 = arith.addi %mul3A_38, %parallel_loop3A_108 : vector<16xi32>
      tpu.vector_store_idx %arg6[%parallel_loop3A_109], %broadcast_in_dim3A_35 {add = true} : memref<5904xf32, #tpu.memory_space<vmem>>[vector<16xi32>], vector<16xf32>,
      %parallel_loop3A_110 = arith.constant 10 : i32
      %parallel_loop3A_111 = arith.index_cast %parallel_loop3A_110 : i32 to index
      %parallel_loop3A_112 = arith.index_cast %parallel_loop3A_59 : i32 to index
      %parallel_loop3A_113 = tpu.vector_load %arg4[%parallel_loop3A_111, %parallel_loop3A_112] {strides = array<i32>} : memref<64x512xi32, #tpu.memory_space<vmem>>, vector<16xi32>,
      %parallel_loop3A_114 = arith.addi %mul3A_38, %parallel_loop3A_113 : vector<16xi32>
      tpu.vector_store_idx %arg7[%parallel_loop3A_114], %broadcast_in_dim3A_35 {add = true} : memref<5904xf32, #tpu.memory_space<vmem>>[vector<16xi32>], vector<16xf32>,
      %parallel_loop3A_115 = arith.constant 11 : i32
      %parallel_loop3A_116 = arith.index_cast %parallel_loop3A_115 : i32 to index
      %parallel_loop3A_117 = arith.index_cast %parallel_loop3A_59 : i32 to index
      %parallel_loop3A_118 = tpu.vector_load %arg4[%parallel_loop3A_116, %parallel_loop3A_117] {strides = array<i32>} : memref<64x512xi32, #tpu.memory_space<vmem>>, vector<16xi32>,
      %parallel_loop3A_119 = arith.addi %mul3A_38, %parallel_loop3A_118 : vector<16xi32>
      tpu.vector_store_idx %arg8[%parallel_loop3A_119], %broadcast_in_dim3A_35 {add = true} : memref<5904xf32, #tpu.memory_space<vmem>>[vector<16xi32>], vector<16xf32>,
      %parallel_loop3A_120 = arith.constant 12 : i32
      %parallel_loop3A_121 = arith.index_cast %parallel_loop3A_120 : i32 to index
      %parallel_loop3A_122 = arith.index_cast %parallel_loop3A_59 : i32 to index
      %parallel_loop3A_123 = tpu.vector_load %arg4[%parallel_loop3A_121, %parallel_loop3A_122] {strides = array<i32>} : memref<64x512xi32, #tpu.memory_space<vmem>>, vector<16xi32>,
      %parallel_loop3A_124 = arith.addi %mul3A_38, %parallel_loop3A_123 : vector<16xi32>
      tpu.vector_store_idx %arg5[%parallel_loop3A_124], %broadcast_in_dim3A_35 {add = true} : memref<5904xf32, #tpu.memory_space<vmem>>[vector<16xi32>], vector<16xf32>,
      %parallel_loop3A_125 = arith.constant 13 : i32
      %parallel_loop3A_126 = arith.index_cast %parallel_loop3A_125 : i32 to index
      %parallel_loop3A_127 = arith.index_cast %parallel_loop3A_59 : i32 to index
      %parallel_loop3A_128 = tpu.vector_load %arg4[%parallel_loop3A_126, %parallel_loop3A_127] {strides = array<i32>} : memref<64x512xi32, #tpu.memory_space<vmem>>, vector<16xi32>,
      %parallel_loop3A_129 = arith.addi %mul3A_38, %parallel_loop3A_128 : vector<16xi32>
      tpu.vector_store_idx %arg6[%parallel_loop3A_129], %broadcast_in_dim3A_35 {add = true} : memref<5904xf32, #tpu.memory_space<vmem>>[vector<16xi32>], vector<16xf32>,
      %parallel_loop3A_130 = arith.constant 14 : i32
      %parallel_loop3A_131 = arith.index_cast %parallel_loop3A_130 : i32 to index
      %parallel_loop3A_132 = arith.index_cast %parallel_loop3A_59 : i32 to index
      %parallel_loop3A_133 = tpu.vector_load %arg4[%parallel_loop3A_131, %parallel_loop3A_132] {strides = array<i32>} : memref<64x512xi32, #tpu.memory_space<vmem>>, vector<16xi32>,
      %parallel_loop3A_134 = arith.addi %mul3A_38, %parallel_loop3A_133 : vector<16xi32>
      tpu.vector_store_idx %arg7[%parallel_loop3A_134], %broadcast_in_dim3A_35 {add = true} : memref<5904xf32, #tpu.memory_space<vmem>>[vector<16xi32>], vector<16xf32>,
      %parallel_loop3A_135 = arith.constant 15 : i32
      %parallel_loop3A_136 = arith.index_cast %parallel_loop3A_135 : i32 to index
      %parallel_loop3A_137 = arith.index_cast %parallel_loop3A_59 : i32 to index
      %parallel_loop3A_138 = tpu.vector_load %arg4[%parallel_loop3A_136, %parallel_loop3A_137] {strides = array<i32>} : memref<64x512xi32, #tpu.memory_space<vmem>>, vector<16xi32>,
      %parallel_loop3A_139 = arith.addi %mul3A_38, %parallel_loop3A_138 : vector<16xi32>
      tpu.vector_store_idx %arg8[%parallel_loop3A_139], %broadcast_in_dim3A_35 {add = true} : memref<5904xf32, #tpu.memory_space<vmem>>[vector<16xi32>], vector<16xf32>,
      %parallel_loop3A_140 = arith.constant 16 : i32
      %parallel_loop3A_141 = arith.index_cast %parallel_loop3A_140 : i32 to index
      %parallel_loop3A_142 = arith.index_cast %parallel_loop3A_59 : i32 to index
      %parallel_loop3A_143 = tpu.vector_load %arg4[%parallel_loop3A_141, %parallel_loop3A_142] {strides = array<i32>} : memref<64x512xi32, #tpu.memory_space<vmem>>, vector<16xi32>,
      %parallel_loop3A_144 = arith.addi %mul3A_38, %parallel_loop3A_143 : vector<16xi32>
      tpu.vector_store_idx %arg5[%parallel_loop3A_144], %broadcast_in_dim3A_35 {add = true} : memref<5904xf32, #tpu.memory_space<vmem>>[vector<16xi32>], vector<16xf32>,
      %parallel_loop3A_145 = arith.constant 17 : i32
      %parallel_loop3A_146 = arith.index_cast %parallel_loop3A_145 : i32 to index
      %parallel_loop3A_147 = arith.index_cast %parallel_loop3A_59 : i32 to index
      %parallel_loop3A_148 = tpu.vector_load %arg4[%parallel_loop3A_146, %parallel_loop3A_147] {strides = array<i32>} : memref<64x512xi32, #tpu.memory_space<vmem>>, vector<16xi32>,
      %parallel_loop3A_149 = arith.addi %mul3A_38, %parallel_loop3A_148 : vector<16xi32>
      tpu.vector_store_idx %arg6[%parallel_loop3A_149], %broadcast_in_dim3A_35 {add = true} : memref<5904xf32, #tpu.memory_space<vmem>>[vector<16xi32>], vector<16xf32>,
      %parallel_loop3A_150 = arith.constant 18 : i32
      %parallel_loop3A_151 = arith.index_cast %parallel_loop3A_150 : i32 to index
      %parallel_loop3A_152 = arith.index_cast %parallel_loop3A_59 : i32 to index
      %parallel_loop3A_153 = tpu.vector_load %arg4[%parallel_loop3A_151, %parallel_loop3A_152] {strides = array<i32>} : memref<64x512xi32, #tpu.memory_space<vmem>>, vector<16xi32>,
      %parallel_loop3A_154 = arith.addi %mul3A_38, %parallel_loop3A_153 : vector<16xi32>
      tpu.vector_store_idx %arg7[%parallel_loop3A_154], %broadcast_in_dim3A_35 {add = true} : memref<5904xf32, #tpu.memory_space<vmem>>[vector<16xi32>], vector<16xf32>,
      %parallel_loop3A_155 = arith.constant 19 : i32
      %parallel_loop3A_156 = arith.index_cast %parallel_loop3A_155 : i32 to index
      %parallel_loop3A_157 = arith.index_cast %parallel_loop3A_59 : i32 to index
      %parallel_loop3A_158 = tpu.vector_load %arg4[%parallel_loop3A_156, %parallel_loop3A_157] {strides = array<i32>} : memref<64x512xi32, #tpu.memory_space<vmem>>, vector<16xi32>,
      %parallel_loop3A_159 = arith.addi %mul3A_38, %parallel_loop3A_158 : vector<16xi32>
      tpu.vector_store_idx %arg8[%parallel_loop3A_159], %broadcast_in_dim3A_35 {add = true} : memref<5904xf32, #tpu.memory_space<vmem>>[vector<16xi32>], vector<16xf32>,
      %parallel_loop3A_160 = arith.constant 20 : i32
      %parallel_loop3A_161 = arith.index_cast %parallel_loop3A_160 : i32 to index
      %parallel_loop3A_162 = arith.index_cast %parallel_loop3A_59 : i32 to index
      %parallel_loop3A_163 = tpu.vector_load %arg4[%parallel_loop3A_161, %parallel_loop3A_162] {strides = array<i32>} : memref<64x512xi32, #tpu.memory_space<vmem>>, vector<16xi32>,
      %parallel_loop3A_164 = arith.addi %mul3A_38, %parallel_loop3A_163 : vector<16xi32>
      tpu.vector_store_idx %arg5[%parallel_loop3A_164], %broadcast_in_dim3A_35 {add = true} : memref<5904xf32, #tpu.memory_space<vmem>>[vector<16xi32>], vector<16xf32>,
      %parallel_loop3A_165 = arith.constant 21 : i32
      %parallel_loop3A_166 = arith.index_cast %parallel_loop3A_165 : i32 to index
      %parallel_loop3A_167 = arith.index_cast %parallel_loop3A_59 : i32 to index
      %parallel_loop3A_168 = tpu.vector_load %arg4[%parallel_loop3A_166, %parallel_loop3A_167] {strides = array<i32>} : memref<64x512xi32, #tpu.memory_space<vmem>>, vector<16xi32>,
      %parallel_loop3A_169 = arith.addi %mul3A_38, %parallel_loop3A_168 : vector<16xi32>
      tpu.vector_store_idx %arg6[%parallel_loop3A_169], %broadcast_in_dim3A_35 {add = true} : memref<5904xf32, #tpu.memory_space<vmem>>[vector<16xi32>], vector<16xf32>,
      %parallel_loop3A_170 = arith.constant 22 : i32
      %parallel_loop3A_171 = arith.index_cast %parallel_loop3A_170 : i32 to index
      %parallel_loop3A_172 = arith.index_cast %parallel_loop3A_59 : i32 to index
      %parallel_loop3A_173 = tpu.vector_load %arg4[%parallel_loop3A_171, %parallel_loop3A_172] {strides = array<i32>} : memref<64x512xi32, #tpu.memory_space<vmem>>, vector<16xi32>,
      %parallel_loop3A_174 = arith.addi %mul3A_38, %parallel_loop3A_173 : vector<16xi32>
      tpu.vector_store_idx %arg7[%parallel_loop3A_174], %broadcast_in_dim3A_35 {add = true} : memref<5904xf32, #tpu.memory_space<vmem>>[vector<16xi32>], vector<16xf32>,
      %parallel_loop3A_175 = arith.constant 23 : i32
      %parallel_loop3A_176 = arith.index_cast %parallel_loop3A_175 : i32 to index
      %parallel_loop3A_177 = arith.index_cast %parallel_loop3A_59 : i32 to index
      %parallel_loop3A_178 = tpu.vector_load %arg4[%parallel_loop3A_176, %parallel_loop3A_177] {strides = array<i32>} : memref<64x512xi32, #tpu.memory_space<vmem>>, vector<16xi32>,
      %parallel_loop3A_179 = arith.addi %mul3A_38, %parallel_loop3A_178 : vector<16xi32>
      tpu.vector_store_idx %arg8[%parallel_loop3A_179], %broadcast_in_dim3A_35 {add = true} : memref<5904xf32, #tpu.memory_space<vmem>>[vector<16xi32>], vector<16xf32>,
      %parallel_loop3A_180 = arith.constant 24 : i32
      %parallel_loop3A_181 = arith.index_cast %parallel_loop3A_180 : i32 to index
      %parallel_loop3A_182 = arith.index_cast %parallel_loop3A_59 : i32 to index
      %parallel_loop3A_183 = tpu.vector_load %arg4[%parallel_loop3A_181, %parallel_loop3A_182] {strides = array<i32>} : memref<64x512xi32, #tpu.memory_space<vmem>>, vector<16xi32>,
      %parallel_loop3A_184 = arith.addi %mul3A_38, %parallel_loop3A_183 : vector<16xi32>
      tpu.vector_store_idx %arg5[%parallel_loop3A_184], %broadcast_in_dim3A_35 {add = true} : memref<5904xf32, #tpu.memory_space<vmem>>[vector<16xi32>], vector<16xf32>,
      %parallel_loop3A_185 = arith.constant 25 : i32
      %parallel_loop3A_186 = arith.index_cast %parallel_loop3A_185 : i32 to index
      %parallel_loop3A_187 = arith.index_cast %parallel_loop3A_59 : i32 to index
      %parallel_loop3A_188 = tpu.vector_load %arg4[%parallel_loop3A_186, %parallel_loop3A_187] {strides = array<i32>} : memref<64x512xi32, #tpu.memory_space<vmem>>, vector<16xi32>,
      %parallel_loop3A_189 = arith.addi %mul3A_38, %parallel_loop3A_188 : vector<16xi32>
      tpu.vector_store_idx %arg6[%parallel_loop3A_189], %broadcast_in_dim3A_35 {add = true} : memref<5904xf32, #tpu.memory_space<vmem>>[vector<16xi32>], vector<16xf32>,
      %parallel_loop3A_190 = arith.constant 26 : i32
      %parallel_loop3A_191 = arith.index_cast %parallel_loop3A_190 : i32 to index
      %parallel_loop3A_192 = arith.index_cast %parallel_loop3A_59 : i32 to index
      %parallel_loop3A_193 = tpu.vector_load %arg4[%parallel_loop3A_191, %parallel_loop3A_192] {strides = array<i32>} : memref<64x512xi32, #tpu.memory_space<vmem>>, vector<16xi32>,
      %parallel_loop3A_194 = arith.addi %mul3A_38, %parallel_loop3A_193 : vector<16xi32>
      tpu.vector_store_idx %arg7[%parallel_loop3A_194], %broadcast_in_dim3A_35 {add = true} : memref<5904xf32, #tpu.memory_space<vmem>>[vector<16xi32>], vector<16xf32>,
      %parallel_loop3A_195 = arith.constant 27 : i32
      %parallel_loop3A_196 = arith.index_cast %parallel_loop3A_195 : i32 to index
      %parallel_loop3A_197 = arith.index_cast %parallel_loop3A_59 : i32 to index
      %parallel_loop3A_198 = tpu.vector_load %arg4[%parallel_loop3A_196, %parallel_loop3A_197] {strides = array<i32>} : memref<64x512xi32, #tpu.memory_space<vmem>>, vector<16xi32>,
      %parallel_loop3A_199 = arith.addi %mul3A_38, %parallel_loop3A_198 : vector<16xi32>
      tpu.vector_store_idx %arg8[%parallel_loop3A_199], %broadcast_in_dim3A_35 {add = true} : memref<5904xf32, #tpu.memory_space<vmem>>[vector<16xi32>], vector<16xf32>,
      %parallel_loop3A_200 = arith.constant 28 : i32
      %parallel_loop3A_201 = arith.index_cast %parallel_loop3A_200 : i32 to index
      %parallel_loop3A_202 = arith.index_cast %parallel_loop3A_59 : i32 to index
      %parallel_loop3A_203 = tpu.vector_load %arg4[%parallel_loop3A_201, %parallel_loop3A_202] {strides = array<i32>} : memref<64x512xi32, #tpu.memory_space<vmem>>, vector<16xi32>,
      %parallel_loop3A_204 = arith.addi %mul3A_38, %parallel_loop3A_203 : vector<16xi32>
      tpu.vector_store_idx %arg5[%parallel_loop3A_204], %broadcast_in_dim3A_35 {add = true} : memref<5904xf32, #tpu.memory_space<vmem>>[vector<16xi32>], vector<16xf32>,
      %parallel_loop3A_205 = arith.constant 29 : i32
      %parallel_loop3A_206 = arith.index_cast %parallel_loop3A_205 : i32 to index
      %parallel_loop3A_207 = arith.index_cast %parallel_loop3A_59 : i32 to index
      %parallel_loop3A_208 = tpu.vector_load %arg4[%parallel_loop3A_206, %parallel_loop3A_207] {strides = array<i32>} : memref<64x512xi32, #tpu.memory_space<vmem>>, vector<16xi32>,
      %parallel_loop3A_209 = arith.addi %mul3A_38, %parallel_loop3A_208 : vector<16xi32>
      tpu.vector_store_idx %arg6[%parallel_loop3A_209], %broadcast_in_dim3A_35 {add = true} : memref<5904xf32, #tpu.memory_space<vmem>>[vector<16xi32>], vector<16xf32>,
      %parallel_loop3A_210 = arith.constant 30 : i32
      %parallel_loop3A_211 = arith.index_cast %parallel_loop3A_210 : i32 to index
      %parallel_loop3A_212 = arith.index_cast %parallel_loop3A_59 : i32 to index
      %parallel_loop3A_213 = tpu.vector_load %arg4[%parallel_loop3A_211, %parallel_loop3A_212] {strides = array<i32>} : memref<64x512xi32, #tpu.memory_space<vmem>>, vector<16xi32>,
      %parallel_loop3A_214 = arith.addi %mul3A_38, %parallel_loop3A_213 : vector<16xi32>
      tpu.vector_store_idx %arg7[%parallel_loop3A_214], %broadcast_in_dim3A_35 {add = true} : memref<5904xf32, #tpu.memory_space<vmem>>[vector<16xi32>], vector<16xf32>,
      %parallel_loop3A_215 = arith.constant 31 : i32
      %parallel_loop3A_216 = arith.index_cast %parallel_loop3A_215 : i32 to index
      %parallel_loop3A_217 = arith.index_cast %parallel_loop3A_59 : i32 to index
      %parallel_loop3A_218 = tpu.vector_load %arg4[%parallel_loop3A_216, %parallel_loop3A_217] {strides = array<i32>} : memref<64x512xi32, #tpu.memory_space<vmem>>, vector<16xi32>,
      %parallel_loop3A_219 = arith.addi %mul3A_38, %parallel_loop3A_218 : vector<16xi32>
      tpu.vector_store_idx %arg8[%parallel_loop3A_219], %broadcast_in_dim3A_35 {add = true} : memref<5904xf32, #tpu.memory_space<vmem>>[vector<16xi32>], vector<16xf32>,
      %parallel_loop3A_220 = arith.constant 32 : i32
      %parallel_loop3A_221 = arith.index_cast %parallel_loop3A_220 : i32 to index
      %parallel_loop3A_222 = arith.index_cast %parallel_loop3A_59 : i32 to index
      %parallel_loop3A_223 = tpu.vector_load %arg4[%parallel_loop3A_221, %parallel_loop3A_222] {strides = array<i32>} : memref<64x512xi32, #tpu.memory_space<vmem>>, vector<16xi32>,
      %parallel_loop3A_224 = arith.addi %mul3A_38, %parallel_loop3A_223 : vector<16xi32>
      tpu.vector_store_idx %arg5[%parallel_loop3A_224], %broadcast_in_dim3A_35 {add = true} : memref<5904xf32, #tpu.memory_space<vmem>>[vector<16xi32>], vector<16xf32>,
      %parallel_loop3A_225 = arith.constant 33 : i32
      %parallel_loop3A_226 = arith.index_cast %parallel_loop3A_225 : i32 to index
      %parallel_loop3A_227 = arith.index_cast %parallel_loop3A_59 : i32 to index
      %parallel_loop3A_228 = tpu.vector_load %arg4[%parallel_loop3A_226, %parallel_loop3A_227] {strides = array<i32>} : memref<64x512xi32, #tpu.memory_space<vmem>>, vector<16xi32>,
      %parallel_loop3A_229 = arith.addi %mul3A_38, %parallel_loop3A_228 : vector<16xi32>
      tpu.vector_store_idx %arg6[%parallel_loop3A_229], %broadcast_in_dim3A_35 {add = true} : memref<5904xf32, #tpu.memory_space<vmem>>[vector<16xi32>], vector<16xf32>,
      %parallel_loop3A_230 = arith.constant 34 : i32
      %parallel_loop3A_231 = arith.index_cast %parallel_loop3A_230 : i32 to index
      %parallel_loop3A_232 = arith.index_cast %parallel_loop3A_59 : i32 to index
      %parallel_loop3A_233 = tpu.vector_load %arg4[%parallel_loop3A_231, %parallel_loop3A_232] {strides = array<i32>} : memref<64x512xi32, #tpu.memory_space<vmem>>, vector<16xi32>,
      %parallel_loop3A_234 = arith.addi %mul3A_38, %parallel_loop3A_233 : vector<16xi32>
      tpu.vector_store_idx %arg7[%parallel_loop3A_234], %broadcast_in_dim3A_35 {add = true} : memref<5904xf32, #tpu.memory_space<vmem>>[vector<16xi32>], vector<16xf32>,
      %parallel_loop3A_235 = arith.constant 35 : i32
      %parallel_loop3A_236 = arith.index_cast %parallel_loop3A_235 : i32 to index
      %parallel_loop3A_237 = arith.index_cast %parallel_loop3A_59 : i32 to index
      %parallel_loop3A_238 = tpu.vector_load %arg4[%parallel_loop3A_236, %parallel_loop3A_237] {strides = array<i32>} : memref<64x512xi32, #tpu.memory_space<vmem>>, vector<16xi32>,
      %parallel_loop3A_239 = arith.addi %mul3A_38, %parallel_loop3A_238 : vector<16xi32>
      tpu.vector_store_idx %arg8[%parallel_loop3A_239], %broadcast_in_dim3A_35 {add = true} : memref<5904xf32, #tpu.memory_space<vmem>>[vector<16xi32>], vector<16xf32>,
      %parallel_loop3A_240 = arith.constant 36 : i32
      %parallel_loop3A_241 = arith.index_cast %parallel_loop3A_240 : i32 to index
      %parallel_loop3A_242 = arith.index_cast %parallel_loop3A_59 : i32 to index
      %parallel_loop3A_243 = tpu.vector_load %arg4[%parallel_loop3A_241, %parallel_loop3A_242] {strides = array<i32>} : memref<64x512xi32, #tpu.memory_space<vmem>>, vector<16xi32>,
      %parallel_loop3A_244 = arith.addi %mul3A_38, %parallel_loop3A_243 : vector<16xi32>
      tpu.vector_store_idx %arg5[%parallel_loop3A_244], %broadcast_in_dim3A_35 {add = true} : memref<5904xf32, #tpu.memory_space<vmem>>[vector<16xi32>], vector<16xf32>,
      %parallel_loop3A_245 = arith.constant 37 : i32
      %parallel_loop3A_246 = arith.index_cast %parallel_loop3A_245 : i32 to index
      %parallel_loop3A_247 = arith.index_cast %parallel_loop3A_59 : i32 to index
      %parallel_loop3A_248 = tpu.vector_load %arg4[%parallel_loop3A_246, %parallel_loop3A_247] {strides = array<i32>} : memref<64x512xi32, #tpu.memory_space<vmem>>, vector<16xi32>,
      %parallel_loop3A_249 = arith.addi %mul3A_38, %parallel_loop3A_248 : vector<16xi32>
      tpu.vector_store_idx %arg6[%parallel_loop3A_249], %broadcast_in_dim3A_35 {add = true} : memref<5904xf32, #tpu.memory_space<vmem>>[vector<16xi32>], vector<16xf32>,
      %parallel_loop3A_250 = arith.constant 38 : i32
      %parallel_loop3A_251 = arith.index_cast %parallel_loop3A_250 : i32 to index
      %parallel_loop3A_252 = arith.index_cast %parallel_loop3A_59 : i32 to index
      %parallel_loop3A_253 = tpu.vector_load %arg4[%parallel_loop3A_251, %parallel_loop3A_252] {strides = array<i32>} : memref<64x512xi32, #tpu.memory_space<vmem>>, vector<16xi32>,
      %parallel_loop3A_254 = arith.addi %mul3A_38, %parallel_loop3A_253 : vector<16xi32>
      tpu.vector_store_idx %arg7[%parallel_loop3A_254], %broadcast_in_dim3A_35 {add = true} : memref<5904xf32, #tpu.memory_space<vmem>>[vector<16xi32>], vector<16xf32>,
      %parallel_loop3A_255 = arith.constant 39 : i32
      %parallel_loop3A_256 = arith.index_cast %parallel_loop3A_255 : i32 to index
      %parallel_loop3A_257 = arith.index_cast %parallel_loop3A_59 : i32 to index
      %parallel_loop3A_258 = tpu.vector_load %arg4[%parallel_loop3A_256, %parallel_loop3A_257] {strides = array<i32>} : memref<64x512xi32, #tpu.memory_space<vmem>>, vector<16xi32>,
      %parallel_loop3A_259 = arith.addi %mul3A_38, %parallel_loop3A_258 : vector<16xi32>
      tpu.vector_store_idx %arg8[%parallel_loop3A_259], %broadcast_in_dim3A_35 {add = true} : memref<5904xf32, #tpu.memory_space<vmem>>[vector<16xi32>], vector<16xf32>,
      %parallel_loop3A_260 = arith.constant 40 : i32
      %parallel_loop3A_261 = arith.index_cast %parallel_loop3A_260 : i32 to index
      %parallel_loop3A_262 = arith.index_cast %parallel_loop3A_59 : i32 to index
      %parallel_loop3A_263 = tpu.vector_load %arg4[%parallel_loop3A_261, %parallel_loop3A_262] {strides = array<i32>} : memref<64x512xi32, #tpu.memory_space<vmem>>, vector<16xi32>,
      %parallel_loop3A_264 = arith.addi %mul3A_38, %parallel_loop3A_263 : vector<16xi32>
      tpu.vector_store_idx %arg5[%parallel_loop3A_264], %broadcast_in_dim3A_35 {add = true} : memref<5904xf32, #tpu.memory_space<vmem>>[vector<16xi32>], vector<16xf32>,
      %parallel_loop3A_265 = arith.constant 41 : i32
      %parallel_loop3A_266 = arith.index_cast %parallel_loop3A_265 : i32 to index
      %parallel_loop3A_267 = arith.index_cast %parallel_loop3A_59 : i32 to index
      %parallel_loop3A_268 = tpu.vector_load %arg4[%parallel_loop3A_266, %parallel_loop3A_267] {strides = array<i32>} : memref<64x512xi32, #tpu.memory_space<vmem>>, vector<16xi32>,
      %parallel_loop3A_269 = arith.addi %mul3A_38, %parallel_loop3A_268 : vector<16xi32>
      tpu.vector_store_idx %arg6[%parallel_loop3A_269], %broadcast_in_dim3A_35 {add = true} : memref<5904xf32, #tpu.memory_space<vmem>>[vector<16xi32>], vector<16xf32>,
      %parallel_loop3A_270 = arith.constant 42 : i32
      %parallel_loop3A_271 = arith.index_cast %parallel_loop3A_270 : i32 to index
      %parallel_loop3A_272 = arith.index_cast %parallel_loop3A_59 : i32 to index
      %parallel_loop3A_273 = tpu.vector_load %arg4[%parallel_loop3A_271, %parallel_loop3A_272] {strides = array<i32>} : memref<64x512xi32, #tpu.memory_space<vmem>>, vector<16xi32>,
      %parallel_loop3A_274 = arith.addi %mul3A_38, %parallel_loop3A_273 : vector<16xi32>
      tpu.vector_store_idx %arg7[%parallel_loop3A_274], %broadcast_in_dim3A_35 {add = true} : memref<5904xf32, #tpu.memory_space<vmem>>[vector<16xi32>], vector<16xf32>,
      %parallel_loop3A_275 = arith.constant 43 : i32
      %parallel_loop3A_276 = arith.index_cast %parallel_loop3A_275 : i32 to index
      %parallel_loop3A_277 = arith.index_cast %parallel_loop3A_59 : i32 to index
      %parallel_loop3A_278 = tpu.vector_load %arg4[%parallel_loop3A_276, %parallel_loop3A_277] {strides = array<i32>} : memref<64x512xi32, #tpu.memory_space<vmem>>, vector<16xi32>,
      %parallel_loop3A_279 = arith.addi %mul3A_38, %parallel_loop3A_278 : vector<16xi32>
      tpu.vector_store_idx %arg8[%parallel_loop3A_279], %broadcast_in_dim3A_35 {add = true} : memref<5904xf32, #tpu.memory_space<vmem>>[vector<16xi32>], vector<16xf32>,
      %parallel_loop3A_280 = arith.constant 44 : i32
      %parallel_loop3A_281 = arith.index_cast %parallel_loop3A_280 : i32 to index
      %parallel_loop3A_282 = arith.index_cast %parallel_loop3A_59 : i32 to index
      %parallel_loop3A_283 = tpu.vector_load %arg4[%parallel_loop3A_281, %parallel_loop3A_282] {strides = array<i32>} : memref<64x512xi32, #tpu.memory_space<vmem>>, vector<16xi32>,
      %parallel_loop3A_284 = arith.addi %mul3A_38, %parallel_loop3A_283 : vector<16xi32>
      tpu.vector_store_idx %arg5[%parallel_loop3A_284], %broadcast_in_dim3A_35 {add = true} : memref<5904xf32, #tpu.memory_space<vmem>>[vector<16xi32>], vector<16xf32>,
      %parallel_loop3A_285 = arith.constant 45 : i32
      %parallel_loop3A_286 = arith.index_cast %parallel_loop3A_285 : i32 to index
      %parallel_loop3A_287 = arith.index_cast %parallel_loop3A_59 : i32 to index
      %parallel_loop3A_288 = tpu.vector_load %arg4[%parallel_loop3A_286, %parallel_loop3A_287] {strides = array<i32>} : memref<64x512xi32, #tpu.memory_space<vmem>>, vector<16xi32>,
      %parallel_loop3A_289 = arith.addi %mul3A_38, %parallel_loop3A_288 : vector<16xi32>
      tpu.vector_store_idx %arg6[%parallel_loop3A_289], %broadcast_in_dim3A_35 {add = true} : memref<5904xf32, #tpu.memory_space<vmem>>[vector<16xi32>], vector<16xf32>,
      %parallel_loop3A_290 = arith.constant 46 : i32
      %parallel_loop3A_291 = arith.index_cast %parallel_loop3A_290 : i32 to index
      %parallel_loop3A_292 = arith.index_cast %parallel_loop3A_59 : i32 to index
      %parallel_loop3A_293 = tpu.vector_load %arg4[%parallel_loop3A_291, %parallel_loop3A_292] {strides = array<i32>} : memref<64x512xi32, #tpu.memory_space<vmem>>, vector<16xi32>,
      %parallel_loop3A_294 = arith.addi %mul3A_38, %parallel_loop3A_293 : vector<16xi32>
      tpu.vector_store_idx %arg7[%parallel_loop3A_294], %broadcast_in_dim3A_35 {add = true} : memref<5904xf32, #tpu.memory_space<vmem>>[vector<16xi32>], vector<16xf32>,
      %parallel_loop3A_295 = arith.constant 47 : i32
      %parallel_loop3A_296 = arith.index_cast %parallel_loop3A_295 : i32 to index
      %parallel_loop3A_297 = arith.index_cast %parallel_loop3A_59 : i32 to index
      %parallel_loop3A_298 = tpu.vector_load %arg4[%parallel_loop3A_296, %parallel_loop3A_297] {strides = array<i32>} : memref<64x512xi32, #tpu.memory_space<vmem>>, vector<16xi32>,
      %parallel_loop3A_299 = arith.addi %mul3A_38, %parallel_loop3A_298 : vector<16xi32>
      tpu.vector_store_idx %arg8[%parallel_loop3A_299], %broadcast_in_dim3A_35 {add = true} : memref<5904xf32, #tpu.memory_space<vmem>>[vector<16xi32>], vector<16xf32>,
      %parallel_loop3A_300 = arith.constant 48 : i32
      %parallel_loop3A_301 = arith.index_cast %parallel_loop3A_300 : i32 to index
      %parallel_loop3A_302 = arith.index_cast %parallel_loop3A_59 : i32 to index
      %parallel_loop3A_303 = tpu.vector_load %arg4[%parallel_loop3A_301, %parallel_loop3A_302] {strides = array<i32>} : memref<64x512xi32, #tpu.memory_space<vmem>>, vector<16xi32>,
      %parallel_loop3A_304 = arith.addi %mul3A_38, %parallel_loop3A_303 : vector<16xi32>
      tpu.vector_store_idx %arg5[%parallel_loop3A_304], %broadcast_in_dim3A_35 {add = true} : memref<5904xf32, #tpu.memory_space<vmem>>[vector<16xi32>], vector<16xf32>,
      %parallel_loop3A_305 = arith.constant 49 : i32
      %parallel_loop3A_306 = arith.index_cast %parallel_loop3A_305 : i32 to index
      %parallel_loop3A_307 = arith.index_cast %parallel_loop3A_59 : i32 to index
      %parallel_loop3A_308 = tpu.vector_load %arg4[%parallel_loop3A_306, %parallel_loop3A_307] {strides = array<i32>} : memref<64x512xi32, #tpu.memory_space<vmem>>, vector<16xi32>,
      %parallel_loop3A_309 = arith.addi %mul3A_38, %parallel_loop3A_308 : vector<16xi32>
      tpu.vector_store_idx %arg6[%parallel_loop3A_309], %broadcast_in_dim3A_35 {add = true} : memref<5904xf32, #tpu.memory_space<vmem>>[vector<16xi32>], vector<16xf32>,
      %parallel_loop3A_310 = arith.constant 50 : i32
      %parallel_loop3A_311 = arith.index_cast %parallel_loop3A_310 : i32 to index
      %parallel_loop3A_312 = arith.index_cast %parallel_loop3A_59 : i32 to index
      %parallel_loop3A_313 = tpu.vector_load %arg4[%parallel_loop3A_311, %parallel_loop3A_312] {strides = array<i32>} : memref<64x512xi32, #tpu.memory_space<vmem>>, vector<16xi32>,
      %parallel_loop3A_314 = arith.addi %mul3A_38, %parallel_loop3A_313 : vector<16xi32>
      tpu.vector_store_idx %arg7[%parallel_loop3A_314], %broadcast_in_dim3A_35 {add = true} : memref<5904xf32, #tpu.memory_space<vmem>>[vector<16xi32>], vector<16xf32>,
      %parallel_loop3A_315 = arith.constant 51 : i32
      %parallel_loop3A_316 = arith.index_cast %parallel_loop3A_315 : i32 to index
      %parallel_loop3A_317 = arith.index_cast %parallel_loop3A_59 : i32 to index
      %parallel_loop3A_318 = tpu.vector_load %arg4[%parallel_loop3A_316, %parallel_loop3A_317] {strides = array<i32>} : memref<64x512xi32, #tpu.memory_space<vmem>>, vector<16xi32>,
      %parallel_loop3A_319 = arith.addi %mul3A_38, %parallel_loop3A_318 : vector<16xi32>
      tpu.vector_store_idx %arg8[%parallel_loop3A_319], %broadcast_in_dim3A_35 {add = true} : memref<5904xf32, #tpu.memory_space<vmem>>[vector<16xi32>], vector<16xf32>,
      %parallel_loop3A_320 = arith.constant 52 : i32
      %parallel_loop3A_321 = arith.index_cast %parallel_loop3A_320 : i32 to index
      %parallel_loop3A_322 = arith.index_cast %parallel_loop3A_59 : i32 to index
      %parallel_loop3A_323 = tpu.vector_load %arg4[%parallel_loop3A_321, %parallel_loop3A_322] {strides = array<i32>} : memref<64x512xi32, #tpu.memory_space<vmem>>, vector<16xi32>,
      %parallel_loop3A_324 = arith.addi %mul3A_38, %parallel_loop3A_323 : vector<16xi32>
      tpu.vector_store_idx %arg5[%parallel_loop3A_324], %broadcast_in_dim3A_35 {add = true} : memref<5904xf32, #tpu.memory_space<vmem>>[vector<16xi32>], vector<16xf32>,
      %parallel_loop3A_325 = arith.constant 53 : i32
      %parallel_loop3A_326 = arith.index_cast %parallel_loop3A_325 : i32 to index
      %parallel_loop3A_327 = arith.index_cast %parallel_loop3A_59 : i32 to index
      %parallel_loop3A_328 = tpu.vector_load %arg4[%parallel_loop3A_326, %parallel_loop3A_327] {strides = array<i32>} : memref<64x512xi32, #tpu.memory_space<vmem>>, vector<16xi32>,
      %parallel_loop3A_329 = arith.addi %mul3A_38, %parallel_loop3A_328 : vector<16xi32>
      tpu.vector_store_idx %arg6[%parallel_loop3A_329], %broadcast_in_dim3A_35 {add = true} : memref<5904xf32, #tpu.memory_space<vmem>>[vector<16xi32>], vector<16xf32>,
      %parallel_loop3A_330 = arith.constant 54 : i32
      %parallel_loop3A_331 = arith.index_cast %parallel_loop3A_330 : i32 to index
      %parallel_loop3A_332 = arith.index_cast %parallel_loop3A_59 : i32 to index
      %parallel_loop3A_333 = tpu.vector_load %arg4[%parallel_loop3A_331, %parallel_loop3A_332] {strides = array<i32>} : memref<64x512xi32, #tpu.memory_space<vmem>>, vector<16xi32>,
      %parallel_loop3A_334 = arith.addi %mul3A_38, %parallel_loop3A_333 : vector<16xi32>
      tpu.vector_store_idx %arg7[%parallel_loop3A_334], %broadcast_in_dim3A_35 {add = true} : memref<5904xf32, #tpu.memory_space<vmem>>[vector<16xi32>], vector<16xf32>,
      %parallel_loop3A_335 = arith.constant 55 : i32
      %parallel_loop3A_336 = arith.index_cast %parallel_loop3A_335 : i32 to index
      %parallel_loop3A_337 = arith.index_cast %parallel_loop3A_59 : i32 to index
      %parallel_loop3A_338 = tpu.vector_load %arg4[%parallel_loop3A_336, %parallel_loop3A_337] {strides = array<i32>} : memref<64x512xi32, #tpu.memory_space<vmem>>, vector<16xi32>,
      %parallel_loop3A_339 = arith.addi %mul3A_38, %parallel_loop3A_338 : vector<16xi32>
      tpu.vector_store_idx %arg8[%parallel_loop3A_339], %broadcast_in_dim3A_35 {add = true} : memref<5904xf32, #tpu.memory_space<vmem>>[vector<16xi32>], vector<16xf32>,
      %parallel_loop3A_340 = arith.constant 56 : i32
      %parallel_loop3A_341 = arith.index_cast %parallel_loop3A_340 : i32 to index
      %parallel_loop3A_342 = arith.index_cast %parallel_loop3A_59 : i32 to index
      %parallel_loop3A_343 = tpu.vector_load %arg4[%parallel_loop3A_341, %parallel_loop3A_342] {strides = array<i32>} : memref<64x512xi32, #tpu.memory_space<vmem>>, vector<16xi32>,
      %parallel_loop3A_344 = arith.addi %mul3A_38, %parallel_loop3A_343 : vector<16xi32>
      tpu.vector_store_idx %arg5[%parallel_loop3A_344], %broadcast_in_dim3A_35 {add = true} : memref<5904xf32, #tpu.memory_space<vmem>>[vector<16xi32>], vector<16xf32>,
      %parallel_loop3A_345 = arith.constant 57 : i32
      %parallel_loop3A_346 = arith.index_cast %parallel_loop3A_345 : i32 to index
      %parallel_loop3A_347 = arith.index_cast %parallel_loop3A_59 : i32 to index
      %parallel_loop3A_348 = tpu.vector_load %arg4[%parallel_loop3A_346, %parallel_loop3A_347] {strides = array<i32>} : memref<64x512xi32, #tpu.memory_space<vmem>>, vector<16xi32>,
      %parallel_loop3A_349 = arith.addi %mul3A_38, %parallel_loop3A_348 : vector<16xi32>
      tpu.vector_store_idx %arg6[%parallel_loop3A_349], %broadcast_in_dim3A_35 {add = true} : memref<5904xf32, #tpu.memory_space<vmem>>[vector<16xi32>], vector<16xf32>,
      %parallel_loop3A_350 = arith.constant 58 : i32
      %parallel_loop3A_351 = arith.index_cast %parallel_loop3A_350 : i32 to index
      %parallel_loop3A_352 = arith.index_cast %parallel_loop3A_59 : i32 to index
      %parallel_loop3A_353 = tpu.vector_load %arg4[%parallel_loop3A_351, %parallel_loop3A_352] {strides = array<i32>} : memref<64x512xi32, #tpu.memory_space<vmem>>, vector<16xi32>,
      %parallel_loop3A_354 = arith.addi %mul3A_38, %parallel_loop3A_353 : vector<16xi32>
      tpu.vector_store_idx %arg7[%parallel_loop3A_354], %broadcast_in_dim3A_35 {add = true} : memref<5904xf32, #tpu.memory_space<vmem>>[vector<16xi32>], vector<16xf32>,
      %parallel_loop3A_355 = arith.constant 59 : i32
      %parallel_loop3A_356 = arith.index_cast %parallel_loop3A_355 : i32 to index
      %parallel_loop3A_357 = arith.index_cast %parallel_loop3A_59 : i32 to index
      %parallel_loop3A_358 = tpu.vector_load %arg4[%parallel_loop3A_356, %parallel_loop3A_357] {strides = array<i32>} : memref<64x512xi32, #tpu.memory_space<vmem>>, vector<16xi32>,
      %parallel_loop3A_359 = arith.addi %mul3A_38, %parallel_loop3A_358 : vector<16xi32>
      tpu.vector_store_idx %arg8[%parallel_loop3A_359], %broadcast_in_dim3A_35 {add = true} : memref<5904xf32, #tpu.memory_space<vmem>>[vector<16xi32>], vector<16xf32>,
      %parallel_loop3A_360 = arith.constant 60 : i32
      %parallel_loop3A_361 = arith.index_cast %parallel_loop3A_360 : i32 to index
      %parallel_loop3A_362 = arith.index_cast %parallel_loop3A_59 : i32 to index
      %parallel_loop3A_363 = tpu.vector_load %arg4[%parallel_loop3A_361, %parallel_loop3A_362] {strides = array<i32>} : memref<64x512xi32, #tpu.memory_space<vmem>>, vector<16xi32>,
      %parallel_loop3A_364 = arith.addi %mul3A_38, %parallel_loop3A_363 : vector<16xi32>
      tpu.vector_store_idx %arg5[%parallel_loop3A_364], %broadcast_in_dim3A_35 {add = true} : memref<5904xf32, #tpu.memory_space<vmem>>[vector<16xi32>], vector<16xf32>,
      %parallel_loop3A_365 = arith.constant 61 : i32
      %parallel_loop3A_366 = arith.index_cast %parallel_loop3A_365 : i32 to index
      %parallel_loop3A_367 = arith.index_cast %parallel_loop3A_59 : i32 to index
      %parallel_loop3A_368 = tpu.vector_load %arg4[%parallel_loop3A_366, %parallel_loop3A_367] {strides = array<i32>} : memref<64x512xi32, #tpu.memory_space<vmem>>, vector<16xi32>,
      %parallel_loop3A_369 = arith.addi %mul3A_38, %parallel_loop3A_368 : vector<16xi32>
      tpu.vector_store_idx %arg6[%parallel_loop3A_369], %broadcast_in_dim3A_35 {add = true} : memref<5904xf32, #tpu.memory_space<vmem>>[vector<16xi32>], vector<16xf32>,
      %parallel_loop3A_370 = arith.constant 62 : i32
      %parallel_loop3A_371 = arith.index_cast %parallel_loop3A_370 : i32 to index
      %parallel_loop3A_372 = arith.index_cast %parallel_loop3A_59 : i32 to index
      %parallel_loop3A_373 = tpu.vector_load %arg4[%parallel_loop3A_371, %parallel_loop3A_372] {strides = array<i32>} : memref<64x512xi32, #tpu.memory_space<vmem>>, vector<16xi32>,
      %parallel_loop3A_374 = arith.addi %mul3A_38, %parallel_loop3A_373 : vector<16xi32>
      tpu.vector_store_idx %arg7[%parallel_loop3A_374], %broadcast_in_dim3A_35 {add = true} : memref<5904xf32, #tpu.memory_space<vmem>>[vector<16xi32>], vector<16xf32>,
      %parallel_loop3A_375 = arith.constant 63 : i32
      %parallel_loop3A_376 = arith.index_cast %parallel_loop3A_375 : i32 to index
      %parallel_loop3A_377 = arith.index_cast %parallel_loop3A_59 : i32 to index
      %parallel_loop3A_378 = tpu.vector_load %arg4[%parallel_loop3A_376, %parallel_loop3A_377] {strides = array<i32>} : memref<64x512xi32, #tpu.memory_space<vmem>>, vector<16xi32>,
      %parallel_loop3A_379 = arith.addi %mul3A_38, %parallel_loop3A_378 : vector<16xi32>
      tpu.vector_store_idx %arg8[%parallel_loop3A_379], %broadcast_in_dim3A_35 {add = true} : memref<5904xf32, #tpu.memory_space<vmem>>[vector<16xi32>], vector<16xf32>,
    } {sc.loop_unroll_factor = 2 : i64, sc.parallel_access}
    %parallel_loop3A_54 = arith.constant 0 : i32
    %parallel_loop3A_55 = arith.constant 369 : i32
    %parallel_loop3A_56 = arith.constant 1 : i32
    scf.for %parallel_loop3A_57 = %parallel_loop3A_54 to %parallel_loop3A_55 step %parallel_loop3A_56  : i32 {
      %parallel_loop3A_58 = arith.constant 16 : i32
      %parallel_loop3A_59 = arith.muli %parallel_loop3A_57, %parallel_loop3A_58 : i32
      %parallel_loop3A_60 = arith.index_cast %parallel_loop3A_59 : i32 to index
      %parallel_loop3A_61 = tpu.vector_load %arg5[%parallel_loop3A_60] {strides = array<i32>} : memref<5904xf32, #tpu.memory_space<vmem>>, vector<16xf32>,
      %parallel_loop3A_62 = arith.index_cast %parallel_loop3A_59 : i32 to index
      %parallel_loop3A_63 = tpu.vector_load %arg6[%parallel_loop3A_62] {strides = array<i32>} : memref<5904xf32, #tpu.memory_space<vmem>>, vector<16xf32>,
      %parallel_loop3A_64 = arith.addf %parallel_loop3A_61, %parallel_loop3A_63 : vector<16xf32>
      %parallel_loop3A_65 = arith.index_cast %parallel_loop3A_59 : i32 to index
      %parallel_loop3A_66 = tpu.vector_load %arg7[%parallel_loop3A_65] {strides = array<i32>} : memref<5904xf32, #tpu.memory_space<vmem>>, vector<16xf32>,
      %parallel_loop3A_67 = arith.addf %parallel_loop3A_64, %parallel_loop3A_66 : vector<16xf32>
      %parallel_loop3A_68 = arith.index_cast %parallel_loop3A_59 : i32 to index
      %parallel_loop3A_69 = tpu.vector_load %arg8[%parallel_loop3A_68] {strides = array<i32>} : memref<5904xf32, #tpu.memory_space<vmem>>, vector<16xf32>,
      %parallel_loop3A_70 = arith.addf %parallel_loop3A_67, %parallel_loop3A_69 : vector<16xf32>
      %parallel_loop3A_71 = arith.index_cast %parallel_loop3A_59 : i32 to index
      %parallel_loop3A_72 = tpu.vector_load %arg5[%parallel_loop3A_71] {strides = array<i32>} : memref<5904xf32, #tpu.memory_space<vmem>>, vector<16xf32>,
      tpu.vector_store %arg5[%parallel_loop3A_71], %parallel_loop3A_70 {strides = array<i32>} : memref<5904xf32, #tpu.memory_space<vmem>>, vector<16xf32>,
    } {sc.loop_unroll_factor = 4 : i64, sc.parallel_access}
    "tpu.region"() ({
      %run_scoped3A = tpu.sem_alloc : memref<!tpu.dma_semaphore, #tpu.memory_space<semaphore_mem>>
      %dma_start3A_57 = arith.constant 0 : i32
      %dma_start3A_58 = tpu.memref_slice %arg3[%add3A, %dma_start3A_57] : memref<32x5904xf32, #tpu.memory_space<hbm>> -> memref<1x5904xf32, #tpu.memory_space<hbm>>
      %dma_start3A_59 = tpu.memref_squeeze %dma_start3A_58 : memref<1x5904xf32, #tpu.memory_space<hbm>> -> memref<5904xf32, #tpu.memory_space<hbm>>
      %dma_start3A_60 = arith.constant 0 : i32
      %dma_start3A_61 = tpu.memref_slice %arg3[%add3A, %dma_start3A_60] : memref<32x5904xf32, #tpu.memory_space<hbm>> -> memref<1x5904xf32, #tpu.memory_space<hbm>>
      %dma_start3A_62 = tpu.memref_squeeze %dma_start3A_61 : memref<1x5904xf32, #tpu.memory_space<hbm>> -> memref<5904xf32, #tpu.memory_space<hbm>>
      tpu.enqueue_dma source(%arg5 : memref<5904xf32, #tpu.memory_space<vmem>>) target(%dma_start3A_62 : memref<5904xf32, #tpu.memory_space<hbm>>) target_semaphore(%run_scoped3A : memref<!tpu.dma_semaphore, #tpu.memory_space<semaphore_mem>>)
      %dma_wait3A_63 = arith.constant 0 : i32
      %dma_wait3A_64 = tpu.memref_slice %arg3[%add3A, %dma_wait3A_63] : memref<32x5904xf32, #tpu.memory_space<hbm>> -> memref<1x5904xf32, #tpu.memory_space<hbm>>
      %dma_wait3A_65 = tpu.memref_squeeze %dma_wait3A_64 : memref<1x5904xf32, #tpu.memory_space<hbm>> -> memref<5904xf32, #tpu.memory_space<hbm>>
      %dma_wait3A_66 = arith.constant 0 : i32
      %dma_wait3A_67 = tpu.memref_slice %arg3[%add3A, %dma_wait3A_66] : memref<32x5904xf32, #tpu.memory_space<hbm>> -> memref<1x5904xf32, #tpu.memory_space<hbm>>
      %dma_wait3A_68 = tpu.memref_squeeze %dma_wait3A_67 : memref<1x5904xf32, #tpu.memory_space<hbm>> -> memref<5904xf32, #tpu.memory_space<hbm>>
      tpu.wait_dma2 semaphore(%run_scoped3A : memref<!tpu.dma_semaphore, #tpu.memory_space<semaphore_mem>>) src(%arg5 : memref<5904xf32, #tpu.memory_space<vmem>>) dst(%dma_wait3A_68 : memref<5904xf32, #tpu.memory_space<hbm>>)
      tpu.yield
    }) : () -> ()
    return
  }
}

#map = affine_map<(d0, d1) -> (0, 0, 0)>
#map1 = affine_map<(d0, d1) -> (0, 0)>
module attributes {stable_mosaic.version = 14 : i64} {
  func.func @_bincount_wrapper(%arg0: i32, %arg1: i32, %arg2: memref<4x512x512xi32, #tpu.memory_space<hbm>>, %arg3: memref<32x5904xf32, #tpu.memory_space<hbm>>, %arg4: memref<64x512xi32, #tpu.memory_space<vmem>>, %arg5: memref<5904xf32, #tpu.memory_space<vmem>>, %arg6: memref<5904xf32, #tpu.memory_space<vmem>>, %arg7: memref<5904xf32, #tpu.memory_space<vmem>>, %arg8: memref<5904xf32, #tpu.memory_space<vmem>>, %arg9: memref<!tpu.dma_semaphore, #tpu.memory_space<semaphore_mem>>) attributes {dimension_semantics = [#tpu.dimension_semantics<core_parallel>, #tpu.dimension_semantics<subcore_parallel>], iteration_bounds = array<i64: 2, 16>, scalar_prefetch = 0 : i64, scratch_operands = 6 : i64, tpu.core_type = #tpu.core_type<sc_vector_subcore>, window_params = [{transform_indices = #map}, {transform_indices = #map1}]} {
    %mul3A = arith.constant 2 : i32
    %mul3A_0 = arith.muli %arg1, %mul3A : i32
    %add3A = arith.addi %mul3A_0, %arg0 : i32
    %jit3A = arith.constant 8 : i32
    %div3A = arith.divsi %add3A, %jit3A : i32
    %sign3A = arith.constant 0 : i32
    %sign3A_1 = arith.cmpi sgt, %add3A, %sign3A : i32
    %sign3A_2 = arith.extui %sign3A_1 : i1 to i32
    %sign3A_3 = arith.constant 0 : i32
    %sign3A_4 = arith.cmpi slt, %add3A, %sign3A_3 : i32
    %sign3A_5 = arith.extui %sign3A_4 : i1 to i32
    %sign3A_6 = arith.subi %sign3A_2, %sign3A_5 : i32
    %sign3A_7 = arith.constant 0 : i32
    %sign3A_8 = arith.cmpi sgt, %jit3A, %sign3A_7 : i32
    %sign3A_9 = arith.extui %sign3A_8 : i1 to i32
    %sign3A_10 = arith.constant 0 : i32
    %sign3A_11 = arith.cmpi slt, %jit3A, %sign3A_10 : i32
    %sign3A_12 = arith.extui %sign3A_11 : i1 to i32
    %sign3A_13 = arith.subi %sign3A_9, %sign3A_12 : i32
    %ne3A = arith.cmpi ne, %sign3A_6, %sign3A_13 : i32
    %rem3A = arith.remsi %add3A, %jit3A : i32
    %ne3A_14 = arith.constant 0 : i32
    %ne3A_15 = arith.cmpi ne, %rem3A, %ne3A_14 : i32
    %and3A = arith.andi %ne3A, %ne3A_15 : i1
    %sub3A = arith.constant 1 : i32
    %sub3A_16 = arith.subi %div3A, %sub3A : i32
    %select_n3A = arith.select %and3A, %sub3A_16, %div3A : i32
    %jit3A_17 = arith.constant 8 : i32
    %eq3A = arith.constant 0 : i32
    %eq3A_18 = arith.cmpi eq, %jit3A_17, %eq3A : i32
    %jit3A_19 = arith.constant 1 : i32
    %select_n3A_20 = arith.select %eq3A_18, %jit3A_19, %jit3A_17 : i32
    %rem3A_21 = arith.remsi %add3A, %select_n3A_20 : i32
    %ne3A_22 = arith.constant 0 : i32
    %ne3A_23 = arith.cmpi ne, %rem3A_21, %ne3A_22 : i32
    %lt3A = arith.constant 0 : i32
    %lt3A_24 = arith.cmpi slt, %rem3A_21, %lt3A : i32
    %lt3A_25 = arith.constant 0 : i32
    %lt3A_26 = arith.cmpi slt, %select_n3A_20, %lt3A_25 : i32
    %ne3A_27 = arith.xori %lt3A_24, %lt3A_26 : i1
    %and3A_28 = arith.andi %ne3A_27, %ne3A_23 : i1
    %add3A_29 = arith.addi %rem3A_21, %select_n3A_20 : i32
    %select_n3A_30 = arith.select %and3A_28, %add3A_29, %rem3A_21 : i32
    %mul3A_31 = arith.constant 64 : i32
    %mul3A_32 = arith.muli %select_n3A_30, %mul3A_31 : i32
    %broadcast_in_dim3A = arith.constant 0.000000e+00 : f32
    %broadcast_in_dim3A_33 = vector.broadcast %broadcast_in_dim3A : f32 to vector<16xf32>
    %broadcast_in_dim3A_34 = arith.constant 1.000000e+00 : f32
    %broadcast_in_dim3A_35 = vector.broadcast %broadcast_in_dim3A_34 : f32 to vector<16xf32>
    %iota3A = tpu.iota {dimensions = array<i32: 0>} : vector<16xi32>
    %mul3A_36 = arith.constant 369 : i32
    %mul3A_37 = vector.broadcast %mul3A_36 : i32 to vector<16xi32>
    %mul3A_38 = arith.muli %iota3A, %mul3A_37 : vector<16xi32>
    %dma_start3A = arith.constant 0 : i32
    %dma_start3A_39 = tpu.memref_slice %arg2[%select_n3A, %mul3A_32, %dma_start3A] : memref<4x512x512xi32, #tpu.memory_space<hbm>> -> memref<1x64x512xi32, #tpu.memory_space<hbm>>
    %dma_start3A_40 = tpu.memref_squeeze %dma_start3A_39 : memref<1x64x512xi32, #tpu.memory_space<hbm>> -> memref<64x512xi32, #tpu.memory_space<hbm>>
    %dma_start3A_41 = arith.constant 0 : i32
    %dma_start3A_42 = tpu.memref_slice %arg2[%select_n3A, %mul3A_32, %dma_start3A_41] : memref<4x512x512xi32, #tpu.memory_space<hbm>> -> memref<1x64x512xi32, #tpu.memory_space<hbm>>
    %dma_start3A_43 = tpu.memref_squeeze %dma_start3A_42 : memref<1x64x512xi32, #tpu.memory_space<hbm>> -> memref<64x512xi32, #tpu.memory_space<hbm>>
    tpu.enqueue_dma source(%dma_start3A_43 : memref<64x512xi32, #tpu.memory_space<hbm>>) target(%arg4 : memref<64x512xi32, #tpu.memory_space<vmem>>) target_semaphore(%arg9 : memref<!tpu.dma_semaphore, #tpu.memory_space<semaphore_mem>>)
    %parallel_loop3A = arith.constant 0 : i32
    %parallel_loop3A_44 = arith.constant 369 : i32
    %parallel_loop3A_45 = arith.constant 1 : i32
    scf.for %parallel_loop3A_57 = %parallel_loop3A to %parallel_loop3A_44 step %parallel_loop3A_45  : i32 {
      %parallel_loop3A_58 = arith.constant 16 : i32
      %parallel_loop3A_59 = arith.muli %parallel_loop3A_57, %parallel_loop3A_58 : i32
      %parallel_loop3A_60 = arith.index_cast %parallel_loop3A_59 : i32 to index
      %parallel_loop3A_61 = tpu.vector_load %arg5[%parallel_loop3A_60] {strides = array<i32>} : memref<5904xf32, #tpu.memory_space<vmem>>, vector<16xf32>,
      tpu.vector_store %arg5[%parallel_loop3A_60], %broadcast_in_dim3A_33 {strides = array<i32>} : memref<5904xf32, #tpu.memory_space<vmem>>, vector<16xf32>,
      %parallel_loop3A_62 = arith.constant 16 : i32
      %parallel_loop3A_63 = arith.muli %parallel_loop3A_57, %parallel_loop3A_62 : i32
      %parallel_loop3A_64 = arith.index_cast %parallel_loop3A_63 : i32 to index
      %parallel_loop3A_65 = tpu.vector_load %arg6[%parallel_loop3A_64] {strides = array<i32>} : memref<5904xf32, #tpu.memory_space<vmem>>, vector<16xf32>,
      tpu.vector_store %arg6[%parallel_loop3A_64], %broadcast_in_dim3A_33 {strides = array<i32>} : memref<5904xf32, #tpu.memory_space<vmem>>, vector<16xf32>,
      %parallel_loop3A_66 = arith.constant 16 : i32
      %parallel_loop3A_67 = arith.muli %parallel_loop3A_57, %parallel_loop3A_66 : i32
      %parallel_loop3A_68 = arith.index_cast %parallel_loop3A_67 : i32 to index
      %parallel_loop3A_69 = tpu.vector_load %arg7[%parallel_loop3A_68] {strides = array<i32>} : memref<5904xf32, #tpu.memory_space<vmem>>, vector<16xf32>,
      tpu.vector_store %arg7[%parallel_loop3A_68], %broadcast_in_dim3A_33 {strides = array<i32>} : memref<5904xf32, #tpu.memory_space<vmem>>, vector<16xf32>,
      %parallel_loop3A_70 = arith.constant 16 : i32
      %parallel_loop3A_71 = arith.muli %parallel_loop3A_57, %parallel_loop3A_70 : i32
      %parallel_loop3A_72 = arith.index_cast %parallel_loop3A_71 : i32 to index
      %parallel_loop3A_73 = tpu.vector_load %arg8[%parallel_loop3A_72] {strides = array<i32>} : memref<5904xf32, #tpu.memory_space<vmem>>, vector<16xf32>,
      tpu.vector_store %arg8[%parallel_loop3A_72], %broadcast_in_dim3A_33 {strides = array<i32>} : memref<5904xf32, #tpu.memory_space<vmem>>, vector<16xf32>,
    } {sc.loop_unroll_factor = 4 : i64, sc.parallel_access}
    %dma_wait3A = arith.constant 0 : i32
    %dma_wait3A_46 = tpu.memref_slice %arg2[%select_n3A, %mul3A_32, %dma_wait3A] : memref<4x512x512xi32, #tpu.memory_space<hbm>> -> memref<1x64x512xi32, #tpu.memory_space<hbm>>
    %dma_wait3A_47 = tpu.memref_squeeze %dma_wait3A_46 : memref<1x64x512xi32, #tpu.memory_space<hbm>> -> memref<64x512xi32, #tpu.memory_space<hbm>>
    %dma_wait3A_48 = arith.constant 0 : i32
    %dma_wait3A_49 = tpu.memref_slice %arg2[%select_n3A, %mul3A_32, %dma_wait3A_48] : memref<4x512x512xi32, #tpu.memory_space<hbm>> -> memref<1x64x512xi32, #tpu.memory_space<hbm>>
    %dma_wait3A_50 = tpu.memref_squeeze %dma_wait3A_49 : memref<1x64x512xi32, #tpu.memory_space<hbm>> -> memref<64x512xi32, #tpu.memory_space<hbm>>
    tpu.wait_dma2 semaphore(%arg9 : memref<!tpu.dma_semaphore, #tpu.memory_space<semaphore_mem>>) src(%dma_wait3A_50 : memref<64x512xi32, #tpu.memory_space<hbm>>) dst(%arg4 : memref<64x512xi32, #tpu.memory_space<vmem>>)
    %parallel_loop3A_51 = arith.constant 0 : i32
    %parallel_loop3A_52 = arith.constant 32 : i32
    %parallel_loop3A_53 = arith.constant 1 : i32
    scf.for %parallel_loop3A_57 = %parallel_loop3A_51 to %parallel_loop3A_52 step %parallel_loop3A_53  : i32 {
      %parallel_loop3A_58 = arith.constant 16 : i32
      %parallel_loop3A_59 = arith.muli %parallel_loop3A_57, %parallel_loop3A_58 : i32
      %parallel_loop3A_60 = arith.constant 0 : i32
      %parallel_loop3A_61 = arith.index_cast %parallel_loop3A_60 : i32 to index
      %parallel_loop3A_62 = arith.index_cast %parallel_loop3A_59 : i32 to index
      %parallel_loop3A_63 = tpu.vector_load %arg4[%parallel_loop3A_61, %parallel_loop3A_62] {strides = array<i32>} : memref<64x512xi32, #tpu.memory_space<vmem>>, vector<16xi32>,
      %parallel_loop3A_64 = arith.addi %mul3A_38, %parallel_loop3A_63 : vector<16xi32>
      tpu.vector_store_idx %arg5[%parallel_loop3A_64], %broadcast_in_dim3A_35 {add = true} : memref<5904xf32, #tpu.memory_space<vmem>>[vector<16xi32>], vector<16xf32>,
      %parallel_loop3A_65 = arith.constant 1 : i32
      %parallel_loop3A_66 = arith.index_cast %parallel_loop3A_65 : i32 to index
      %parallel_loop3A_67 = arith.index_cast %parallel_loop3A_59 : i32 to index
      %parallel_loop3A_68 = tpu.vector_load %arg4[%parallel_loop3A_66, %parallel_loop3A_67] {strides = array<i32>} : memref<64x512xi32, #tpu.memory_space<vmem>>, vector<16xi32>,
      %parallel_loop3A_69 = arith.addi %mul3A_38, %parallel_loop3A_68 : vector<16xi32>
      tpu.vector_store_idx %arg6[%parallel_loop3A_69], %broadcast_in_dim3A_35 {add = true} : memref<5904xf32, #tpu.memory_space<vmem>>[vector<16xi32>], vector<16xf32>,
      %parallel_loop3A_70 = arith.constant 2 : i32
      %parallel_loop3A_71 = arith.index_cast %parallel_loop3A_70 : i32 to index
      %parallel_loop3A_72 = arith.index_cast %parallel_loop3A_59 : i32 to index
      %parallel_loop3A_73 = tpu.vector_load %arg4[%parallel_loop3A_71, %parallel_loop3A_72] {strides = array<i32>} : memref<64x512xi32, #tpu.memory_space<vmem>>, vector<16xi32>,
      %parallel_loop3A_74 = arith.addi %mul3A_38, %parallel_loop3A_73 : vector<16xi32>
      tpu.vector_store_idx %arg7[%parallel_loop3A_74], %broadcast_in_dim3A_35 {add = true} : memref<5904xf32, #tpu.memory_space<vmem>>[vector<16xi32>], vector<16xf32>,
      %parallel_loop3A_75 = arith.constant 3 : i32
      %parallel_loop3A_76 = arith.index_cast %parallel_loop3A_75 : i32 to index
      %parallel_loop3A_77 = arith.index_cast %parallel_loop3A_59 : i32 to index
      %parallel_loop3A_78 = tpu.vector_load %arg4[%parallel_loop3A_76, %parallel_loop3A_77] {strides = array<i32>} : memref<64x512xi32, #tpu.memory_space<vmem>>, vector<16xi32>,
      %parallel_loop3A_79 = arith.addi %mul3A_38, %parallel_loop3A_78 : vector<16xi32>
      tpu.vector_store_idx %arg8[%parallel_loop3A_79], %broadcast_in_dim3A_35 {add = true} : memref<5904xf32, #tpu.memory_space<vmem>>[vector<16xi32>], vector<16xf32>,
      %parallel_loop3A_80 = arith.constant 4 : i32
      %parallel_loop3A_81 = arith.index_cast %parallel_loop3A_80 : i32 to index
      %parallel_loop3A_82 = arith.index_cast %parallel_loop3A_59 : i32 to index
      %parallel_loop3A_83 = tpu.vector_load %arg4[%parallel_loop3A_81, %parallel_loop3A_82] {strides = array<i32>} : memref<64x512xi32, #tpu.memory_space<vmem>>, vector<16xi32>,
      %parallel_loop3A_84 = arith.addi %mul3A_38, %parallel_loop3A_83 : vector<16xi32>
      tpu.vector_store_idx %arg5[%parallel_loop3A_84], %broadcast_in_dim3A_35 {add = true} : memref<5904xf32, #tpu.memory_space<vmem>>[vector<16xi32>], vector<16xf32>,
      %parallel_loop3A_85 = arith.constant 5 : i32
      %parallel_loop3A_86 = arith.index_cast %parallel_loop3A_85 : i32 to index
      %parallel_loop3A_87 = arith.index_cast %parallel_loop3A_59 : i32 to index
      %parallel_loop3A_88 = tpu.vector_load %arg4[%parallel_loop3A_86, %parallel_loop3A_87] {strides = array<i32>} : memref<64x512xi32, #tpu.memory_space<vmem>>, vector<16xi32>,
      %parallel_loop3A_89 = arith.addi %mul3A_38, %parallel_loop3A_88 : vector<16xi32>
      tpu.vector_store_idx %arg6[%parallel_loop3A_89], %broadcast_in_dim3A_35 {add = true} : memref<5904xf32, #tpu.memory_space<vmem>>[vector<16xi32>], vector<16xf32>,
      %parallel_loop3A_90 = arith.constant 6 : i32
      %parallel_loop3A_91 = arith.index_cast %parallel_loop3A_90 : i32 to index
      %parallel_loop3A_92 = arith.index_cast %parallel_loop3A_59 : i32 to index
      %parallel_loop3A_93 = tpu.vector_load %arg4[%parallel_loop3A_91, %parallel_loop3A_92] {strides = array<i32>} : memref<64x512xi32, #tpu.memory_space<vmem>>, vector<16xi32>,
      %parallel_loop3A_94 = arith.addi %mul3A_38, %parallel_loop3A_93 : vector<16xi32>
      tpu.vector_store_idx %arg7[%parallel_loop3A_94], %broadcast_in_dim3A_35 {add = true} : memref<5904xf32, #tpu.memory_space<vmem>>[vector<16xi32>], vector<16xf32>,
      %parallel_loop3A_95 = arith.constant 7 : i32
      %parallel_loop3A_96 = arith.index_cast %parallel_loop3A_95 : i32 to index
      %parallel_loop3A_97 = arith.index_cast %parallel_loop3A_59 : i32 to index
      %parallel_loop3A_98 = tpu.vector_load %arg4[%parallel_loop3A_96, %parallel_loop3A_97] {strides = array<i32>} : memref<64x512xi32, #tpu.memory_space<vmem>>, vector<16xi32>,
      %parallel_loop3A_99 = arith.addi %mul3A_38, %parallel_loop3A_98 : vector<16xi32>
      tpu.vector_store_idx %arg8[%parallel_loop3A_99], %broadcast_in_dim3A_35 {add = true} : memref<5904xf32, #tpu.memory_space<vmem>>[vector<16xi32>], vector<16xf32>,
      %parallel_loop3A_100 = arith.constant 8 : i32
      %parallel_loop3A_101 = arith.index_cast %parallel_loop3A_100 : i32 to index
      %parallel_loop3A_102 = arith.index_cast %parallel_loop3A_59 : i32 to index
      %parallel_loop3A_103 = tpu.vector_load %arg4[%parallel_loop3A_101, %parallel_loop3A_102] {strides = array<i32>} : memref<64x512xi32, #tpu.memory_space<vmem>>, vector<16xi32>,
      %parallel_loop3A_104 = arith.addi %mul3A_38, %parallel_loop3A_103 : vector<16xi32>
      tpu.vector_store_idx %arg5[%parallel_loop3A_104], %broadcast_in_dim3A_35 {add = true} : memref<5904xf32, #tpu.memory_space<vmem>>[vector<16xi32>], vector<16xf32>,
      %parallel_loop3A_105 = arith.constant 9 : i32
      %parallel_loop3A_106 = arith.index_cast %parallel_loop3A_105 : i32 to index
      %parallel_loop3A_107 = arith.index_cast %parallel_loop3A_59 : i32 to index
      %parallel_loop3A_108 = tpu.vector_load %arg4[%parallel_loop3A_106, %parallel_loop3A_107] {strides = array<i32>} : memref<64x512xi32, #tpu.memory_space<vmem>>, vector<16xi32>,
      %parallel_loop3A_109 = arith.addi %mul3A_38, %parallel_loop3A_108 : vector<16xi32>
      tpu.vector_store_idx %arg6[%parallel_loop3A_109], %broadcast_in_dim3A_35 {add = true} : memref<5904xf32, #tpu.memory_space<vmem>>[vector<16xi32>], vector<16xf32>,
      %parallel_loop3A_110 = arith.constant 10 : i32
      %parallel_loop3A_111 = arith.index_cast %parallel_loop3A_110 : i32 to index
      %parallel_loop3A_112 = arith.index_cast %parallel_loop3A_59 : i32 to index
      %parallel_loop3A_113 = tpu.vector_load %arg4[%parallel_loop3A_111, %parallel_loop3A_112] {strides = array<i32>} : memref<64x512xi32, #tpu.memory_space<vmem>>, vector<16xi32>,
      %parallel_loop3A_114 = arith.addi %mul3A_38, %parallel_loop3A_113 : vector<16xi32>
      tpu.vector_store_idx %arg7[%parallel_loop3A_114], %broadcast_in_dim3A_35 {add = true} : memref<5904xf32, #tpu.memory_space<vmem>>[vector<16xi32>], vector<16xf32>,
      %parallel_loop3A_115 = arith.constant 11 : i32
      %parallel_loop3A_116 = arith.index_cast %parallel_loop3A_115 : i32 to index
      %parallel_loop3A_117 = arith.index_cast %parallel_loop3A_59 : i32 to index
      %parallel_loop3A_118 = tpu.vector_load %arg4[%parallel_loop3A_116, %parallel_loop3A_117] {strides = array<i32>} : memref<64x512xi32, #tpu.memory_space<vmem>>, vector<16xi32>,
      %parallel_loop3A_119 = arith.addi %mul3A_38, %parallel_loop3A_118 : vector<16xi32>
      tpu.vector_store_idx %arg8[%parallel_loop3A_119], %broadcast_in_dim3A_35 {add = true} : memref<5904xf32, #tpu.memory_space<vmem>>[vector<16xi32>], vector<16xf32>,
      %parallel_loop3A_120 = arith.constant 12 : i32
      %parallel_loop3A_121 = arith.index_cast %parallel_loop3A_120 : i32 to index
      %parallel_loop3A_122 = arith.index_cast %parallel_loop3A_59 : i32 to index
      %parallel_loop3A_123 = tpu.vector_load %arg4[%parallel_loop3A_121, %parallel_loop3A_122] {strides = array<i32>} : memref<64x512xi32, #tpu.memory_space<vmem>>, vector<16xi32>,
      %parallel_loop3A_124 = arith.addi %mul3A_38, %parallel_loop3A_123 : vector<16xi32>
      tpu.vector_store_idx %arg5[%parallel_loop3A_124], %broadcast_in_dim3A_35 {add = true} : memref<5904xf32, #tpu.memory_space<vmem>>[vector<16xi32>], vector<16xf32>,
      %parallel_loop3A_125 = arith.constant 13 : i32
      %parallel_loop3A_126 = arith.index_cast %parallel_loop3A_125 : i32 to index
      %parallel_loop3A_127 = arith.index_cast %parallel_loop3A_59 : i32 to index
      %parallel_loop3A_128 = tpu.vector_load %arg4[%parallel_loop3A_126, %parallel_loop3A_127] {strides = array<i32>} : memref<64x512xi32, #tpu.memory_space<vmem>>, vector<16xi32>,
      %parallel_loop3A_129 = arith.addi %mul3A_38, %parallel_loop3A_128 : vector<16xi32>
      tpu.vector_store_idx %arg6[%parallel_loop3A_129], %broadcast_in_dim3A_35 {add = true} : memref<5904xf32, #tpu.memory_space<vmem>>[vector<16xi32>], vector<16xf32>,
      %parallel_loop3A_130 = arith.constant 14 : i32
      %parallel_loop3A_131 = arith.index_cast %parallel_loop3A_130 : i32 to index
      %parallel_loop3A_132 = arith.index_cast %parallel_loop3A_59 : i32 to index
      %parallel_loop3A_133 = tpu.vector_load %arg4[%parallel_loop3A_131, %parallel_loop3A_132] {strides = array<i32>} : memref<64x512xi32, #tpu.memory_space<vmem>>, vector<16xi32>,
      %parallel_loop3A_134 = arith.addi %mul3A_38, %parallel_loop3A_133 : vector<16xi32>
      tpu.vector_store_idx %arg7[%parallel_loop3A_134], %broadcast_in_dim3A_35 {add = true} : memref<5904xf32, #tpu.memory_space<vmem>>[vector<16xi32>], vector<16xf32>,
      %parallel_loop3A_135 = arith.constant 15 : i32
      %parallel_loop3A_136 = arith.index_cast %parallel_loop3A_135 : i32 to index
      %parallel_loop3A_137 = arith.index_cast %parallel_loop3A_59 : i32 to index
      %parallel_loop3A_138 = tpu.vector_load %arg4[%parallel_loop3A_136, %parallel_loop3A_137] {strides = array<i32>} : memref<64x512xi32, #tpu.memory_space<vmem>>, vector<16xi32>,
      %parallel_loop3A_139 = arith.addi %mul3A_38, %parallel_loop3A_138 : vector<16xi32>
      tpu.vector_store_idx %arg8[%parallel_loop3A_139], %broadcast_in_dim3A_35 {add = true} : memref<5904xf32, #tpu.memory_space<vmem>>[vector<16xi32>], vector<16xf32>,
      %parallel_loop3A_140 = arith.constant 16 : i32
      %parallel_loop3A_141 = arith.index_cast %parallel_loop3A_140 : i32 to index
      %parallel_loop3A_142 = arith.index_cast %parallel_loop3A_59 : i32 to index
      %parallel_loop3A_143 = tpu.vector_load %arg4[%parallel_loop3A_141, %parallel_loop3A_142] {strides = array<i32>} : memref<64x512xi32, #tpu.memory_space<vmem>>, vector<16xi32>,
      %parallel_loop3A_144 = arith.addi %mul3A_38, %parallel_loop3A_143 : vector<16xi32>
      tpu.vector_store_idx %arg5[%parallel_loop3A_144], %broadcast_in_dim3A_35 {add = true} : memref<5904xf32, #tpu.memory_space<vmem>>[vector<16xi32>], vector<16xf32>,
      %parallel_loop3A_145 = arith.constant 17 : i32
      %parallel_loop3A_146 = arith.index_cast %parallel_loop3A_145 : i32 to index
      %parallel_loop3A_147 = arith.index_cast %parallel_loop3A_59 : i32 to index
      %parallel_loop3A_148 = tpu.vector_load %arg4[%parallel_loop3A_146, %parallel_loop3A_147] {strides = array<i32>} : memref<64x512xi32, #tpu.memory_space<vmem>>, vector<16xi32>,
      %parallel_loop3A_149 = arith.addi %mul3A_38, %parallel_loop3A_148 : vector<16xi32>
      tpu.vector_store_idx %arg6[%parallel_loop3A_149], %broadcast_in_dim3A_35 {add = true} : memref<5904xf32, #tpu.memory_space<vmem>>[vector<16xi32>], vector<16xf32>,
      %parallel_loop3A_150 = arith.constant 18 : i32
      %parallel_loop3A_151 = arith.index_cast %parallel_loop3A_150 : i32 to index
      %parallel_loop3A_152 = arith.index_cast %parallel_loop3A_59 : i32 to index
      %parallel_loop3A_153 = tpu.vector_load %arg4[%parallel_loop3A_151, %parallel_loop3A_152] {strides = array<i32>} : memref<64x512xi32, #tpu.memory_space<vmem>>, vector<16xi32>,
      %parallel_loop3A_154 = arith.addi %mul3A_38, %parallel_loop3A_153 : vector<16xi32>
      tpu.vector_store_idx %arg7[%parallel_loop3A_154], %broadcast_in_dim3A_35 {add = true} : memref<5904xf32, #tpu.memory_space<vmem>>[vector<16xi32>], vector<16xf32>,
      %parallel_loop3A_155 = arith.constant 19 : i32
      %parallel_loop3A_156 = arith.index_cast %parallel_loop3A_155 : i32 to index
      %parallel_loop3A_157 = arith.index_cast %parallel_loop3A_59 : i32 to index
      %parallel_loop3A_158 = tpu.vector_load %arg4[%parallel_loop3A_156, %parallel_loop3A_157] {strides = array<i32>} : memref<64x512xi32, #tpu.memory_space<vmem>>, vector<16xi32>,
      %parallel_loop3A_159 = arith.addi %mul3A_38, %parallel_loop3A_158 : vector<16xi32>
      tpu.vector_store_idx %arg8[%parallel_loop3A_159], %broadcast_in_dim3A_35 {add = true} : memref<5904xf32, #tpu.memory_space<vmem>>[vector<16xi32>], vector<16xf32>,
      %parallel_loop3A_160 = arith.constant 20 : i32
      %parallel_loop3A_161 = arith.index_cast %parallel_loop3A_160 : i32 to index
      %parallel_loop3A_162 = arith.index_cast %parallel_loop3A_59 : i32 to index
      %parallel_loop3A_163 = tpu.vector_load %arg4[%parallel_loop3A_161, %parallel_loop3A_162] {strides = array<i32>} : memref<64x512xi32, #tpu.memory_space<vmem>>, vector<16xi32>,
      %parallel_loop3A_164 = arith.addi %mul3A_38, %parallel_loop3A_163 : vector<16xi32>
      tpu.vector_store_idx %arg5[%parallel_loop3A_164], %broadcast_in_dim3A_35 {add = true} : memref<5904xf32, #tpu.memory_space<vmem>>[vector<16xi32>], vector<16xf32>,
      %parallel_loop3A_165 = arith.constant 21 : i32
      %parallel_loop3A_166 = arith.index_cast %parallel_loop3A_165 : i32 to index
      %parallel_loop3A_167 = arith.index_cast %parallel_loop3A_59 : i32 to index
      %parallel_loop3A_168 = tpu.vector_load %arg4[%parallel_loop3A_166, %parallel_loop3A_167] {strides = array<i32>} : memref<64x512xi32, #tpu.memory_space<vmem>>, vector<16xi32>,
      %parallel_loop3A_169 = arith.addi %mul3A_38, %parallel_loop3A_168 : vector<16xi32>
      tpu.vector_store_idx %arg6[%parallel_loop3A_169], %broadcast_in_dim3A_35 {add = true} : memref<5904xf32, #tpu.memory_space<vmem>>[vector<16xi32>], vector<16xf32>,
      %parallel_loop3A_170 = arith.constant 22 : i32
      %parallel_loop3A_171 = arith.index_cast %parallel_loop3A_170 : i32 to index
      %parallel_loop3A_172 = arith.index_cast %parallel_loop3A_59 : i32 to index
      %parallel_loop3A_173 = tpu.vector_load %arg4[%parallel_loop3A_171, %parallel_loop3A_172] {strides = array<i32>} : memref<64x512xi32, #tpu.memory_space<vmem>>, vector<16xi32>,
      %parallel_loop3A_174 = arith.addi %mul3A_38, %parallel_loop3A_173 : vector<16xi32>
      tpu.vector_store_idx %arg7[%parallel_loop3A_174], %broadcast_in_dim3A_35 {add = true} : memref<5904xf32, #tpu.memory_space<vmem>>[vector<16xi32>], vector<16xf32>,
      %parallel_loop3A_175 = arith.constant 23 : i32
      %parallel_loop3A_176 = arith.index_cast %parallel_loop3A_175 : i32 to index
      %parallel_loop3A_177 = arith.index_cast %parallel_loop3A_59 : i32 to index
      %parallel_loop3A_178 = tpu.vector_load %arg4[%parallel_loop3A_176, %parallel_loop3A_177] {strides = array<i32>} : memref<64x512xi32, #tpu.memory_space<vmem>>, vector<16xi32>,
      %parallel_loop3A_179 = arith.addi %mul3A_38, %parallel_loop3A_178 : vector<16xi32>
      tpu.vector_store_idx %arg8[%parallel_loop3A_179], %broadcast_in_dim3A_35 {add = true} : memref<5904xf32, #tpu.memory_space<vmem>>[vector<16xi32>], vector<16xf32>,
      %parallel_loop3A_180 = arith.constant 24 : i32
      %parallel_loop3A_181 = arith.index_cast %parallel_loop3A_180 : i32 to index
      %parallel_loop3A_182 = arith.index_cast %parallel_loop3A_59 : i32 to index
      %parallel_loop3A_183 = tpu.vector_load %arg4[%parallel_loop3A_181, %parallel_loop3A_182] {strides = array<i32>} : memref<64x512xi32, #tpu.memory_space<vmem>>, vector<16xi32>,
      %parallel_loop3A_184 = arith.addi %mul3A_38, %parallel_loop3A_183 : vector<16xi32>
      tpu.vector_store_idx %arg5[%parallel_loop3A_184], %broadcast_in_dim3A_35 {add = true} : memref<5904xf32, #tpu.memory_space<vmem>>[vector<16xi32>], vector<16xf32>,
      %parallel_loop3A_185 = arith.constant 25 : i32
      %parallel_loop3A_186 = arith.index_cast %parallel_loop3A_185 : i32 to index
      %parallel_loop3A_187 = arith.index_cast %parallel_loop3A_59 : i32 to index
      %parallel_loop3A_188 = tpu.vector_load %arg4[%parallel_loop3A_186, %parallel_loop3A_187] {strides = array<i32>} : memref<64x512xi32, #tpu.memory_space<vmem>>, vector<16xi32>,
      %parallel_loop3A_189 = arith.addi %mul3A_38, %parallel_loop3A_188 : vector<16xi32>
      tpu.vector_store_idx %arg6[%parallel_loop3A_189], %broadcast_in_dim3A_35 {add = true} : memref<5904xf32, #tpu.memory_space<vmem>>[vector<16xi32>], vector<16xf32>,
      %parallel_loop3A_190 = arith.constant 26 : i32
      %parallel_loop3A_191 = arith.index_cast %parallel_loop3A_190 : i32 to index
      %parallel_loop3A_192 = arith.index_cast %parallel_loop3A_59 : i32 to index
      %parallel_loop3A_193 = tpu.vector_load %arg4[%parallel_loop3A_191, %parallel_loop3A_192] {strides = array<i32>} : memref<64x512xi32, #tpu.memory_space<vmem>>, vector<16xi32>,
      %parallel_loop3A_194 = arith.addi %mul3A_38, %parallel_loop3A_193 : vector<16xi32>
      tpu.vector_store_idx %arg7[%parallel_loop3A_194], %broadcast_in_dim3A_35 {add = true} : memref<5904xf32, #tpu.memory_space<vmem>>[vector<16xi32>], vector<16xf32>,
      %parallel_loop3A_195 = arith.constant 27 : i32
      %parallel_loop3A_196 = arith.index_cast %parallel_loop3A_195 : i32 to index
      %parallel_loop3A_197 = arith.index_cast %parallel_loop3A_59 : i32 to index
      %parallel_loop3A_198 = tpu.vector_load %arg4[%parallel_loop3A_196, %parallel_loop3A_197] {strides = array<i32>} : memref<64x512xi32, #tpu.memory_space<vmem>>, vector<16xi32>,
      %parallel_loop3A_199 = arith.addi %mul3A_38, %parallel_loop3A_198 : vector<16xi32>
      tpu.vector_store_idx %arg8[%parallel_loop3A_199], %broadcast_in_dim3A_35 {add = true} : memref<5904xf32, #tpu.memory_space<vmem>>[vector<16xi32>], vector<16xf32>,
      %parallel_loop3A_200 = arith.constant 28 : i32
      %parallel_loop3A_201 = arith.index_cast %parallel_loop3A_200 : i32 to index
      %parallel_loop3A_202 = arith.index_cast %parallel_loop3A_59 : i32 to index
      %parallel_loop3A_203 = tpu.vector_load %arg4[%parallel_loop3A_201, %parallel_loop3A_202] {strides = array<i32>} : memref<64x512xi32, #tpu.memory_space<vmem>>, vector<16xi32>,
      %parallel_loop3A_204 = arith.addi %mul3A_38, %parallel_loop3A_203 : vector<16xi32>
      tpu.vector_store_idx %arg5[%parallel_loop3A_204], %broadcast_in_dim3A_35 {add = true} : memref<5904xf32, #tpu.memory_space<vmem>>[vector<16xi32>], vector<16xf32>,
      %parallel_loop3A_205 = arith.constant 29 : i32
      %parallel_loop3A_206 = arith.index_cast %parallel_loop3A_205 : i32 to index
      %parallel_loop3A_207 = arith.index_cast %parallel_loop3A_59 : i32 to index
      %parallel_loop3A_208 = tpu.vector_load %arg4[%parallel_loop3A_206, %parallel_loop3A_207] {strides = array<i32>} : memref<64x512xi32, #tpu.memory_space<vmem>>, vector<16xi32>,
      %parallel_loop3A_209 = arith.addi %mul3A_38, %parallel_loop3A_208 : vector<16xi32>
      tpu.vector_store_idx %arg6[%parallel_loop3A_209], %broadcast_in_dim3A_35 {add = true} : memref<5904xf32, #tpu.memory_space<vmem>>[vector<16xi32>], vector<16xf32>,
      %parallel_loop3A_210 = arith.constant 30 : i32
      %parallel_loop3A_211 = arith.index_cast %parallel_loop3A_210 : i32 to index
      %parallel_loop3A_212 = arith.index_cast %parallel_loop3A_59 : i32 to index
      %parallel_loop3A_213 = tpu.vector_load %arg4[%parallel_loop3A_211, %parallel_loop3A_212] {strides = array<i32>} : memref<64x512xi32, #tpu.memory_space<vmem>>, vector<16xi32>,
      %parallel_loop3A_214 = arith.addi %mul3A_38, %parallel_loop3A_213 : vector<16xi32>
      tpu.vector_store_idx %arg7[%parallel_loop3A_214], %broadcast_in_dim3A_35 {add = true} : memref<5904xf32, #tpu.memory_space<vmem>>[vector<16xi32>], vector<16xf32>,
      %parallel_loop3A_215 = arith.constant 31 : i32
      %parallel_loop3A_216 = arith.index_cast %parallel_loop3A_215 : i32 to index
      %parallel_loop3A_217 = arith.index_cast %parallel_loop3A_59 : i32 to index
      %parallel_loop3A_218 = tpu.vector_load %arg4[%parallel_loop3A_216, %parallel_loop3A_217] {strides = array<i32>} : memref<64x512xi32, #tpu.memory_space<vmem>>, vector<16xi32>,
      %parallel_loop3A_219 = arith.addi %mul3A_38, %parallel_loop3A_218 : vector<16xi32>
      tpu.vector_store_idx %arg8[%parallel_loop3A_219], %broadcast_in_dim3A_35 {add = true} : memref<5904xf32, #tpu.memory_space<vmem>>[vector<16xi32>], vector<16xf32>,
      %parallel_loop3A_220 = arith.constant 32 : i32
      %parallel_loop3A_221 = arith.index_cast %parallel_loop3A_220 : i32 to index
      %parallel_loop3A_222 = arith.index_cast %parallel_loop3A_59 : i32 to index
      %parallel_loop3A_223 = tpu.vector_load %arg4[%parallel_loop3A_221, %parallel_loop3A_222] {strides = array<i32>} : memref<64x512xi32, #tpu.memory_space<vmem>>, vector<16xi32>,
      %parallel_loop3A_224 = arith.addi %mul3A_38, %parallel_loop3A_223 : vector<16xi32>
      tpu.vector_store_idx %arg5[%parallel_loop3A_224], %broadcast_in_dim3A_35 {add = true} : memref<5904xf32, #tpu.memory_space<vmem>>[vector<16xi32>], vector<16xf32>,
      %parallel_loop3A_225 = arith.constant 33 : i32
      %parallel_loop3A_226 = arith.index_cast %parallel_loop3A_225 : i32 to index
      %parallel_loop3A_227 = arith.index_cast %parallel_loop3A_59 : i32 to index
      %parallel_loop3A_228 = tpu.vector_load %arg4[%parallel_loop3A_226, %parallel_loop3A_227] {strides = array<i32>} : memref<64x512xi32, #tpu.memory_space<vmem>>, vector<16xi32>,
      %parallel_loop3A_229 = arith.addi %mul3A_38, %parallel_loop3A_228 : vector<16xi32>
      tpu.vector_store_idx %arg6[%parallel_loop3A_229], %broadcast_in_dim3A_35 {add = true} : memref<5904xf32, #tpu.memory_space<vmem>>[vector<16xi32>], vector<16xf32>,
      %parallel_loop3A_230 = arith.constant 34 : i32
      %parallel_loop3A_231 = arith.index_cast %parallel_loop3A_230 : i32 to index
      %parallel_loop3A_232 = arith.index_cast %parallel_loop3A_59 : i32 to index
      %parallel_loop3A_233 = tpu.vector_load %arg4[%parallel_loop3A_231, %parallel_loop3A_232] {strides = array<i32>} : memref<64x512xi32, #tpu.memory_space<vmem>>, vector<16xi32>,
      %parallel_loop3A_234 = arith.addi %mul3A_38, %parallel_loop3A_233 : vector<16xi32>
      tpu.vector_store_idx %arg7[%parallel_loop3A_234], %broadcast_in_dim3A_35 {add = true} : memref<5904xf32, #tpu.memory_space<vmem>>[vector<16xi32>], vector<16xf32>,
      %parallel_loop3A_235 = arith.constant 35 : i32
      %parallel_loop3A_236 = arith.index_cast %parallel_loop3A_235 : i32 to index
      %parallel_loop3A_237 = arith.index_cast %parallel_loop3A_59 : i32 to index
      %parallel_loop3A_238 = tpu.vector_load %arg4[%parallel_loop3A_236, %parallel_loop3A_237] {strides = array<i32>} : memref<64x512xi32, #tpu.memory_space<vmem>>, vector<16xi32>,
      %parallel_loop3A_239 = arith.addi %mul3A_38, %parallel_loop3A_238 : vector<16xi32>
      tpu.vector_store_idx %arg8[%parallel_loop3A_239], %broadcast_in_dim3A_35 {add = true} : memref<5904xf32, #tpu.memory_space<vmem>>[vector<16xi32>], vector<16xf32>,
      %parallel_loop3A_240 = arith.constant 36 : i32
      %parallel_loop3A_241 = arith.index_cast %parallel_loop3A_240 : i32 to index
      %parallel_loop3A_242 = arith.index_cast %parallel_loop3A_59 : i32 to index
      %parallel_loop3A_243 = tpu.vector_load %arg4[%parallel_loop3A_241, %parallel_loop3A_242] {strides = array<i32>} : memref<64x512xi32, #tpu.memory_space<vmem>>, vector<16xi32>,
      %parallel_loop3A_244 = arith.addi %mul3A_38, %parallel_loop3A_243 : vector<16xi32>
      tpu.vector_store_idx %arg5[%parallel_loop3A_244], %broadcast_in_dim3A_35 {add = true} : memref<5904xf32, #tpu.memory_space<vmem>>[vector<16xi32>], vector<16xf32>,
      %parallel_loop3A_245 = arith.constant 37 : i32
      %parallel_loop3A_246 = arith.index_cast %parallel_loop3A_245 : i32 to index
      %parallel_loop3A_247 = arith.index_cast %parallel_loop3A_59 : i32 to index
      %parallel_loop3A_248 = tpu.vector_load %arg4[%parallel_loop3A_246, %parallel_loop3A_247] {strides = array<i32>} : memref<64x512xi32, #tpu.memory_space<vmem>>, vector<16xi32>,
      %parallel_loop3A_249 = arith.addi %mul3A_38, %parallel_loop3A_248 : vector<16xi32>
      tpu.vector_store_idx %arg6[%parallel_loop3A_249], %broadcast_in_dim3A_35 {add = true} : memref<5904xf32, #tpu.memory_space<vmem>>[vector<16xi32>], vector<16xf32>,
      %parallel_loop3A_250 = arith.constant 38 : i32
      %parallel_loop3A_251 = arith.index_cast %parallel_loop3A_250 : i32 to index
      %parallel_loop3A_252 = arith.index_cast %parallel_loop3A_59 : i32 to index
      %parallel_loop3A_253 = tpu.vector_load %arg4[%parallel_loop3A_251, %parallel_loop3A_252] {strides = array<i32>} : memref<64x512xi32, #tpu.memory_space<vmem>>, vector<16xi32>,
      %parallel_loop3A_254 = arith.addi %mul3A_38, %parallel_loop3A_253 : vector<16xi32>
      tpu.vector_store_idx %arg7[%parallel_loop3A_254], %broadcast_in_dim3A_35 {add = true} : memref<5904xf32, #tpu.memory_space<vmem>>[vector<16xi32>], vector<16xf32>,
      %parallel_loop3A_255 = arith.constant 39 : i32
      %parallel_loop3A_256 = arith.index_cast %parallel_loop3A_255 : i32 to index
      %parallel_loop3A_257 = arith.index_cast %parallel_loop3A_59 : i32 to index
      %parallel_loop3A_258 = tpu.vector_load %arg4[%parallel_loop3A_256, %parallel_loop3A_257] {strides = array<i32>} : memref<64x512xi32, #tpu.memory_space<vmem>>, vector<16xi32>,
      %parallel_loop3A_259 = arith.addi %mul3A_38, %parallel_loop3A_258 : vector<16xi32>
      tpu.vector_store_idx %arg8[%parallel_loop3A_259], %broadcast_in_dim3A_35 {add = true} : memref<5904xf32, #tpu.memory_space<vmem>>[vector<16xi32>], vector<16xf32>,
      %parallel_loop3A_260 = arith.constant 40 : i32
      %parallel_loop3A_261 = arith.index_cast %parallel_loop3A_260 : i32 to index
      %parallel_loop3A_262 = arith.index_cast %parallel_loop3A_59 : i32 to index
      %parallel_loop3A_263 = tpu.vector_load %arg4[%parallel_loop3A_261, %parallel_loop3A_262] {strides = array<i32>} : memref<64x512xi32, #tpu.memory_space<vmem>>, vector<16xi32>,
      %parallel_loop3A_264 = arith.addi %mul3A_38, %parallel_loop3A_263 : vector<16xi32>
      tpu.vector_store_idx %arg5[%parallel_loop3A_264], %broadcast_in_dim3A_35 {add = true} : memref<5904xf32, #tpu.memory_space<vmem>>[vector<16xi32>], vector<16xf32>,
      %parallel_loop3A_265 = arith.constant 41 : i32
      %parallel_loop3A_266 = arith.index_cast %parallel_loop3A_265 : i32 to index
      %parallel_loop3A_267 = arith.index_cast %parallel_loop3A_59 : i32 to index
      %parallel_loop3A_268 = tpu.vector_load %arg4[%parallel_loop3A_266, %parallel_loop3A_267] {strides = array<i32>} : memref<64x512xi32, #tpu.memory_space<vmem>>, vector<16xi32>,
      %parallel_loop3A_269 = arith.addi %mul3A_38, %parallel_loop3A_268 : vector<16xi32>
      tpu.vector_store_idx %arg6[%parallel_loop3A_269], %broadcast_in_dim3A_35 {add = true} : memref<5904xf32, #tpu.memory_space<vmem>>[vector<16xi32>], vector<16xf32>,
      %parallel_loop3A_270 = arith.constant 42 : i32
      %parallel_loop3A_271 = arith.index_cast %parallel_loop3A_270 : i32 to index
      %parallel_loop3A_272 = arith.index_cast %parallel_loop3A_59 : i32 to index
      %parallel_loop3A_273 = tpu.vector_load %arg4[%parallel_loop3A_271, %parallel_loop3A_272] {strides = array<i32>} : memref<64x512xi32, #tpu.memory_space<vmem>>, vector<16xi32>,
      %parallel_loop3A_274 = arith.addi %mul3A_38, %parallel_loop3A_273 : vector<16xi32>
      tpu.vector_store_idx %arg7[%parallel_loop3A_274], %broadcast_in_dim3A_35 {add = true} : memref<5904xf32, #tpu.memory_space<vmem>>[vector<16xi32>], vector<16xf32>,
      %parallel_loop3A_275 = arith.constant 43 : i32
      %parallel_loop3A_276 = arith.index_cast %parallel_loop3A_275 : i32 to index
      %parallel_loop3A_277 = arith.index_cast %parallel_loop3A_59 : i32 to index
      %parallel_loop3A_278 = tpu.vector_load %arg4[%parallel_loop3A_276, %parallel_loop3A_277] {strides = array<i32>} : memref<64x512xi32, #tpu.memory_space<vmem>>, vector<16xi32>,
      %parallel_loop3A_279 = arith.addi %mul3A_38, %parallel_loop3A_278 : vector<16xi32>
      tpu.vector_store_idx %arg8[%parallel_loop3A_279], %broadcast_in_dim3A_35 {add = true} : memref<5904xf32, #tpu.memory_space<vmem>>[vector<16xi32>], vector<16xf32>,
      %parallel_loop3A_280 = arith.constant 44 : i32
      %parallel_loop3A_281 = arith.index_cast %parallel_loop3A_280 : i32 to index
      %parallel_loop3A_282 = arith.index_cast %parallel_loop3A_59 : i32 to index
      %parallel_loop3A_283 = tpu.vector_load %arg4[%parallel_loop3A_281, %parallel_loop3A_282] {strides = array<i32>} : memref<64x512xi32, #tpu.memory_space<vmem>>, vector<16xi32>,
      %parallel_loop3A_284 = arith.addi %mul3A_38, %parallel_loop3A_283 : vector<16xi32>
      tpu.vector_store_idx %arg5[%parallel_loop3A_284], %broadcast_in_dim3A_35 {add = true} : memref<5904xf32, #tpu.memory_space<vmem>>[vector<16xi32>], vector<16xf32>,
      %parallel_loop3A_285 = arith.constant 45 : i32
      %parallel_loop3A_286 = arith.index_cast %parallel_loop3A_285 : i32 to index
      %parallel_loop3A_287 = arith.index_cast %parallel_loop3A_59 : i32 to index
      %parallel_loop3A_288 = tpu.vector_load %arg4[%parallel_loop3A_286, %parallel_loop3A_287] {strides = array<i32>} : memref<64x512xi32, #tpu.memory_space<vmem>>, vector<16xi32>,
      %parallel_loop3A_289 = arith.addi %mul3A_38, %parallel_loop3A_288 : vector<16xi32>
      tpu.vector_store_idx %arg6[%parallel_loop3A_289], %broadcast_in_dim3A_35 {add = true} : memref<5904xf32, #tpu.memory_space<vmem>>[vector<16xi32>], vector<16xf32>,
      %parallel_loop3A_290 = arith.constant 46 : i32
      %parallel_loop3A_291 = arith.index_cast %parallel_loop3A_290 : i32 to index
      %parallel_loop3A_292 = arith.index_cast %parallel_loop3A_59 : i32 to index
      %parallel_loop3A_293 = tpu.vector_load %arg4[%parallel_loop3A_291, %parallel_loop3A_292] {strides = array<i32>} : memref<64x512xi32, #tpu.memory_space<vmem>>, vector<16xi32>,
      %parallel_loop3A_294 = arith.addi %mul3A_38, %parallel_loop3A_293 : vector<16xi32>
      tpu.vector_store_idx %arg7[%parallel_loop3A_294], %broadcast_in_dim3A_35 {add = true} : memref<5904xf32, #tpu.memory_space<vmem>>[vector<16xi32>], vector<16xf32>,
      %parallel_loop3A_295 = arith.constant 47 : i32
      %parallel_loop3A_296 = arith.index_cast %parallel_loop3A_295 : i32 to index
      %parallel_loop3A_297 = arith.index_cast %parallel_loop3A_59 : i32 to index
      %parallel_loop3A_298 = tpu.vector_load %arg4[%parallel_loop3A_296, %parallel_loop3A_297] {strides = array<i32>} : memref<64x512xi32, #tpu.memory_space<vmem>>, vector<16xi32>,
      %parallel_loop3A_299 = arith.addi %mul3A_38, %parallel_loop3A_298 : vector<16xi32>
      tpu.vector_store_idx %arg8[%parallel_loop3A_299], %broadcast_in_dim3A_35 {add = true} : memref<5904xf32, #tpu.memory_space<vmem>>[vector<16xi32>], vector<16xf32>,
      %parallel_loop3A_300 = arith.constant 48 : i32
      %parallel_loop3A_301 = arith.index_cast %parallel_loop3A_300 : i32 to index
      %parallel_loop3A_302 = arith.index_cast %parallel_loop3A_59 : i32 to index
      %parallel_loop3A_303 = tpu.vector_load %arg4[%parallel_loop3A_301, %parallel_loop3A_302] {strides = array<i32>} : memref<64x512xi32, #tpu.memory_space<vmem>>, vector<16xi32>,
      %parallel_loop3A_304 = arith.addi %mul3A_38, %parallel_loop3A_303 : vector<16xi32>
      tpu.vector_store_idx %arg5[%parallel_loop3A_304], %broadcast_in_dim3A_35 {add = true} : memref<5904xf32, #tpu.memory_space<vmem>>[vector<16xi32>], vector<16xf32>,
      %parallel_loop3A_305 = arith.constant 49 : i32
      %parallel_loop3A_306 = arith.index_cast %parallel_loop3A_305 : i32 to index
      %parallel_loop3A_307 = arith.index_cast %parallel_loop3A_59 : i32 to index
      %parallel_loop3A_308 = tpu.vector_load %arg4[%parallel_loop3A_306, %parallel_loop3A_307] {strides = array<i32>} : memref<64x512xi32, #tpu.memory_space<vmem>>, vector<16xi32>,
      %parallel_loop3A_309 = arith.addi %mul3A_38, %parallel_loop3A_308 : vector<16xi32>
      tpu.vector_store_idx %arg6[%parallel_loop3A_309], %broadcast_in_dim3A_35 {add = true} : memref<5904xf32, #tpu.memory_space<vmem>>[vector<16xi32>], vector<16xf32>,
      %parallel_loop3A_310 = arith.constant 50 : i32
      %parallel_loop3A_311 = arith.index_cast %parallel_loop3A_310 : i32 to index
      %parallel_loop3A_312 = arith.index_cast %parallel_loop3A_59 : i32 to index
      %parallel_loop3A_313 = tpu.vector_load %arg4[%parallel_loop3A_311, %parallel_loop3A_312] {strides = array<i32>} : memref<64x512xi32, #tpu.memory_space<vmem>>, vector<16xi32>,
      %parallel_loop3A_314 = arith.addi %mul3A_38, %parallel_loop3A_313 : vector<16xi32>
      tpu.vector_store_idx %arg7[%parallel_loop3A_314], %broadcast_in_dim3A_35 {add = true} : memref<5904xf32, #tpu.memory_space<vmem>>[vector<16xi32>], vector<16xf32>,
      %parallel_loop3A_315 = arith.constant 51 : i32
      %parallel_loop3A_316 = arith.index_cast %parallel_loop3A_315 : i32 to index
      %parallel_loop3A_317 = arith.index_cast %parallel_loop3A_59 : i32 to index
      %parallel_loop3A_318 = tpu.vector_load %arg4[%parallel_loop3A_316, %parallel_loop3A_317] {strides = array<i32>} : memref<64x512xi32, #tpu.memory_space<vmem>>, vector<16xi32>,
      %parallel_loop3A_319 = arith.addi %mul3A_38, %parallel_loop3A_318 : vector<16xi32>
      tpu.vector_store_idx %arg8[%parallel_loop3A_319], %broadcast_in_dim3A_35 {add = true} : memref<5904xf32, #tpu.memory_space<vmem>>[vector<16xi32>], vector<16xf32>,
      %parallel_loop3A_320 = arith.constant 52 : i32
      %parallel_loop3A_321 = arith.index_cast %parallel_loop3A_320 : i32 to index
      %parallel_loop3A_322 = arith.index_cast %parallel_loop3A_59 : i32 to index
      %parallel_loop3A_323 = tpu.vector_load %arg4[%parallel_loop3A_321, %parallel_loop3A_322] {strides = array<i32>} : memref<64x512xi32, #tpu.memory_space<vmem>>, vector<16xi32>,
      %parallel_loop3A_324 = arith.addi %mul3A_38, %parallel_loop3A_323 : vector<16xi32>
      tpu.vector_store_idx %arg5[%parallel_loop3A_324], %broadcast_in_dim3A_35 {add = true} : memref<5904xf32, #tpu.memory_space<vmem>>[vector<16xi32>], vector<16xf32>,
      %parallel_loop3A_325 = arith.constant 53 : i32
      %parallel_loop3A_326 = arith.index_cast %parallel_loop3A_325 : i32 to index
      %parallel_loop3A_327 = arith.index_cast %parallel_loop3A_59 : i32 to index
      %parallel_loop3A_328 = tpu.vector_load %arg4[%parallel_loop3A_326, %parallel_loop3A_327] {strides = array<i32>} : memref<64x512xi32, #tpu.memory_space<vmem>>, vector<16xi32>,
      %parallel_loop3A_329 = arith.addi %mul3A_38, %parallel_loop3A_328 : vector<16xi32>
      tpu.vector_store_idx %arg6[%parallel_loop3A_329], %broadcast_in_dim3A_35 {add = true} : memref<5904xf32, #tpu.memory_space<vmem>>[vector<16xi32>], vector<16xf32>,
      %parallel_loop3A_330 = arith.constant 54 : i32
      %parallel_loop3A_331 = arith.index_cast %parallel_loop3A_330 : i32 to index
      %parallel_loop3A_332 = arith.index_cast %parallel_loop3A_59 : i32 to index
      %parallel_loop3A_333 = tpu.vector_load %arg4[%parallel_loop3A_331, %parallel_loop3A_332] {strides = array<i32>} : memref<64x512xi32, #tpu.memory_space<vmem>>, vector<16xi32>,
      %parallel_loop3A_334 = arith.addi %mul3A_38, %parallel_loop3A_333 : vector<16xi32>
      tpu.vector_store_idx %arg7[%parallel_loop3A_334], %broadcast_in_dim3A_35 {add = true} : memref<5904xf32, #tpu.memory_space<vmem>>[vector<16xi32>], vector<16xf32>,
      %parallel_loop3A_335 = arith.constant 55 : i32
      %parallel_loop3A_336 = arith.index_cast %parallel_loop3A_335 : i32 to index
      %parallel_loop3A_337 = arith.index_cast %parallel_loop3A_59 : i32 to index
      %parallel_loop3A_338 = tpu.vector_load %arg4[%parallel_loop3A_336, %parallel_loop3A_337] {strides = array<i32>} : memref<64x512xi32, #tpu.memory_space<vmem>>, vector<16xi32>,
      %parallel_loop3A_339 = arith.addi %mul3A_38, %parallel_loop3A_338 : vector<16xi32>
      tpu.vector_store_idx %arg8[%parallel_loop3A_339], %broadcast_in_dim3A_35 {add = true} : memref<5904xf32, #tpu.memory_space<vmem>>[vector<16xi32>], vector<16xf32>,
      %parallel_loop3A_340 = arith.constant 56 : i32
      %parallel_loop3A_341 = arith.index_cast %parallel_loop3A_340 : i32 to index
      %parallel_loop3A_342 = arith.index_cast %parallel_loop3A_59 : i32 to index
      %parallel_loop3A_343 = tpu.vector_load %arg4[%parallel_loop3A_341, %parallel_loop3A_342] {strides = array<i32>} : memref<64x512xi32, #tpu.memory_space<vmem>>, vector<16xi32>,
      %parallel_loop3A_344 = arith.addi %mul3A_38, %parallel_loop3A_343 : vector<16xi32>
      tpu.vector_store_idx %arg5[%parallel_loop3A_344], %broadcast_in_dim3A_35 {add = true} : memref<5904xf32, #tpu.memory_space<vmem>>[vector<16xi32>], vector<16xf32>,
      %parallel_loop3A_345 = arith.constant 57 : i32
      %parallel_loop3A_346 = arith.index_cast %parallel_loop3A_345 : i32 to index
      %parallel_loop3A_347 = arith.index_cast %parallel_loop3A_59 : i32 to index
      %parallel_loop3A_348 = tpu.vector_load %arg4[%parallel_loop3A_346, %parallel_loop3A_347] {strides = array<i32>} : memref<64x512xi32, #tpu.memory_space<vmem>>, vector<16xi32>,
      %parallel_loop3A_349 = arith.addi %mul3A_38, %parallel_loop3A_348 : vector<16xi32>
      tpu.vector_store_idx %arg6[%parallel_loop3A_349], %broadcast_in_dim3A_35 {add = true} : memref<5904xf32, #tpu.memory_space<vmem>>[vector<16xi32>], vector<16xf32>,
      %parallel_loop3A_350 = arith.constant 58 : i32
      %parallel_loop3A_351 = arith.index_cast %parallel_loop3A_350 : i32 to index
      %parallel_loop3A_352 = arith.index_cast %parallel_loop3A_59 : i32 to index
      %parallel_loop3A_353 = tpu.vector_load %arg4[%parallel_loop3A_351, %parallel_loop3A_352] {strides = array<i32>} : memref<64x512xi32, #tpu.memory_space<vmem>>, vector<16xi32>,
      %parallel_loop3A_354 = arith.addi %mul3A_38, %parallel_loop3A_353 : vector<16xi32>
      tpu.vector_store_idx %arg7[%parallel_loop3A_354], %broadcast_in_dim3A_35 {add = true} : memref<5904xf32, #tpu.memory_space<vmem>>[vector<16xi32>], vector<16xf32>,
      %parallel_loop3A_355 = arith.constant 59 : i32
      %parallel_loop3A_356 = arith.index_cast %parallel_loop3A_355 : i32 to index
      %parallel_loop3A_357 = arith.index_cast %parallel_loop3A_59 : i32 to index
      %parallel_loop3A_358 = tpu.vector_load %arg4[%parallel_loop3A_356, %parallel_loop3A_357] {strides = array<i32>} : memref<64x512xi32, #tpu.memory_space<vmem>>, vector<16xi32>,
      %parallel_loop3A_359 = arith.addi %mul3A_38, %parallel_loop3A_358 : vector<16xi32>
      tpu.vector_store_idx %arg8[%parallel_loop3A_359], %broadcast_in_dim3A_35 {add = true} : memref<5904xf32, #tpu.memory_space<vmem>>[vector<16xi32>], vector<16xf32>,
      %parallel_loop3A_360 = arith.constant 60 : i32
      %parallel_loop3A_361 = arith.index_cast %parallel_loop3A_360 : i32 to index
      %parallel_loop3A_362 = arith.index_cast %parallel_loop3A_59 : i32 to index
      %parallel_loop3A_363 = tpu.vector_load %arg4[%parallel_loop3A_361, %parallel_loop3A_362] {strides = array<i32>} : memref<64x512xi32, #tpu.memory_space<vmem>>, vector<16xi32>,
      %parallel_loop3A_364 = arith.addi %mul3A_38, %parallel_loop3A_363 : vector<16xi32>
      tpu.vector_store_idx %arg5[%parallel_loop3A_364], %broadcast_in_dim3A_35 {add = true} : memref<5904xf32, #tpu.memory_space<vmem>>[vector<16xi32>], vector<16xf32>,
      %parallel_loop3A_365 = arith.constant 61 : i32
      %parallel_loop3A_366 = arith.index_cast %parallel_loop3A_365 : i32 to index
      %parallel_loop3A_367 = arith.index_cast %parallel_loop3A_59 : i32 to index
      %parallel_loop3A_368 = tpu.vector_load %arg4[%parallel_loop3A_366, %parallel_loop3A_367] {strides = array<i32>} : memref<64x512xi32, #tpu.memory_space<vmem>>, vector<16xi32>,
      %parallel_loop3A_369 = arith.addi %mul3A_38, %parallel_loop3A_368 : vector<16xi32>
      tpu.vector_store_idx %arg6[%parallel_loop3A_369], %broadcast_in_dim3A_35 {add = true} : memref<5904xf32, #tpu.memory_space<vmem>>[vector<16xi32>], vector<16xf32>,
      %parallel_loop3A_370 = arith.constant 62 : i32
      %parallel_loop3A_371 = arith.index_cast %parallel_loop3A_370 : i32 to index
      %parallel_loop3A_372 = arith.index_cast %parallel_loop3A_59 : i32 to index
      %parallel_loop3A_373 = tpu.vector_load %arg4[%parallel_loop3A_371, %parallel_loop3A_372] {strides = array<i32>} : memref<64x512xi32, #tpu.memory_space<vmem>>, vector<16xi32>,
      %parallel_loop3A_374 = arith.addi %mul3A_38, %parallel_loop3A_373 : vector<16xi32>
      tpu.vector_store_idx %arg7[%parallel_loop3A_374], %broadcast_in_dim3A_35 {add = true} : memref<5904xf32, #tpu.memory_space<vmem>>[vector<16xi32>], vector<16xf32>,
      %parallel_loop3A_375 = arith.constant 63 : i32
      %parallel_loop3A_376 = arith.index_cast %parallel_loop3A_375 : i32 to index
      %parallel_loop3A_377 = arith.index_cast %parallel_loop3A_59 : i32 to index
      %parallel_loop3A_378 = tpu.vector_load %arg4[%parallel_loop3A_376, %parallel_loop3A_377] {strides = array<i32>} : memref<64x512xi32, #tpu.memory_space<vmem>>, vector<16xi32>,
      %parallel_loop3A_379 = arith.addi %mul3A_38, %parallel_loop3A_378 : vector<16xi32>
      tpu.vector_store_idx %arg8[%parallel_loop3A_379], %broadcast_in_dim3A_35 {add = true} : memref<5904xf32, #tpu.memory_space<vmem>>[vector<16xi32>], vector<16xf32>,
    } {sc.loop_unroll_factor = 2 : i64, sc.parallel_access}
    %parallel_loop3A_54 = arith.constant 0 : i32
    %parallel_loop3A_55 = arith.constant 369 : i32
    %parallel_loop3A_56 = arith.constant 1 : i32
    scf.for %parallel_loop3A_57 = %parallel_loop3A_54 to %parallel_loop3A_55 step %parallel_loop3A_56  : i32 {
      %parallel_loop3A_58 = arith.constant 16 : i32
      %parallel_loop3A_59 = arith.muli %parallel_loop3A_57, %parallel_loop3A_58 : i32
      %parallel_loop3A_60 = arith.index_cast %parallel_loop3A_59 : i32 to index
      %parallel_loop3A_61 = tpu.vector_load %arg5[%parallel_loop3A_60] {strides = array<i32>} : memref<5904xf32, #tpu.memory_space<vmem>>, vector<16xf32>,
      %parallel_loop3A_62 = arith.index_cast %parallel_loop3A_59 : i32 to index
      %parallel_loop3A_63 = tpu.vector_load %arg6[%parallel_loop3A_62] {strides = array<i32>} : memref<5904xf32, #tpu.memory_space<vmem>>, vector<16xf32>,
      %parallel_loop3A_64 = arith.addf %parallel_loop3A_61, %parallel_loop3A_63 : vector<16xf32>
      %parallel_loop3A_65 = arith.index_cast %parallel_loop3A_59 : i32 to index
      %parallel_loop3A_66 = tpu.vector_load %arg7[%parallel_loop3A_65] {strides = array<i32>} : memref<5904xf32, #tpu.memory_space<vmem>>, vector<16xf32>,
      %parallel_loop3A_67 = arith.addf %parallel_loop3A_64, %parallel_loop3A_66 : vector<16xf32>
      %parallel_loop3A_68 = arith.index_cast %parallel_loop3A_59 : i32 to index
      %parallel_loop3A_69 = tpu.vector_load %arg8[%parallel_loop3A_68] {strides = array<i32>} : memref<5904xf32, #tpu.memory_space<vmem>>, vector<16xf32>,
      %parallel_loop3A_70 = arith.addf %parallel_loop3A_67, %parallel_loop3A_69 : vector<16xf32>
      %parallel_loop3A_71 = arith.index_cast %parallel_loop3A_59 : i32 to index
      %parallel_loop3A_72 = tpu.vector_load %arg5[%parallel_loop3A_71] {strides = array<i32>} : memref<5904xf32, #tpu.memory_space<vmem>>, vector<16xf32>,
      tpu.vector_store %arg5[%parallel_loop3A_71], %parallel_loop3A_70 {strides = array<i32>} : memref<5904xf32, #tpu.memory_space<vmem>>, vector<16xf32>,
    } {sc.loop_unroll_factor = 4 : i64, sc.parallel_access}
    "tpu.region"() ({
      %run_scoped3A = tpu.sem_alloc : memref<!tpu.dma_semaphore, #tpu.memory_space<semaphore_mem>>
      %dma_start3A_57 = arith.constant 0 : i32
      %dma_start3A_58 = tpu.memref_slice %arg3[%add3A, %dma_start3A_57] : memref<32x5904xf32, #tpu.memory_space<hbm>> -> memref<1x5904xf32, #tpu.memory_space<hbm>>
      %dma_start3A_59 = tpu.memref_squeeze %dma_start3A_58 : memref<1x5904xf32, #tpu.memory_space<hbm>> -> memref<5904xf32, #tpu.memory_space<hbm>>
      %dma_start3A_60 = arith.constant 0 : i32
      %dma_start3A_61 = tpu.memref_slice %arg3[%add3A, %dma_start3A_60] : memref<32x5904xf32, #tpu.memory_space<hbm>> -> memref<1x5904xf32, #tpu.memory_space<hbm>>
      %dma_start3A_62 = tpu.memref_squeeze %dma_start3A_61 : memref<1x5904xf32, #tpu.memory_space<hbm>> -> memref<5904xf32, #tpu.memory_space<hbm>>
      tpu.enqueue_dma source(%arg5 : memref<5904xf32, #tpu.memory_space<vmem>>) target(%dma_start3A_62 : memref<5904xf32, #tpu.memory_space<hbm>>) target_semaphore(%run_scoped3A : memref<!tpu.dma_semaphore, #tpu.memory_space<semaphore_mem>>)
      %dma_wait3A_63 = arith.constant 0 : i32
      %dma_wait3A_64 = tpu.memref_slice %arg3[%add3A, %dma_wait3A_63] : memref<32x5904xf32, #tpu.memory_space<hbm>> -> memref<1x5904xf32, #tpu.memory_space<hbm>>
      %dma_wait3A_65 = tpu.memref_squeeze %dma_wait3A_64 : memref<1x5904xf32, #tpu.memory_space<hbm>> -> memref<5904xf32, #tpu.memory_space<hbm>>
      %dma_wait3A_66 = arith.constant 0 : i32
      %dma_wait3A_67 = tpu.memref_slice %arg3[%add3A, %dma_wait3A_66] : memref<32x5904xf32, #tpu.memory_space<hbm>> -> memref<1x5904xf32, #tpu.memory_space<hbm>>
      %dma_wait3A_68 = tpu.memref_squeeze %dma_wait3A_67 : memref<1x5904xf32, #tpu.memory_space<hbm>> -> memref<5904xf32, #tpu.memory_space<hbm>>
      tpu.wait_dma2 semaphore(%run_scoped3A : memref<!tpu.dma_semaphore, #tpu.memory_space<semaphore_mem>>) src(%arg5 : memref<5904xf32, #tpu.memory_space<vmem>>) dst(%dma_wait3A_68 : memref<5904xf32, #tpu.memory_space<hbm>>)
      tpu.yield
    }) : () -> ()
    return
  }
}

module attributes {stable_mosaic.version = 14 : i64} {
  func.func @_epilogue_body(%arg0: memref<32x5904xf32, #tpu.memory_space<vmem>>, %arg1: memref<32x5904xf32, #tpu.memory_space<vmem>>, %arg2: memref<19x5904xf32, #tpu.memory_space<vmem>>, %arg3: memref<19x5904xf32, #tpu.memory_space<vmem>>, %arg4: memref<19x5904xf32, #tpu.memory_space<vmem>>, %arg5: memref<1x1xf32, #tpu.memory_space<vmem>>) attributes {dimension_semantics = [], scalar_prefetch = 0 : i64, scratch_operands = 0 : i64, tpu.core_type = #tpu.core_type<tc>} {
    %get3A = arith.constant 0 : index
    %get3A_0 = arith.constant 0 : index
    %get3A_1 = vector.load %arg0[%get3A, %get3A_0] : memref<32x5904xf32, #tpu.memory_space<vmem>>, vector<32x5904xf32>
    %reduce_sum3A = arith.constant dense<0.000000e+00> : vector<5904xf32>
    %reduce_sum3A_2 = vector.multi_reduction <add>, %get3A_1, %reduce_sum3A [0] : vector<32x5904xf32> to vector<5904xf32>
    %get3A_3 = arith.constant 0 : index
    %get3A_4 = arith.constant 0 : index
    %get3A_5 = vector.load %arg1[%get3A_3, %get3A_4] : memref<32x5904xf32, #tpu.memory_space<vmem>>, vector<32x5904xf32>
    %reduce_sum3A_6 = arith.constant dense<0.000000e+00> : vector<5904xf32>
    %reduce_sum3A_7 = vector.multi_reduction <add>, %get3A_5, %reduce_sum3A_6 [0] : vector<32x5904xf32> to vector<5904xf32>
    %add3A = arith.addf %reduce_sum3A_2, %reduce_sum3A_7 : vector<5904xf32>
    %broadcast_in_dim3A = vector.shape_cast %add3A : vector<5904xf32> to vector<1x5904xf32>
    %get3A_8 = arith.constant 0 : index
    %get3A_9 = arith.constant 0 : index
    %get3A_10 = vector.load %arg2[%get3A_8, %get3A_9] : memref<19x5904xf32, #tpu.memory_space<vmem>>, vector<19x5904xf32>
    %mul3A = vector.broadcast %broadcast_in_dim3A : vector<1x5904xf32> to vector<19x5904xf32>
    %mul3A_11 = arith.mulf %get3A_10, %mul3A : vector<19x5904xf32>
    %reduce_sum3A_12 = arith.constant dense<0.000000e+00> : vector<19xf32>
    %reduce_sum3A_13 = vector.multi_reduction <add>, %mul3A_11, %reduce_sum3A_12 [1] : vector<19x5904xf32> to vector<19xf32>
    %get3A_14 = arith.constant 0 : index
    %get3A_15 = arith.constant 0 : index
    %get3A_16 = vector.load %arg3[%get3A_14, %get3A_15] : memref<19x5904xf32, #tpu.memory_space<vmem>>, vector<19x5904xf32>
    %mul3A_17 = vector.broadcast %broadcast_in_dim3A : vector<1x5904xf32> to vector<19x5904xf32>
    %mul3A_18 = arith.mulf %get3A_16, %mul3A_17 : vector<19x5904xf32>
    %reduce_sum3A_19 = arith.constant dense<0.000000e+00> : vector<19xf32>
    %reduce_sum3A_20 = vector.multi_reduction <add>, %mul3A_18, %reduce_sum3A_19 [1] : vector<19x5904xf32> to vector<19xf32>
    %get3A_21 = arith.constant 0 : index
    %get3A_22 = arith.constant 0 : index
    %get3A_23 = vector.load %arg4[%get3A_21, %get3A_22] : memref<19x5904xf32, #tpu.memory_space<vmem>>, vector<19x5904xf32>
    %mul3A_24 = vector.broadcast %broadcast_in_dim3A : vector<1x5904xf32> to vector<19x5904xf32>
    %mul3A_25 = arith.mulf %get3A_23, %mul3A_24 : vector<19x5904xf32>
    %reduce_sum3A_26 = arith.constant dense<0.000000e+00> : vector<19xf32>
    %reduce_sum3A_27 = vector.multi_reduction <add>, %mul3A_25, %reduce_sum3A_26 [1] : vector<19x5904xf32> to vector<19xf32>
    %add3A_28 = arith.constant 9.99999997E-7 : f32
    %add3A_29 = vector.broadcast %add3A_28 : f32 to vector<19xf32>
    %add3A_30 = arith.addf %reduce_sum3A_27, %add3A_29 : vector<19xf32>
    %add3A_31 = arith.constant 9.99999997E-7 : f32
    %add3A_32 = vector.broadcast %add3A_31 : f32 to vector<19xf32>
    %add3A_33 = arith.addf %reduce_sum3A_20, %add3A_32 : vector<19xf32>
    %div3A = arith.divf %add3A_30, %add3A_33 : vector<19xf32>
    %sub3A = arith.constant 0x4A000000 : f32
    %sub3A_34 = vector.broadcast %sub3A : f32 to vector<19xf32>
    %sub3A_35 = arith.subf %sub3A_34, %reduce_sum3A_13 : vector<19xf32>
    %sub3A_36 = arith.subf %sub3A_35, %reduce_sum3A_20 : vector<19xf32>
    %add3A_37 = arith.addf %sub3A_36, %reduce_sum3A_27 : vector<19xf32>
    %add3A_38 = arith.constant 9.99999997E-7 : f32
    %add3A_39 = vector.broadcast %add3A_38 : f32 to vector<19xf32>
    %add3A_40 = arith.addf %add3A_37, %add3A_39 : vector<19xf32>
    %sub3A_41 = arith.constant 0x4A000000 : f32
    %sub3A_42 = vector.broadcast %sub3A_41 : f32 to vector<19xf32>
    %sub3A_43 = arith.subf %sub3A_42, %reduce_sum3A_20 : vector<19xf32>
    %add3A_44 = arith.constant 9.99999997E-7 : f32
    %add3A_45 = vector.broadcast %add3A_44 : f32 to vector<19xf32>
    %add3A_46 = arith.addf %sub3A_43, %add3A_45 : vector<19xf32>
    %div3A_47 = arith.divf %add3A_40, %add3A_46 : vector<19xf32>
    %mul3A_48 = arith.constant 5.000000e-01 : f32
    %mul3A_49 = vector.broadcast %mul3A_48 : f32 to vector<19xf32>
    %mul3A_50 = arith.mulf %mul3A_49, %div3A : vector<19xf32>
    %mul3A_51 = arith.constant 5.000000e-01 : f32
    %mul3A_52 = vector.broadcast %mul3A_51 : f32 to vector<19xf32>
    %mul3A_53 = arith.mulf %mul3A_52, %div3A_47 : vector<19xf32>
    %add3A_54 = arith.addf %mul3A_50, %mul3A_53 : vector<19xf32>
    %reduce_sum3A_55 = vector.shape_cast %add3A_54 : vector<19xf32> to vector<1x19xf32>
    %reduce_sum3A_56 = arith.constant dense<0.000000e+00> : vector<1xf32>
    %reduce_sum3A_57 = vector.multi_reduction <add>, %reduce_sum3A_55, %reduce_sum3A_56 [1] : vector<1x19xf32> to vector<1xf32>
    %reduce_sum3A_58 = vector.shape_cast %reduce_sum3A_57 : vector<1xf32> to vector<1x1xf32>
    %reduce_sum3A_59 = vector.extract %reduce_sum3A_58[0, 0] : f32 from vector<1x1xf32>
    %div3A_60 = arith.constant 1.900000e+01 : f32
    %div3A_61 = arith.divf %reduce_sum3A_59, %div3A_60 : f32
    %reshape3A = vector.broadcast %div3A_61 : f32 to vector<1x1xf32>
    %sub3A_62 = arith.constant 1.000000e+00 : f32
    %sub3A_63 = vector.broadcast %sub3A_62 : f32 to vector<1x1xf32>
    %sub3A_64 = arith.subf %sub3A_63, %reshape3A : vector<1x1xf32>
    %swap3A = arith.constant 0 : index
    %swap3A_65 = arith.constant 0 : index
    %swap3A_66 = vector.load %arg5[%swap3A, %swap3A_65] : memref<1x1xf32, #tpu.memory_space<vmem>>, vector<1x1xf32>
    tpu.vector_store %arg5[%swap3A, %swap3A_65], %sub3A_64 {strides = array<i32>} : memref<1x1xf32, #tpu.memory_space<vmem>>, vector<1x1xf32>,
    return
  }
}

module attributes {stable_mosaic.version = 14 : i64} {
  func.func @_argmax_body(%arg0: i32, %arg1: i32, %arg2: memref<1x256x512xi32, #tpu.memory_space<vmem>>, %arg3: memref<1x19x256x512xf32, #tpu.memory_space<vmem>>, %arg4: memref<1x256x512xi32, #tpu.memory_space<vmem>>) attributes {dimension_semantics = [#tpu.dimension_semantics<parallel>, #tpu.dimension_semantics<parallel>], iteration_bounds = array<i64: 4, 2>, scalar_prefetch = 0 : i64, scratch_operands = 0 : i64, tpu.core_type = #tpu.core_type<tc>, window_params = [{transform_indices = @transform_0, window_bounds = array<i64: 1, 256, 512>}, {transform_indices = @transform_1, window_bounds = array<i64: 1, 19, 256, 512>}, {transform_indices = @transform_2, window_bounds = array<i64: 1, 256, 512>}]} {
    %get3A = arith.constant 0 : index
    %get3A_0 = arith.constant 0 : index
    %get3A_1 = arith.constant 0 : index
    %get3A_2 = arith.constant 0 : index
    %get3A_3 = vector.load %arg3[%get3A, %get3A_0, %get3A_1, %get3A_2] : memref<1x19x256x512xf32, #tpu.memory_space<vmem>>, vector<1x19x256x512xf32>
    %get3A_4 = vector.shape_cast %get3A_3 : vector<1x19x256x512xf32> to vector<19x256x512xf32>
    %get3A_5 = arith.constant 0 : index
    %get3A_6 = arith.constant 0 : index
    %get3A_7 = arith.constant 0 : index
    %get3A_8 = vector.load %arg2[%get3A_5, %get3A_6, %get3A_7] : memref<1x256x512xi32, #tpu.memory_space<vmem>>, vector<1x256x512xi32>
    %get3A_9 = vector.shape_cast %get3A_8 : vector<1x256x512xi32> to vector<256x512xi32>
    %slice3A = vector.extract_strided_slice %get3A_4 {offsets = [0, 0, 0], sizes = [1, 256, 512], strides = [1, 1, 1]} : vector<19x256x512xf32> to vector<1x256x512xf32>
    %squeeze3A = vector.shape_cast %slice3A : vector<1x256x512xf32> to vector<256x512xf32>
    %broadcast_in_dim3A = arith.constant 0 : i32
    %broadcast_in_dim3A_10 = vector.broadcast %broadcast_in_dim3A : i32 to vector<256x512xi32>
    %slice3A_11 = vector.extract_strided_slice %get3A_4 {offsets = [1, 0, 0], sizes = [1, 256, 512], strides = [1, 1, 1]} : vector<19x256x512xf32> to vector<1x256x512xf32>
    %squeeze3A_12 = vector.shape_cast %slice3A_11 : vector<1x256x512xf32> to vector<256x512xf32>
    %gt3A = arith.cmpf ogt, %squeeze3A_12, %squeeze3A : vector<256x512xf32>
    %select_n3A = arith.select %gt3A, %squeeze3A_12, %squeeze3A : vector<256x512xi1>, vector<256x512xf32>
    %jit3A = arith.constant 1 : i32
    %broadcast_in_dim3A_13 = vector.broadcast %jit3A : i32 to vector<256x512xi32>
    %select_n3A_14 = arith.select %gt3A, %broadcast_in_dim3A_13, %broadcast_in_dim3A_10 : vector<256x512xi1>, vector<256x512xi32>
    %slice3A_15 = vector.extract_strided_slice %get3A_4 {offsets = [2, 0, 0], sizes = [1, 256, 512], strides = [1, 1, 1]} : vector<19x256x512xf32> to vector<1x256x512xf32>
    %squeeze3A_16 = vector.shape_cast %slice3A_15 : vector<1x256x512xf32> to vector<256x512xf32>
    %gt3A_17 = arith.cmpf ogt, %squeeze3A_16, %select_n3A : vector<256x512xf32>
    %select_n3A_18 = arith.select %gt3A_17, %squeeze3A_16, %select_n3A : vector<256x512xi1>, vector<256x512xf32>
    %jit3A_19 = arith.constant 2 : i32
    %broadcast_in_dim3A_20 = vector.broadcast %jit3A_19 : i32 to vector<256x512xi32>
    %select_n3A_21 = arith.select %gt3A_17, %broadcast_in_dim3A_20, %select_n3A_14 : vector<256x512xi1>, vector<256x512xi32>
    %slice3A_22 = vector.extract_strided_slice %get3A_4 {offsets = [3, 0, 0], sizes = [1, 256, 512], strides = [1, 1, 1]} : vector<19x256x512xf32> to vector<1x256x512xf32>
    %squeeze3A_23 = vector.shape_cast %slice3A_22 : vector<1x256x512xf32> to vector<256x512xf32>
    %gt3A_24 = arith.cmpf ogt, %squeeze3A_23, %select_n3A_18 : vector<256x512xf32>
    %select_n3A_25 = arith.select %gt3A_24, %squeeze3A_23, %select_n3A_18 : vector<256x512xi1>, vector<256x512xf32>
    %jit3A_26 = arith.constant 3 : i32
    %broadcast_in_dim3A_27 = vector.broadcast %jit3A_26 : i32 to vector<256x512xi32>
    %select_n3A_28 = arith.select %gt3A_24, %broadcast_in_dim3A_27, %select_n3A_21 : vector<256x512xi1>, vector<256x512xi32>
    %slice3A_29 = vector.extract_strided_slice %get3A_4 {offsets = [4, 0, 0], sizes = [1, 256, 512], strides = [1, 1, 1]} : vector<19x256x512xf32> to vector<1x256x512xf32>
    %squeeze3A_30 = vector.shape_cast %slice3A_29 : vector<1x256x512xf32> to vector<256x512xf32>
    %gt3A_31 = arith.cmpf ogt, %squeeze3A_30, %select_n3A_25 : vector<256x512xf32>
    %select_n3A_32 = arith.select %gt3A_31, %squeeze3A_30, %select_n3A_25 : vector<256x512xi1>, vector<256x512xf32>
    %jit3A_33 = arith.constant 4 : i32
    %broadcast_in_dim3A_34 = vector.broadcast %jit3A_33 : i32 to vector<256x512xi32>
    %select_n3A_35 = arith.select %gt3A_31, %broadcast_in_dim3A_34, %select_n3A_28 : vector<256x512xi1>, vector<256x512xi32>
    %slice3A_36 = vector.extract_strided_slice %get3A_4 {offsets = [5, 0, 0], sizes = [1, 256, 512], strides = [1, 1, 1]} : vector<19x256x512xf32> to vector<1x256x512xf32>
    %squeeze3A_37 = vector.shape_cast %slice3A_36 : vector<1x256x512xf32> to vector<256x512xf32>
    %gt3A_38 = arith.cmpf ogt, %squeeze3A_37, %select_n3A_32 : vector<256x512xf32>
    %select_n3A_39 = arith.select %gt3A_38, %squeeze3A_37, %select_n3A_32 : vector<256x512xi1>, vector<256x512xf32>
    %jit3A_40 = arith.constant 5 : i32
    %broadcast_in_dim3A_41 = vector.broadcast %jit3A_40 : i32 to vector<256x512xi32>
    %select_n3A_42 = arith.select %gt3A_38, %broadcast_in_dim3A_41, %select_n3A_35 : vector<256x512xi1>, vector<256x512xi32>
    %slice3A_43 = vector.extract_strided_slice %get3A_4 {offsets = [6, 0, 0], sizes = [1, 256, 512], strides = [1, 1, 1]} : vector<19x256x512xf32> to vector<1x256x512xf32>
    %squeeze3A_44 = vector.shape_cast %slice3A_43 : vector<1x256x512xf32> to vector<256x512xf32>
    %gt3A_45 = arith.cmpf ogt, %squeeze3A_44, %select_n3A_39 : vector<256x512xf32>
    %select_n3A_46 = arith.select %gt3A_45, %squeeze3A_44, %select_n3A_39 : vector<256x512xi1>, vector<256x512xf32>
    %jit3A_47 = arith.constant 6 : i32
    %broadcast_in_dim3A_48 = vector.broadcast %jit3A_47 : i32 to vector<256x512xi32>
    %select_n3A_49 = arith.select %gt3A_45, %broadcast_in_dim3A_48, %select_n3A_42 : vector<256x512xi1>, vector<256x512xi32>
    %slice3A_50 = vector.extract_strided_slice %get3A_4 {offsets = [7, 0, 0], sizes = [1, 256, 512], strides = [1, 1, 1]} : vector<19x256x512xf32> to vector<1x256x512xf32>
    %squeeze3A_51 = vector.shape_cast %slice3A_50 : vector<1x256x512xf32> to vector<256x512xf32>
    %gt3A_52 = arith.cmpf ogt, %squeeze3A_51, %select_n3A_46 : vector<256x512xf32>
    %select_n3A_53 = arith.select %gt3A_52, %squeeze3A_51, %select_n3A_46 : vector<256x512xi1>, vector<256x512xf32>
    %jit3A_54 = arith.constant 7 : i32
    %broadcast_in_dim3A_55 = vector.broadcast %jit3A_54 : i32 to vector<256x512xi32>
    %select_n3A_56 = arith.select %gt3A_52, %broadcast_in_dim3A_55, %select_n3A_49 : vector<256x512xi1>, vector<256x512xi32>
    %slice3A_57 = vector.extract_strided_slice %get3A_4 {offsets = [8, 0, 0], sizes = [1, 256, 512], strides = [1, 1, 1]} : vector<19x256x512xf32> to vector<1x256x512xf32>
    %squeeze3A_58 = vector.shape_cast %slice3A_57 : vector<1x256x512xf32> to vector<256x512xf32>
    %gt3A_59 = arith.cmpf ogt, %squeeze3A_58, %select_n3A_53 : vector<256x512xf32>
    %select_n3A_60 = arith.select %gt3A_59, %squeeze3A_58, %select_n3A_53 : vector<256x512xi1>, vector<256x512xf32>
    %jit3A_61 = arith.constant 8 : i32
    %broadcast_in_dim3A_62 = vector.broadcast %jit3A_61 : i32 to vector<256x512xi32>
    %select_n3A_63 = arith.select %gt3A_59, %broadcast_in_dim3A_62, %select_n3A_56 : vector<256x512xi1>, vector<256x512xi32>
    %slice3A_64 = vector.extract_strided_slice %get3A_4 {offsets = [9, 0, 0], sizes = [1, 256, 512], strides = [1, 1, 1]} : vector<19x256x512xf32> to vector<1x256x512xf32>
    %squeeze3A_65 = vector.shape_cast %slice3A_64 : vector<1x256x512xf32> to vector<256x512xf32>
    %gt3A_66 = arith.cmpf ogt, %squeeze3A_65, %select_n3A_60 : vector<256x512xf32>
    %select_n3A_67 = arith.select %gt3A_66, %squeeze3A_65, %select_n3A_60 : vector<256x512xi1>, vector<256x512xf32>
    %jit3A_68 = arith.constant 9 : i32
    %broadcast_in_dim3A_69 = vector.broadcast %jit3A_68 : i32 to vector<256x512xi32>
    %select_n3A_70 = arith.select %gt3A_66, %broadcast_in_dim3A_69, %select_n3A_63 : vector<256x512xi1>, vector<256x512xi32>
    %slice3A_71 = vector.extract_strided_slice %get3A_4 {offsets = [10, 0, 0], sizes = [1, 256, 512], strides = [1, 1, 1]} : vector<19x256x512xf32> to vector<1x256x512xf32>
    %squeeze3A_72 = vector.shape_cast %slice3A_71 : vector<1x256x512xf32> to vector<256x512xf32>
    %gt3A_73 = arith.cmpf ogt, %squeeze3A_72, %select_n3A_67 : vector<256x512xf32>
    %select_n3A_74 = arith.select %gt3A_73, %squeeze3A_72, %select_n3A_67 : vector<256x512xi1>, vector<256x512xf32>
    %jit3A_75 = arith.constant 10 : i32
    %broadcast_in_dim3A_76 = vector.broadcast %jit3A_75 : i32 to vector<256x512xi32>
    %select_n3A_77 = arith.select %gt3A_73, %broadcast_in_dim3A_76, %select_n3A_70 : vector<256x512xi1>, vector<256x512xi32>
    %slice3A_78 = vector.extract_strided_slice %get3A_4 {offsets = [11, 0, 0], sizes = [1, 256, 512], strides = [1, 1, 1]} : vector<19x256x512xf32> to vector<1x256x512xf32>
    %squeeze3A_79 = vector.shape_cast %slice3A_78 : vector<1x256x512xf32> to vector<256x512xf32>
    %gt3A_80 = arith.cmpf ogt, %squeeze3A_79, %select_n3A_74 : vector<256x512xf32>
    %select_n3A_81 = arith.select %gt3A_80, %squeeze3A_79, %select_n3A_74 : vector<256x512xi1>, vector<256x512xf32>
    %jit3A_82 = arith.constant 11 : i32
    %broadcast_in_dim3A_83 = vector.broadcast %jit3A_82 : i32 to vector<256x512xi32>
    %select_n3A_84 = arith.select %gt3A_80, %broadcast_in_dim3A_83, %select_n3A_77 : vector<256x512xi1>, vector<256x512xi32>
    %slice3A_85 = vector.extract_strided_slice %get3A_4 {offsets = [12, 0, 0], sizes = [1, 256, 512], strides = [1, 1, 1]} : vector<19x256x512xf32> to vector<1x256x512xf32>
    %squeeze3A_86 = vector.shape_cast %slice3A_85 : vector<1x256x512xf32> to vector<256x512xf32>
    %gt3A_87 = arith.cmpf ogt, %squeeze3A_86, %select_n3A_81 : vector<256x512xf32>
    %select_n3A_88 = arith.select %gt3A_87, %squeeze3A_86, %select_n3A_81 : vector<256x512xi1>, vector<256x512xf32>
    %jit3A_89 = arith.constant 12 : i32
    %broadcast_in_dim3A_90 = vector.broadcast %jit3A_89 : i32 to vector<256x512xi32>
    %select_n3A_91 = arith.select %gt3A_87, %broadcast_in_dim3A_90, %select_n3A_84 : vector<256x512xi1>, vector<256x512xi32>
    %slice3A_92 = vector.extract_strided_slice %get3A_4 {offsets = [13, 0, 0], sizes = [1, 256, 512], strides = [1, 1, 1]} : vector<19x256x512xf32> to vector<1x256x512xf32>
    %squeeze3A_93 = vector.shape_cast %slice3A_92 : vector<1x256x512xf32> to vector<256x512xf32>
    %gt3A_94 = arith.cmpf ogt, %squeeze3A_93, %select_n3A_88 : vector<256x512xf32>
    %select_n3A_95 = arith.select %gt3A_94, %squeeze3A_93, %select_n3A_88 : vector<256x512xi1>, vector<256x512xf32>
    %jit3A_96 = arith.constant 13 : i32
    %broadcast_in_dim3A_97 = vector.broadcast %jit3A_96 : i32 to vector<256x512xi32>
    %select_n3A_98 = arith.select %gt3A_94, %broadcast_in_dim3A_97, %select_n3A_91 : vector<256x512xi1>, vector<256x512xi32>
    %slice3A_99 = vector.extract_strided_slice %get3A_4 {offsets = [14, 0, 0], sizes = [1, 256, 512], strides = [1, 1, 1]} : vector<19x256x512xf32> to vector<1x256x512xf32>
    %squeeze3A_100 = vector.shape_cast %slice3A_99 : vector<1x256x512xf32> to vector<256x512xf32>
    %gt3A_101 = arith.cmpf ogt, %squeeze3A_100, %select_n3A_95 : vector<256x512xf32>
    %select_n3A_102 = arith.select %gt3A_101, %squeeze3A_100, %select_n3A_95 : vector<256x512xi1>, vector<256x512xf32>
    %jit3A_103 = arith.constant 14 : i32
    %broadcast_in_dim3A_104 = vector.broadcast %jit3A_103 : i32 to vector<256x512xi32>
    %select_n3A_105 = arith.select %gt3A_101, %broadcast_in_dim3A_104, %select_n3A_98 : vector<256x512xi1>, vector<256x512xi32>
    %slice3A_106 = vector.extract_strided_slice %get3A_4 {offsets = [15, 0, 0], sizes = [1, 256, 512], strides = [1, 1, 1]} : vector<19x256x512xf32> to vector<1x256x512xf32>
    %squeeze3A_107 = vector.shape_cast %slice3A_106 : vector<1x256x512xf32> to vector<256x512xf32>
    %gt3A_108 = arith.cmpf ogt, %squeeze3A_107, %select_n3A_102 : vector<256x512xf32>
    %select_n3A_109 = arith.select %gt3A_108, %squeeze3A_107, %select_n3A_102 : vector<256x512xi1>, vector<256x512xf32>
    %jit3A_110 = arith.constant 15 : i32
    %broadcast_in_dim3A_111 = vector.broadcast %jit3A_110 : i32 to vector<256x512xi32>
    %select_n3A_112 = arith.select %gt3A_108, %broadcast_in_dim3A_111, %select_n3A_105 : vector<256x512xi1>, vector<256x512xi32>
    %slice3A_113 = vector.extract_strided_slice %get3A_4 {offsets = [16, 0, 0], sizes = [1, 256, 512], strides = [1, 1, 1]} : vector<19x256x512xf32> to vector<1x256x512xf32>
    %squeeze3A_114 = vector.shape_cast %slice3A_113 : vector<1x256x512xf32> to vector<256x512xf32>
    %gt3A_115 = arith.cmpf ogt, %squeeze3A_114, %select_n3A_109 : vector<256x512xf32>
    %select_n3A_116 = arith.select %gt3A_115, %squeeze3A_114, %select_n3A_109 : vector<256x512xi1>, vector<256x512xf32>
    %jit3A_117 = arith.constant 16 : i32
    %broadcast_in_dim3A_118 = vector.broadcast %jit3A_117 : i32 to vector<256x512xi32>
    %select_n3A_119 = arith.select %gt3A_115, %broadcast_in_dim3A_118, %select_n3A_112 : vector<256x512xi1>, vector<256x512xi32>
    %slice3A_120 = vector.extract_strided_slice %get3A_4 {offsets = [17, 0, 0], sizes = [1, 256, 512], strides = [1, 1, 1]} : vector<19x256x512xf32> to vector<1x256x512xf32>
    %squeeze3A_121 = vector.shape_cast %slice3A_120 : vector<1x256x512xf32> to vector<256x512xf32>
    %gt3A_122 = arith.cmpf ogt, %squeeze3A_121, %select_n3A_116 : vector<256x512xf32>
    %select_n3A_123 = arith.select %gt3A_122, %squeeze3A_121, %select_n3A_116 : vector<256x512xi1>, vector<256x512xf32>
    %jit3A_124 = arith.constant 17 : i32
    %broadcast_in_dim3A_125 = vector.broadcast %jit3A_124 : i32 to vector<256x512xi32>
    %select_n3A_126 = arith.select %gt3A_122, %broadcast_in_dim3A_125, %select_n3A_119 : vector<256x512xi1>, vector<256x512xi32>
    %slice3A_127 = vector.extract_strided_slice %get3A_4 {offsets = [18, 0, 0], sizes = [1, 256, 512], strides = [1, 1, 1]} : vector<19x256x512xf32> to vector<1x256x512xf32>
    %squeeze3A_128 = vector.shape_cast %slice3A_127 : vector<1x256x512xf32> to vector<256x512xf32>
    %gt3A_129 = arith.cmpf ogt, %squeeze3A_128, %select_n3A_123 : vector<256x512xf32>
    %jit3A_130 = arith.constant 18 : i32
    %broadcast_in_dim3A_131 = vector.broadcast %jit3A_130 : i32 to vector<256x512xi32>
    %select_n3A_132 = arith.select %gt3A_129, %broadcast_in_dim3A_131, %select_n3A_126 : vector<256x512xi1>, vector<256x512xi32>
    %mul3A = arith.constant 19 : i32
    %mul3A_133 = vector.broadcast %mul3A : i32 to vector<256x512xi32>
    %mul3A_134 = arith.muli %get3A_9, %mul3A_133 : vector<256x512xi32>
    %add3A = arith.addi %mul3A_134, %select_n3A_132 : vector<256x512xi32>
    %swap3A = arith.constant 0 : index
    %swap3A_135 = arith.constant 0 : index
    %swap3A_136 = arith.constant 0 : index
    %swap3A_137 = vector.load %arg4[%swap3A, %swap3A_135, %swap3A_136] : memref<1x256x512xi32, #tpu.memory_space<vmem>>, vector<1x256x512xi32>
    %swap3A_138 = vector.shape_cast %swap3A_137 : vector<1x256x512xi32> to vector<256x512xi32>
    %swap3A_139 = vector.shape_cast %add3A : vector<256x512xi32> to vector<1x256x512xi32>
    tpu.vector_store %arg4[%swap3A, %swap3A_135, %swap3A_136], %swap3A_139 {strides = array<i32>} : memref<1x256x512xi32, #tpu.memory_space<vmem>>, vector<1x256x512xi32>,
    return
  }
  func.func @transform_0(%arg0: i32, %arg1: i32) -> (i32, i32, i32) {
    %add3A = arith.constant 4 : i32
    %add3A_0 = arith.addi %arg0, %add3A : i32
    %c0_i32 = arith.constant 0 : i32
    %c0_i32_1 = arith.constant 0 : i32
    return %add3A_0, %arg1, %c0_i32 : i32, i32, i32
  }
  func.func @transform_1(%arg0: i32, %arg1: i32) -> (i32, i32, i32, i32) {
    %add3A = arith.constant 4 : i32
    %add3A_0 = arith.addi %arg0, %add3A : i32
    %c0_i32 = arith.constant 0 : i32
    %c0_i32_1 = arith.constant 0 : i32
    %c0_i32_2 = arith.constant 0 : i32
    return %add3A_0, %c0_i32, %arg1, %c0_i32_1 : i32, i32, i32, i32
  }
  func.func @transform_2(%arg0: i32, %arg1: i32) -> (i32, i32, i32) {
    %c0_i32 = arith.constant 0 : i32
    %c0_i32_0 = arith.constant 0 : i32
    return %arg0, %arg1, %c0_i32 : i32, i32, i32
  }
}

module attributes {stable_mosaic.version = 14 : i64} {
  func.func @_argmax_body(%arg0: i32, %arg1: i32, %arg2: memref<1x256x512xi32, #tpu.memory_space<vmem>>, %arg3: memref<1x19x256x512xf32, #tpu.memory_space<vmem>>, %arg4: memref<1x256x512xi32, #tpu.memory_space<vmem>>) attributes {dimension_semantics = [#tpu.dimension_semantics<parallel>, #tpu.dimension_semantics<parallel>], iteration_bounds = array<i64: 4, 2>, scalar_prefetch = 0 : i64, scratch_operands = 0 : i64, tpu.core_type = #tpu.core_type<tc>, window_params = [{transform_indices = @transform_0, window_bounds = array<i64: 1, 256, 512>}, {transform_indices = @transform_1, window_bounds = array<i64: 1, 19, 256, 512>}, {transform_indices = @transform_2, window_bounds = array<i64: 1, 256, 512>}]} {
    %get3A = arith.constant 0 : index
    %get3A_0 = arith.constant 0 : index
    %get3A_1 = arith.constant 0 : index
    %get3A_2 = arith.constant 0 : index
    %get3A_3 = vector.load %arg3[%get3A, %get3A_0, %get3A_1, %get3A_2] : memref<1x19x256x512xf32, #tpu.memory_space<vmem>>, vector<1x19x256x512xf32>
    %get3A_4 = vector.shape_cast %get3A_3 : vector<1x19x256x512xf32> to vector<19x256x512xf32>
    %get3A_5 = arith.constant 0 : index
    %get3A_6 = arith.constant 0 : index
    %get3A_7 = arith.constant 0 : index
    %get3A_8 = vector.load %arg2[%get3A_5, %get3A_6, %get3A_7] : memref<1x256x512xi32, #tpu.memory_space<vmem>>, vector<1x256x512xi32>
    %get3A_9 = vector.shape_cast %get3A_8 : vector<1x256x512xi32> to vector<256x512xi32>
    %slice3A = vector.extract_strided_slice %get3A_4 {offsets = [0, 0, 0], sizes = [1, 256, 512], strides = [1, 1, 1]} : vector<19x256x512xf32> to vector<1x256x512xf32>
    %squeeze3A = vector.shape_cast %slice3A : vector<1x256x512xf32> to vector<256x512xf32>
    %broadcast_in_dim3A = arith.constant 0 : i32
    %broadcast_in_dim3A_10 = vector.broadcast %broadcast_in_dim3A : i32 to vector<256x512xi32>
    %slice3A_11 = vector.extract_strided_slice %get3A_4 {offsets = [1, 0, 0], sizes = [1, 256, 512], strides = [1, 1, 1]} : vector<19x256x512xf32> to vector<1x256x512xf32>
    %squeeze3A_12 = vector.shape_cast %slice3A_11 : vector<1x256x512xf32> to vector<256x512xf32>
    %gt3A = arith.cmpf ogt, %squeeze3A_12, %squeeze3A : vector<256x512xf32>
    %select_n3A = arith.select %gt3A, %squeeze3A_12, %squeeze3A : vector<256x512xi1>, vector<256x512xf32>
    %jit3A = arith.constant 1 : i32
    %broadcast_in_dim3A_13 = vector.broadcast %jit3A : i32 to vector<256x512xi32>
    %select_n3A_14 = arith.select %gt3A, %broadcast_in_dim3A_13, %broadcast_in_dim3A_10 : vector<256x512xi1>, vector<256x512xi32>
    %slice3A_15 = vector.extract_strided_slice %get3A_4 {offsets = [2, 0, 0], sizes = [1, 256, 512], strides = [1, 1, 1]} : vector<19x256x512xf32> to vector<1x256x512xf32>
    %squeeze3A_16 = vector.shape_cast %slice3A_15 : vector<1x256x512xf32> to vector<256x512xf32>
    %gt3A_17 = arith.cmpf ogt, %squeeze3A_16, %select_n3A : vector<256x512xf32>
    %select_n3A_18 = arith.select %gt3A_17, %squeeze3A_16, %select_n3A : vector<256x512xi1>, vector<256x512xf32>
    %jit3A_19 = arith.constant 2 : i32
    %broadcast_in_dim3A_20 = vector.broadcast %jit3A_19 : i32 to vector<256x512xi32>
    %select_n3A_21 = arith.select %gt3A_17, %broadcast_in_dim3A_20, %select_n3A_14 : vector<256x512xi1>, vector<256x512xi32>
    %slice3A_22 = vector.extract_strided_slice %get3A_4 {offsets = [3, 0, 0], sizes = [1, 256, 512], strides = [1, 1, 1]} : vector<19x256x512xf32> to vector<1x256x512xf32>
    %squeeze3A_23 = vector.shape_cast %slice3A_22 : vector<1x256x512xf32> to vector<256x512xf32>
    %gt3A_24 = arith.cmpf ogt, %squeeze3A_23, %select_n3A_18 : vector<256x512xf32>
    %select_n3A_25 = arith.select %gt3A_24, %squeeze3A_23, %select_n3A_18 : vector<256x512xi1>, vector<256x512xf32>
    %jit3A_26 = arith.constant 3 : i32
    %broadcast_in_dim3A_27 = vector.broadcast %jit3A_26 : i32 to vector<256x512xi32>
    %select_n3A_28 = arith.select %gt3A_24, %broadcast_in_dim3A_27, %select_n3A_21 : vector<256x512xi1>, vector<256x512xi32>
    %slice3A_29 = vector.extract_strided_slice %get3A_4 {offsets = [4, 0, 0], sizes = [1, 256, 512], strides = [1, 1, 1]} : vector<19x256x512xf32> to vector<1x256x512xf32>
    %squeeze3A_30 = vector.shape_cast %slice3A_29 : vector<1x256x512xf32> to vector<256x512xf32>
    %gt3A_31 = arith.cmpf ogt, %squeeze3A_30, %select_n3A_25 : vector<256x512xf32>
    %select_n3A_32 = arith.select %gt3A_31, %squeeze3A_30, %select_n3A_25 : vector<256x512xi1>, vector<256x512xf32>
    %jit3A_33 = arith.constant 4 : i32
    %broadcast_in_dim3A_34 = vector.broadcast %jit3A_33 : i32 to vector<256x512xi32>
    %select_n3A_35 = arith.select %gt3A_31, %broadcast_in_dim3A_34, %select_n3A_28 : vector<256x512xi1>, vector<256x512xi32>
    %slice3A_36 = vector.extract_strided_slice %get3A_4 {offsets = [5, 0, 0], sizes = [1, 256, 512], strides = [1, 1, 1]} : vector<19x256x512xf32> to vector<1x256x512xf32>
    %squeeze3A_37 = vector.shape_cast %slice3A_36 : vector<1x256x512xf32> to vector<256x512xf32>
    %gt3A_38 = arith.cmpf ogt, %squeeze3A_37, %select_n3A_32 : vector<256x512xf32>
    %select_n3A_39 = arith.select %gt3A_38, %squeeze3A_37, %select_n3A_32 : vector<256x512xi1>, vector<256x512xf32>
    %jit3A_40 = arith.constant 5 : i32
    %broadcast_in_dim3A_41 = vector.broadcast %jit3A_40 : i32 to vector<256x512xi32>
    %select_n3A_42 = arith.select %gt3A_38, %broadcast_in_dim3A_41, %select_n3A_35 : vector<256x512xi1>, vector<256x512xi32>
    %slice3A_43 = vector.extract_strided_slice %get3A_4 {offsets = [6, 0, 0], sizes = [1, 256, 512], strides = [1, 1, 1]} : vector<19x256x512xf32> to vector<1x256x512xf32>
    %squeeze3A_44 = vector.shape_cast %slice3A_43 : vector<1x256x512xf32> to vector<256x512xf32>
    %gt3A_45 = arith.cmpf ogt, %squeeze3A_44, %select_n3A_39 : vector<256x512xf32>
    %select_n3A_46 = arith.select %gt3A_45, %squeeze3A_44, %select_n3A_39 : vector<256x512xi1>, vector<256x512xf32>
    %jit3A_47 = arith.constant 6 : i32
    %broadcast_in_dim3A_48 = vector.broadcast %jit3A_47 : i32 to vector<256x512xi32>
    %select_n3A_49 = arith.select %gt3A_45, %broadcast_in_dim3A_48, %select_n3A_42 : vector<256x512xi1>, vector<256x512xi32>
    %slice3A_50 = vector.extract_strided_slice %get3A_4 {offsets = [7, 0, 0], sizes = [1, 256, 512], strides = [1, 1, 1]} : vector<19x256x512xf32> to vector<1x256x512xf32>
    %squeeze3A_51 = vector.shape_cast %slice3A_50 : vector<1x256x512xf32> to vector<256x512xf32>
    %gt3A_52 = arith.cmpf ogt, %squeeze3A_51, %select_n3A_46 : vector<256x512xf32>
    %select_n3A_53 = arith.select %gt3A_52, %squeeze3A_51, %select_n3A_46 : vector<256x512xi1>, vector<256x512xf32>
    %jit3A_54 = arith.constant 7 : i32
    %broadcast_in_dim3A_55 = vector.broadcast %jit3A_54 : i32 to vector<256x512xi32>
    %select_n3A_56 = arith.select %gt3A_52, %broadcast_in_dim3A_55, %select_n3A_49 : vector<256x512xi1>, vector<256x512xi32>
    %slice3A_57 = vector.extract_strided_slice %get3A_4 {offsets = [8, 0, 0], sizes = [1, 256, 512], strides = [1, 1, 1]} : vector<19x256x512xf32> to vector<1x256x512xf32>
    %squeeze3A_58 = vector.shape_cast %slice3A_57 : vector<1x256x512xf32> to vector<256x512xf32>
    %gt3A_59 = arith.cmpf ogt, %squeeze3A_58, %select_n3A_53 : vector<256x512xf32>
    %select_n3A_60 = arith.select %gt3A_59, %squeeze3A_58, %select_n3A_53 : vector<256x512xi1>, vector<256x512xf32>
    %jit3A_61 = arith.constant 8 : i32
    %broadcast_in_dim3A_62 = vector.broadcast %jit3A_61 : i32 to vector<256x512xi32>
    %select_n3A_63 = arith.select %gt3A_59, %broadcast_in_dim3A_62, %select_n3A_56 : vector<256x512xi1>, vector<256x512xi32>
    %slice3A_64 = vector.extract_strided_slice %get3A_4 {offsets = [9, 0, 0], sizes = [1, 256, 512], strides = [1, 1, 1]} : vector<19x256x512xf32> to vector<1x256x512xf32>
    %squeeze3A_65 = vector.shape_cast %slice3A_64 : vector<1x256x512xf32> to vector<256x512xf32>
    %gt3A_66 = arith.cmpf ogt, %squeeze3A_65, %select_n3A_60 : vector<256x512xf32>
    %select_n3A_67 = arith.select %gt3A_66, %squeeze3A_65, %select_n3A_60 : vector<256x512xi1>, vector<256x512xf32>
    %jit3A_68 = arith.constant 9 : i32
    %broadcast_in_dim3A_69 = vector.broadcast %jit3A_68 : i32 to vector<256x512xi32>
    %select_n3A_70 = arith.select %gt3A_66, %broadcast_in_dim3A_69, %select_n3A_63 : vector<256x512xi1>, vector<256x512xi32>
    %slice3A_71 = vector.extract_strided_slice %get3A_4 {offsets = [10, 0, 0], sizes = [1, 256, 512], strides = [1, 1, 1]} : vector<19x256x512xf32> to vector<1x256x512xf32>
    %squeeze3A_72 = vector.shape_cast %slice3A_71 : vector<1x256x512xf32> to vector<256x512xf32>
    %gt3A_73 = arith.cmpf ogt, %squeeze3A_72, %select_n3A_67 : vector<256x512xf32>
    %select_n3A_74 = arith.select %gt3A_73, %squeeze3A_72, %select_n3A_67 : vector<256x512xi1>, vector<256x512xf32>
    %jit3A_75 = arith.constant 10 : i32
    %broadcast_in_dim3A_76 = vector.broadcast %jit3A_75 : i32 to vector<256x512xi32>
    %select_n3A_77 = arith.select %gt3A_73, %broadcast_in_dim3A_76, %select_n3A_70 : vector<256x512xi1>, vector<256x512xi32>
    %slice3A_78 = vector.extract_strided_slice %get3A_4 {offsets = [11, 0, 0], sizes = [1, 256, 512], strides = [1, 1, 1]} : vector<19x256x512xf32> to vector<1x256x512xf32>
    %squeeze3A_79 = vector.shape_cast %slice3A_78 : vector<1x256x512xf32> to vector<256x512xf32>
    %gt3A_80 = arith.cmpf ogt, %squeeze3A_79, %select_n3A_74 : vector<256x512xf32>
    %select_n3A_81 = arith.select %gt3A_80, %squeeze3A_79, %select_n3A_74 : vector<256x512xi1>, vector<256x512xf32>
    %jit3A_82 = arith.constant 11 : i32
    %broadcast_in_dim3A_83 = vector.broadcast %jit3A_82 : i32 to vector<256x512xi32>
    %select_n3A_84 = arith.select %gt3A_80, %broadcast_in_dim3A_83, %select_n3A_77 : vector<256x512xi1>, vector<256x512xi32>
    %slice3A_85 = vector.extract_strided_slice %get3A_4 {offsets = [12, 0, 0], sizes = [1, 256, 512], strides = [1, 1, 1]} : vector<19x256x512xf32> to vector<1x256x512xf32>
    %squeeze3A_86 = vector.shape_cast %slice3A_85 : vector<1x256x512xf32> to vector<256x512xf32>
    %gt3A_87 = arith.cmpf ogt, %squeeze3A_86, %select_n3A_81 : vector<256x512xf32>
    %select_n3A_88 = arith.select %gt3A_87, %squeeze3A_86, %select_n3A_81 : vector<256x512xi1>, vector<256x512xf32>
    %jit3A_89 = arith.constant 12 : i32
    %broadcast_in_dim3A_90 = vector.broadcast %jit3A_89 : i32 to vector<256x512xi32>
    %select_n3A_91 = arith.select %gt3A_87, %broadcast_in_dim3A_90, %select_n3A_84 : vector<256x512xi1>, vector<256x512xi32>
    %slice3A_92 = vector.extract_strided_slice %get3A_4 {offsets = [13, 0, 0], sizes = [1, 256, 512], strides = [1, 1, 1]} : vector<19x256x512xf32> to vector<1x256x512xf32>
    %squeeze3A_93 = vector.shape_cast %slice3A_92 : vector<1x256x512xf32> to vector<256x512xf32>
    %gt3A_94 = arith.cmpf ogt, %squeeze3A_93, %select_n3A_88 : vector<256x512xf32>
    %select_n3A_95 = arith.select %gt3A_94, %squeeze3A_93, %select_n3A_88 : vector<256x512xi1>, vector<256x512xf32>
    %jit3A_96 = arith.constant 13 : i32
    %broadcast_in_dim3A_97 = vector.broadcast %jit3A_96 : i32 to vector<256x512xi32>
    %select_n3A_98 = arith.select %gt3A_94, %broadcast_in_dim3A_97, %select_n3A_91 : vector<256x512xi1>, vector<256x512xi32>
    %slice3A_99 = vector.extract_strided_slice %get3A_4 {offsets = [14, 0, 0], sizes = [1, 256, 512], strides = [1, 1, 1]} : vector<19x256x512xf32> to vector<1x256x512xf32>
    %squeeze3A_100 = vector.shape_cast %slice3A_99 : vector<1x256x512xf32> to vector<256x512xf32>
    %gt3A_101 = arith.cmpf ogt, %squeeze3A_100, %select_n3A_95 : vector<256x512xf32>
    %select_n3A_102 = arith.select %gt3A_101, %squeeze3A_100, %select_n3A_95 : vector<256x512xi1>, vector<256x512xf32>
    %jit3A_103 = arith.constant 14 : i32
    %broadcast_in_dim3A_104 = vector.broadcast %jit3A_103 : i32 to vector<256x512xi32>
    %select_n3A_105 = arith.select %gt3A_101, %broadcast_in_dim3A_104, %select_n3A_98 : vector<256x512xi1>, vector<256x512xi32>
    %slice3A_106 = vector.extract_strided_slice %get3A_4 {offsets = [15, 0, 0], sizes = [1, 256, 512], strides = [1, 1, 1]} : vector<19x256x512xf32> to vector<1x256x512xf32>
    %squeeze3A_107 = vector.shape_cast %slice3A_106 : vector<1x256x512xf32> to vector<256x512xf32>
    %gt3A_108 = arith.cmpf ogt, %squeeze3A_107, %select_n3A_102 : vector<256x512xf32>
    %select_n3A_109 = arith.select %gt3A_108, %squeeze3A_107, %select_n3A_102 : vector<256x512xi1>, vector<256x512xf32>
    %jit3A_110 = arith.constant 15 : i32
    %broadcast_in_dim3A_111 = vector.broadcast %jit3A_110 : i32 to vector<256x512xi32>
    %select_n3A_112 = arith.select %gt3A_108, %broadcast_in_dim3A_111, %select_n3A_105 : vector<256x512xi1>, vector<256x512xi32>
    %slice3A_113 = vector.extract_strided_slice %get3A_4 {offsets = [16, 0, 0], sizes = [1, 256, 512], strides = [1, 1, 1]} : vector<19x256x512xf32> to vector<1x256x512xf32>
    %squeeze3A_114 = vector.shape_cast %slice3A_113 : vector<1x256x512xf32> to vector<256x512xf32>
    %gt3A_115 = arith.cmpf ogt, %squeeze3A_114, %select_n3A_109 : vector<256x512xf32>
    %select_n3A_116 = arith.select %gt3A_115, %squeeze3A_114, %select_n3A_109 : vector<256x512xi1>, vector<256x512xf32>
    %jit3A_117 = arith.constant 16 : i32
    %broadcast_in_dim3A_118 = vector.broadcast %jit3A_117 : i32 to vector<256x512xi32>
    %select_n3A_119 = arith.select %gt3A_115, %broadcast_in_dim3A_118, %select_n3A_112 : vector<256x512xi1>, vector<256x512xi32>
    %slice3A_120 = vector.extract_strided_slice %get3A_4 {offsets = [17, 0, 0], sizes = [1, 256, 512], strides = [1, 1, 1]} : vector<19x256x512xf32> to vector<1x256x512xf32>
    %squeeze3A_121 = vector.shape_cast %slice3A_120 : vector<1x256x512xf32> to vector<256x512xf32>
    %gt3A_122 = arith.cmpf ogt, %squeeze3A_121, %select_n3A_116 : vector<256x512xf32>
    %select_n3A_123 = arith.select %gt3A_122, %squeeze3A_121, %select_n3A_116 : vector<256x512xi1>, vector<256x512xf32>
    %jit3A_124 = arith.constant 17 : i32
    %broadcast_in_dim3A_125 = vector.broadcast %jit3A_124 : i32 to vector<256x512xi32>
    %select_n3A_126 = arith.select %gt3A_122, %broadcast_in_dim3A_125, %select_n3A_119 : vector<256x512xi1>, vector<256x512xi32>
    %slice3A_127 = vector.extract_strided_slice %get3A_4 {offsets = [18, 0, 0], sizes = [1, 256, 512], strides = [1, 1, 1]} : vector<19x256x512xf32> to vector<1x256x512xf32>
    %squeeze3A_128 = vector.shape_cast %slice3A_127 : vector<1x256x512xf32> to vector<256x512xf32>
    %gt3A_129 = arith.cmpf ogt, %squeeze3A_128, %select_n3A_123 : vector<256x512xf32>
    %jit3A_130 = arith.constant 18 : i32
    %broadcast_in_dim3A_131 = vector.broadcast %jit3A_130 : i32 to vector<256x512xi32>
    %select_n3A_132 = arith.select %gt3A_129, %broadcast_in_dim3A_131, %select_n3A_126 : vector<256x512xi1>, vector<256x512xi32>
    %mul3A = arith.constant 19 : i32
    %mul3A_133 = vector.broadcast %mul3A : i32 to vector<256x512xi32>
    %mul3A_134 = arith.muli %get3A_9, %mul3A_133 : vector<256x512xi32>
    %add3A = arith.addi %mul3A_134, %select_n3A_132 : vector<256x512xi32>
    %swap3A = arith.constant 0 : index
    %swap3A_135 = arith.constant 0 : index
    %swap3A_136 = arith.constant 0 : index
    %swap3A_137 = vector.load %arg4[%swap3A, %swap3A_135, %swap3A_136] : memref<1x256x512xi32, #tpu.memory_space<vmem>>, vector<1x256x512xi32>
    %swap3A_138 = vector.shape_cast %swap3A_137 : vector<1x256x512xi32> to vector<256x512xi32>
    %swap3A_139 = vector.shape_cast %add3A : vector<256x512xi32> to vector<1x256x512xi32>
    tpu.vector_store %arg4[%swap3A, %swap3A_135, %swap3A_136], %swap3A_139 {strides = array<i32>} : memref<1x256x512xi32, #tpu.memory_space<vmem>>, vector<1x256x512xi32>,
    return
  }
  func.func @transform_0(%arg0: i32, %arg1: i32) -> (i32, i32, i32) {
    %add3A = arith.constant 0 : i32
    %add3A_0 = arith.addi %arg0, %add3A : i32
    %c0_i32 = arith.constant 0 : i32
    %c0_i32_1 = arith.constant 0 : i32
    return %add3A_0, %arg1, %c0_i32 : i32, i32, i32
  }
  func.func @transform_1(%arg0: i32, %arg1: i32) -> (i32, i32, i32, i32) {
    %add3A = arith.constant 0 : i32
    %add3A_0 = arith.addi %arg0, %add3A : i32
    %c0_i32 = arith.constant 0 : i32
    %c0_i32_1 = arith.constant 0 : i32
    %c0_i32_2 = arith.constant 0 : i32
    return %add3A_0, %c0_i32, %arg1, %c0_i32_1 : i32, i32, i32, i32
  }
  func.func @transform_2(%arg0: i32, %arg1: i32) -> (i32, i32, i32) {
    %c0_i32 = arith.constant 0 : i32
    %c0_i32_0 = arith.constant 0 : i32
    return %arg0, %arg1, %c0_i32 : i32, i32, i32
  }
}

</mosaic_0001>

<sc_bundles>
// kernel: kernel.10.cloned.1.call-start
scs
__scs_entry_jumppad:
0x0: {  	(pc) =	sbr.rel $0x88, $3  }
0x1: {  	(tag) =	ssettag $0x0;
	lr =	simm.s32 $0x1  }
0x2: {  	[smem:$0x3F9F] =	sst lr;
	_ =	strace $0xD0000000  }
0x3: {  	_ = 	snop  }
0x4: {  	_ = 	snop  }
0x5: {  	_ = 	snop  }
0x6: {  	_ = 	snop  }
0x7: {  	_ = 	snop  }
__scs_overlays_trampoline_lowered:
0x8: {  	[smem:$0x3FAE] =	sst s0  }
0x9: {  	[smem:$0x3FAF] =	sst s1  }
0xa: {  	[smem:$0x3FB0] =	sst s2  }
0xb: {  	[smem:$0x3FB1] =	sst s3  }
0xc: {  	[smem:$0x3FB2] =	sst s4  }
0xd: {  	[smem:$0x3FB3] =	sst s5  }
0xe: {  	[smem:$0x3FB4] =	sst s6  }
0xf: {  	[smem:$0x3FB5] =	sst s7  }
0x10: {  	[smem:$0x3FB6] =	sst s8  }
0x11: {  	[smem:$0x3FB7] =	sst s9;
	s0 =	simm.s32 @!p0 $0x0  }
0x12: {  	s1 =	sld [smem:$0x3F9D];
	s0 =	simm.s32 @p0 $0x1  }
0x13: {  	[smem:$0x3FB8] =	sst s0;
	s0 =	simm.s32 @!p1 $0x0  }
0x14: {  	s2 =	sld [smem:$0x3F9C];
	s0 =	simm.s32 @p1 $0x1  }
0x15: {  	[smem:$0x3FB9] =	sst s0;
	s0 =	simm.s32 @!p2 $0x0  }
0x16: {  	s3 =	sld [smem:$0x3FDB];
	s0 =	simm.s32 @p2 $0x1  }
0x17: {  	s4 =	simm.s32 $0x1BF5;
	[smem:$0x3FBB] =	sst s0  }
0x18: {  	s0 =	sld [smem:$0x3F9E];
	_ =	swait.ge [sflag:s4], $0x0  }
0x19: {  	s7 =	sld [smem:$0x3F9F]  }
0x1a: {  	s8 =	sadd.s32 $0xFFFFE003, lr  }
0x1b: {  	s9 =	sadd.s32 $0xFFFFFEF7, lr;
	s5 =	simm.s32 $0xFFFFFFFF;
	p2 =	slt.u32 s8, $0xFFFFF086  }
0x1c: {  	p1 =	slt.u32 s9, $0xF7A;
	s5 =	simm.s32 @!p2 $0x0  }
0x1d: {  	s5 =	simm.s32 @p1 $0x1;
	p0 =	seq.s32 s7, s2  }
0x1e: {  	s7 =	smul.u32 @!p0 $0xF7A, s2;
	p2 =	seq.s32 @!p0 s5, $0x0  }
0x1f: {  	s9 =	smul.u32 $0xF7A, s1;
	s8 =	simm.s32 @!p0 $0x1BF5;
	p2 =	por !p2, p0  }
0x20: {  	[sflag:s8] =	ssyncset.s32 @!p0 $0xFFFFF086;
	s6 =	sadd.s32 @!p0 s3, s7;
	s7 =	simm.s32 @!p0 $0x108  }
0x21: {  	s3 =	sadd.s32 s3, s9;
	s6 =	sadd.s32 @!p0 $0x88, s6;
	s7 =	simm.s32 @p2 $0x1082  }
0x22: {  	[simem:s7], [sflag:s8] =	dma.local @!p0 [hbm:s6], $0xF7A  }
0x23: {  	s9 =	sor.u32 $0xD0000000, s2;
	s6 =	simm.s32 $0x108;
	_ =	swait.ge @!p0 [sflag:s8], $0x0  }
0x24: {  	s3 =	sadd.s32 $0x88, s3;
	s6 =	simm.s32 @!p1 $0x1082;
	[sflag:s4] =	ssyncset.s32 $0xFFFFF086  }
0x25: {  	[simem:s6], [sflag:s4] =	dma.local [hbm:s3], $0xF7A  }
0x26: {  	[smem:$0x3F9F] =	sst s1;
	(tag) =	ssettag s2;
	_ =	strace s9  }
0x27: {  	s1 =	sld [smem:$0x3FAF]  }
0x28: {  	s2 =	sld [smem:$0x3FB0]  }
0x29: {  	s4 =	sld [smem:$0x3FB2]  }
0x2a: {  	p0 =	seq.s32 s5, $0x0;
	s5 =	sld [smem:$0x3FB3]  }
0x2b: {  	s6 =	sld [smem:$0x3FB4]  }
0x2c: {  	s7 =	sld [smem:$0x3FB5]  }
0x2d: {  	s3 =	simm.s32 $0x108;
	s8 =	sld [smem:$0x3FB6]  }
0x2e: {  	s3 =	simm.s32 @!p0 $0x1082;
	s9 =	sld [smem:$0x3FB7]  }
0x2f: {  	lr =	sadd.s32 s0, s3;
	s0 =	sld [smem:$0x3FAE]  }
0x30: {  	s3 =	sld [smem:$0x3FB1]  }
0x31: {  	[smem:$0x3FBA] =	sst s10  }
0x32: {  	s10 =	sld [smem:$0x3FB8];
	_ =	sdelay $0x3  }
0x33: {  	p0 =	seq.s32 s10, $0x1;
	s10 =	sld [smem:$0x3FBA];
	_ =	sdelay $0x3  }
0x34: {  	[smem:$0x3FBA] =	sst s10  }
0x35: {  	s10 =	sld [smem:$0x3FB9];
	_ =	sdelay $0x3  }
0x36: {  	p1 =	seq.s32 s10, $0x1;
	s10 =	sld [smem:$0x3FBA];
	_ =	sdelay $0x3  }
0x37: {  	[smem:$0x3FBA] =	sst s10  }
0x38: {  	s10 =	sld [smem:$0x3FBB]  }
0x39: {  	_ = 	snop;
	(pc) =	sbr.ind lr, $3  }
0x3a: {  	_ = 	snop  }
0x3b: {  	_ = 	snop  }
0x3c: {  	p2 =	seq.s32 s10, $0x1;
	s10 =	sld [smem:$0x3FBA]  }
0x3d: {  	_ =	shalt  }
0x3e: {  	_ =	shalt  }
0x3f: {  	_ =	shalt  }
0x40: {  	_ =	shalt  }
0x41: {  	_ =	shalt  }
0x42: {  	_ =	shalt  }
0x43: {  	_ =	shalt  }
0x44: {  	_ =	shalt  }
0x45: {  	_ =	shalt  }
0x46: {  	_ =	shalt  }
0x47: {  	_ =	shalt  }
0x48: {  	_ =	shalt  }
0x49: {  	_ =	shalt  }
0x4a: {  	_ =	shalt  }
0x4b: {  	_ =	shalt  }
0x4c: {  	_ =	shalt  }
0x4d: {  	_ =	shalt  }
0x4e: {  	_ =	shalt  }
0x4f: {  	_ =	shalt  }
0x50: {  	_ =	shalt  }
0x51: {  	_ =	shalt  }
0x52: {  	_ =	shalt  }
0x53: {  	_ =	shalt  }
0x54: {  	_ =	shalt  }
0x55: {  	_ =	shalt  }
0x56: {  	_ =	shalt  }
0x57: {  	_ =	shalt  }
0x58: {  	_ =	shalt  }
0x59: {  	_ =	shalt  }
0x5a: {  	_ =	shalt  }
0x5b: {  	_ =	shalt  }
0x5c: {  	_ =	shalt  }
0x5d: {  	_ =	shalt  }
0x5e: {  	_ =	shalt  }
0x5f: {  	_ =	shalt  }
0x60: {  	_ =	shalt  }
0x61: {  	_ =	shalt  }
0x62: {  	_ =	shalt  }
0x63: {  	_ =	shalt  }
0x64: {  	_ =	shalt  }
0x65: {  	_ =	shalt  }
0x66: {  	_ =	shalt  }
0x67: {  	_ =	shalt  }
0x68: {  	_ =	shalt  }
0x69: {  	_ =	shalt  }
0x6a: {  	_ =	shalt  }
0x6b: {  	_ =	shalt  }
0x6c: {  	_ =	shalt  }
0x6d: {  	_ =	shalt  }
0x6e: {  	_ =	shalt  }
0x6f: {  	_ =	shalt  }
0x70: {  	_ =	shalt  }
0x71: {  	_ =	shalt  }
0x72: {  	_ =	shalt  }
0x73: {  	_ =	shalt  }
0x74: {  	_ =	shalt  }
0x75: {  	_ =	shalt  }
0x76: {  	_ =	shalt  }
0x77: {  	_ =	shalt  }
0x78: {  	_ =	shalt  }
0x79: {  	_ =	shalt  }
0x7a: {  	_ =	shalt  }
0x7b: {  	_ =	shalt  }
0x7c: {  	_ =	shalt  }
0x7d: {  	_ =	shalt  }
0x7e: {  	_ =	shalt  }
0x7f: {  	_ =	shalt  }
0x80: {  	_ =	shalt  }
0x81: {  	_ =	shalt  }
0x82: {  	_ =	shalt  }
0x83: {  	_ =	shalt  }
0x84: {  	_ =	shalt  }
0x85: {  	_ =	shalt  }
0x86: {  	_ =	shalt  }
0x87: {  	_ =	shalt  }
.Lfunc_end0:
.L_simem_size_0:
called_computation.1_lowered:
.L_overlay_start_0:
0x88: {  	s2 =	sld [smem:$0x3FD9]  }
0x89: {  	s3 =	sld [smem:$0x3FFE];
	_ =	sdelay $0x1  }
0x8a: {  	s1 =	srdreg.scid  }
0x8b: {  	s0 =	sand.u32 $0x1, s1  }
0x8c: {  	s16 =	sshll.u32 s0, $0xA;
	s2 =	sadd.s32 s3, s2  }
0x8d: {  	s2 =	sadd.s32 s2, s16  }
0x8e: {  	[smem:$0x3FC6] =	sst s2  }
0x8f: {  	_ = 	snop  }
0x90: {  	(tm) =	ssettm $0x1  }
0x91: {  	s17 =	sld [smem:$0x3FFB];
	_ =	sdelay $0x3  }
0x92: {  	_ =	strace s17  }
0x93: {  	s2 =	sld [smem:$0x3FFC];
	_ =	sdelay $0x3  }
0x94: {  	_ =	strace s2  }
0x95: {  	s2 =	sld [smem:$0x3FFD];
	_ =	sdelay $0x3  }
0x96: {  	_ =	strace s2  }
0x97: {  	_ =	strace $0x8FFFFFFF  }
0x98: {  	s18 =	sld [smem:$0x3FDB];
	_ =	sdelay $0x1  }
0x99: {  	s19 =	simm.s32 $_scs_section_size  }
0x9a: {  	s4 =	simm.s32 $_size__tile_overlayer_lowered;
	s5 =	simm.s32 $_tile_overlayer_lowered  }
0x9b: {  	s22 =	simm.s32 $0x1BFF;
	s21 =	sshll.u32 s5, $0x1;
	s2 =	sadd.s32 s19, s18  }
0x9c: {  	s6 =	simm.s32 $0x0;
	s20 =	sshll.u32 s4, $0x1;
	s4 =	sadd.s32 s21, s2  }
0x9d: {  	[timem:s6], [sflag:s22] =	dma.local [hbm:s4], s20  }
0x9e: {  	_ =	swait.ge [sflag:s22], s20  }
0x9f: {  	s3 =	ssub.s32 $0x0, s20;
	[sflag:s22] =	ssyncset.done $0x0  }
0xa0: {  	[sflag:s22] =	ssyncadd.s32 s3;
	_ =	sdelay $0x1  }
0xa1: {  	s23 =	simm.s32 $0x1B8B  }
0xa2: {  	_ =	swait.ge [sflag:s23], $0x1  }
0xa3: {  	[sflag:s23] =	ssyncset.done $0x0  }
0xa4: {  	s25 =	simm.s32 $0x1B8E;
	s24 =	sld [smem:$0x3FFE];
	[sflag:s23] =	ssyncadd.s32 $0xFFFFFFFF  }
0xa5: {  	s26 =	simm.s32 $execute0_lowered;
	[smem:$0x3FD2] =	sst s25  }
0xa6: {  	s4 =	sshll.u32 s26, $0x1;
	_ =	strace $0x80000046;
	[dreg:$0x1] =	wrdreg $0xFFFFFFFF  }
0xa7: {  	s28 =	simm.s32 $_size_execute0_lowered;
	s2 =	sadd.s32 s2, s4;
	[dreg:$0x0] =	wrdreg $0x0  }
0xa8: {  	s4 =	sshll.u32 s28, $0x1;
	[dreg:$0x2] =	wrdreg s2  }
0xa9: {  	[dreg:$0x3] =	wrdreg s4  }
0xaa: {  	[dreg:$0x4] =	wrdreg $0xC0  }
0xab: {  	_ =	task [dreg:s6], $0x5FFFF  }
0xac: {  	[dreg:$0x1] =	wrdreg $0xFFFFFFFF  }
0xad: {  	[dreg:$0x0] =	wrdreg $0x60  }
0xae: {  	[dreg:$0x2] =	wrdreg s24  }
0xaf: {  	[dreg:$0x3] =	wrdreg $0xA  }
0xb0: {  	_ =	task.clear_ibuf [dreg:s6], $0x4FFFF;
	_ =	strace $0x90000046  }
0xb1: {  	s29 =	simm.s32 $0xA;
	_ =	strace $0x80000048  }
0xb2: {  	_ =	swait.ge [sflag:s29], $0x1  }
0xb3: {  	[sflag:s29] =	ssyncadd.s32 $0xFFFFFFFF  }
0xb4: {  	_ =	strace $0x90000048  }
0xb5: {  	_ =	sfence  }
0xb6: {  	s30 =	sld [smem:$0x0];
	_ =	sdelay $0x2  }
0xb7: {  	s31 =	sshll.u32 s1, $0xD;
	s1 =	sshrl.u32 s1, $0x2  }
0xb8: {  	s3 =	sand.u32 $0x4000, s31;
	s1 =	sadd.s32 s1, s30  }
0xb9: {  	s0 =	sor.u32 s3, s0;
	s1 =	sshll.u32 s1, $0x11  }
0xba: {  	s0 =	sor.u32 s1, s0  }
0xbb: {  	s0 =	sadd.s32 $0x8F2B, s0  }
0xbc: {  	[sflag:s0] =	ssyncadd.remote.s32 $0x1  }
0xbd: {  	_ =	sfence.sel $0xFFFF  }
0xbe: {  	[dreg:$0x0] =	wrdreg $0xFFFFFFFF;
	(pc) =	sbr.abs _section_cstart, $3  }
0xbf: {  	[dreg:$0x1] =	wrdreg $0xFFFFFFFF  }
0xc0: {  	_ =	task.clear_ibuf [dreg:s6], $0x2FFFF;
	_ =	strace $0x9FFFFFFF  }
0xc1: {  	(tm) =	ssettm $0x7FFFFFFF  }
tec
execute0_lowered:
.L_overlay_start_1:
0x0: {  	(tag) =	ssettag $0x1  }
0x1: {  	s0 =	rddreg [dreg:$0x0];
	s2 =	simm.s32 $0x0;
	s4 =	stileid.u32  }
0x2: {  	s1 =	srdreg.scid;
	s7 =	simm.s32 $0x8000;
	s8 =	simm.s32 $0x9780  }
0x3: {  	[smem:$0x7FF] =	sst s2;
	s1 =	sand.u32 $0x1, s1;
	s29 =	sshll.u32 s4, $0x1  }
0x4: {  	s3 =	sshll.u32 s4, $0xD;
	s4 =	sshrl.u32 s4, $0x2;
	s2 =	sor.u32 s1, s29  }
0x5: {  	s3 =	sand.u32 $0x18000, s3;
	s4 =	smul.u32 $0xBC00, s4;
	_ =	strace $0x80000047  }
0x6: {  	s1 =	ssub.s32 $0x2, s1;
	s5 =	sshll.u32 s2, $0x7;
	s3 =	sadd.s32 s3, s0  }
0x7: {  	s2 =	sshll.u32 s2, $0xC;
	s30 =	sshrl.u32 s1, $0x1;
	s5 =	sand.u32 $0x380, s5  }
0x8: {  	s2 =	sand.u32 $0x7000, s2;
	s1 =	ssub.s32 s1, s30;
	s4 =	sor.u32 s4, s5  }
0x9: {  	s2 =	sadd.s32 s2, s3;
	s31 =	smax.u32 s1, $0x1;
	s4 =	sshrl.u32 s4, $0x3  }
0xa: {  	s2 =	sadd.s32 $0x1800, s2;
	[dreg:$0x8] =	wrdreg s31;
	s0 =	sadd.s32 s4, s0  }
0xb: {  	v1 =	vlaneseq.u32;
	s9 =	simm.s32 $0xAF00;
	[dreg:$0x6] =	wrdreg s2;
	s0 =	sadd.s32 $0x21800, s0  }
0xc: {  	s10 =	simm.s32 $0xC680;
	v0 =	vimm.f32 $0.0e+00;
	v2 =	vimm.f32 $1.000000000e+00;
	v1 =	vmul.u32 $0x171, v1;
	s2 =	simm.s32 $0x0;
	[dreg:$0x7] =	wrdreg s0  }
.LBB2_1:
0xd: {  	[dreg:$0x9] =	wrdreg s2  }
0xe: {  	s0 =	simm.s32 $0x0;
	s1 =	rddreg [dreg:$0x6];
	s3 =	simm.s32 $0x8020  }
0xf: {  	[tilespmem:s0], [sflag:$0x1] =	stream.linear.gather [hbm4b:s1+s0], $0x8000, $0x38;
	[tilespmem:$0xDE00] =	vst v63  }
0x10: {  	[tilespmem:s3+$0xFFFFFFF0] =	vst v0  }
0x11: {  	[tilespmem:s3+$0x0] =	vst v0  }
0x12: {  	[tilespmem:s3+$0x10] =	vst v0  }
0x13: {  	s0 =	simm.s32 $0x97A0;
	[tilespmem:s3+$0xFFFFFFE0] =	vst v0  }
0x14: {  	[tilespmem:s0+$0xFFFFFFF0] =	vst v0  }
0x15: {  	[tilespmem:s0+$0x0] =	vst v0  }
0x16: {  	[tilespmem:s0+$0x10] =	vst v0  }
0x17: {  	s1 =	simm.s32 $0xAF20;
	[tilespmem:s0+$0xFFFFFFE0] =	vst v0  }
0x18: {  	[tilespmem:s1+$0xFFFFFFF0] =	vst v0  }
0x19: {  	[tilespmem:s1+$0x0] =	vst v0  }
0x1a: {  	[tilespmem:s1+$0x10] =	vst v0  }
0x1b: {  	s2 =	simm.s32 $0xC6A0;
	[tilespmem:s1+$0xFFFFFFE0] =	vst v0  }
0x1c: {  	[tilespmem:s2+$0xFFFFFFF0] =	vst v0  }
0x1d: {  	[tilespmem:s2+$0x0] =	vst v0  }
0x1e: {  	[tilespmem:s2+$0x10] =	vst v0  }
0x1f: {  	s4 =	simm.s32 $0x8060;
	s3 =	simm.s32 $0x0;
	[tilespmem:s2+$0xFFFFFFE0] =	vst v0  }
.LBB2_2:
0x20: {  	[tilespmem:s4+$0xFFFFFFF0] =	vst v0;
	s0 =	sadd.s32 $0x40, s0  }
0x21: {  	s1 =	sadd.s32 $0x40, s1;
	[tilespmem:s0+$0xFFFFFFF0] =	vst v0  }
0x22: {  	s2 =	sadd.s32 $0x40, s2;
	[tilespmem:s1+$0xFFFFFFF0] =	vst v0  }
0x23: {  	[tilespmem:s2+$0xFFFFFFF0] =	vst v0  }
0x24: {  	[tilespmem:s4+$0x0] =	vst v0  }
0x25: {  	[tilespmem:s0+$0x0] =	vst v0  }
0x26: {  	[tilespmem:s1+$0x0] =	vst v0  }
0x27: {  	[tilespmem:s2+$0x0] =	vst v0  }
0x28: {  	[tilespmem:s4+$0x10] =	vst v0  }
0x29: {  	s3 =	sadd.s32 $0x4, s3;
	[tilespmem:s0+$0x10] =	vst v0  }
0x2a: {  	p0 =	slt.u32 s3, $0x16C;
	[tilespmem:s1+$0x10] =	vst v0  }
.Ltmp0:
0x2b: {  	[tilespmem:s2+$0x10] =	vst v0;
	(pc) =	sbr.rel @p0 .LBB2_2-.Ltmp0, $4  }
0x2c: {  	[tilespmem:s4+$0xFFFFFFE0] =	vst v0  }
0x2d: {  	[tilespmem:s0+$0xFFFFFFE0] =	vst v0  }
0x2e: {  	[tilespmem:s1+$0xFFFFFFE0] =	vst v0  }
0x2f: {  	s4 =	sadd.s32 $0x40, s4;
	[tilespmem:s2+$0xFFFFFFE0] =	vst v0  }
0x30: {  	[tilespmem:$0x9700] =	vst v0  }
0x31: {  	[tilespmem:$0xAE80] =	vst v0  }
0x32: {  	[tilespmem:$0xC600] =	vst v0  }
0x33: {  	[tilespmem:$0xDD80] =	vst v0;
	s0 =	simm.s32 $0x0;
	s1 =	simm.s32 $0x1  }
0x34: {  	_ =	swait.ge [sflag:s1], $0x8000;
	s22 =	sand.u32 $0x60, s0  }
0x35: {  	s24 =	sand.u32 $0xC00, s0;
	[sflag:s1] =	ssyncset.done $0x0;
	s23 =	sor.u32 $0x10, s22  }
0x36: {  	[sflag:s1] =	ssyncadd.s32 $0xFFFF8000;
	s4 =	sor.u32 s23, s24  }
0x37: {  	v3 =	vld [tilespmem:s4+$0x0];
	_ =	sdelay $0x4  }
0x38: {  	v3 =	vadd.s32 v1, v3;
	_ =	sdelay $0x2  }
0x39: {  	s2 =	sor.u32 s22, s24  }
0x3a: {  	v4 =	vld [tilespmem:s2+$0x0]  }
0x3b: {  	[tilespmem:v3+s7+$0x0] =	vst.idx.add.f32.msk $0xffff, v2  }
0x3c: {  	v3 =	vld [tilespmem:s4+$0x80];
	_ =	sdelay $0x2  }
0x3d: {  	v4 =	vadd.s32 v1, v4;
	_ =	sdelay $0x1  }
0x3e: {  	v3 =	vadd.s32 v1, v3;
	_ =	sdelay $0x2  }
0x3f: {  	[tilespmem:v4+s7+$0x0] =	vst.idx.add.f32.msk $0xffff, v2  }
0x40: {  	v4 =	vld [tilespmem:s2+$0x80]  }
0x41: {  	[tilespmem:v3+s8+$0x0] =	vst.idx.add.f32.msk $0xffff, v2  }
0x42: {  	v3 =	vld [tilespmem:s4+$0x100];
	_ =	sdelay $0x2  }
0x43: {  	v4 =	vadd.s32 v1, v4;
	_ =	sdelay $0x1  }
0x44: {  	v3 =	vadd.s32 v1, v3;
	_ =	sdelay $0x2  }
0x45: {  	[tilespmem:v4+s8+$0x0] =	vst.idx.add.f32.msk $0xffff, v2  }
0x46: {  	v4 =	vld [tilespmem:s2+$0x100]  }
0x47: {  	[tilespmem:v3+s9+$0x0] =	vst.idx.add.f32.msk $0xffff, v2  }
0x48: {  	v3 =	vld [tilespmem:s4+$0x180];
	_ =	sdelay $0x2  }
0x49: {  	v4 =	vadd.s32 v1, v4;
	_ =	sdelay $0x1  }
0x4a: {  	v3 =	vadd.s32 v1, v3;
	_ =	sdelay $0x2  }
0x4b: {  	[tilespmem:v4+s9+$0x0] =	vst.idx.add.f32.msk $0xffff, v2  }
0x4c: {  	v4 =	vld [tilespmem:s2+$0x180]  }
0x4d: {  	[tilespmem:v3+s10+$0x0] =	vst.idx.add.f32.msk $0xffff, v2  }
0x4e: {  	v3 =	vld [tilespmem:s4+$0x200];
	_ =	sdelay $0x3  }
0x4f: {  	v4 =	vadd.s32 v1, v4  }
0x50: {  	v3 =	vadd.s32 v1, v3;
	_ =	sdelay $0x3  }
0x51: {  	[tilespmem:v4+s10+$0x0] =	vst.idx.add.f32.msk $0xffff, v2  }
0x52: {  	[tilespmem:v3+s7+$0x0] =	vst.idx.add.f32.msk $0xffff, v2  }
0x53: {  	v3 =	vld [tilespmem:s4+$0x280];
	_ =	sdelay $0x4  }
0x54: {  	v3 =	vadd.s32 v1, v3  }
0x55: {  	s5 =	sand.u32 $0x3, s0  }
0x56: {  	s1 =	sshll.u32 s5, $0x5  }
0x57: {  	s1 =	sadd.s32 $0x0, s1  }
0x58: {  	s3 =	sadd.s32 $0x10, s1  }
0x59: {  	s4 =	sor.u32 $0x300, s3;
	[tilespmem:v3+s8+$0x0] =	vst.idx.add.f32.msk $0xffff, v2  }
0x5a: {  	v3 =	vld [tilespmem:s4+$0x0];
	_ =	sdelay $0x4  }
0x5b: {  	v3 =	vadd.s32 v1, v3;
	_ =	sdelay $0x4  }
0x5c: {  	s3 =	sor.u32 $0x380, s3;
	[tilespmem:v3+s9+$0x0] =	vst.idx.add.f32.msk $0xffff, v2  }
0x5d: {  	v3 =	vld [tilespmem:s3+$0x0];
	_ =	sdelay $0x4  }
0x5e: {  	v3 =	vadd.s32 v1, v3;
	_ =	sdelay $0x3  }
0x5f: {  	s6 =	sor.u32 $0x1000, s24  }
0x60: {  	s11 =	sor.u32 s23, s6;
	[tilespmem:v3+s10+$0x0] =	vst.idx.add.f32.msk $0xffff, v2  }
0x61: {  	v3 =	vld [tilespmem:s11+$0x0];
	_ =	sdelay $0x1  }
0x62: {  	v4 =	vld [tilespmem:s2+$0x200];
	_ =	sdelay $0x2  }
0x63: {  	v3 =	vadd.s32 v1, v3;
	_ =	sdelay $0x1  }
0x64: {  	v4 =	vadd.s32 v1, v4;
	_ =	sdelay $0x1  }
0x65: {  	s12 =	sor.u32 $0x1080, s24  }
0x66: {  	s5 =	sor.u32 s23, s12;
	[tilespmem:v3+s7+$0x0] =	vst.idx.add.f32.msk $0xffff, v2  }
0x67: {  	v3 =	vld [tilespmem:s5+$0x0]  }
0x68: {  	[tilespmem:v4+s7+$0x0] =	vst.idx.add.f32.msk $0xffff, v2  }
0x69: {  	v4 =	vld [tilespmem:s2+$0x280];
	_ =	sdelay $0x2  }
0x6a: {  	v3 =	vadd.s32 v1, v3;
	_ =	sdelay $0x1  }
0x6b: {  	v4 =	vadd.s32 v1, v4;
	_ =	sdelay $0x1  }
0x6c: {  	s13 =	sor.u32 $0x1100, s24  }
0x6d: {  	s14 =	sor.u32 s23, s13;
	[tilespmem:v3+s8+$0x0] =	vst.idx.add.f32.msk $0xffff, v2  }
0x6e: {  	v3 =	vld [tilespmem:s14+$0x0]  }
0x6f: {  	s1 =	sor.u32 $0x300, s1;
	[tilespmem:v4+s8+$0x0] =	vst.idx.add.f32.msk $0xffff, v2  }
0x70: {  	v4 =	vld [tilespmem:s1+$0x0];
	_ =	sdelay $0x2  }
0x71: {  	v3 =	vadd.s32 v1, v3;
	_ =	sdelay $0x1  }
0x72: {  	v4 =	vadd.s32 v1, v4;
	_ =	sdelay $0x1  }
0x73: {  	s15 =	sor.u32 $0x1180, s24  }
0x74: {  	s16 =	sor.u32 s23, s15;
	[tilespmem:v3+s9+$0x0] =	vst.idx.add.f32.msk $0xffff, v2  }
0x75: {  	s0 =	sor.u32 s0, s0;
	v3 =	vld [tilespmem:s16+$0x0]  }
0x76: {  	s0 =	sor.u32 $0x380, s0;
	[tilespmem:v4+s9+$0x0] =	vst.idx.add.f32.msk $0xffff, v2  }
0x77: {  	v4 =	vld [tilespmem:s0+$0x0];
	_ =	sdelay $0x2  }
0x78: {  	v3 =	vadd.s32 v1, v3;
	_ =	sdelay $0x1  }
0x79: {  	v4 =	vadd.s32 v1, v4;
	_ =	sdelay $0x1  }
0x7a: {  	s17 =	sor.u32 $0x1200, s24  }
0x7b: {  	s18 =	sor.u32 s23, s17;
	[tilespmem:v3+s10+$0x0] =	vst.idx.add.f32.msk $0xffff, v2  }
0x7c: {  	v3 =	vld [tilespmem:s18+$0x0]  }
0x7d: {  	s3 =	sor.u32 s22, s6;
	[tilespmem:v4+s10+$0x0] =	vst.idx.add.f32.msk $0xffff, v2  }
0x7e: {  	v4 =	vld [tilespmem:s3+$0x0];
	_ =	sdelay $0x2  }
0x7f: {  	v3 =	vadd.s32 v1, v3;
	_ =	sdelay $0x1  }
0x80: {  	v4 =	vadd.s32 v1, v4;
	_ =	sdelay $0x1  }
0x81: {  	s19 =	sor.u32 $0x1280, s24  }
0x82: {  	s20 =	sor.u32 s23, s19;
	[tilespmem:v3+s7+$0x0] =	vst.idx.add.f32.msk $0xffff, v2  }
0x83: {  	v3 =	vld [tilespmem:s20+$0x0]  }
0x84: {  	s4 =	sor.u32 s22, s12;
	[tilespmem:v4+s7+$0x0] =	vst.idx.add.f32.msk $0xffff, v2  }
0x85: {  	v4 =	vld [tilespmem:s4+$0x0];
	_ =	sdelay $0x2  }
0x86: {  	v3 =	vadd.s32 v1, v3;
	_ =	sdelay $0x1  }
0x87: {  	v4 =	vadd.s32 v1, v4;
	_ =	sdelay $0x1  }
0x88: {  	s21 =	sor.u32 $0x1300, s24  }
0x89: {  	s25 =	sor.u32 s23, s21;
	[tilespmem:v3+s8+$0x0] =	vst.idx.add.f32.msk $0xffff, v2  }
0x8a: {  	v3 =	vld [tilespmem:s25+$0x0]  }
0x8b: {  	s2 =	sor.u32 s22, s13;
	[tilespmem:v4+s8+$0x0] =	vst.idx.add.f32.msk $0xffff, v2  }
0x8c: {  	v4 =	vld [tilespmem:s2+$0x0];
	_ =	sdelay $0x2  }
0x8d: {  	v3 =	vadd.s32 v1, v3;
	_ =	sdelay $0x1  }
0x8e: {  	v4 =	vadd.s32 v1, v4;
	_ =	sdelay $0x1  }
0x8f: {  	s26 =	sor.u32 $0x1380, s24  }
0x90: {  	s29 =	sor.u32 s23, s26;
	[tilespmem:v3+s9+$0x0] =	vst.idx.add.f32.msk $0xffff, v2  }
0x91: {  	v3 =	vld [tilespmem:s29+$0x0]  }
0x92: {  	s1 =	sor.u32 s22, s15;
	[tilespmem:v4+s9+$0x0] =	vst.idx.add.f32.msk $0xffff, v2  }
0x93: {  	v4 =	vld [tilespmem:s1+$0x0];
	_ =	sdelay $0x2  }
0x94: {  	v3 =	vadd.s32 v1, v3;
	_ =	sdelay $0x1  }
0x95: {  	v4 =	vadd.s32 v1, v4;
	_ =	sdelay $0x1  }
0x96: {  	s31 =	sor.u32 $0x2000, s24  }
0x97: {  	s11 =	sor.u32 s23, s31;
	[tilespmem:v3+s10+$0x0] =	vst.idx.add.f32.msk $0xffff, v2  }
0x98: {  	v3 =	vld [tilespmem:s11+$0x0]  }
0x99: {  	s0 =	sor.u32 s22, s17;
	[tilespmem:v4+s10+$0x0] =	vst.idx.add.f32.msk $0xffff, v2  }
0x9a: {  	v4 =	vld [tilespmem:s0+$0x0];
	_ =	sdelay $0x2  }
0x9b: {  	v3 =	vadd.s32 v1, v3;
	_ =	sdelay $0x1  }
0x9c: {  	v4 =	vadd.s32 v1, v4;
	_ =	sdelay $0x1  }
0x9d: {  	s12 =	sor.u32 $0x2080, s24  }
0x9e: {  	s13 =	sor.u32 s23, s12;
	[tilespmem:v3+s7+$0x0] =	vst.idx.add.f32.msk $0xffff, v2  }
0x9f: {  	v3 =	vld [tilespmem:s13+$0x0]  }
0xa0: {  	s3 =	sor.u32 s22, s19;
	[tilespmem:v4+s7+$0x0] =	vst.idx.add.f32.msk $0xffff, v2  }
0xa1: {  	v4 =	vld [tilespmem:s3+$0x0];
	_ =	sdelay $0x2  }
0xa2: {  	v3 =	vadd.s32 v1, v3;
	_ =	sdelay $0x1  }
0xa3: {  	v4 =	vadd.s32 v1, v4;
	_ =	sdelay $0x1  }
0xa4: {  	s14 =	sor.u32 $0x2100, s24  }
0xa5: {  	s17 =	sor.u32 s23, s14;
	[tilespmem:v3+s8+$0x0] =	vst.idx.add.f32.msk $0xffff, v2  }
0xa6: {  	v3 =	vld [tilespmem:s17+$0x0]  }
0xa7: {  	s4 =	sor.u32 s22, s21;
	[tilespmem:v4+s8+$0x0] =	vst.idx.add.f32.msk $0xffff, v2  }
0xa8: {  	v4 =	vld [tilespmem:s4+$0x0];
	_ =	sdelay $0x2  }
0xa9: {  	v3 =	vadd.s32 v1, v3;
	_ =	sdelay $0x1  }
0xaa: {  	v4 =	vadd.s32 v1, v4;
	_ =	sdelay $0x1  }
0xab: {  	s18 =	sor.u32 $0x2180, s24  }
0xac: {  	s19 =	sor.u32 s23, s18;
	[tilespmem:v3+s9+$0x0] =	vst.idx.add.f32.msk $0xffff, v2  }
0xad: {  	v3 =	vld [tilespmem:s19+$0x0]  }
0xae: {  	s2 =	sor.u32 s22, s26;
	[tilespmem:v4+s9+$0x0] =	vst.idx.add.f32.msk $0xffff, v2  }
0xaf: {  	v4 =	vld [tilespmem:s2+$0x0];
	_ =	sdelay $0x2  }
0xb0: {  	v3 =	vadd.s32 v1, v3;
	_ =	sdelay $0x1  }
0xb1: {  	v4 =	vadd.s32 v1, v4;
	_ =	sdelay $0x1  }
0xb2: {  	s6 =	sor.u32 $0x2200, s24  }
0xb3: {  	s20 =	sor.u32 s23, s6;
	[tilespmem:v3+s10+$0x0] =	vst.idx.add.f32.msk $0xffff, v2  }
0xb4: {  	v3 =	vld [tilespmem:s20+$0x0]  }
0xb5: {  	s1 =	sor.u32 s22, s31;
	[tilespmem:v4+s10+$0x0] =	vst.idx.add.f32.msk $0xffff, v2  }
0xb6: {  	v4 =	vld [tilespmem:s1+$0x0];
	_ =	sdelay $0x2  }
0xb7: {  	v3 =	vadd.s32 v1, v3;
	_ =	sdelay $0x1  }
0xb8: {  	v4 =	vadd.s32 v1, v4;
	_ =	sdelay $0x1  }
0xb9: {  	s21 =	sor.u32 $0x2280, s24  }
0xba: {  	s25 =	sor.u32 s23, s21;
	[tilespmem:v3+s7+$0x0] =	vst.idx.add.f32.msk $0xffff, v2  }
0xbb: {  	v3 =	vld [tilespmem:s25+$0x0]  }
0xbc: {  	s0 =	sor.u32 s22, s12;
	[tilespmem:v4+s7+$0x0] =	vst.idx.add.f32.msk $0xffff, v2  }
0xbd: {  	v4 =	vld [tilespmem:s0+$0x0];
	_ =	sdelay $0x2  }
0xbe: {  	s0 =	simm.s32 $0x20;
	v3 =	vadd.s32 v1, v3  }
0xbf: {  	s1 =	simm.s32 $0x100;
	s15 =	sand.u32 $0x60, s0  }
0xc0: {  	s16 =	sand.u32 $0xC00, s1;
	s17 =	sor.u32 $0x10, s15;
	v4 =	vadd.s32 v1, v4  }
0xc1: {  	s12 =	sor.u32 s17, s16  }
0xc2: {  	s26 =	sor.u32 $0x2300, s24;
	v5 =	vld [tilespmem:s12+$0x0]  }
0xc3: {  	s11 =	sor.u32 s23, s26;
	[tilespmem:v3+s8+$0x0] =	vst.idx.add.f32.msk $0xffff, v2  }
0xc4: {  	v3 =	vld [tilespmem:s11+$0x0]  }
0xc5: {  	s3 =	sor.u32 s22, s14;
	[tilespmem:v4+s8+$0x0] =	vst.idx.add.f32.msk $0xffff, v2  }
0xc6: {  	v4 =	vld [tilespmem:s3+$0x0]  }
0xc7: {  	v5 =	vadd.s32 v1, v5;
	_ =	sdelay $0x1  }
0xc8: {  	v3 =	vadd.s32 v1, v3;
	_ =	sdelay $0x1  }
0xc9: {  	v4 =	vadd.s32 v1, v4  }
0xca: {  	[tilespmem:v5+s7+$0x0] =	vst.idx.add.f32.msk $0xffff, v2  }
0xcb: {  	s13 =	sor.u32 $0x2380, s24;
	v5 =	vld [tilespmem:s12+$0x80]  }
0xcc: {  	s29 =	sor.u32 s23, s13;
	[tilespmem:v3+s9+$0x0] =	vst.idx.add.f32.msk $0xffff, v2  }
0xcd: {  	v3 =	vld [tilespmem:s29+$0x0]  }
0xce: {  	s5 =	sor.u32 s22, s18;
	[tilespmem:v4+s9+$0x0] =	vst.idx.add.f32.msk $0xffff, v2  }
0xcf: {  	v4 =	vld [tilespmem:s5+$0x0]  }
0xd0: {  	v5 =	vadd.s32 v1, v5;
	_ =	sdelay $0x1  }
0xd1: {  	s3 =	sor.u32 s15, s16;
	v3 =	vadd.s32 v1, v3  }
0xd2: {  	v6 =	vld [tilespmem:s3+$0x0]  }
0xd3: {  	v4 =	vadd.s32 v1, v4  }
0xd4: {  	[tilespmem:v5+s8+$0x0] =	vst.idx.add.f32.msk $0xffff, v2  }
0xd5: {  	s5 =	sor.u32 $0x3000, s24;
	v5 =	vld [tilespmem:s12+$0x100]  }
0xd6: {  	s31 =	sor.u32 s23, s5;
	[tilespmem:v3+s10+$0x0] =	vst.idx.add.f32.msk $0xffff, v2  }
0xd7: {  	v3 =	vadd.s32 v1, v6;
	v6 =	vld [tilespmem:s31+$0x0]  }
0xd8: {  	s6 =	sor.u32 s22, s6;
	[tilespmem:v4+s10+$0x0] =	vst.idx.add.f32.msk $0xffff, v2  }
0xd9: {  	v4 =	vld [tilespmem:s6+$0x0]  }
0xda: {  	v5 =	vadd.s32 v1, v5;
	_ =	sdelay $0x1  }
0xdb: {  	[tilespmem:v3+s7+$0x0] =	vst.idx.add.f32.msk $0xffff, v2;
	v3 =	vadd.s32 v1, v6  }
0xdc: {  	v6 =	vld [tilespmem:s3+$0x80]  }
0xdd: {  	v4 =	vadd.s32 v1, v4  }
0xde: {  	[tilespmem:v5+s9+$0x0] =	vst.idx.add.f32.msk $0xffff, v2  }
0xdf: {  	v5 =	vld [tilespmem:s12+$0x180];
	s11 =	sor.u32 $0x3080, s24  }
0xe0: {  	s14 =	sor.u32 s23, s11;
	[tilespmem:v3+s7+$0x0] =	vst.idx.add.f32.msk $0xffff, v2  }
0xe1: {  	v3 =	vadd.s32 v1, v6;
	v6 =	vld [tilespmem:s14+$0x0]  }
0xe2: {  	s4 =	sor.u32 s22, s21;
	[tilespmem:v4+s7+$0x0] =	vst.idx.add.f32.msk $0xffff, v2  }
0xe3: {  	v4 =	vld [tilespmem:s4+$0x0]  }
0xe4: {  	v5 =	vadd.s32 v1, v5;
	_ =	sdelay $0x1  }
0xe5: {  	[tilespmem:v3+s8+$0x0] =	vst.idx.add.f32.msk $0xffff, v2;
	v3 =	vadd.s32 v1, v6  }
0xe6: {  	v6 =	vld [tilespmem:s3+$0x100]  }
0xe7: {  	v4 =	vadd.s32 v1, v4  }
0xe8: {  	[tilespmem:v5+s10+$0x0] =	vst.idx.add.f32.msk $0xffff, v2  }
0xe9: {  	s6 =	sor.u32 $0x3100, s24;
	v5 =	vld [tilespmem:s12+$0x200]  }
0xea: {  	s18 =	sor.u32 s23, s6;
	[tilespmem:v3+s8+$0x0] =	vst.idx.add.f32.msk $0xffff, v2  }
0xeb: {  	v3 =	vadd.s32 v1, v6;
	v6 =	vld [tilespmem:s18+$0x0]  }
0xec: {  	s2 =	sor.u32 s22, s26;
	[tilespmem:v4+s8+$0x0] =	vst.idx.add.f32.msk $0xffff, v2  }
0xed: {  	v4 =	vld [tilespmem:s2+$0x0]  }
0xee: {  	v5 =	vadd.s32 v1, v5;
	_ =	sdelay $0x1  }
0xef: {  	[tilespmem:v3+s9+$0x0] =	vst.idx.add.f32.msk $0xffff, v2;
	v3 =	vadd.s32 v1, v6  }
0xf0: {  	v6 =	vld [tilespmem:s3+$0x180]  }
0xf1: {  	v4 =	vadd.s32 v1, v4  }
0xf2: {  	[tilespmem:v5+s7+$0x0] =	vst.idx.add.f32.msk $0xffff, v2  }
0xf3: {  	s4 =	sor.u32 $0x3180, s24;
	v5 =	vld [tilespmem:s12+$0x280]  }
0xf4: {  	s19 =	sor.u32 s23, s4;
	[tilespmem:v3+s9+$0x0] =	vst.idx.add.f32.msk $0xffff, v2  }
0xf5: {  	v3 =	vadd.s32 v1, v6;
	v6 =	vld [tilespmem:s19+$0x0]  }
0xf6: {  	s21 =	sor.u32 s22, s13;
	[tilespmem:v4+s9+$0x0] =	vst.idx.add.f32.msk $0xffff, v2  }
0xf7: {  	v4 =	vld [tilespmem:s21+$0x0]  }
0xf8: {  	s20 =	simm.s32 $0x1;
	v5 =	vadd.s32 v1, v5  }
0xf9: {  	s25 =	sand.u32 $0x3, s20  }
0xfa: {  	s26 =	sshll.u32 s25, $0x5;
	[tilespmem:v3+s10+$0x0] =	vst.idx.add.f32.msk $0xffff, v2;
	v3 =	vadd.s32 v1, v6  }
0xfb: {  	s12 =	sadd.s32 $0x100, s26;
	v6 =	vld [tilespmem:s3+$0x200]  }
0xfc: {  	s31 =	sadd.s32 $0x10, s12;
	v4 =	vadd.s32 v1, v4  }
0xfd: {  	[tilespmem:v5+s8+$0x0] =	vst.idx.add.f32.msk $0xffff, v2;
	s14 =	sor.u32 $0x300, s31  }
0xfe: {  	s2 =	sor.u32 $0x3200, s24;
	v5 =	vld [tilespmem:s14+$0x0]  }
0xff: {  	s29 =	sor.u32 s23, s2;
	[tilespmem:v3+s10+$0x0] =	vst.idx.add.f32.msk $0xffff, v2  }
0x100: {  	v3 =	vadd.s32 v1, v6;
	v6 =	vld [tilespmem:s29+$0x0]  }
0x101: {  	[tilespmem:v4+s10+$0x0] =	vst.idx.add.f32.msk $0xffff, v2;
	s18 =	sor.u32 s22, s5  }
0x102: {  	v4 =	vld [tilespmem:s18+$0x0]  }
0x103: {  	v5 =	vadd.s32 v1, v5;
	_ =	sdelay $0x1  }
0x104: {  	[tilespmem:v3+s7+$0x0] =	vst.idx.add.f32.msk $0xffff, v2;
	v3 =	vadd.s32 v1, v6  }
0x105: {  	v6 =	vld [tilespmem:s3+$0x280]  }
0x106: {  	v4 =	vadd.s32 v1, v4  }
0x107: {  	s20 =	sor.u32 $0x380, s31;
	[tilespmem:v5+s9+$0x0] =	vst.idx.add.f32.msk $0xffff, v2  }
0x108: {  	s5 =	sor.u32 $0x3280, s24;
	v5 =	vld [tilespmem:s20+$0x0]  }
0x109: {  	s19 =	sor.u32 s23, s5;
	[tilespmem:v3+s7+$0x0] =	vst.idx.add.f32.msk $0xffff, v2  }
0x10a: {  	v3 =	vadd.s32 v1, v6;
	v6 =	vld [tilespmem:s19+$0x0]  }
0x10b: {  	s25 =	sor.u32 s22, s11;
	[tilespmem:v4+s7+$0x0] =	vst.idx.add.f32.msk $0xffff, v2  }
0x10c: {  	v4 =	vld [tilespmem:s25+$0x0]  }
0x10d: {  	v5 =	vadd.s32 v1, v5;
	_ =	sdelay $0x1  }
0x10e: {  	s21 =	sor.u32 $0x300, s12;
	[tilespmem:v3+s8+$0x0] =	vst.idx.add.f32.msk $0xffff, v2;
	v3 =	vadd.s32 v1, v6  }
0x10f: {  	v6 =	vld [tilespmem:s21+$0x0]  }
0x110: {  	v4 =	vadd.s32 v1, v4;
	s29 =	sor.u32 $0x1000, s16  }
0x111: {  	[tilespmem:v5+s10+$0x0] =	vst.idx.add.f32.msk $0xffff, v2;
	s31 =	sor.u32 s17, s29  }
0x112: {  	v5 =	vld [tilespmem:s31+$0x0];
	s3 =	sor.u32 $0x3300, s24  }
0x113: {  	s26 =	sor.u32 s23, s3;
	[tilespmem:v3+s8+$0x0] =	vst.idx.add.f32.msk $0xffff, v2  }
0x114: {  	v3 =	vadd.s32 v1, v6;
	v6 =	vld [tilespmem:s26+$0x0]  }
0x115: {  	s12 =	sor.u32 s22, s6;
	[tilespmem:v4+s8+$0x0] =	vst.idx.add.f32.msk $0xffff, v2  }
0x116: {  	v4 =	vld [tilespmem:s12+$0x0]  }
0x117: {  	v5 =	vadd.s32 v1, v5  }
0x118: {  	s0 =	sor.u32 s1, s0  }
0x119: {  	s0 =	sor.u32 $0x380, s0;
	[tilespmem:v3+s9+$0x0] =	vst.idx.add.f32.msk $0xffff, v2;
	v3 =	vadd.s32 v1, v6  }
0x11a: {  	v6 =	vld [tilespmem:s0+$0x0]  }
0x11b: {  	s14 =	sor.u32 $0x1080, s16;
	v4 =	vadd.s32 v1, v4  }
0x11c: {  	s18 =	sor.u32 s17, s14;
	[tilespmem:v5+s7+$0x0] =	vst.idx.add.f32.msk $0xffff, v2  }
0x11d: {  	v5 =	vld [tilespmem:s18+$0x0];
	s0 =	sor.u32 $0x3380, s24  }
0x11e: {  	s13 =	sor.u32 s23, s0;
	[tilespmem:v3+s9+$0x0] =	vst.idx.add.f32.msk $0xffff, v2  }
0x11f: {  	v3 =	vadd.s32 v1, v6;
	v6 =	vld [tilespmem:s13+$0x0]  }
0x120: {  	s20 =	sor.u32 s22, s4;
	[tilespmem:v4+s9+$0x0] =	vst.idx.add.f32.msk $0xffff, v2  }
0x121: {  	v4 =	vld [tilespmem:s20+$0x0]  }
0x122: {  	v5 =	vadd.s32 v1, v5;
	_ =	sdelay $0x1  }
0x123: {  	s19 =	sor.u32 s15, s29;
	[tilespmem:v3+s10+$0x0] =	vst.idx.add.f32.msk $0xffff, v2;
	v3 =	vadd.s32 v1, v6  }
0x124: {  	v6 =	vld [tilespmem:s19+$0x0]  }
0x125: {  	s25 =	sor.u32 $0x1100, s16;
	v4 =	vadd.s32 v1, v4  }
0x126: {  	s26 =	sor.u32 s17, s25;
	[tilespmem:v5+s8+$0x0] =	vst.idx.add.f32.msk $0xffff, v2  }
0x127: {  	s1 =	sor.u32 $0x4000, s24;
	v5 =	vld [tilespmem:s26+$0x0]  }
0x128: {  	s21 =	sor.u32 s23, s1;
	[tilespmem:v3+s10+$0x0] =	vst.idx.add.f32.msk $0xffff, v2  }
0x129: {  	v3 =	vadd.s32 v1, v6;
	v6 =	vld [tilespmem:s21+$0x0]  }
0x12a: {  	s2 =	sor.u32 s22, s2;
	[tilespmem:v4+s10+$0x0] =	vst.idx.add.f32.msk $0xffff, v2  }
0x12b: {  	v4 =	vld [tilespmem:s2+$0x0]  }
0x12c: {  	v5 =	vadd.s32 v1, v5;
	_ =	sdelay $0x1  }
0x12d: {  	s6 =	sor.u32 s15, s14;
	[tilespmem:v3+s7+$0x0] =	vst.idx.add.f32.msk $0xffff, v2;
	v3 =	vadd.s32 v1, v6  }
0x12e: {  	v6 =	vld [tilespmem:s6+$0x0]  }
0x12f: {  	s31 =	sor.u32 $0x1180, s16;
	v4 =	vadd.s32 v1, v4  }
0x130: {  	s12 =	sor.u32 s17, s31;
	[tilespmem:v5+s9+$0x0] =	vst.idx.add.f32.msk $0xffff, v2  }
0x131: {  	s2 =	sor.u32 $0x4080, s24;
	v5 =	vld [tilespmem:s12+$0x0]  }
0x132: {  	s29 =	sor.u32 s23, s2;
	[tilespmem:v3+s7+$0x0] =	vst.idx.add.f32.msk $0xffff, v2  }
0x133: {  	v3 =	vadd.s32 v1, v6;
	v6 =	vld [tilespmem:s29+$0x0]  }
0x134: {  	s13 =	sor.u32 s22, s5;
	[tilespmem:v4+s7+$0x0] =	vst.idx.add.f32.msk $0xffff, v2  }
0x135: {  	v4 =	vld [tilespmem:s13+$0x0]  }
0x136: {  	v5 =	vadd.s32 v1, v5;
	_ =	sdelay $0x1  }
0x137: {  	s4 =	sor.u32 s15, s25;
	[tilespmem:v3+s8+$0x0] =	vst.idx.add.f32.msk $0xffff, v2;
	v3 =	vadd.s32 v1, v6  }
0x138: {  	v6 =	vld [tilespmem:s4+$0x0]  }
0x139: {  	s18 =	sor.u32 $0x1200, s16;
	v4 =	vadd.s32 v1, v4  }
0x13a: {  	s19 =	sor.u32 s17, s18;
	[tilespmem:v5+s10+$0x0] =	vst.idx.add.f32.msk $0xffff, v2  }
0x13b: {  	v5 =	vld [tilespmem:s19+$0x0];
	s4 =	sor.u32 $0x4100, s24  }
0x13c: {  	s14 =	sor.u32 s23, s4;
	[tilespmem:v3+s8+$0x0] =	vst.idx.add.f32.msk $0xffff, v2  }
0x13d: {  	v3 =	vadd.s32 v1, v6;
	v6 =	vld [tilespmem:s14+$0x0]  }
0x13e: {  	s3 =	sor.u32 s22, s3;
	[tilespmem:v4+s8+$0x0] =	vst.idx.add.f32.msk $0xffff, v2  }
0x13f: {  	v4 =	vld [tilespmem:s3+$0x0]  }
0x140: {  	v5 =	vadd.s32 v1, v5;
	_ =	sdelay $0x1  }
0x141: {  	s6 =	sor.u32 s15, s31;
	[tilespmem:v3+s9+$0x0] =	vst.idx.add.f32.msk $0xffff, v2;
	v3 =	vadd.s32 v1, v6  }
0x142: {  	v6 =	vld [tilespmem:s6+$0x0]  }
0x143: {  	s21 =	sor.u32 $0x1280, s16;
	v4 =	vadd.s32 v1, v4  }
0x144: {  	s25 =	sor.u32 s17, s21;
	[tilespmem:v5+s7+$0x0] =	vst.idx.add.f32.msk $0xffff, v2  }
0x145: {  	s3 =	sor.u32 $0x4180, s24;
	v5 =	vld [tilespmem:s25+$0x0]  }
0x146: {  	s20 =	sor.u32 s23, s3;
	[tilespmem:v3+s9+$0x0] =	vst.idx.add.f32.msk $0xffff, v2  }
0x147: {  	v3 =	vadd.s32 v1, v6;
	v6 =	vld [tilespmem:s20+$0x0]  }
0x148: {  	s0 =	sor.u32 s22, s0;
	[tilespmem:v4+s9+$0x0] =	vst.idx.add.f32.msk $0xffff, v2  }
0x149: {  	v4 =	vld [tilespmem:s0+$0x0]  }
0x14a: {  	v5 =	vadd.s32 v1, v5;
	_ =	sdelay $0x1  }
0x14b: {  	s5 =	sor.u32 s15, s18;
	[tilespmem:v3+s10+$0x0] =	vst.idx.add.f32.msk $0xffff, v2;
	v3 =	vadd.s32 v1, v6  }
0x14c: {  	v6 =	vld [tilespmem:s5+$0x0]  }
0x14d: {  	s29 =	sor.u32 $0x1300, s16;
	v4 =	vadd.s32 v1, v4  }
0x14e: {  	s31 =	sor.u32 s17, s29;
	[tilespmem:v5+s8+$0x0] =	vst.idx.add.f32.msk $0xffff, v2  }
0x14f: {  	s0 =	sor.u32 $0x4200, s24;
	v5 =	vld [tilespmem:s31+$0x0]  }
0x150: {  	s26 =	sor.u32 s23, s0;
	[tilespmem:v3+s10+$0x0] =	vst.idx.add.f32.msk $0xffff, v2  }
0x151: {  	v3 =	vadd.s32 v1, v6;
	v6 =	vld [tilespmem:s26+$0x0]  }
0x152: {  	s1 =	sor.u32 s22, s1;
	[tilespmem:v4+s10+$0x0] =	vst.idx.add.f32.msk $0xffff, v2  }
0x153: {  	v4 =	vld [tilespmem:s1+$0x0]  }
0x154: {  	v5 =	vadd.s32 v1, v5;
	_ =	sdelay $0x1  }
0x155: {  	s6 =	sor.u32 s15, s21;
	[tilespmem:v3+s7+$0x0] =	vst.idx.add.f32.msk $0xffff, v2;
	v3 =	vadd.s32 v1, v6  }
0x156: {  	v6 =	vld [tilespmem:s6+$0x0]  }
0x157: {  	s12 =	sor.u32 $0x1380, s16;
	v4 =	vadd.s32 v1, v4  }
0x158: {  	s13 =	sor.u32 s17, s12;
	[tilespmem:v5+s9+$0x0] =	vst.idx.add.f32.msk $0xffff, v2  }
0x159: {  	s1 =	sor.u32 $0x4280, s24;
	v5 =	vld [tilespmem:s13+$0x0]  }
0x15a: {  	s11 =	sor.u32 s23, s1;
	[tilespmem:v3+s7+$0x0] =	vst.idx.add.f32.msk $0xffff, v2  }
0x15b: {  	v3 =	vadd.s32 v1, v6;
	v6 =	vld [tilespmem:s11+$0x0]  }
0x15c: {  	s2 =	sor.u32 s22, s2;
	[tilespmem:v4+s7+$0x0] =	vst.idx.add.f32.msk $0xffff, v2  }
0x15d: {  	v4 =	vld [tilespmem:s2+$0x0]  }
0x15e: {  	v5 =	vadd.s32 v1, v5;
	_ =	sdelay $0x1  }
0x15f: {  	s5 =	sor.u32 s15, s29;
	[tilespmem:v3+s8+$0x0] =	vst.idx.add.f32.msk $0xffff, v2;
	v3 =	vadd.s32 v1, v6  }
0x160: {  	v6 =	vld [tilespmem:s5+$0x0]  }
0x161: {  	s18 =	sor.u32 $0x2000, s16;
	v4 =	vadd.s32 v1, v4  }
0x162: {  	s19 =	sor.u32 s17, s18;
	[tilespmem:v5+s10+$0x0] =	vst.idx.add.f32.msk $0xffff, v2  }
0x163: {  	s2 =	sor.u32 $0x4300, s24;
	v5 =	vld [tilespmem:s19+$0x0]  }
0x164: {  	s14 =	sor.u32 s23, s2;
	[tilespmem:v3+s8+$0x0] =	vst.idx.add.f32.msk $0xffff, v2  }
0x165: {  	v3 =	vadd.s32 v1, v6;
	v6 =	vld [tilespmem:s14+$0x0]  }
0x166: {  	s4 =	sor.u32 s22, s4;
	[tilespmem:v4+s8+$0x0] =	vst.idx.add.f32.msk $0xffff, v2  }
0x167: {  	v4 =	vld [tilespmem:s4+$0x0]  }
0x168: {  	v5 =	vadd.s32 v1, v5;
	_ =	sdelay $0x1  }
0x169: {  	s6 =	sor.u32 s15, s12;
	[tilespmem:v3+s9+$0x0] =	vst.idx.add.f32.msk $0xffff, v2;
	v3 =	vadd.s32 v1, v6  }
0x16a: {  	v6 =	vld [tilespmem:s6+$0x0]  }
0x16b: {  	s21 =	sor.u32 $0x2080, s16;
	v4 =	vadd.s32 v1, v4  }
0x16c: {  	s25 =	sor.u32 s17, s21;
	[tilespmem:v5+s7+$0x0] =	vst.idx.add.f32.msk $0xffff, v2  }
0x16d: {  	s4 =	sor.u32 $0x4380, s24;
	v5 =	vld [tilespmem:s25+$0x0]  }
0x16e: {  	s20 =	sor.u32 s23, s4;
	[tilespmem:v3+s9+$0x0] =	vst.idx.add.f32.msk $0xffff, v2  }
0x16f: {  	v3 =	vadd.s32 v1, v6;
	v6 =	vld [tilespmem:s20+$0x0]  }
0x170: {  	s3 =	sor.u32 s22, s3;
	[tilespmem:v4+s9+$0x0] =	vst.idx.add.f32.msk $0xffff, v2  }
0x171: {  	v4 =	vld [tilespmem:s3+$0x0]  }
0x172: {  	v5 =	vadd.s32 v1, v5;
	_ =	sdelay $0x1  }
0x173: {  	s5 =	sor.u32 s15, s18;
	[tilespmem:v3+s10+$0x0] =	vst.idx.add.f32.msk $0xffff, v2;
	v3 =	vadd.s32 v1, v6  }
0x174: {  	v6 =	vld [tilespmem:s5+$0x0]  }
0x175: {  	s29 =	sor.u32 $0x2100, s16;
	v4 =	vadd.s32 v1, v4  }
0x176: {  	s31 =	sor.u32 s17, s29;
	[tilespmem:v5+s8+$0x0] =	vst.idx.add.f32.msk $0xffff, v2  }
0x177: {  	s11 =	sor.u32 $0x5000, s24;
	v5 =	vld [tilespmem:s31+$0x0]  }
0x178: {  	s26 =	sor.u32 s23, s11;
	[tilespmem:v3+s10+$0x0] =	vst.idx.add.f32.msk $0xffff, v2  }
0x179: {  	v3 =	vadd.s32 v1, v6;
	v6 =	vld [tilespmem:s26+$0x0]  }
0x17a: {  	s0 =	sor.u32 s22, s0;
	[tilespmem:v4+s10+$0x0] =	vst.idx.add.f32.msk $0xffff, v2  }
0x17b: {  	v4 =	vld [tilespmem:s0+$0x0]  }
0x17c: {  	v5 =	vadd.s32 v1, v5;
	_ =	sdelay $0x1  }
0x17d: {  	s12 =	sor.u32 s15, s21;
	[tilespmem:v3+s7+$0x0] =	vst.idx.add.f32.msk $0xffff, v2;
	v3 =	vadd.s32 v1, v6  }
0x17e: {  	v6 =	vld [tilespmem:s12+$0x0]  }
0x17f: {  	s14 =	sor.u32 $0x2180, s16;
	v4 =	vadd.s32 v1, v4  }
0x180: {  	s18 =	sor.u32 s17, s14;
	[tilespmem:v5+s9+$0x0] =	vst.idx.add.f32.msk $0xffff, v2  }
0x181: {  	s3 =	sor.u32 $0x5080, s24;
	v5 =	vld [tilespmem:s18+$0x0]  }
0x182: {  	s13 =	sor.u32 s23, s3;
	[tilespmem:v3+s7+$0x0] =	vst.idx.add.f32.msk $0xffff, v2  }
0x183: {  	v3 =	vadd.s32 v1, v6;
	v6 =	vld [tilespmem:s13+$0x0]  }
0x184: {  	s1 =	sor.u32 s22, s1;
	[tilespmem:v4+s7+$0x0] =	vst.idx.add.f32.msk $0xffff, v2  }
0x185: {  	v4 =	vld [tilespmem:s1+$0x0]  }
0x186: {  	v5 =	vadd.s32 v1, v5;
	_ =	sdelay $0x1  }
0x187: {  	s5 =	sor.u32 s15, s29;
	[tilespmem:v3+s8+$0x0] =	vst.idx.add.f32.msk $0xffff, v2;
	v3 =	vadd.s32 v1, v6  }
0x188: {  	v6 =	vld [tilespmem:s5+$0x0]  }
0x189: {  	s20 =	sor.u32 $0x2200, s16;
	v4 =	vadd.s32 v1, v4  }
0x18a: {  	s21 =	sor.u32 s17, s20;
	[tilespmem:v5+s10+$0x0] =	vst.idx.add.f32.msk $0xffff, v2  }
0x18b: {  	v5 =	vld [tilespmem:s21+$0x0];
	s5 =	sor.u32 $0x5100, s24  }
0x18c: {  	s19 =	sor.u32 s23, s5;
	[tilespmem:v3+s8+$0x0] =	vst.idx.add.f32.msk $0xffff, v2  }
0x18d: {  	v3 =	vadd.s32 v1, v6;
	v6 =	vld [tilespmem:s19+$0x0]  }
0x18e: {  	s25 =	sor.u32 s22, s2;
	[tilespmem:v4+s8+$0x0] =	vst.idx.add.f32.msk $0xffff, v2  }
0x18f: {  	v4 =	vld [tilespmem:s25+$0x0]  }
0x190: {  	v5 =	vadd.s32 v1, v5;
	_ =	sdelay $0x1  }
0x191: {  	s0 =	sor.u32 s15, s14;
	[tilespmem:v3+s9+$0x0] =	vst.idx.add.f32.msk $0xffff, v2;
	v3 =	vadd.s32 v1, v6  }
0x192: {  	v6 =	vld [tilespmem:s0+$0x0]  }
0x193: {  	s29 =	sor.u32 $0x2280, s16;
	v4 =	vadd.s32 v1, v4  }
0x194: {  	s31 =	sor.u32 s17, s29;
	[tilespmem:v5+s7+$0x0] =	vst.idx.add.f32.msk $0xffff, v2  }
0x195: {  	s6 =	sor.u32 $0x5180, s24;
	v5 =	vld [tilespmem:s31+$0x0]  }
0x196: {  	s26 =	sor.u32 s23, s6;
	[tilespmem:v3+s9+$0x0] =	vst.idx.add.f32.msk $0xffff, v2  }
0x197: {  	v3 =	vadd.s32 v1, v6;
	v6 =	vld [tilespmem:s26+$0x0]  }
0x198: {  	s12 =	sor.u32 s22, s4;
	[tilespmem:v4+s9+$0x0] =	vst.idx.add.f32.msk $0xffff, v2  }
0x199: {  	v4 =	vld [tilespmem:s12+$0x0]  }
0x19a: {  	v5 =	vadd.s32 v1, v5;
	_ =	sdelay $0x1  }
0x19b: {  	s1 =	sor.u32 s15, s20;
	[tilespmem:v3+s10+$0x0] =	vst.idx.add.f32.msk $0xffff, v2;
	v3 =	vadd.s32 v1, v6  }
0x19c: {  	v6 =	vld [tilespmem:s1+$0x0]  }
0x19d: {  	s14 =	sor.u32 $0x2300, s16;
	v4 =	vadd.s32 v1, v4  }
0x19e: {  	s21 =	sor.u32 s17, s14;
	[tilespmem:v5+s8+$0x0] =	vst.idx.add.f32.msk $0xffff, v2  }
0x19f: {  	v5 =	vld [tilespmem:s21+$0x0];
	s0 =	sor.u32 $0x5200, s24  }
0x1a0: {  	s13 =	sor.u32 s23, s0;
	[tilespmem:v3+s10+$0x0] =	vst.idx.add.f32.msk $0xffff, v2  }
0x1a1: {  	v3 =	vadd.s32 v1, v6;
	v6 =	vld [tilespmem:s13+$0x0]  }
0x1a2: {  	[tilespmem:v4+s10+$0x0] =	vst.idx.add.f32.msk $0xffff, v2;
	s26 =	sor.u32 s22, s11  }
0x1a3: {  	v4 =	vld [tilespmem:s26+$0x0];
	_ =	sdelay $0x1  }
0x1a4: {  	s2 =	simm.s32 $0x40;
	v5 =	vadd.s32 v1, v5  }
0x1a5: {  	s18 =	sand.u32 $0x60, s2;
	s25 =	sor.u32 s15, s29;
	s21 =	simm.s32 $0x200;
	[tilespmem:v3+s7+$0x0] =	vst.idx.add.f32.msk $0xffff, v2;
	v3 =	vadd.s32 v1, v6  }
0x1a6: {  	s19 =	sor.u32 $0x10, s18;
	s20 =	sand.u32 $0xC00, s21;
	v6 =	vld [tilespmem:s25+$0x0]  }
0x1a7: {  	s12 =	sor.u32 s19, s20;
	v4 =	vadd.s32 v1, v4  }
0x1a8: {  	v7 =	vld [tilespmem:s12+$0x0]  }
0x1a9: {  	[tilespmem:v5+s9+$0x0] =	vst.idx.add.f32.msk $0xffff, v2;
	s1 =	sor.u32 $0x5280, s24  }
0x1aa: {  	s29 =	sor.u32 s23, s1;
	[tilespmem:v3+s7+$0x0] =	vst.idx.add.f32.msk $0xffff, v2  }
0x1ab: {  	s31 =	sor.u32 $0x2380, s16;
	v3 =	vadd.s32 v1, v6;
	v6 =	vld [tilespmem:s29+$0x0]  }
0x1ac: {  	s13 =	sor.u32 s17, s31;
	[tilespmem:v4+s7+$0x0] =	vst.idx.add.f32.msk $0xffff, v2  }
0x1ad: {  	s3 =	sor.u32 s22, s3;
	v7 =	vadd.s32 v1, v7;
	v5 =	vld [tilespmem:s13+$0x0]  }
0x1ae: {  	s13 =	sor.u32 s18, s20;
	v4 =	vld [tilespmem:s3+$0x0]  }
0x1af: {  	v8 =	vld [tilespmem:s13+$0x0]  }
0x1b0: {  	s4 =	sor.u32 s15, s14;
	[tilespmem:v3+s8+$0x0] =	vst.idx.add.f32.msk $0xffff, v2;
	v3 =	vadd.s32 v1, v6  }
0x1b1: {  	v6 =	vld [tilespmem:s4+$0x0]  }
0x1b2: {  	[tilespmem:v7+s7+$0x0] =	vst.idx.add.f32.msk $0xffff, v2;
	v5 =	vadd.s32 v1, v5  }
0x1b3: {  	v7 =	vld [tilespmem:s12+$0x80];
	v4 =	vadd.s32 v1, v4  }
0x1b4: {  	v8 =	vadd.s32 v1, v8;
	s4 =	sor.u32 $0x5300, s24  }
0x1b5: {  	s14 =	sor.u32 s23, s4;
	[tilespmem:v3+s8+$0x0] =	vst.idx.add.f32.msk $0xffff, v2  }
0x1b6: {  	v3 =	vadd.s32 v1, v6;
	v6 =	vld [tilespmem:s14+$0x0]  }
0x1b7: {  	[tilespmem:v5+s10+$0x0] =	vst.idx.add.f32.msk $0xffff, v2  }
0x1b8: {  	[tilespmem:v4+s8+$0x0] =	vst.idx.add.f32.msk $0xffff, v2;
	v4 =	vadd.s32 v1, v7;
	s14 =	sor.u32 $0x3000, s16  }
0x1b9: {  	[tilespmem:v8+s7+$0x0] =	vst.idx.add.f32.msk $0xffff, v2;
	s25 =	sor.u32 s17, s14  }
0x1ba: {  	v5 =	vld [tilespmem:s25+$0x0]  }
0x1bb: {  	s26 =	sor.u32 s15, s31;
	[tilespmem:v3+s9+$0x0] =	vst.idx.add.f32.msk $0xffff, v2;
	v3 =	vadd.s32 v1, v6  }
0x1bc: {  	v8 =	vld [tilespmem:s26+$0x0]  }
0x1bd: {  	[tilespmem:v4+s8+$0x0] =	vst.idx.add.f32.msk $0xffff, v2  }
0x1be: {  	v6 =	vld [tilespmem:s13+$0x80]  }
0x1bf: {  	s3 =	sor.u32 $0x5380, s24;
	v4 =	vld [tilespmem:s12+$0x100];
	v5 =	vadd.s32 v1, v5  }
0x1c0: {  	s29 =	sor.u32 s23, s3;
	[tilespmem:v3+s9+$0x0] =	vst.idx.add.f32.msk $0xffff, v2  }
0x1c1: {  	v7 =	vadd.s32 v1, v8;
	v3 =	vld [tilespmem:s29+$0x0]  }
0x1c2: {  	s5 =	sor.u32 s22, s5  }
0x1c3: {  	s26 =	sor.u32 $0x3080, s16;
	v6 =	vadd.s32 v1, v6;
	v8 =	vld [tilespmem:s5+$0x0]  }
0x1c4: {  	s31 =	sor.u32 s17, s26;
	[tilespmem:v5+s7+$0x0] =	vst.idx.add.f32.msk $0xffff, v2  }
0x1c5: {  	v4 =	vadd.s32 v1, v4;
	v5 =	vld [tilespmem:s31+$0x0]  }
0x1c6: {  	s14 =	sor.u32 s15, s14;
	[tilespmem:v7+s10+$0x0] =	vst.idx.add.f32.msk $0xffff, v2;
	v3 =	vadd.s32 v1, v3  }
0x1c7: {  	v7 =	vld [tilespmem:s14+$0x0]  }
0x1c8: {  	[tilespmem:v6+s8+$0x0] =	vst.idx.add.f32.msk $0xffff, v2  }
0x1c9: {  	v6 =	vld [tilespmem:s13+$0x100]  }
0x1ca: {  	[tilespmem:v4+s9+$0x0] =	vst.idx.add.f32.msk $0xffff, v2;
	v5 =	vadd.s32 v1, v5  }
0x1cb: {  	s5 =	sor.u32 $0x6000, s24;
	[tilespmem:v3+s10+$0x0] =	vst.idx.add.f32.msk $0xffff, v2  }
0x1cc: {  	s25 =	sor.u32 s23, s5;
	v4 =	vadd.s32 v1, v7;
	v7 =	vld [tilespmem:s12+$0x180]  }
0x1cd: {  	v3 =	vadd.s32 v1, v8;
	v8 =	vld [tilespmem:s25+$0x0]  }
0x1ce: {  	s28 =	sor.u32 $0x3100, s16;
	v6 =	vadd.s32 v1, v6  }
0x1cf: {  	s29 =	sor.u32 s17, s28;
	[tilespmem:v5+s8+$0x0] =	vst.idx.add.f32.msk $0xffff, v2  }
0x1d0: {  	v5 =	vld [tilespmem:s29+$0x0]  }
0x1d1: {  	[tilespmem:v4+s7+$0x0] =	vst.idx.add.f32.msk $0xffff, v2;
	v4 =	vadd.s32 v1, v7  }
0x1d2: {  	[tilespmem:v3+s9+$0x0] =	vst.idx.add.f32.msk $0xffff, v2;
	v3 =	vadd.s32 v1, v8  }
0x1d3: {  	[tilespmem:v6+s9+$0x0] =	vst.idx.add.f32.msk $0xffff, v2  }
0x1d4: {  	s6 =	sor.u32 s22, s6;
	v6 =	vld [tilespmem:s13+$0x180]  }
0x1d5: {  	v8 =	vld [tilespmem:s6+$0x0];
	v5 =	vadd.s32 v1, v5  }
0x1d6: {  	s11 =	sor.u32 $0x6080, s24;
	[tilespmem:v4+s10+$0x0] =	vst.idx.add.f32.msk $0xffff, v2  }
0x1d7: {  	s31 =	sor.u32 s23, s11;
	[tilespmem:v3+s7+$0x0] =	vst.idx.add.f32.msk $0xffff, v2  }
0x1d8: {  	v3 =	vld [tilespmem:s31+$0x0]  }
0x1d9: {  	s25 =	sor.u32 $0x3180, s16;
	v6 =	vadd.s32 v1, v6;
	v4 =	vld [tilespmem:s12+$0x200]  }
0x1da: {  	s14 =	sor.u32 s17, s25;
	v7 =	vadd.s32 v1, v8;
	[tilespmem:v5+s9+$0x0] =	vst.idx.add.f32.msk $0xffff, v2  }
0x1db: {  	v5 =	vld [tilespmem:s14+$0x0]  }
0x1dc: {  	s26 =	sor.u32 s15, s26  }
0x1dd: {  	v8 =	vld [tilespmem:s26+$0x0];
	v3 =	vadd.s32 v1, v3  }
0x1de: {  	[tilespmem:v6+s10+$0x0] =	vst.idx.add.f32.msk $0xffff, v2  }
0x1df: {  	[tilespmem:v7+s10+$0x0] =	vst.idx.add.f32.msk $0xffff, v2;
	v4 =	vadd.s32 v1, v4  }
0x1e0: {  	s0 =	sor.u32 s22, s0;
	v6 =	vld [tilespmem:s13+$0x200];
	v5 =	vadd.s32 v1, v5  }
0x1e1: {  	s6 =	sor.u32 $0x6100, s24;
	v7 =	vld [tilespmem:s0+$0x0]  }
0x1e2: {  	s29 =	sor.u32 s23, s6;
	[tilespmem:v3+s8+$0x0] =	vst.idx.add.f32.msk $0xffff, v2  }
0x1e3: {  	v3 =	vadd.s32 v1, v8;
	v8 =	vld [tilespmem:s29+$0x0]  }
0x1e4: {  	s14 =	sor.u32 $0x3200, s16;
	[tilespmem:v4+s7+$0x0] =	vst.idx.add.f32.msk $0xffff, v2  }
0x1e5: {  	s31 =	sor.u32 s17, s14;
	v6 =	vadd.s32 v1, v6;
	[tilespmem:v5+s10+$0x0] =	vst.idx.add.f32.msk $0xffff, v2  }
0x1e6: {  	v5 =	vld [tilespmem:s31+$0x0]  }
0x1e7: {  	v4 =	vadd.s32 v1, v7;
	v7 =	vld [tilespmem:s12+$0x280]  }
0x1e8: {  	[tilespmem:v3+s8+$0x0] =	vst.idx.add.f32.msk $0xffff, v2;
	v3 =	vadd.s32 v1, v8;
	_ =	sdelay $0x1  }
0x1e9: {  	[tilespmem:v6+s7+$0x0] =	vst.idx.add.f32.msk $0xffff, v2  }
0x1ea: {  	v6 =	vld [tilespmem:s13+$0x280];
	v5 =	vadd.s32 v1, v5  }
0x1eb: {  	s26 =	sor.u32 s15, s28;
	s29 =	simm.s32 $0x2;
	[tilespmem:v4+s7+$0x0] =	vst.idx.add.f32.msk $0xffff, v2;
	v4 =	vadd.s32 v1, v7  }
0x1ec: {  	s0 =	sor.u32 $0x6180, s24;
	s29 =	sand.u32 $0x3, s29;
	s31 =	simm.s32 $0x2;
	[tilespmem:v3+s9+$0x0] =	vst.idx.add.f32.msk $0xffff, v2  }
0x1ed: {  	s12 =	sor.u32 s23, s0;
	v8 =	vld [tilespmem:s26+$0x0];
	s13 =	sshll.u32 s29, $0x5;
	[dreg:$0x2] =	wrdreg s31  }
0x1ee: {  	s13 =	sadd.s32 $0x200, s13;
	v3 =	vld [tilespmem:s12+$0x0]  }
0x1ef: {  	s26 =	sadd.s32 $0x10, s13;
	v6 =	vadd.s32 v1, v6;
	[tilespmem:v5+s7+$0x0] =	vst.idx.add.f32.msk $0xffff, v2  }
0x1f0: {  	s28 =	sor.u32 $0x300, s26;
	s12 =	sor.u32 $0x3280, s16;
	[tilespmem:v4+s8+$0x0] =	vst.idx.add.f32.msk $0xffff, v2  }
0x1f1: {  	s31 =	sor.u32 s17, s12;
	v4 =	vld [tilespmem:s28+$0x0]  }
0x1f2: {  	s1 =	sor.u32 s22, s1;
	v7 =	vadd.s32 v1, v8;
	v5 =	vld [tilespmem:s31+$0x0]  }
0x1f3: {  	v8 =	vld [tilespmem:s1+$0x0]  }
0x1f4: {  	s13 =	sor.u32 $0x300, s13;
	[tilespmem:v6+s8+$0x0] =	vst.idx.add.f32.msk $0xffff, v2;
	v3 =	vadd.s32 v1, v3  }
0x1f5: {  	v6 =	vld [tilespmem:s13+$0x0]  }
0x1f6: {  	v4 =	vadd.s32 v1, v4  }
0x1f7: {  	s25 =	sor.u32 s15, s25;
	[tilespmem:v7+s9+$0x0] =	vst.idx.add.f32.msk $0xffff, v2;
	v5 =	vadd.s32 v1, v5  }
0x1f8: {  	s1 =	sor.u32 $0x6200, s24;
	v7 =	vld [tilespmem:s25+$0x0]  }
0x1f9: {  	s29 =	sor.u32 s23, s1;
	[tilespmem:v3+s10+$0x0] =	vst.idx.add.f32.msk $0xffff, v2  }
0x1fa: {  	v6 =	vadd.s32 v1, v6;
	v3 =	vadd.s32 v1, v8;
	v8 =	vld [tilespmem:s29+$0x0]  }
0x1fb: {  	[tilespmem:v4+s9+$0x0] =	vst.idx.add.f32.msk $0xffff, v2  }
0x1fc: {  	s13 =	sor.u32 $0x3300, s16;
	s29 =	sor.u32 $0x380, s26;
	[tilespmem:v5+s8+$0x0] =	vst.idx.add.f32.msk $0xffff, v2  }
0x1fd: {  	s31 =	sor.u32 s17, s13;
	v4 =	vadd.s32 v1, v7;
	v7 =	vld [tilespmem:s29+$0x0]  }
0x1fe: {  	v5 =	vld [tilespmem:s31+$0x0]  }
0x1ff: {  	s2 =	sor.u32 s21, s2;
	[tilespmem:v6+s9+$0x0] =	vst.idx.add.f32.msk $0xffff, v2  }
0x200: {  	s2 =	sor.u32 $0x380, s2;
	[tilespmem:v3+s8+$0x0] =	vst.idx.add.f32.msk $0xffff, v2;
	v3 =	vadd.s32 v1, v8  }
0x201: {  	v6 =	vld [tilespmem:s2+$0x0]  }
0x202: {  	[tilespmem:v4+s10+$0x0] =	vst.idx.add.f32.msk $0xffff, v2;
	v4 =	vadd.s32 v1, v7  }
0x203: {  	s4 =	sor.u32 s22, s4;
	v5 =	vadd.s32 v1, v5  }
0x204: {  	s2 =	sor.u32 $0x6280, s24;
	v8 =	vld [tilespmem:s4+$0x0]  }
0x205: {  	s31 =	sor.u32 s23, s2;
	[tilespmem:v3+s7+$0x0] =	vst.idx.add.f32.msk $0xffff, v2  }
0x206: {  	v3 =	vld [tilespmem:s31+$0x0]  }
0x207: {  	s29 =	sor.u32 $0x1000, s20;
	v6 =	vadd.s32 v1, v6;
	[tilespmem:v4+s10+$0x0] =	vst.idx.add.f32.msk $0xffff, v2  }
0x208: {  	s26 =	sor.u32 $0x3380, s16;
	s31 =	sor.u32 s19, s29;
	[tilespmem:v5+s9+$0x0] =	vst.idx.add.f32.msk $0xffff, v2  }
0x209: {  	s25 =	sor.u32 s17, s26;
	v4 =	vld [tilespmem:s31+$0x0]  }
0x20a: {  	s14 =	sor.u32 s15, s14;
	v7 =	vadd.s32 v1, v8;
	v5 =	vld [tilespmem:s25+$0x0]  }
0x20b: {  	v8 =	vld [tilespmem:s14+$0x0]  }
0x20c: {  	s4 =	sor.u32 s18, s29;
	[tilespmem:v6+s10+$0x0] =	vst.idx.add.f32.msk $0xffff, v2;
	v3 =	vadd.s32 v1, v3  }
0x20d: {  	v6 =	vld [tilespmem:s4+$0x0]  }
0x20e: {  	v4 =	vadd.s32 v1, v4  }
0x20f: {  	s3 =	sor.u32 s22, s3;
	[tilespmem:v7+s9+$0x0] =	vst.idx.add.f32.msk $0xffff, v2;
	v5 =	vadd.s32 v1, v5  }
0x210: {  	v7 =	vld [tilespmem:s3+$0x0];
	s3 =	sor.u32 $0x6300, s24  }
0x211: {  	s14 =	sor.u32 s23, s3;
	[tilespmem:v3+s8+$0x0] =	vst.idx.add.f32.msk $0xffff, v2  }
0x212: {  	v6 =	vadd.s32 v1, v6;
	v3 =	vadd.s32 v1, v8;
	v8 =	vld [tilespmem:s14+$0x0]  }
0x213: {  	s29 =	sor.u32 $0x1080, s20;
	[tilespmem:v4+s7+$0x0] =	vst.idx.add.f32.msk $0xffff, v2  }
0x214: {  	s31 =	sor.u32 s19, s29;
	s14 =	sor.u32 $0x4000, s16;
	[tilespmem:v5+s10+$0x0] =	vst.idx.add.f32.msk $0xffff, v2  }
0x215: {  	v4 =	vadd.s32 v1, v7;
	s25 =	sor.u32 s17, s14;
	v7 =	vld [tilespmem:s31+$0x0]  }
0x216: {  	v5 =	vld [tilespmem:s25+$0x0]  }
0x217: {  	[tilespmem:v6+s7+$0x0] =	vst.idx.add.f32.msk $0xffff, v2  }
0x218: {  	s4 =	sor.u32 s18, s29;
	[tilespmem:v3+s7+$0x0] =	vst.idx.add.f32.msk $0xffff, v2;
	v3 =	vadd.s32 v1, v8  }
0x219: {  	v6 =	vld [tilespmem:s4+$0x0]  }
0x21a: {  	[tilespmem:v4+s10+$0x0] =	vst.idx.add.f32.msk $0xffff, v2;
	v4 =	vadd.s32 v1, v7  }
0x21b: {  	s12 =	sor.u32 s15, s12;
	v5 =	vadd.s32 v1, v5  }
0x21c: {  	s4 =	sor.u32 $0x6380, s24;
	v8 =	vld [tilespmem:s12+$0x0]  }
0x21d: {  	s29 =	sor.u32 s23, s4;
	[tilespmem:v3+s9+$0x0] =	vst.idx.add.f32.msk $0xffff, v2  }
0x21e: {  	v3 =	vld [tilespmem:s29+$0x0]  }
0x21f: {  	s12 =	sor.u32 $0x4080, s16;
	v6 =	vadd.s32 v1, v6;
	[tilespmem:v4+s8+$0x0] =	vst.idx.add.f32.msk $0xffff, v2  }
0x220: {  	s31 =	sor.u32 s17, s12;
	s29 =	sor.u32 $0x1100, s20;
	[tilespmem:v5+s7+$0x0] =	vst.idx.add.f32.msk $0xffff, v2  }
0x221: {  	s28 =	sor.u32 s19, s29;
	v5 =	vld [tilespmem:s31+$0x0]  }
0x222: {  	s5 =	sor.u32 s22, s5;
	v7 =	vadd.s32 v1, v8;
	v4 =	vld [tilespmem:s28+$0x0]  }
0x223: {  	v8 =	vld [tilespmem:s5+$0x0]  }
0x224: {  	s31 =	sor.u32 s18, s29;
	[tilespmem:v6+s8+$0x0] =	vst.idx.add.f32.msk $0xffff, v2;
	v3 =	vadd.s32 v1, v3  }
0x225: {  	v6 =	vld [tilespmem:s31+$0x0]  }
0x226: {  	v5 =	vadd.s32 v1, v5  }
0x227: {  	s13 =	sor.u32 s15, s13;
	[tilespmem:v7+s8+$0x0] =	vst.idx.add.f32.msk $0xffff, v2;
	v4 =	vadd.s32 v1, v4  }
0x228: {  	s5 =	sor.u32 $0x7000, s24;
	v7 =	vld [tilespmem:s13+$0x0]  }
0x229: {  	s25 =	sor.u32 s23, s5;
	[tilespmem:v3+s10+$0x0] =	vst.idx.add.f32.msk $0xffff, v2  }
0x22a: {  	v6 =	vadd.s32 v1, v6;
	v3 =	vadd.s32 v1, v8;
	v8 =	vld [tilespmem:s25+$0x0]  }
0x22b: {  	s25 =	sor.u32 $0x4100, s16;
	[tilespmem:v5+s8+$0x0] =	vst.idx.add.f32.msk $0xffff, v2  }
0x22c: {  	s31 =	sor.u32 $0x1180, s20;
	s29 =	sor.u32 s17, s25;
	[tilespmem:v4+s9+$0x0] =	vst.idx.add.f32.msk $0xffff, v2  }
0x22d: {  	s28 =	sor.u32 s19, s31;
	v5 =	vld [tilespmem:s29+$0x0]  }
0x22e: {  	v4 =	vadd.s32 v1, v7;
	v7 =	vld [tilespmem:s28+$0x0]  }
0x22f: {  	[tilespmem:v6+s9+$0x0] =	vst.idx.add.f32.msk $0xffff, v2  }
0x230: {  	s13 =	sor.u32 s18, s31;
	[tilespmem:v3+s7+$0x0] =	vst.idx.add.f32.msk $0xffff, v2  }
0x231: {  	v6 =	vld [tilespmem:s13+$0x0];
	v3 =	vadd.s32 v1, v8;
	_ =	sdelay $0x1  }
0x232: {  	v5 =	vadd.s32 v1, v5  }
0x233: {  	s11 =	sor.u32 s22, s11;
	[tilespmem:v4+s9+$0x0] =	vst.idx.add.f32.msk $0xffff, v2;
	v4 =	vadd.s32 v1, v7  }
0x234: {  	v8 =	vld [tilespmem:s11+$0x0];
	s11 =	sor.u32 $0x7080, s24  }
0x235: {  	s29 =	sor.u32 s23, s11;
	v6 =	vadd.s32 v1, v6;
	[tilespmem:v3+s7+$0x0] =	vst.idx.add.f32.msk $0xffff, v2  }
0x236: {  	v3 =	vld [tilespmem:s29+$0x0]  }
0x237: {  	s13 =	sor.u32 $0x4180, s16;
	[tilespmem:v5+s9+$0x0] =	vst.idx.add.f32.msk $0xffff, v2  }
0x238: {  	s28 =	sor.u32 s17, s13;
	[tilespmem:v4+s10+$0x0] =	vst.idx.add.f32.msk $0xffff, v2  }
0x239: {  	v5 =	vld [tilespmem:s28+$0x0];
	s28 =	sor.u32 $0x1200, s20  }
0x23a: {  	v7 =	vadd.s32 v1, v8;
	s29 =	sor.u32 s19, s28;
	[tilespmem:v6+s10+$0x0] =	vst.idx.add.f32.msk $0xffff, v2  }
0x23b: {  	s31 =	sor.u32 s18, s28;
	v4 =	vld [tilespmem:s29+$0x0]  }
0x23c: {  	s26 =	sor.u32 s15, s26;
	v6 =	vld [tilespmem:s31+$0x0];
	v3 =	vadd.s32 v1, v3  }
0x23d: {  	v8 =	vld [tilespmem:s26+$0x0]  }
0x23e: {  	v5 =	vadd.s32 v1, v5  }
0x23f: {  	s6 =	sor.u32 s22, s6;
	[tilespmem:v7+s8+$0x0] =	vst.idx.add.f32.msk $0xffff, v2  }
0x240: {  	v7 =	vld [tilespmem:s6+$0x0];
	s6 =	sor.u32 $0x7100, s24;
	v4 =	vadd.s32 v1, v4  }
0x241: {  	s29 =	sor.u32 s23, s6;
	v6 =	vadd.s32 v1, v6;
	[tilespmem:v3+s8+$0x0] =	vst.idx.add.f32.msk $0xffff, v2  }
0x242: {  	s26 =	sor.u32 $0x4200, s16;
	v3 =	vadd.s32 v1, v8;
	v8 =	vld [tilespmem:s29+$0x0]  }
0x243: {  	s28 =	sor.u32 s17, s26;
	[tilespmem:v5+s10+$0x0] =	vst.idx.add.f32.msk $0xffff, v2  }
0x244: {  	v5 =	vld [tilespmem:s28+$0x0]  }
0x245: {  	s28 =	sor.u32 $0x1280, s20;
	[tilespmem:v4+s7+$0x0] =	vst.idx.add.f32.msk $0xffff, v2  }
0x246: {  	s31 =	sor.u32 s19, s28;
	[tilespmem:v6+s7+$0x0] =	vst.idx.add.f32.msk $0xffff, v2  }
0x247: {  	v4 =	vadd.s32 v1, v7;
	v7 =	vld [tilespmem:s31+$0x0]  }
0x248: {  	s28 =	sor.u32 s18, s28;
	[tilespmem:v3+s10+$0x0] =	vst.idx.add.f32.msk $0xffff, v2;
	v3 =	vadd.s32 v1, v8  }
0x249: {  	v6 =	vld [tilespmem:s28+$0x0]  }
0x24a: {  	s14 =	sor.u32 s15, s14;
	v5 =	vadd.s32 v1, v5  }
0x24b: {  	v8 =	vld [tilespmem:s14+$0x0]  }
0x24c: {  	[tilespmem:v4+s9+$0x0] =	vst.idx.add.f32.msk $0xffff, v2;
	v4 =	vadd.s32 v1, v7  }
0x24d: {  	s0 =	sor.u32 s22, s0;
	[tilespmem:v3+s9+$0x0] =	vst.idx.add.f32.msk $0xffff, v2  }
0x24e: {  	s14 =	sor.u32 $0x4280, s16;
	v6 =	vadd.s32 v1, v6;
	v3 =	vld [tilespmem:s0+$0x0]  }
0x24f: {  	s29 =	sor.u32 s17, s14;
	[tilespmem:v5+s7+$0x0] =	vst.idx.add.f32.msk $0xffff, v2  }
0x250: {  	s28 =	sor.u32 $0x1300, s20;
	v5 =	vld [tilespmem:s29+$0x0]  }
0x251: {  	s31 =	sor.u32 s19, s28;
	v7 =	vadd.s32 v1, v8;
	[tilespmem:v4+s8+$0x0] =	vst.idx.add.f32.msk $0xffff, v2  }
0x252: {  	s0 =	sor.u32 $0x7180, s24;
	v4 =	vld [tilespmem:s31+$0x0]  }
0x253: {  	[tilespmem:v6+s8+$0x0] =	vst.idx.add.f32.msk $0xffff, v2;
	s31 =	sor.u32 s23, s0;
	v3 =	vadd.s32 v1, v3  }
0x254: {  	s28 =	sor.u32 s18, s28;
	v8 =	vld [tilespmem:s31+$0x0]  }
0x255: {  	v6 =	vld [tilespmem:s28+$0x0];
	v5 =	vadd.s32 v1, v5  }
0x256: {  	s12 =	sor.u32 s15, s12;
	[tilespmem:v7+s7+$0x0] =	vst.idx.add.f32.msk $0xffff, v2  }
0x257: {  	v7 =	vld [tilespmem:s12+$0x0];
	v4 =	vadd.s32 v1, v4  }
0x258: {  	s1 =	sor.u32 s22, s1;
	[tilespmem:v3+s10+$0x0] =	vst.idx.add.f32.msk $0xffff, v2  }
0x259: {  	s28 =	sor.u32 $0x4300, s16;
	v3 =	vadd.s32 v1, v8;
	v8 =	vld [tilespmem:s1+$0x0]  }
0x25a: {  	s12 =	sor.u32 s17, s28;
	v6 =	vadd.s32 v1, v6;
	[tilespmem:v5+s8+$0x0] =	vst.idx.add.f32.msk $0xffff, v2  }
0x25b: {  	s29 =	sor.u32 $0x1380, s20;
	v5 =	vld [tilespmem:s12+$0x0]  }
0x25c: {  	s31 =	sor.u32 s19, s29;
	v7 =	vadd.s32 v1, v7;
	[tilespmem:v4+s9+$0x0] =	vst.idx.add.f32.msk $0xffff, v2  }
0x25d: {  	v4 =	vld [tilespmem:s31+$0x0]  }
0x25e: {  	[tilespmem:v3+s10+$0x0] =	vst.idx.add.f32.msk $0xffff, v2;
	v3 =	vadd.s32 v1, v8  }
0x25f: {  	s1 =	sor.u32 s18, s29;
	[tilespmem:v6+s9+$0x0] =	vst.idx.add.f32.msk $0xffff, v2  }
0x260: {  	v6 =	vld [tilespmem:s1+$0x0];
	v5 =	vadd.s32 v1, v5  }
0x261: {  	s12 =	sor.u32 s15, s25;
	[tilespmem:v7+s8+$0x0] =	vst.idx.add.f32.msk $0xffff, v2  }
0x262: {  	v7 =	vld [tilespmem:s12+$0x0];
	v4 =	vadd.s32 v1, v4  }
0x263: {  	s25 =	sor.u32 s22, s2;
	[tilespmem:v3+s7+$0x0] =	vst.idx.add.f32.msk $0xffff, v2  }
0x264: {  	v3 =	vld [tilespmem:s25+$0x0];
	s25 =	sor.u32 $0x4380, s16  }
0x265: {  	v6 =	vadd.s32 v1, v6;
	s29 =	sor.u32 s17, s25;
	[tilespmem:v5+s9+$0x0] =	vst.idx.add.f32.msk $0xffff, v2  }
0x266: {  	s2 =	sor.u32 $0x2000, s20;
	v5 =	vld [tilespmem:s29+$0x0]  }
0x267: {  	s1 =	sor.u32 $0x7200, s24;
	s31 =	sor.u32 s19, s2;
	v7 =	vadd.s32 v1, v7;
	[tilespmem:v4+s10+$0x0] =	vst.idx.add.f32.msk $0xffff, v2  }
0x268: {  	s29 =	sor.u32 s23, s1;
	v4 =	vld [tilespmem:s31+$0x0]  }
0x269: {  	v8 =	vld [tilespmem:s29+$0x0];
	v3 =	vadd.s32 v1, v3  }
0x26a: {  	s2 =	sor.u32 s18, s2;
	[tilespmem:v6+s10+$0x0] =	vst.idx.add.f32.msk $0xffff, v2  }
0x26b: {  	v6 =	vld [tilespmem:s2+$0x0];
	v5 =	vadd.s32 v1, v5  }
0x26c: {  	s31 =	sor.u32 s15, s13;
	[tilespmem:v7+s9+$0x0] =	vst.idx.add.f32.msk $0xffff, v2  }
0x26d: {  	v7 =	vld [tilespmem:s31+$0x0];
	v4 =	vadd.s32 v1, v4  }
0x26e: {  	s3 =	sor.u32 s22, s3;
	[tilespmem:v3+s8+$0x0] =	vst.idx.add.f32.msk $0xffff, v2  }
0x26f: {  	s12 =	sor.u32 $0x5000, s16;
	v3 =	vadd.s32 v1, v8;
	v8 =	vld [tilespmem:s3+$0x0]  }
0x270: {  	s13 =	sor.u32 s17, s12;
	v6 =	vadd.s32 v1, v6;
	[tilespmem:v5+s10+$0x0] =	vst.idx.add.f32.msk $0xffff, v2  }
0x271: {  	s29 =	sor.u32 $0x2080, s20;
	v5 =	vld [tilespmem:s13+$0x0]  }
0x272: {  	s31 =	sor.u32 s19, s29;
	v7 =	vadd.s32 v1, v7;
	[tilespmem:v4+s7+$0x0] =	vst.idx.add.f32.msk $0xffff, v2  }
0x273: {  	v4 =	vld [tilespmem:s31+$0x0]  }
0x274: {  	[tilespmem:v3+s7+$0x0] =	vst.idx.add.f32.msk $0xffff, v2;
	v3 =	vadd.s32 v1, v8  }
0x275: {  	s2 =	sor.u32 s18, s29;
	[tilespmem:v6+s7+$0x0] =	vst.idx.add.f32.msk $0xffff, v2  }
0x276: {  	v6 =	vld [tilespmem:s2+$0x0];
	v5 =	vadd.s32 v1, v5  }
0x277: {  	s3 =	sor.u32 s15, s26;
	[tilespmem:v7+s10+$0x0] =	vst.idx.add.f32.msk $0xffff, v2  }
0x278: {  	v7 =	vld [tilespmem:s3+$0x0];
	v4 =	vadd.s32 v1, v4  }
0x279: {  	s4 =	sor.u32 s22, s4;
	[tilespmem:v3+s9+$0x0] =	vst.idx.add.f32.msk $0xffff, v2  }
0x27a: {  	s2 =	sor.u32 $0x5080, s16;
	v3 =	vld [tilespmem:s4+$0x0]  }
0x27b: {  	s13 =	sor.u32 s17, s2;
	v6 =	vadd.s32 v1, v6;
	[tilespmem:v5+s7+$0x0] =	vst.idx.add.f32.msk $0xffff, v2  }
0x27c: {  	s26 =	sor.u32 $0x2100, s20;
	v5 =	vld [tilespmem:s13+$0x0]  }
0x27d: {  	s29 =	sor.u32 s19, s26;
	s3 =	sor.u32 $0x7280, s24;
	v7 =	vadd.s32 v1, v7;
	[tilespmem:v4+s8+$0x0] =	vst.idx.add.f32.msk $0xffff, v2  }
0x27e: {  	s31 =	sor.u32 s23, s3;
	v4 =	vld [tilespmem:s29+$0x0]  }
0x27f: {  	v8 =	vld [tilespmem:s31+$0x0];
	v3 =	vadd.s32 v1, v3  }
0x280: {  	s4 =	sor.u32 s18, s26;
	[tilespmem:v6+s8+$0x0] =	vst.idx.add.f32.msk $0xffff, v2  }
0x281: {  	v6 =	vld [tilespmem:s4+$0x0];
	v5 =	vadd.s32 v1, v5  }
0x282: {  	s14 =	sor.u32 s15, s14;
	[tilespmem:v7+s7+$0x0] =	vst.idx.add.f32.msk $0xffff, v2  }
0x283: {  	v7 =	vld [tilespmem:s14+$0x0];
	v4 =	vadd.s32 v1, v4  }
0x284: {  	s5 =	sor.u32 s22, s5;
	[tilespmem:v3+s10+$0x0] =	vst.idx.add.f32.msk $0xffff, v2;
	v3 =	vadd.s32 v1, v8  }
0x285: {  	s4 =	sor.u32 $0x5100, s16;
	v8 =	vld [tilespmem:s5+$0x0]  }
0x286: {  	s26 =	sor.u32 s17, s4;
	v6 =	vadd.s32 v1, v6;
	[tilespmem:v5+s8+$0x0] =	vst.idx.add.f32.msk $0xffff, v2  }
0x287: {  	v5 =	vld [tilespmem:s26+$0x0]  }
0x288: {  	s29 =	sor.u32 $0x2180, s20;
	v7 =	vadd.s32 v1, v7;
	[tilespmem:v4+s9+$0x0] =	vst.idx.add.f32.msk $0xffff, v2  }
0x289: {  	s31 =	sor.u32 s19, s29;
	[tilespmem:v3+s8+$0x0] =	vst.idx.add.f32.msk $0xffff, v2  }
0x28a: {  	v4 =	vld [tilespmem:s31+$0x0];
	v3 =	vadd.s32 v1, v8  }
0x28b: {  	s5 =	sor.u32 s18, s29;
	[tilespmem:v6+s9+$0x0] =	vst.idx.add.f32.msk $0xffff, v2  }
0x28c: {  	v6 =	vld [tilespmem:s5+$0x0];
	v5 =	vadd.s32 v1, v5  }
0x28d: {  	s13 =	sor.u32 s15, s28;
	[tilespmem:v7+s8+$0x0] =	vst.idx.add.f32.msk $0xffff, v2  }
0x28e: {  	v7 =	vld [tilespmem:s13+$0x0]  }
0x28f: {  	s11 =	sor.u32 s22, s11;
	v4 =	vadd.s32 v1, v4;
	[tilespmem:v3+s7+$0x0] =	vst.idx.add.f32.msk $0xffff, v2  }
0x290: {  	v3 =	vld [tilespmem:s11+$0x0];
	s11 =	sor.u32 $0x7300, s24  }
0x291: {  	s5 =	sor.u32 $0x5180, s16;
	v6 =	vadd.s32 v1, v6;
	s31 =	sor.u32 s23, s11;
	[tilespmem:v5+s9+$0x0] =	vst.idx.add.f32.msk $0xffff, v2  }
0x292: {  	s14 =	sor.u32 s17, s5;
	v8 =	vld [tilespmem:s31+$0x0]  }
0x293: {  	s26 =	sor.u32 $0x2200, s20;
	v7 =	vadd.s32 v1, v7;
	v5 =	vld [tilespmem:s14+$0x0]  }
0x294: {  	s29 =	sor.u32 s19, s26;
	[tilespmem:v4+s10+$0x0] =	vst.idx.add.f32.msk $0xffff, v2  }
0x295: {  	v4 =	vld [tilespmem:s29+$0x0]  }
0x296: {  	s13 =	sor.u32 s18, s26;
	[tilespmem:v6+s10+$0x0] =	vst.idx.add.f32.msk $0xffff, v2;
	v3 =	vadd.s32 v1, v3  }
0x297: {  	v6 =	vld [tilespmem:s13+$0x0]  }
0x298: {  	s25 =	sor.u32 s15, s25;
	[tilespmem:v7+s9+$0x0] =	vst.idx.add.f32.msk $0xffff, v2;
	v5 =	vadd.s32 v1, v5  }
0x299: {  	v7 =	vld [tilespmem:s25+$0x0]  }
0x29a: {  	v4 =	vadd.s32 v1, v4  }
0x29b: {  	s6 =	sor.u32 s22, s6;
	[tilespmem:v3+s8+$0x0] =	vst.idx.add.f32.msk $0xffff, v2;
	v3 =	vadd.s32 v1, v8  }
0x29c: {  	s13 =	sor.u32 $0x5200, s16;
	v8 =	vld [tilespmem:s6+$0x0]  }
0x29d: {  	s26 =	sor.u32 s17, s13;
	[tilespmem:v5+s10+$0x0] =	vst.idx.add.f32.msk $0xffff, v2  }
0x29e: {  	v7 =	vadd.s32 v1, v7;
	v5 =	vadd.s32 v1, v6;
	v6 =	vld [tilespmem:s26+$0x0]  }
0x29f: {  	s29 =	sor.u32 $0x2280, s20;
	[tilespmem:v4+s7+$0x0] =	vst.idx.add.f32.msk $0xffff, v2  }
0x2a0: {  	s24 =	sor.u32 $0x7380, s24;
	s31 =	sor.u32 s19, s29;
	[tilespmem:v3+s9+$0x0] =	vst.idx.add.f32.msk $0xffff, v2  }
0x2a1: {  	s23 =	sor.u32 s23, s24;
	v4 =	vld [tilespmem:s31+$0x0]  }
0x2a2: {  	v3 =	vld [tilespmem:s23+$0x0];
	v8 =	vadd.s32 v1, v8  }
0x2a3: {  	s25 =	sor.u32 s15, s12;
	[tilespmem:v7+s10+$0x0] =	vst.idx.add.f32.msk $0xffff, v2  }
0x2a4: {  	v7 =	vld [tilespmem:s25+$0x0];
	v6 =	vadd.s32 v1, v6  }
0x2a5: {  	s6 =	sor.u32 s18, s29;
	[tilespmem:v5+s7+$0x0] =	vst.idx.add.f32.msk $0xffff, v2  }
0x2a6: {  	v5 =	vld [tilespmem:s6+$0x0];
	v4 =	vadd.s32 v1, v4  }
0x2a7: {  	s0 =	sor.u32 s22, s0;
	[tilespmem:v8+s9+$0x0] =	vst.idx.add.f32.msk $0xffff, v2  }
0x2a8: {  	s6 =	sor.u32 $0x5280, s16;
	v3 =	vadd.s32 v1, v3;
	v8 =	vld [tilespmem:s0+$0x0]  }
0x2a9: {  	s26 =	sor.u32 s17, s6;
	v7 =	vadd.s32 v1, v7;
	[tilespmem:v6+s7+$0x0] =	vst.idx.add.f32.msk $0xffff, v2  }
0x2aa: {  	s29 =	sor.u32 $0x2300, s20;
	v6 =	vld [tilespmem:s26+$0x0]  }
0x2ab: {  	s31 =	sor.u32 s19, s29;
	v5 =	vadd.s32 v1, v5;
	[tilespmem:v4+s8+$0x0] =	vst.idx.add.f32.msk $0xffff, v2  }
0x2ac: {  	v4 =	vld [tilespmem:s31+$0x0]  }
0x2ad: {  	[tilespmem:v3+s10+$0x0] =	vst.idx.add.f32.msk $0xffff, v2;
	v3 =	vadd.s32 v1, v8  }
0x2ae: {  	s12 =	sor.u32 s15, s2;
	[tilespmem:v7+s7+$0x0] =	vst.idx.add.f32.msk $0xffff, v2  }
0x2af: {  	v7 =	vld [tilespmem:s12+$0x0];
	v6 =	vadd.s32 v1, v6  }
0x2b0: {  	s0 =	sor.u32 s18, s29;
	[tilespmem:v5+s8+$0x0] =	vst.idx.add.f32.msk $0xffff, v2  }
0x2b1: {  	s30 =	sor.u32 s22, s3;
	v5 =	vld [tilespmem:s0+$0x0];
	v8 =	vadd.s32 v1, v4  }
0x2b2: {  	s28 =	simm.s32 $0x60;
	s14 =	sor.u32 s22, s24;
	s23 =	sor.u32 s22, s1;
	[tilespmem:v3+s10+$0x0] =	vst.idx.add.f32.msk $0xffff, v2  }
0x2b3: {  	s24 =	sor.u32 $0x5300, s16;
	s2 =	sor.u32 s15, s4;
	s25 =	sor.u32 s22, s11;
	v3 =	vld [tilespmem:s23+$0x0]  }
0x2b4: {  	s11 =	sor.u32 s15, s13;
	s1 =	sor.u32 s15, s6;
	s29 =	sor.u32 s17, s24;
	[tilespmem:v6+s8+$0x0] =	vst.idx.add.f32.msk $0xffff, v2  }
0x2b5: {  	s26 =	simm.s32 $0x4;
	s31 =	sor.u32 $0x2380, s20;
	s12 =	sor.u32 s15, s5;
	v4 =	vld [tilespmem:s29+$0x0]  }
0x2b6: {  	s3 =	sor.u32 s18, s31;
	s4 =	sor.u32 s19, s31;
	s0 =	sor.u32 s15, s24;
	v6 =	vadd.s32 v1, v5;
	v5 =	vadd.s32 v1, v7;
	[tilespmem:v8+s9+$0x0] =	vst.idx.add.f32.msk $0xffff, v2  }
.LBB2_4:
0x2b7: {  	_ =	sdelay $0x2  }
0x2b8: {  	v7 =	vld [tilespmem:s4+$0x0];
	s21 =	sadd.s32 $0x100, s21  }
0x2b9: {  	s29 =	sand.u32 $0x60, s28;
	[tilespmem:v6+s9+$0x0] =	vst.idx.add.f32.msk $0xffff, v2;
	s31 =	sand.u32 $0xC00, s21  }
0x2ba: {  	[dreg:$0x4] =	wrdreg s30;
	s30 =	sor.u32 $0x10, s29;
	v6 =	vld [tilespmem:s3+$0x0];
	s6 =	sor.u32 s29, s31;
	v4 =	vadd.s32 v1, v4  }
0x2bb: {  	s22 =	sor.u32 s30, s31;
	v9 =	vld [tilespmem:s6+$0x0];
	v3 =	vadd.s32 v1, v3  }
0x2bc: {  	v8 =	vld [tilespmem:s22+$0x0]  }
0x2bd: {  	[tilespmem:v5+s8+$0x0] =	vst.idx.add.f32.msk $0xffff, v2;
	v7 =	vadd.s32 v1, v7  }
0x2be: {  	v5 =	vld [tilespmem:s2+$0x0]  }
0x2bf: {  	s24 =	sor.u32 $0x5380, s16;
	v6 =	vadd.s32 v1, v6;
	[tilespmem:v4+s9+$0x0] =	vst.idx.add.f32.msk $0xffff, v2  }
0x2c0: {  	s2 =	sor.u32 s17, s24;
	v9 =	vadd.s32 v1, v9;
	[tilespmem:v3+s7+$0x0] =	vst.idx.add.f32.msk $0xffff, v2  }
0x2c1: {  	s3 =	sor.u32 $0x3000, s20;
	v4 =	vadd.s32 v1, v8;
	v8 =	vld [tilespmem:s2+$0x0]  }
0x2c2: {  	[tilespmem:v7+s10+$0x0] =	vst.idx.add.f32.msk $0xffff, v2;
	s2 =	sor.u32 s19, s3  }
0x2c3: {  	v3 =	vld [tilespmem:s2+$0x0]  }
0x2c4: {  	[tilespmem:v6+s10+$0x0] =	vst.idx.add.f32.msk $0xffff, v2  }
0x2c5: {  	[tilespmem:v9+s7+$0x0] =	vst.idx.add.f32.msk $0xffff, v2  }
0x2c6: {  	v5 =	vadd.s32 v1, v5;
	[tilespmem:v4+s7+$0x0] =	vst.idx.add.f32.msk $0xffff, v2  }
0x2c7: {  	v7 =	vld [tilespmem:s6+$0x80];
	v4 =	vadd.s32 v1, v8  }
0x2c8: {  	v6 =	vld [tilespmem:s22+$0x80]  }
0x2c9: {  	s4 =	sor.u32 s18, s3;
	v3 =	vadd.s32 v1, v3  }
0x2ca: {  	v8 =	vld [tilespmem:s4+$0x0]  }
0x2cb: {  	s5 =	sor.u32 $0x6000, s16;
	[tilespmem:v5+s9+$0x0] =	vst.idx.add.f32.msk $0xffff, v2  }
0x2cc: {  	s3 =	sor.u32 s17, s5;
	v5 =	vadd.s32 v1, v7;
	[tilespmem:v4+s10+$0x0] =	vst.idx.add.f32.msk $0xffff, v2  }
0x2cd: {  	s23 =	sor.u32 s21, s28;
	v4 =	vadd.s32 v1, v6;
	v6 =	vld [tilespmem:s3+$0x0]  }
0x2ce: {  	s13 =	sor.u32 $0x380, s23;
	s23 =	sor.u32 $0x3080, s20;
	[tilespmem:v3+s7+$0x0] =	vst.idx.add.f32.msk $0xffff, v2  }
0x2cf: {  	s3 =	sor.u32 s19, s23;
	v3 =	vadd.s32 v1, v8;
	v8 =	vld [tilespmem:s12+$0x0]  }
0x2d0: {  	v7 =	vld [tilespmem:s3+$0x0]  }
0x2d1: {  	[tilespmem:v5+s8+$0x0] =	vst.idx.add.f32.msk $0xffff, v2  }
0x2d2: {  	[tilespmem:v4+s8+$0x0] =	vst.idx.add.f32.msk $0xffff, v2  }
0x2d3: {  	v5 =	vld [tilespmem:s6+$0x100];
	v4 =	vadd.s32 v1, v6  }
0x2d4: {  	v6 =	vld [tilespmem:s22+$0x100]  }
0x2d5: {  	[tilespmem:v3+s7+$0x0] =	vst.idx.add.f32.msk $0xffff, v2;
	v3 =	vadd.s32 v1, v8  }
0x2d6: {  	s2 =	sor.u32 s15, s5;
	s5 =	sor.u32 s18, s23;
	v7 =	vadd.s32 v1, v7  }
0x2d7: {  	[dreg:$0x3] =	wrdreg s14;
	s14 =	sor.u32 s15, s24;
	s24 =	sor.u32 $0x6080, s16;
	v8 =	vld [tilespmem:s5+$0x0]  }
0x2d8: {  	s3 =	sor.u32 s17, s24;
	v5 =	vadd.s32 v1, v5;
	[tilespmem:v4+s7+$0x0] =	vst.idx.add.f32.msk $0xffff, v2  }
0x2d9: {  	v4 =	vadd.s32 v1, v6;
	v6 =	vld [tilespmem:s3+$0x0]  }
0x2da: {  	s12 =	sor.u32 $0x3100, s20;
	[tilespmem:v3+s10+$0x0] =	vst.idx.add.f32.msk $0xffff, v2  }
0x2db: {  	[tilespmem:v7+s8+$0x0] =	vst.idx.add.f32.msk $0xffff, v2;
	s3 =	sor.u32 s19, s12  }
0x2dc: {  	v7 =	vld [tilespmem:s3+$0x0]  }
0x2dd: {  	[tilespmem:v5+s9+$0x0] =	vst.idx.add.f32.msk $0xffff, v2  }
0x2de: {  	[tilespmem:v4+s9+$0x0] =	vst.idx.add.f32.msk $0xffff, v2;
	v3 =	vadd.s32 v1, v6  }
0x2df: {  	v5 =	vld [tilespmem:s6+$0x180];
	v6 =	vadd.s32 v1, v8  }
0x2e0: {  	v4 =	vld [tilespmem:s22+$0x180]  }
0x2e1: {  	v7 =	vadd.s32 v1, v7  }
0x2e2: {  	v8 =	vld [tilespmem:s11+$0x0]  }
0x2e3: {  	s23 =	sor.u32 $0x6100, s16;
	[tilespmem:v3+s8+$0x0] =	vst.idx.add.f32.msk $0xffff, v2  }
0x2e4: {  	s11 =	sor.u32 s17, s23;
	v5 =	vadd.s32 v1, v5;
	[tilespmem:v6+s8+$0x0] =	vst.idx.add.f32.msk $0xffff, v2  }
0x2e5: {  	v3 =	vadd.s32 v1, v4;
	v4 =	vld [tilespmem:s11+$0x0]  }
0x2e6: {  	s4 =	sor.u32 s15, s24;
	s24 =	sor.u32 $0x3180, s20;
	s5 =	sor.u32 s18, s12;
	[tilespmem:v7+s9+$0x0] =	vst.idx.add.f32.msk $0xffff, v2  }
0x2e7: {  	s11 =	sor.u32 s19, s24;
	v7 =	vadd.s32 v1, v8;
	v8 =	vld [tilespmem:s5+$0x0]  }
0x2e8: {  	v6 =	vld [tilespmem:s11+$0x0]  }
0x2e9: {  	[tilespmem:v5+s10+$0x0] =	vst.idx.add.f32.msk $0xffff, v2  }
0x2ea: {  	[tilespmem:v3+s10+$0x0] =	vst.idx.add.f32.msk $0xffff, v2  }
0x2eb: {  	v5 =	vld [tilespmem:s6+$0x200];
	v3 =	vadd.s32 v1, v4  }
0x2ec: {  	v4 =	vld [tilespmem:s22+$0x200];
	v8 =	vadd.s32 v1, v8;
	_ =	sdelay $0x1  }
0x2ed: {  	[tilespmem:v7+s7+$0x0] =	vst.idx.add.f32.msk $0xffff, v2;
	v6 =	vadd.s32 v1, v6  }
0x2ee: {  	v7 =	vld [tilespmem:s1+$0x0]  }
0x2ef: {  	s3 =	sor.u32 s15, s23;
	s23 =	sor.u32 $0x6180, s16;
	v5 =	vadd.s32 v1, v5;
	[tilespmem:v3+s9+$0x0] =	vst.idx.add.f32.msk $0xffff, v2  }
0x2f0: {  	s11 =	sor.u32 s17, s23;
	v3 =	vadd.s32 v1, v4;
	[tilespmem:v8+s9+$0x0] =	vst.idx.add.f32.msk $0xffff, v2  }
0x2f1: {  	s5 =	sor.u32 s15, s23;
	s23 =	sor.u32 $0x3200, s20;
	v4 =	vld [tilespmem:s11+$0x0]  }
0x2f2: {  	s12 =	sor.u32 s18, s24;
	s24 =	sor.u32 s19, s23;
	[tilespmem:v6+s10+$0x0] =	vst.idx.add.f32.msk $0xffff, v2  }
0x2f3: {  	v6 =	vld [tilespmem:s24+$0x0]  }
0x2f4: {  	[tilespmem:v5+s7+$0x0] =	vst.idx.add.f32.msk $0xffff, v2  }
0x2f5: {  	v7 =	vadd.s32 v1, v7;
	[tilespmem:v3+s7+$0x0] =	vst.idx.add.f32.msk $0xffff, v2  }
0x2f6: {  	v5 =	vld [tilespmem:s6+$0x280];
	v3 =	vadd.s32 v1, v4  }
0x2f7: {  	v4 =	vld [tilespmem:s22+$0x280]  }
0x2f8: {  	v6 =	vadd.s32 v1, v6  }
0x2f9: {  	v8 =	vld [tilespmem:s12+$0x0]  }
0x2fa: {  	s11 =	sor.u32 s18, s23;
	s23 =	sor.u32 $0x6200, s16;
	[tilespmem:v7+s8+$0x0] =	vst.idx.add.f32.msk $0xffff, v2  }
0x2fb: {  	s1 =	sor.u32 s17, s23;
	v5 =	vadd.s32 v1, v5;
	[tilespmem:v3+s10+$0x0] =	vst.idx.add.f32.msk $0xffff, v2  }
0x2fc: {  	s24 =	rddreg [dreg:$0x2];
	v3 =	vadd.s32 v1, v4;
	v4 =	vld [tilespmem:s1+$0x0]  }
0x2fd: {  	s6 =	sor.u32 s15, s23;
	s12 =	sadd.s32 $0x1, s24;
	s23 =	sor.u32 $0x3280, s20;
	[tilespmem:v6+s7+$0x0] =	vst.idx.add.f32.msk $0xffff, v2  }
0x2fe: {  	[dreg:$0x2] =	wrdreg s12;
	s22 =	sand.u32 $0x3, s12;
	s12 =	sor.u32 s19, s23;
	v6 =	vadd.s32 v1, v8;
	v8 =	vld [tilespmem:s0+$0x0]  }
0x2ff: {  	s24 =	sshll.u32 s22, $0x5;
	v7 =	vld [tilespmem:s12+$0x0]  }
0x300: {  	s22 =	sadd.s32 s24, s21;
	[tilespmem:v5+s8+$0x0] =	vst.idx.add.f32.msk $0xffff, v2  }
0x301: {  	s1 =	sor.u32 s18, s23;
	s23 =	sor.u32 $0x300, s22;
	s22 =	sadd.s32 $0x10, s22;
	[tilespmem:v3+s8+$0x0] =	vst.idx.add.f32.msk $0xffff, v2  }
0x302: {  	s24 =	sor.u32 $0x300, s22;
	v5 =	vld [tilespmem:s23+$0x0]  }
0x303: {  	v3 =	vadd.s32 v1, v4;
	v4 =	vld [tilespmem:s24+$0x0]  }
0x304: {  	[tilespmem:v6+s10+$0x0] =	vst.idx.add.f32.msk $0xffff, v2;
	v6 =	vadd.s32 v1, v8;
	_ =	sdelay $0x1  }
0x305: {  	v7 =	vadd.s32 v1, v7  }
0x306: {  	v8 =	vld [tilespmem:s11+$0x0]  }
0x307: {  	s12 =	sor.u32 $0x6280, s16;
	v5 =	vadd.s32 v1, v5;
	[tilespmem:v3+s7+$0x0] =	vst.idx.add.f32.msk $0xffff, v2  }
0x308: {  	s0 =	sor.u32 s17, s12;
	v3 =	vadd.s32 v1, v4;
	[tilespmem:v6+s9+$0x0] =	vst.idx.add.f32.msk $0xffff, v2  }
0x309: {  	s24 =	sor.u32 $0x3300, s20;
	v4 =	vld [tilespmem:s0+$0x0]  }
0x30a: {  	[tilespmem:v7+s8+$0x0] =	vst.idx.add.f32.msk $0xffff, v2;
	s0 =	sor.u32 s19, s24  }
0x30b: {  	v7 =	vld [tilespmem:s0+$0x0]  }
0x30c: {  	[tilespmem:v5+s9+$0x0] =	vst.idx.add.f32.msk $0xffff, v2  }
0x30d: {  	v6 =	vadd.s32 v1, v8;
	[tilespmem:v3+s9+$0x0] =	vst.idx.add.f32.msk $0xffff, v2  }
0x30e: {  	s23 =	sor.u32 s15, s12;
	s12 =	sor.u32 $0x380, s22;
	v5 =	vld [tilespmem:s13+$0x0];
	v3 =	vadd.s32 v1, v4  }
0x30f: {  	v4 =	vld [tilespmem:s12+$0x0]  }
0x310: {  	v7 =	vadd.s32 v1, v7  }
0x311: {  	v8 =	vld [tilespmem:s14+$0x0]  }
0x312: {  	s14 =	sor.u32 $0x6300, s16;
	[tilespmem:v6+s7+$0x0] =	vst.idx.add.f32.msk $0xffff, v2  }
0x313: {  	s12 =	sor.u32 s17, s14;
	v5 =	vadd.s32 v1, v5;
	[tilespmem:v3+s8+$0x0] =	vst.idx.add.f32.msk $0xffff, v2  }
0x314: {  	v3 =	vadd.s32 v1, v4;
	v4 =	vld [tilespmem:s12+$0x0]  }
0x315: {  	s22 =	sor.u32 $0x3380, s20;
	[tilespmem:v7+s9+$0x0] =	vst.idx.add.f32.msk $0xffff, v2  }
0x316: {  	s12 =	sor.u32 s19, s22;
	v7 =	vadd.s32 v1, v8;
	v8 =	vld [tilespmem:s1+$0x0]  }
0x317: {  	v6 =	vld [tilespmem:s12+$0x0]  }
0x318: {  	s11 =	sor.u32 s18, s24;
	s24 =	sor.u32 $0x1000, s31;
	[tilespmem:v5+s10+$0x0] =	vst.idx.add.f32.msk $0xffff, v2  }
0x319: {  	s13 =	sor.u32 s29, s24;
	[tilespmem:v3+s10+$0x0] =	vst.idx.add.f32.msk $0xffff, v2  }
0x31a: {  	s12 =	sor.u32 s30, s24;
	v5 =	vld [tilespmem:s13+$0x0];
	v3 =	vadd.s32 v1, v4  }
0x31b: {  	v4 =	vld [tilespmem:s12+$0x0];
	v8 =	vadd.s32 v1, v8;
	_ =	sdelay $0x1  }
0x31c: {  	[tilespmem:v7+s10+$0x0] =	vst.idx.add.f32.msk $0xffff, v2;
	v6 =	vadd.s32 v1, v6  }
0x31d: {  	v7 =	vld [tilespmem:s2+$0x0]  }
0x31e: {  	s0 =	sor.u32 s15, s14;
	s14 =	sor.u32 s18, s22;
	s22 =	sor.u32 $0x6380, s16;
	v5 =	vadd.s32 v1, v5;
	[tilespmem:v3+s9+$0x0] =	vst.idx.add.f32.msk $0xffff, v2  }
0x31f: {  	s12 =	sor.u32 s17, s22;
	v3 =	vadd.s32 v1, v4;
	[tilespmem:v8+s8+$0x0] =	vst.idx.add.f32.msk $0xffff, v2  }
0x320: {  	s24 =	sor.u32 $0x4000, s20;
	v4 =	vld [tilespmem:s12+$0x0]  }
0x321: {  	s13 =	sor.u32 s19, s24;
	[tilespmem:v6+s10+$0x0] =	vst.idx.add.f32.msk $0xffff, v2  }
0x322: {  	v6 =	vld [tilespmem:s13+$0x0]  }
0x323: {  	s1 =	sor.u32 s15, s22;
	s22 =	sor.u32 $0x1080, s31;
	[tilespmem:v5+s7+$0x0] =	vst.idx.add.f32.msk $0xffff, v2  }
0x324: {  	s12 =	sor.u32 s18, s24;
	s24 =	sor.u32 s29, s22;
	v7 =	vadd.s32 v1, v7;
	[tilespmem:v3+s7+$0x0] =	vst.idx.add.f32.msk $0xffff, v2  }
0x325: {  	s2 =	sor.u32 s30, s22;
	v5 =	vld [tilespmem:s24+$0x0];
	v3 =	vadd.s32 v1, v4  }
0x326: {  	v4 =	vld [tilespmem:s2+$0x0]  }
0x327: {  	v6 =	vadd.s32 v1, v6  }
0x328: {  	v8 =	vld [tilespmem:s11+$0x0]  }
0x329: {  	s22 =	sor.u32 $0x7000, s16;
	[tilespmem:v7+s7+$0x0] =	vst.idx.add.f32.msk $0xffff, v2  }
0x32a: {  	s11 =	sor.u32 s17, s22;
	v5 =	vadd.s32 v1, v5;
	[tilespmem:v3+s10+$0x0] =	vst.idx.add.f32.msk $0xffff, v2  }
0x32b: {  	v3 =	vadd.s32 v1, v4;
	v4 =	vld [tilespmem:s11+$0x0]  }
0x32c: {  	s24 =	sor.u32 $0x4080, s20;
	[tilespmem:v6+s7+$0x0] =	vst.idx.add.f32.msk $0xffff, v2  }
0x32d: {  	s11 =	sor.u32 s19, s24;
	v6 =	vadd.s32 v1, v8;
	v8 =	vld [tilespmem:s4+$0x0]  }
0x32e: {  	v7 =	vld [tilespmem:s11+$0x0]  }
0x32f: {  	s2 =	sor.u32 s15, s22;
	s22 =	sor.u32 $0x1100, s31;
	[tilespmem:v5+s8+$0x0] =	vst.idx.add.f32.msk $0xffff, v2  }
0x330: {  	s13 =	sor.u32 s18, s24;
	s24 =	sor.u32 s29, s22;
	[tilespmem:v3+s8+$0x0] =	vst.idx.add.f32.msk $0xffff, v2  }
0x331: {  	s11 =	sor.u32 s30, s22;
	v5 =	vld [tilespmem:s24+$0x0]  }
0x332: {  	v3 =	vadd.s32 v1, v4;
	v4 =	vld [tilespmem:s11+$0x0]  }
0x333: {  	[tilespmem:v6+s9+$0x0] =	vst.idx.add.f32.msk $0xffff, v2;
	v6 =	vadd.s32 v1, v8;
	_ =	sdelay $0x1  }
0x334: {  	v7 =	vadd.s32 v1, v7  }
0x335: {  	v8 =	vld [tilespmem:s14+$0x0]  }
0x336: {  	s22 =	sor.u32 $0x7080, s16;
	v5 =	vadd.s32 v1, v5;
	[tilespmem:v3+s7+$0x0] =	vst.idx.add.f32.msk $0xffff, v2  }
0x337: {  	s4 =	sor.u32 s17, s22;
	v3 =	vadd.s32 v1, v4;
	[tilespmem:v6+s8+$0x0] =	vst.idx.add.f32.msk $0xffff, v2  }
0x338: {  	s24 =	sor.u32 $0x4100, s20;
	v4 =	vld [tilespmem:s4+$0x0]  }
0x339: {  	[tilespmem:v7+s8+$0x0] =	vst.idx.add.f32.msk $0xffff, v2;
	s4 =	sor.u32 s19, s24  }
0x33a: {  	v7 =	vld [tilespmem:s4+$0x0]  }
0x33b: {  	s14 =	sor.u32 $0x1180, s31;
	[tilespmem:v5+s9+$0x0] =	vst.idx.add.f32.msk $0xffff, v2  }
0x33c: {  	s11 =	sor.u32 s15, s22;
	s22 =	sor.u32 s18, s24;
	s24 =	sor.u32 s29, s14;
	v6 =	vadd.s32 v1, v8;
	[tilespmem:v3+s9+$0x0] =	vst.idx.add.f32.msk $0xffff, v2  }
0x33d: {  	s4 =	sor.u32 s30, s14;
	v5 =	vld [tilespmem:s24+$0x0];
	v3 =	vadd.s32 v1, v4  }
0x33e: {  	v4 =	vld [tilespmem:s4+$0x0]  }
0x33f: {  	v7 =	vadd.s32 v1, v7  }
0x340: {  	v8 =	vld [tilespmem:s3+$0x0]  }
0x341: {  	s24 =	sor.u32 $0x7100, s16;
	[tilespmem:v6+s10+$0x0] =	vst.idx.add.f32.msk $0xffff, v2  }
0x342: {  	s4 =	sor.u32 s17, s24;
	v5 =	vadd.s32 v1, v5;
	[tilespmem:v3+s8+$0x0] =	vst.idx.add.f32.msk $0xffff, v2  }
0x343: {  	v3 =	vadd.s32 v1, v4;
	v4 =	vld [tilespmem:s4+$0x0]  }
0x344: {  	s14 =	sor.u32 s15, s24;
	s24 =	sor.u32 $0x4180, s20;
	[tilespmem:v7+s9+$0x0] =	vst.idx.add.f32.msk $0xffff, v2  }
0x345: {  	s4 =	sor.u32 s19, s24;
	v7 =	vadd.s32 v1, v8;
	v8 =	vld [tilespmem:s12+$0x0]  }
0x346: {  	v6 =	vld [tilespmem:s4+$0x0]  }
0x347: {  	[dreg:$0x5] =	wrdreg s14;
	s14 =	sor.u32 $0x1200, s31;
	[tilespmem:v5+s10+$0x0] =	vst.idx.add.f32.msk $0xffff, v2  }
0x348: {  	s3 =	smov.u32 s25;
	s25 =	sor.u32 s18, s24;
	s24 =	sor.u32 s29, s14;
	[tilespmem:v3+s10+$0x0] =	vst.idx.add.f32.msk $0xffff, v2  }
0x349: {  	s4 =	sor.u32 s30, s14;
	v5 =	vld [tilespmem:s24+$0x0];
	v3 =	vadd.s32 v1, v4  }
0x34a: {  	v4 =	vld [tilespmem:s4+$0x0];
	v8 =	vadd.s32 v1, v8;
	_ =	sdelay $0x1  }
0x34b: {  	[tilespmem:v7+s9+$0x0] =	vst.idx.add.f32.msk $0xffff, v2;
	v6 =	vadd.s32 v1, v6  }
0x34c: {  	v7 =	vld [tilespmem:s5+$0x0]  }
0x34d: {  	s14 =	sor.u32 $0x7180, s16;
	v5 =	vadd.s32 v1, v5;
	[tilespmem:v3+s9+$0x0] =	vst.idx.add.f32.msk $0xffff, v2  }
0x34e: {  	s12 =	sor.u32 s17, s14;
	v3 =	vadd.s32 v1, v4;
	[tilespmem:v8+s7+$0x0] =	vst.idx.add.f32.msk $0xffff, v2  }
0x34f: {  	s24 =	sor.u32 $0x4200, s20;
	v4 =	vld [tilespmem:s12+$0x0]  }
0x350: {  	s4 =	sor.u32 s15, s14;
	s14 =	sor.u32 s18, s24;
	s24 =	sor.u32 s19, s24;
	[tilespmem:v6+s10+$0x0] =	vst.idx.add.f32.msk $0xffff, v2  }
0x351: {  	v6 =	vld [tilespmem:s24+$0x0]  }
0x352: {  	s12 =	sor.u32 $0x1280, s31;
	[tilespmem:v5+s7+$0x0] =	vst.idx.add.f32.msk $0xffff, v2  }
0x353: {  	v7 =	vadd.s32 v1, v7;
	s24 =	sor.u32 s29, s12;
	[tilespmem:v3+s7+$0x0] =	vst.idx.add.f32.msk $0xffff, v2  }
0x354: {  	s5 =	sor.u32 s30, s12;
	v5 =	vld [tilespmem:s24+$0x0];
	v3 =	vadd.s32 v1, v4  }
0x355: {  	v4 =	vld [tilespmem:s5+$0x0]  }
0x356: {  	v6 =	vadd.s32 v1, v6  }
0x357: {  	v8 =	vld [tilespmem:s13+$0x0]  }
0x358: {  	s13 =	sor.u32 $0x7200, s16;
	[tilespmem:v7+s10+$0x0] =	vst.idx.add.f32.msk $0xffff, v2  }
0x359: {  	s12 =	sor.u32 s17, s13;
	v5 =	vadd.s32 v1, v5;
	[tilespmem:v3+s10+$0x0] =	vst.idx.add.f32.msk $0xffff, v2  }
0x35a: {  	v3 =	vadd.s32 v1, v4;
	v4 =	vld [tilespmem:s12+$0x0]  }
0x35b: {  	s24 =	sor.u32 $0x4280, s20;
	[tilespmem:v6+s7+$0x0] =	vst.idx.add.f32.msk $0xffff, v2  }
0x35c: {  	s12 =	sor.u32 s19, s24;
	v6 =	vadd.s32 v1, v8;
	v8 =	vld [tilespmem:s6+$0x0]  }
0x35d: {  	v7 =	vld [tilespmem:s12+$0x0]  }
0x35e: {  	s12 =	sor.u32 $0x1300, s31;
	[tilespmem:v5+s8+$0x0] =	vst.idx.add.f32.msk $0xffff, v2  }
0x35f: {  	s5 =	sor.u32 s15, s13;
	s13 =	sor.u32 s18, s24;
	s24 =	sor.u32 s29, s12;
	[tilespmem:v3+s8+$0x0] =	vst.idx.add.f32.msk $0xffff, v2  }
0x360: {  	s12 =	sor.u32 s30, s12;
	v5 =	vld [tilespmem:s24+$0x0]  }
0x361: {  	v3 =	vadd.s32 v1, v4;
	v4 =	vld [tilespmem:s12+$0x0]  }
0x362: {  	[tilespmem:v6+s8+$0x0] =	vst.idx.add.f32.msk $0xffff, v2;
	v6 =	vadd.s32 v1, v8;
	_ =	sdelay $0x1  }
0x363: {  	v7 =	vadd.s32 v1, v7  }
0x364: {  	v8 =	vld [tilespmem:s22+$0x0]  }
0x365: {  	s24 =	sor.u32 $0x7280, s16;
	v5 =	vadd.s32 v1, v5;
	[tilespmem:v3+s7+$0x0] =	vst.idx.add.f32.msk $0xffff, v2  }
0x366: {  	s6 =	sor.u32 s17, s24;
	v3 =	vadd.s32 v1, v4;
	[tilespmem:v6+s7+$0x0] =	vst.idx.add.f32.msk $0xffff, v2  }
0x367: {  	s12 =	sor.u32 s15, s24;
	s24 =	sor.u32 $0x4300, s20;
	v4 =	vld [tilespmem:s6+$0x0]  }
0x368: {  	[tilespmem:v7+s8+$0x0] =	vst.idx.add.f32.msk $0xffff, v2;
	s6 =	sor.u32 s19, s24  }
0x369: {  	v7 =	vld [tilespmem:s6+$0x0]  }
0x36a: {  	s6 =	sor.u32 $0x1380, s31;
	[tilespmem:v5+s9+$0x0] =	vst.idx.add.f32.msk $0xffff, v2  }
0x36b: {  	s22 =	sor.u32 s18, s24;
	v6 =	vadd.s32 v1, v8;
	s24 =	sor.u32 s29, s6;
	[tilespmem:v3+s9+$0x0] =	vst.idx.add.f32.msk $0xffff, v2  }
0x36c: {  	s6 =	sor.u32 s30, s6;
	v5 =	vld [tilespmem:s24+$0x0];
	v3 =	vadd.s32 v1, v4  }
0x36d: {  	v4 =	vld [tilespmem:s6+$0x0]  }
0x36e: {  	v7 =	vadd.s32 v1, v7  }
0x36f: {  	v8 =	vld [tilespmem:s23+$0x0]  }
0x370: {  	s23 =	sor.u32 $0x7300, s16;
	[tilespmem:v6+s9+$0x0] =	vst.idx.add.f32.msk $0xffff, v2  }
0x371: {  	s6 =	sor.u32 s17, s23;
	v5 =	vadd.s32 v1, v5;
	[tilespmem:v3+s8+$0x0] =	vst.idx.add.f32.msk $0xffff, v2  }
0x372: {  	v3 =	vadd.s32 v1, v4;
	v4 =	vld [tilespmem:s6+$0x0]  }
0x373: {  	s6 =	sor.u32 $0x4380, s20;
	[tilespmem:v7+s9+$0x0] =	vst.idx.add.f32.msk $0xffff, v2  }
0x374: {  	s24 =	sor.u32 s15, s23;
	v7 =	vadd.s32 v1, v8;
	v8 =	vld [tilespmem:s25+$0x0];
	s23 =	sor.u32 s18, s6;
	s6 =	sor.u32 s19, s6  }
0x375: {  	v6 =	vld [tilespmem:s6+$0x0]  }
0x376: {  	s6 =	sor.u32 $0x2000, s31;
	[tilespmem:v5+s10+$0x0] =	vst.idx.add.f32.msk $0xffff, v2  }
0x377: {  	s25 =	sor.u32 s29, s6;
	[tilespmem:v3+s10+$0x0] =	vst.idx.add.f32.msk $0xffff, v2  }
0x378: {  	s6 =	sor.u32 s30, s6;
	v5 =	vld [tilespmem:s25+$0x0];
	v3 =	vadd.s32 v1, v4  }
0x379: {  	v4 =	vld [tilespmem:s6+$0x0];
	v8 =	vadd.s32 v1, v8;
	_ =	sdelay $0x1  }
0x37a: {  	[tilespmem:v7+s8+$0x0] =	vst.idx.add.f32.msk $0xffff, v2;
	v6 =	vadd.s32 v1, v6  }
0x37b: {  	v7 =	vld [tilespmem:s0+$0x0]  }
0x37c: {  	s25 =	sor.u32 $0x7380, s16;
	s16 =	smov.u32 s20;
	v5 =	vadd.s32 v1, v5;
	[tilespmem:v3+s9+$0x0] =	vst.idx.add.f32.msk $0xffff, v2  }
0x37d: {  	s20 =	smov.u32 s31;
	s6 =	sor.u32 s15, s25;
	s25 =	sor.u32 s17, s25;
	v3 =	vadd.s32 v1, v4;
	[tilespmem:v8+s10+$0x0] =	vst.idx.add.f32.msk $0xffff, v2  }
0x37e: {  	s15 =	smov.u32 s18;
	s17 =	smov.u32 s19;
	s31 =	sor.u32 $0x5000, s16;
	v4 =	vld [tilespmem:s25+$0x0]  }
0x37f: {  	s18 =	smov.u32 s29;
	s29 =	sor.u32 s15, s31;
	s31 =	sor.u32 s17, s31;
	[tilespmem:v6+s10+$0x0] =	vst.idx.add.f32.msk $0xffff, v2  }
0x380: {  	v6 =	vld [tilespmem:s31+$0x0]  }
0x381: {  	s25 =	sor.u32 $0x2080, s20;
	[tilespmem:v5+s7+$0x0] =	vst.idx.add.f32.msk $0xffff, v2  }
0x382: {  	s19 =	smov.u32 s30;
	v7 =	vadd.s32 v1, v7;
	s31 =	sor.u32 s18, s25;
	[tilespmem:v3+s7+$0x0] =	vst.idx.add.f32.msk $0xffff, v2  }
0x383: {  	s0 =	sor.u32 s19, s25;
	v5 =	vld [tilespmem:s31+$0x0];
	v3 =	vadd.s32 v1, v4  }
0x384: {  	v4 =	vld [tilespmem:s0+$0x0]  }
0x385: {  	v6 =	vadd.s32 v1, v6  }
0x386: {  	v8 =	vld [tilespmem:s14+$0x0]  }
0x387: {  	[tilespmem:v7+s9+$0x0] =	vst.idx.add.f32.msk $0xffff, v2  }
0x388: {  	v5 =	vadd.s32 v1, v5;
	[tilespmem:v3+s10+$0x0] =	vst.idx.add.f32.msk $0xffff, v2  }
0x389: {  	v3 =	vadd.s32 v1, v4;
	v4 =	vld [tilespmem:s1+$0x0]  }
0x38a: {  	s25 =	rddreg [dreg:$0x4];
	s31 =	sor.u32 $0x5080, s16;
	[tilespmem:v6+s7+$0x0] =	vst.idx.add.f32.msk $0xffff, v2  }
0x38b: {  	s14 =	sor.u32 s17, s31;
	v6 =	vadd.s32 v1, v8;
	v8 =	vld [tilespmem:s25+$0x0]  }
0x38c: {  	v7 =	vld [tilespmem:s14+$0x0]  }
0x38d: {  	s1 =	sor.u32 $0x2100, s20;
	[tilespmem:v5+s8+$0x0] =	vst.idx.add.f32.msk $0xffff, v2  }
0x38e: {  	s0 =	sor.u32 s15, s31;
	s31 =	sor.u32 s18, s1;
	[tilespmem:v3+s8+$0x0] =	vst.idx.add.f32.msk $0xffff, v2  }
0x38f: {  	s1 =	sor.u32 s19, s1;
	v4 =	vadd.s32 v1, v4;
	v5 =	vld [tilespmem:s31+$0x0]  }
0x390: {  	v3 =	vld [tilespmem:s1+$0x0]  }
0x391: {  	[tilespmem:v6+s7+$0x0] =	vst.idx.add.f32.msk $0xffff, v2;
	v6 =	vadd.s32 v1, v8  }
0x392: {  	v7 =	vadd.s32 v1, v7  }
0x393: {  	v8 =	vld [tilespmem:s13+$0x0]  }
0x394: {  	[tilespmem:v4+s10+$0x0] =	vst.idx.add.f32.msk $0xffff, v2;
	v5 =	vadd.s32 v1, v5  }
0x395: {  	v3 =	vadd.s32 v1, v3;
	v4 =	vld [tilespmem:s2+$0x0]  }
0x396: {  	s14 =	sor.u32 $0x5100, s16;
	[tilespmem:v6+s8+$0x0] =	vst.idx.add.f32.msk $0xffff, v2  }
0x397: {  	s1 =	sor.u32 s17, s14;
	[tilespmem:v7+s8+$0x0] =	vst.idx.add.f32.msk $0xffff, v2  }
0x398: {  	v7 =	vld [tilespmem:s1+$0x0]  }
0x399: {  	s25 =	sor.u32 $0x2180, s20;
	v8 =	vadd.s32 v1, v8;
	[tilespmem:v5+s9+$0x0] =	vst.idx.add.f32.msk $0xffff, v2  }
0x39a: {  	s31 =	sor.u32 s18, s25;
	[tilespmem:v3+s9+$0x0] =	vst.idx.add.f32.msk $0xffff, v2  }
0x39b: {  	s1 =	sor.u32 s19, s25;
	v4 =	vadd.s32 v1, v4;
	v5 =	vld [tilespmem:s31+$0x0]  }
0x39c: {  	v3 =	vld [tilespmem:s1+$0x0];
	_ =	sdelay $0x1  }
0x39d: {  	[tilespmem:v8+s8+$0x0] =	vst.idx.add.f32.msk $0xffff, v2;
	v6 =	vadd.s32 v1, v7  }
0x39e: {  	v7 =	vld [tilespmem:s22+$0x0]  }
0x39f: {  	[tilespmem:v4+s7+$0x0] =	vst.idx.add.f32.msk $0xffff, v2;
	v5 =	vadd.s32 v1, v5  }
0x3a0: {  	v3 =	vadd.s32 v1, v3;
	v4 =	vld [tilespmem:s11+$0x0]  }
0x3a1: {  	s13 =	sor.u32 $0x5180, s16;
	v8 =	vld [tilespmem:s3+$0x0]  }
0x3a2: {  	s1 =	sor.u32 s17, s13;
	[tilespmem:v6+s9+$0x0] =	vst.idx.add.f32.msk $0xffff, v2  }
0x3a3: {  	v7 =	vadd.s32 v1, v7;
	v6 =	vld [tilespmem:s1+$0x0]  }
0x3a4: {  	s2 =	sor.u32 s15, s14;
	s14 =	sor.u32 $0x2200, s20;
	[tilespmem:v5+s10+$0x0] =	vst.idx.add.f32.msk $0xffff, v2  }
0x3a5: {  	s22 =	sor.u32 s18, s14;
	[tilespmem:v3+s10+$0x0] =	vst.idx.add.f32.msk $0xffff, v2  }
0x3a6: {  	s1 =	sor.u32 s19, s14;
	v4 =	vadd.s32 v1, v4;
	v5 =	vld [tilespmem:s22+$0x0]  }
0x3a7: {  	v3 =	vld [tilespmem:s1+$0x0]  }
0x3a8: {  	[tilespmem:v7+s9+$0x0] =	vst.idx.add.f32.msk $0xffff, v2;
	v7 =	vadd.s32 v1, v8  }
0x3a9: {  	v6 =	vadd.s32 v1, v6  }
0x3aa: {  	v8 =	vld [tilespmem:s23+$0x0]  }
0x3ab: {  	s31 =	rddreg [dreg:$0x5];
	[tilespmem:v4+s8+$0x0] =	vst.idx.add.f32.msk $0xffff, v2;
	v5 =	vadd.s32 v1, v5  }
0x3ac: {  	v3 =	vadd.s32 v1, v3;
	v4 =	vld [tilespmem:s31+$0x0]  }
0x3ad: {  	s25 =	smov.u32 s24;
	s24 =	sor.u32 $0x5200, s16;
	[tilespmem:v7+s9+$0x0] =	vst.idx.add.f32.msk $0xffff, v2  }
0x3ae: {  	s1 =	sor.u32 s17, s24;
	[tilespmem:v6+s10+$0x0] =	vst.idx.add.f32.msk $0xffff, v2  }
0x3af: {  	v6 =	vld [tilespmem:s1+$0x0]  }
0x3b0: {  	s3 =	sor.u32 $0x2280, s20;
	v8 =	vadd.s32 v1, v8;
	[tilespmem:v5+s7+$0x0] =	vst.idx.add.f32.msk $0xffff, v2  }
0x3b1: {  	s30 =	smov.u32 s12;
	s12 =	sor.u32 s15, s13;
	s13 =	sor.u32 s18, s3;
	[tilespmem:v3+s7+$0x0] =	vst.idx.add.f32.msk $0xffff, v2  }
0x3b2: {  	s1 =	sor.u32 s19, s3;
	v4 =	vadd.s32 v1, v4;
	v5 =	vld [tilespmem:s13+$0x0]  }
0x3b3: {  	v3 =	vld [tilespmem:s1+$0x0];
	_ =	sdelay $0x1  }
0x3b4: {  	[tilespmem:v8+s10+$0x0] =	vst.idx.add.f32.msk $0xffff, v2;
	v6 =	vadd.s32 v1, v6  }
0x3b5: {  	v7 =	vld [tilespmem:s29+$0x0]  }
0x3b6: {  	[tilespmem:v4+s9+$0x0] =	vst.idx.add.f32.msk $0xffff, v2;
	v5 =	vadd.s32 v1, v5  }
0x3b7: {  	s23 =	rddreg [dreg:$0x3];
	v3 =	vadd.s32 v1, v3;
	v4 =	vld [tilespmem:s4+$0x0]  }
0x3b8: {  	s14 =	sor.u32 $0x5280, s16;
	v8 =	vld [tilespmem:s23+$0x0]  }
0x3b9: {  	s3 =	sor.u32 s17, s14;
	[tilespmem:v6+s7+$0x0] =	vst.idx.add.f32.msk $0xffff, v2  }
0x3ba: {  	v7 =	vadd.s32 v1, v7;
	v6 =	vld [tilespmem:s3+$0x0]  }
0x3bb: {  	s22 =	sor.u32 $0x2300, s20;
	[tilespmem:v5+s8+$0x0] =	vst.idx.add.f32.msk $0xffff, v2  }
0x3bc: {  	s3 =	sor.u32 s19, s22;
	[tilespmem:v3+s8+$0x0] =	vst.idx.add.f32.msk $0xffff, v2  }
0x3bd: {  	s11 =	sor.u32 s15, s24;
	s24 =	sor.u32 s18, s22;
	v4 =	vadd.s32 v1, v4;
	v3 =	vld [tilespmem:s3+$0x0]  }
0x3be: {  	v5 =	vld [tilespmem:s24+$0x0]  }
0x3bf: {  	[tilespmem:v7+s7+$0x0] =	vst.idx.add.f32.msk $0xffff, v2;
	v7 =	vadd.s32 v1, v8  }
0x3c0: {  	v63 =	vadd.s32 v1, v6  }
0x3c1: {  	s26 =	sadd.s32 $0x2, s26;
	v8 =	vld [tilespmem:s0+$0x0]  }
0x3c2: {  	p0 =	slt.u32 s26, $0x1E;
	[tilespmem:v4+s10+$0x0] =	vst.idx.add.f32.msk $0xffff, v2;
	v10 =	vadd.s32 v1, v3  }
.Ltmp1:
0x3c3: {  	v3 =	vld [tilespmem:s5+$0x0];
	(pc) =	sbr.rel @p0 .LBB2_4-.Ltmp1, $4  }
0x3c4: {  	s29 =	sor.u32 $0x5300, s16;
	[tilespmem:v7+s10+$0x0] =	vst.idx.add.f32.msk $0xffff, v2  }
0x3c5: {  	s28 =	sadd.s32 $0x20, s28;
	s3 =	sor.u32 s17, s29;
	[tilespmem:v63+s8+$0x0] =	vst.idx.add.f32.msk $0xffff, v2  }
0x3c6: {  	s31 =	sor.u32 $0x2380, s20;
	s1 =	sor.u32 s15, s14;
	s14 =	smov.u32 s6;
	v4 =	vld [tilespmem:s3+$0x0]  }
0x3c7: {  	s4 =	sor.u32 s19, s31;
	s0 =	sor.u32 s15, s29;
	v6 =	vadd.s32 v1, v5;
	v5 =	vadd.s32 v1, v8;
	s3 =	sor.u32 s18, s31;
	[tilespmem:v10+s9+$0x0] =	vst.idx.add.f32.msk $0xffff, v2  }
0x3c8: {  	_ =	sdelay $0x2  }
0x3c9: {  	v7 =	vld [tilespmem:s4+$0x0]  }
0x3ca: {  	[tilespmem:v6+s9+$0x0] =	vst.idx.add.f32.msk $0xffff, v2  }
0x3cb: {  	v6 =	vld [tilespmem:s3+$0x0];
	_ =	sdelay $0x2  }
0x3cc: {  	v7 =	vadd.s32 v1, v7;
	_ =	sdelay $0x1  }
0x3cd: {  	v6 =	vadd.s32 v1, v6;
	_ =	sdelay $0x1  }
0x3ce: {  	s6 =	sor.u32 $0x3000, s20  }
0x3cf: {  	s13 =	sor.u32 s19, s6;
	[tilespmem:v7+s10+$0x0] =	vst.idx.add.f32.msk $0xffff, v2  }
0x3d0: {  	v7 =	vld [tilespmem:s13+$0x0]  }
0x3d1: {  	s3 =	sor.u32 s18, s6;
	[tilespmem:v6+s10+$0x0] =	vst.idx.add.f32.msk $0xffff, v2  }
0x3d2: {  	v6 =	vld [tilespmem:s3+$0x0];
	_ =	sdelay $0x2  }
0x3d3: {  	v7 =	vadd.s32 v1, v7;
	_ =	sdelay $0x1  }
0x3d4: {  	v6 =	vadd.s32 v1, v6;
	_ =	sdelay $0x1  }
0x3d5: {  	s21 =	sor.u32 $0x3080, s20  }
0x3d6: {  	s22 =	sor.u32 s19, s21;
	[tilespmem:v7+s7+$0x0] =	vst.idx.add.f32.msk $0xffff, v2  }
0x3d7: {  	v7 =	vld [tilespmem:s22+$0x0]  }
0x3d8: {  	s3 =	sor.u32 s18, s21;
	[tilespmem:v6+s7+$0x0] =	vst.idx.add.f32.msk $0xffff, v2  }
0x3d9: {  	v6 =	vld [tilespmem:s3+$0x0];
	_ =	sdelay $0x2  }
0x3da: {  	v7 =	vadd.s32 v1, v7;
	_ =	sdelay $0x1  }
0x3db: {  	v6 =	vadd.s32 v1, v6;
	_ =	sdelay $0x1  }
0x3dc: {  	s23 =	sor.u32 $0x3100, s20  }
0x3dd: {  	s24 =	sor.u32 s19, s23;
	[tilespmem:v7+s8+$0x0] =	vst.idx.add.f32.msk $0xffff, v2  }
0x3de: {  	v7 =	vld [tilespmem:s24+$0x0]  }
0x3df: {  	s3 =	sor.u32 s18, s23;
	[tilespmem:v6+s8+$0x0] =	vst.idx.add.f32.msk $0xffff, v2  }
0x3e0: {  	v6 =	vld [tilespmem:s3+$0x0];
	_ =	sdelay $0x2  }
0x3e1: {  	v7 =	vadd.s32 v1, v7;
	_ =	sdelay $0x1  }
0x3e2: {  	v6 =	vadd.s32 v1, v6;
	_ =	sdelay $0x1  }
0x3e3: {  	s26 =	sor.u32 $0x3180, s20  }
0x3e4: {  	s28 =	sor.u32 s19, s26;
	[tilespmem:v7+s9+$0x0] =	vst.idx.add.f32.msk $0xffff, v2  }
0x3e5: {  	v7 =	vld [tilespmem:s28+$0x0]  }
0x3e6: {  	s3 =	sor.u32 s18, s26;
	[tilespmem:v6+s9+$0x0] =	vst.idx.add.f32.msk $0xffff, v2  }
0x3e7: {  	v6 =	vld [tilespmem:s3+$0x0];
	_ =	sdelay $0x2  }
0x3e8: {  	v7 =	vadd.s32 v1, v7;
	_ =	sdelay $0x1  }
0x3e9: {  	v6 =	vadd.s32 v1, v6;
	_ =	sdelay $0x1  }
0x3ea: {  	s29 =	sor.u32 $0x3200, s20  }
0x3eb: {  	s31 =	sor.u32 s19, s29;
	[tilespmem:v7+s10+$0x0] =	vst.idx.add.f32.msk $0xffff, v2  }
0x3ec: {  	v7 =	vld [tilespmem:s31+$0x0]  }
0x3ed: {  	s3 =	sor.u32 s18, s29;
	[tilespmem:v6+s10+$0x0] =	vst.idx.add.f32.msk $0xffff, v2  }
0x3ee: {  	v6 =	vld [tilespmem:s3+$0x0];
	_ =	sdelay $0x2  }
0x3ef: {  	v7 =	vadd.s32 v1, v7;
	_ =	sdelay $0x1  }
0x3f0: {  	v6 =	vadd.s32 v1, v6;
	_ =	sdelay $0x1  }
0x3f1: {  	s5 =	sor.u32 $0x3280, s20  }
0x3f2: {  	s6 =	sor.u32 s19, s5;
	[tilespmem:v7+s7+$0x0] =	vst.idx.add.f32.msk $0xffff, v2  }
0x3f3: {  	v7 =	vld [tilespmem:s6+$0x0]  }
0x3f4: {  	s3 =	sor.u32 s18, s5;
	[tilespmem:v6+s7+$0x0] =	vst.idx.add.f32.msk $0xffff, v2  }
0x3f5: {  	v6 =	vld [tilespmem:s3+$0x0];
	_ =	sdelay $0x2  }
0x3f6: {  	v7 =	vadd.s32 v1, v7;
	_ =	sdelay $0x1  }
0x3f7: {  	v6 =	vadd.s32 v1, v6;
	_ =	sdelay $0x1  }
0x3f8: {  	s13 =	sor.u32 $0x3300, s20  }
0x3f9: {  	s21 =	sor.u32 s19, s13;
	[tilespmem:v7+s8+$0x0] =	vst.idx.add.f32.msk $0xffff, v2  }
0x3fa: {  	v7 =	vld [tilespmem:s21+$0x0]  }
0x3fb: {  	s3 =	sor.u32 s18, s13;
	[tilespmem:v6+s8+$0x0] =	vst.idx.add.f32.msk $0xffff, v2  }
0x3fc: {  	v6 =	vld [tilespmem:s3+$0x0];
	_ =	sdelay $0x2  }
0x3fd: {  	v7 =	vadd.s32 v1, v7;
	_ =	sdelay $0x1  }
0x3fe: {  	v6 =	vadd.s32 v1, v6;
	_ =	sdelay $0x1  }
0x3ff: {  	s22 =	sor.u32 $0x3380, s20  }
0x400: {  	s23 =	sor.u32 s19, s22;
	[tilespmem:v7+s9+$0x0] =	vst.idx.add.f32.msk $0xffff, v2  }
0x401: {  	v7 =	vld [tilespmem:s23+$0x0]  }
0x402: {  	s3 =	sor.u32 s18, s22;
	[tilespmem:v6+s9+$0x0] =	vst.idx.add.f32.msk $0xffff, v2  }
0x403: {  	v6 =	vld [tilespmem:s3+$0x0];
	_ =	sdelay $0x2  }
0x404: {  	v7 =	vadd.s32 v1, v7;
	_ =	sdelay $0x1  }
0x405: {  	v6 =	vadd.s32 v1, v6;
	_ =	sdelay $0x1  }
0x406: {  	s24 =	sor.u32 $0x4000, s20  }
0x407: {  	s26 =	sor.u32 s19, s24;
	[tilespmem:v7+s10+$0x0] =	vst.idx.add.f32.msk $0xffff, v2  }
0x408: {  	v7 =	vld [tilespmem:s26+$0x0]  }
0x409: {  	s3 =	sor.u32 s18, s24;
	[tilespmem:v6+s10+$0x0] =	vst.idx.add.f32.msk $0xffff, v2  }
0x40a: {  	v6 =	vld [tilespmem:s3+$0x0];
	_ =	sdelay $0x2  }
0x40b: {  	v7 =	vadd.s32 v1, v7;
	_ =	sdelay $0x1  }
0x40c: {  	v6 =	vadd.s32 v1, v6;
	_ =	sdelay $0x1  }
0x40d: {  	s28 =	sor.u32 $0x4080, s20  }
0x40e: {  	s29 =	sor.u32 s19, s28;
	[tilespmem:v7+s7+$0x0] =	vst.idx.add.f32.msk $0xffff, v2  }
0x40f: {  	v7 =	vld [tilespmem:s29+$0x0]  }
0x410: {  	s3 =	sor.u32 s18, s28;
	[tilespmem:v6+s7+$0x0] =	vst.idx.add.f32.msk $0xffff, v2  }
0x411: {  	v6 =	vld [tilespmem:s3+$0x0];
	_ =	sdelay $0x2  }
0x412: {  	v7 =	vadd.s32 v1, v7;
	_ =	sdelay $0x1  }
0x413: {  	v6 =	vadd.s32 v1, v6;
	_ =	sdelay $0x1  }
0x414: {  	s31 =	sor.u32 $0x4100, s20  }
0x415: {  	s5 =	sor.u32 s19, s31;
	[tilespmem:v7+s8+$0x0] =	vst.idx.add.f32.msk $0xffff, v2  }
0x416: {  	v7 =	vld [tilespmem:s5+$0x0]  }
0x417: {  	s3 =	sor.u32 s18, s31;
	[tilespmem:v6+s8+$0x0] =	vst.idx.add.f32.msk $0xffff, v2  }
0x418: {  	v6 =	vld [tilespmem:s3+$0x0];
	_ =	sdelay $0x2  }
0x419: {  	v7 =	vadd.s32 v1, v7;
	_ =	sdelay $0x1  }
0x41a: {  	v6 =	vadd.s32 v1, v6;
	_ =	sdelay $0x1  }
0x41b: {  	s6 =	sor.u32 $0x4180, s20  }
0x41c: {  	s13 =	sor.u32 s19, s6;
	[tilespmem:v7+s9+$0x0] =	vst.idx.add.f32.msk $0xffff, v2  }
0x41d: {  	v7 =	vld [tilespmem:s13+$0x0]  }
0x41e: {  	s3 =	sor.u32 s18, s6;
	[tilespmem:v6+s9+$0x0] =	vst.idx.add.f32.msk $0xffff, v2  }
0x41f: {  	v6 =	vld [tilespmem:s3+$0x0];
	_ =	sdelay $0x2  }
0x420: {  	v7 =	vadd.s32 v1, v7;
	_ =	sdelay $0x1  }
0x421: {  	v6 =	vadd.s32 v1, v6;
	_ =	sdelay $0x1  }
0x422: {  	s21 =	sor.u32 $0x4200, s20  }
0x423: {  	s22 =	sor.u32 s19, s21;
	[tilespmem:v7+s10+$0x0] =	vst.idx.add.f32.msk $0xffff, v2  }
0x424: {  	v7 =	vld [tilespmem:s22+$0x0]  }
0x425: {  	s3 =	sor.u32 s18, s21;
	[tilespmem:v6+s10+$0x0] =	vst.idx.add.f32.msk $0xffff, v2  }
0x426: {  	v6 =	vld [tilespmem:s3+$0x0];
	_ =	sdelay $0x2  }
0x427: {  	v7 =	vadd.s32 v1, v7;
	_ =	sdelay $0x1  }
0x428: {  	v6 =	vadd.s32 v1, v6;
	_ =	sdelay $0x1  }
0x429: {  	s23 =	sor.u32 $0x4280, s20  }
0x42a: {  	s24 =	sor.u32 s19, s23;
	[tilespmem:v7+s7+$0x0] =	vst.idx.add.f32.msk $0xffff, v2  }
0x42b: {  	v7 =	vld [tilespmem:s24+$0x0]  }
0x42c: {  	s3 =	sor.u32 s18, s23;
	[tilespmem:v6+s7+$0x0] =	vst.idx.add.f32.msk $0xffff, v2  }
0x42d: {  	v6 =	vld [tilespmem:s3+$0x0];
	_ =	sdelay $0x2  }
0x42e: {  	v7 =	vadd.s32 v1, v7;
	_ =	sdelay $0x1  }
0x42f: {  	v6 =	vadd.s32 v1, v6;
	_ =	sdelay $0x1  }
0x430: {  	s26 =	sor.u32 $0x4300, s20  }
0x431: {  	s28 =	sor.u32 s19, s26;
	[tilespmem:v7+s8+$0x0] =	vst.idx.add.f32.msk $0xffff, v2  }
0x432: {  	v7 =	vld [tilespmem:s28+$0x0]  }
0x433: {  	s3 =	sor.u32 s18, s26;
	[tilespmem:v6+s8+$0x0] =	vst.idx.add.f32.msk $0xffff, v2  }
0x434: {  	v6 =	vld [tilespmem:s3+$0x0];
	_ =	sdelay $0x2  }
0x435: {  	v7 =	vadd.s32 v1, v7;
	_ =	sdelay $0x1  }
0x436: {  	v6 =	vadd.s32 v1, v6;
	_ =	sdelay $0x1  }
0x437: {  	s29 =	sor.u32 $0x4380, s20  }
0x438: {  	s31 =	sor.u32 s19, s29;
	[tilespmem:v7+s9+$0x0] =	vst.idx.add.f32.msk $0xffff, v2  }
0x439: {  	v7 =	vld [tilespmem:s31+$0x0]  }
0x43a: {  	s3 =	sor.u32 s18, s29;
	[tilespmem:v6+s9+$0x0] =	vst.idx.add.f32.msk $0xffff, v2  }
0x43b: {  	v6 =	vld [tilespmem:s3+$0x0];
	_ =	sdelay $0x2  }
0x43c: {  	v7 =	vadd.s32 v1, v7;
	_ =	sdelay $0x1  }
0x43d: {  	v6 =	vadd.s32 v1, v6;
	_ =	sdelay $0x1  }
0x43e: {  	s5 =	sor.u32 $0x5000, s20  }
0x43f: {  	s6 =	sor.u32 s19, s5;
	[tilespmem:v7+s10+$0x0] =	vst.idx.add.f32.msk $0xffff, v2  }
0x440: {  	v7 =	vld [tilespmem:s6+$0x0]  }
0x441: {  	s3 =	sor.u32 s18, s5;
	[tilespmem:v6+s10+$0x0] =	vst.idx.add.f32.msk $0xffff, v2  }
0x442: {  	v6 =	vld [tilespmem:s3+$0x0];
	_ =	sdelay $0x2  }
0x443: {  	v7 =	vadd.s32 v1, v7;
	_ =	sdelay $0x1  }
0x444: {  	v6 =	vadd.s32 v1, v6;
	_ =	sdelay $0x1  }
0x445: {  	s13 =	sor.u32 $0x5080, s20  }
0x446: {  	s21 =	sor.u32 s19, s13;
	[tilespmem:v7+s7+$0x0] =	vst.idx.add.f32.msk $0xffff, v2  }
0x447: {  	v7 =	vld [tilespmem:s21+$0x0]  }
0x448: {  	s3 =	sor.u32 s18, s13;
	[tilespmem:v6+s7+$0x0] =	vst.idx.add.f32.msk $0xffff, v2  }
0x449: {  	v6 =	vld [tilespmem:s3+$0x0]  }
0x44a: {  	[tilespmem:v5+s8+$0x0] =	vst.idx.add.f32.msk $0xffff, v2  }
0x44b: {  	v5 =	vld [tilespmem:s2+$0x0]  }
0x44c: {  	v7 =	vadd.s32 v1, v7;
	_ =	sdelay $0x1  }
0x44d: {  	v6 =	vadd.s32 v1, v6;
	_ =	sdelay $0x1  }
0x44e: {  	v5 =	vadd.s32 v1, v5;
	s22 =	sor.u32 $0x5100, s20  }
0x44f: {  	s23 =	sor.u32 s19, s22;
	[tilespmem:v7+s8+$0x0] =	vst.idx.add.f32.msk $0xffff, v2  }
0x450: {  	v7 =	vld [tilespmem:s23+$0x0]  }
0x451: {  	s24 =	sor.u32 s18, s22;
	[tilespmem:v6+s8+$0x0] =	vst.idx.add.f32.msk $0xffff, v2  }
0x452: {  	v6 =	vld [tilespmem:s24+$0x0]  }
0x453: {  	[tilespmem:v5+s9+$0x0] =	vst.idx.add.f32.msk $0xffff, v2  }
0x454: {  	v5 =	vld [tilespmem:s12+$0x0]  }
0x455: {  	v7 =	vadd.s32 v1, v7;
	_ =	sdelay $0x1  }
0x456: {  	v6 =	vadd.s32 v1, v6;
	_ =	sdelay $0x1  }
0x457: {  	v5 =	vadd.s32 v1, v5;
	s26 =	sor.u32 $0x5180, s20  }
0x458: {  	s28 =	sor.u32 s19, s26;
	[tilespmem:v7+s9+$0x0] =	vst.idx.add.f32.msk $0xffff, v2  }
0x459: {  	v7 =	vld [tilespmem:s28+$0x0]  }
0x45a: {  	s2 =	sor.u32 s18, s26;
	[tilespmem:v6+s9+$0x0] =	vst.idx.add.f32.msk $0xffff, v2  }
0x45b: {  	v6 =	vld [tilespmem:s2+$0x0]  }
0x45c: {  	[tilespmem:v5+s10+$0x0] =	vst.idx.add.f32.msk $0xffff, v2  }
0x45d: {  	v5 =	vld [tilespmem:s11+$0x0]  }
0x45e: {  	v7 =	vadd.s32 v1, v7;
	_ =	sdelay $0x1  }
0x45f: {  	v6 =	vadd.s32 v1, v6;
	_ =	sdelay $0x1  }
0x460: {  	v5 =	vadd.s32 v1, v5;
	s29 =	sor.u32 $0x5200, s20  }
0x461: {  	s31 =	sor.u32 s19, s29;
	[tilespmem:v7+s10+$0x0] =	vst.idx.add.f32.msk $0xffff, v2  }
0x462: {  	v7 =	vld [tilespmem:s31+$0x0]  }
0x463: {  	s2 =	sor.u32 s18, s29;
	[tilespmem:v6+s10+$0x0] =	vst.idx.add.f32.msk $0xffff, v2  }
0x464: {  	v6 =	vld [tilespmem:s2+$0x0]  }
0x465: {  	[tilespmem:v5+s7+$0x0] =	vst.idx.add.f32.msk $0xffff, v2  }
0x466: {  	v5 =	vld [tilespmem:s1+$0x0]  }
0x467: {  	v7 =	vadd.s32 v1, v7;
	_ =	sdelay $0x1  }
0x468: {  	v6 =	vadd.s32 v1, v6;
	_ =	sdelay $0x1  }
0x469: {  	s4 =	sor.u32 $0x5280, s20;
	v5 =	vadd.s32 v1, v5  }
0x46a: {  	s5 =	sor.u32 s19, s4;
	[tilespmem:v7+s7+$0x0] =	vst.idx.add.f32.msk $0xffff, v2  }
0x46b: {  	v7 =	vld [tilespmem:s5+$0x0]  }
0x46c: {  	s6 =	sor.u32 s18, s4;
	[tilespmem:v6+s7+$0x0] =	vst.idx.add.f32.msk $0xffff, v2  }
0x46d: {  	v6 =	vld [tilespmem:s6+$0x0]  }
0x46e: {  	v4 =	vadd.s32 v1, v4;
	[tilespmem:v5+s8+$0x0] =	vst.idx.add.f32.msk $0xffff, v2  }
0x46f: {  	v5 =	vld [tilespmem:s0+$0x0]  }
0x470: {  	v7 =	vadd.s32 v1, v7;
	_ =	sdelay $0x1  }
0x471: {  	s21 =	sor.u32 $0x5380, s16;
	v6 =	vadd.s32 v1, v6  }
0x472: {  	[tilespmem:v4+s9+$0x0] =	vst.idx.add.f32.msk $0xffff, v2;
	s22 =	sor.u32 s17, s21  }
0x473: {  	s11 =	sor.u32 $0x5300, s20;
	v5 =	vadd.s32 v1, v5;
	v4 =	vld [tilespmem:s22+$0x0]  }
0x474: {  	s12 =	sor.u32 s19, s11;
	[tilespmem:v7+s8+$0x0] =	vst.idx.add.f32.msk $0xffff, v2  }
0x475: {  	v7 =	vld [tilespmem:s12+$0x0]  }
0x476: {  	s13 =	sor.u32 s18, s11;
	[tilespmem:v6+s8+$0x0] =	vst.idx.add.f32.msk $0xffff, v2  }
0x477: {  	v6 =	vld [tilespmem:s13+$0x0]  }
0x478: {  	[tilespmem:v5+s9+$0x0] =	vst.idx.add.f32.msk $0xffff, v2;
	s0 =	sor.u32 s15, s21;
	v4 =	vadd.s32 v1, v4  }
0x479: {  	v5 =	vld [tilespmem:s0+$0x0]  }
0x47a: {  	v7 =	vadd.s32 v1, v7;
	_ =	sdelay $0x1  }
0x47b: {  	s28 =	sor.u32 $0x6000, s16;
	v6 =	vadd.s32 v1, v6  }
0x47c: {  	[tilespmem:v4+s10+$0x0] =	vst.idx.add.f32.msk $0xffff, v2;
	s29 =	sor.u32 s17, s28  }
0x47d: {  	v5 =	vadd.s32 v1, v5;
	s23 =	sor.u32 $0x5380, s20;
	v4 =	vld [tilespmem:s29+$0x0]  }
0x47e: {  	s24 =	sor.u32 s19, s23;
	[tilespmem:v7+s9+$0x0] =	vst.idx.add.f32.msk $0xffff, v2  }
0x47f: {  	v7 =	vld [tilespmem:s24+$0x0]  }
0x480: {  	s26 =	sor.u32 s18, s23;
	[tilespmem:v6+s9+$0x0] =	vst.idx.add.f32.msk $0xffff, v2  }
0x481: {  	v6 =	vld [tilespmem:s26+$0x0]  }
0x482: {  	[tilespmem:v5+s10+$0x0] =	vst.idx.add.f32.msk $0xffff, v2;
	s0 =	sor.u32 s15, s28;
	v4 =	vadd.s32 v1, v4  }
0x483: {  	v5 =	vld [tilespmem:s0+$0x0]  }
0x484: {  	v7 =	vadd.s32 v1, v7;
	_ =	sdelay $0x1  }
0x485: {  	s5 =	sor.u32 $0x6080, s16;
	v6 =	vadd.s32 v1, v6  }
0x486: {  	[tilespmem:v4+s7+$0x0] =	vst.idx.add.f32.msk $0xffff, v2;
	s6 =	sor.u32 s17, s5  }
0x487: {  	v5 =	vadd.s32 v1, v5;
	s31 =	sor.u32 $0x6000, s20;
	v4 =	vld [tilespmem:s6+$0x0]  }
0x488: {  	s3 =	sor.u32 s19, s31;
	[tilespmem:v7+s10+$0x0] =	vst.idx.add.f32.msk $0xffff, v2  }
0x489: {  	v7 =	vld [tilespmem:s3+$0x0]  }
0x48a: {  	s4 =	sor.u32 s18, s31;
	[tilespmem:v6+s10+$0x0] =	vst.idx.add.f32.msk $0xffff, v2  }
0x48b: {  	v6 =	vld [tilespmem:s4+$0x0]  }
0x48c: {  	[tilespmem:v5+s7+$0x0] =	vst.idx.add.f32.msk $0xffff, v2;
	s0 =	sor.u32 s15, s5;
	v4 =	vadd.s32 v1, v4  }
0x48d: {  	v5 =	vld [tilespmem:s0+$0x0]  }
0x48e: {  	v7 =	vadd.s32 v1, v7;
	_ =	sdelay $0x1  }
0x48f: {  	s21 =	sor.u32 $0x6100, s16;
	v6 =	vadd.s32 v1, v6  }
0x490: {  	s22 =	sor.u32 s17, s21;
	[tilespmem:v4+s8+$0x0] =	vst.idx.add.f32.msk $0xffff, v2  }
0x491: {  	s11 =	sor.u32 $0x6080, s20;
	v5 =	vadd.s32 v1, v5;
	v4 =	vld [tilespmem:s22+$0x0]  }
0x492: {  	s12 =	sor.u32 s19, s11;
	[tilespmem:v7+s7+$0x0] =	vst.idx.add.f32.msk $0xffff, v2  }
0x493: {  	v7 =	vld [tilespmem:s12+$0x0]  }
0x494: {  	s13 =	sor.u32 s18, s11;
	[tilespmem:v6+s7+$0x0] =	vst.idx.add.f32.msk $0xffff, v2  }
0x495: {  	v6 =	vld [tilespmem:s13+$0x0]  }
0x496: {  	s0 =	sor.u32 s15, s21;
	[tilespmem:v5+s8+$0x0] =	vst.idx.add.f32.msk $0xffff, v2;
	v4 =	vadd.s32 v1, v4  }
0x497: {  	v5 =	vld [tilespmem:s0+$0x0]  }
0x498: {  	v7 =	vadd.s32 v1, v7;
	_ =	sdelay $0x1  }
0x499: {  	s28 =	sor.u32 $0x6180, s16;
	v6 =	vadd.s32 v1, v6  }
0x49a: {  	s29 =	sor.u32 s17, s28;
	[tilespmem:v4+s9+$0x0] =	vst.idx.add.f32.msk $0xffff, v2  }
0x49b: {  	s23 =	sor.u32 $0x6100, s20;
	v5 =	vadd.s32 v1, v5;
	v4 =	vld [tilespmem:s29+$0x0]  }
0x49c: {  	s24 =	sor.u32 s19, s23;
	[tilespmem:v7+s8+$0x0] =	vst.idx.add.f32.msk $0xffff, v2  }
0x49d: {  	v7 =	vld [tilespmem:s24+$0x0]  }
0x49e: {  	s26 =	sor.u32 s18, s23;
	[tilespmem:v6+s8+$0x0] =	vst.idx.add.f32.msk $0xffff, v2  }
0x49f: {  	v6 =	vld [tilespmem:s26+$0x0]  }
0x4a0: {  	s0 =	sor.u32 s15, s28;
	[tilespmem:v5+s9+$0x0] =	vst.idx.add.f32.msk $0xffff, v2;
	v4 =	vadd.s32 v1, v4  }
0x4a1: {  	v5 =	vld [tilespmem:s0+$0x0]  }
0x4a2: {  	v7 =	vadd.s32 v1, v7;
	_ =	sdelay $0x1  }
0x4a3: {  	s5 =	sor.u32 $0x6200, s16;
	v6 =	vadd.s32 v1, v6  }
0x4a4: {  	s6 =	sor.u32 s17, s5;
	[tilespmem:v4+s10+$0x0] =	vst.idx.add.f32.msk $0xffff, v2  }
0x4a5: {  	s31 =	sor.u32 $0x6180, s20;
	v5 =	vadd.s32 v1, v5;
	v4 =	vld [tilespmem:s6+$0x0]  }
0x4a6: {  	s3 =	sor.u32 s19, s31;
	[tilespmem:v7+s9+$0x0] =	vst.idx.add.f32.msk $0xffff, v2  }
0x4a7: {  	v7 =	vld [tilespmem:s3+$0x0]  }
0x4a8: {  	s4 =	sor.u32 s18, s31;
	[tilespmem:v6+s9+$0x0] =	vst.idx.add.f32.msk $0xffff, v2  }
0x4a9: {  	v6 =	vld [tilespmem:s4+$0x0]  }
0x4aa: {  	s0 =	sor.u32 s15, s5;
	[tilespmem:v5+s10+$0x0] =	vst.idx.add.f32.msk $0xffff, v2;
	v4 =	vadd.s32 v1, v4  }
0x4ab: {  	v5 =	vld [tilespmem:s0+$0x0]  }
0x4ac: {  	v7 =	vadd.s32 v1, v7;
	_ =	sdelay $0x1  }
0x4ad: {  	s21 =	sor.u32 $0x6280, s16;
	v6 =	vadd.s32 v1, v6  }
0x4ae: {  	s22 =	sor.u32 s17, s21;
	[tilespmem:v4+s7+$0x0] =	vst.idx.add.f32.msk $0xffff, v2  }
0x4af: {  	s11 =	sor.u32 $0x6200, s20;
	v5 =	vadd.s32 v1, v5;
	v4 =	vld [tilespmem:s22+$0x0]  }
0x4b0: {  	s12 =	sor.u32 s19, s11;
	[tilespmem:v7+s10+$0x0] =	vst.idx.add.f32.msk $0xffff, v2  }
0x4b1: {  	v7 =	vld [tilespmem:s12+$0x0]  }
0x4b2: {  	s13 =	sor.u32 s18, s11;
	[tilespmem:v6+s10+$0x0] =	vst.idx.add.f32.msk $0xffff, v2  }
0x4b3: {  	v6 =	vld [tilespmem:s13+$0x0]  }
0x4b4: {  	s0 =	sor.u32 s15, s21;
	[tilespmem:v5+s7+$0x0] =	vst.idx.add.f32.msk $0xffff, v2;
	v4 =	vadd.s32 v1, v4  }
0x4b5: {  	v5 =	vld [tilespmem:s0+$0x0]  }
0x4b6: {  	v7 =	vadd.s32 v1, v7;
	_ =	sdelay $0x1  }
0x4b7: {  	s28 =	sor.u32 $0x6300, s16;
	v6 =	vadd.s32 v1, v6  }
0x4b8: {  	s29 =	sor.u32 s17, s28;
	[tilespmem:v4+s8+$0x0] =	vst.idx.add.f32.msk $0xffff, v2  }
0x4b9: {  	s23 =	sor.u32 $0x6280, s20;
	v5 =	vadd.s32 v1, v5;
	v4 =	vld [tilespmem:s29+$0x0]  }
0x4ba: {  	s24 =	sor.u32 s19, s23;
	[tilespmem:v7+s7+$0x0] =	vst.idx.add.f32.msk $0xffff, v2  }
0x4bb: {  	v7 =	vld [tilespmem:s24+$0x0]  }
0x4bc: {  	s26 =	sor.u32 s18, s23;
	[tilespmem:v6+s7+$0x0] =	vst.idx.add.f32.msk $0xffff, v2  }
0x4bd: {  	v6 =	vld [tilespmem:s26+$0x0]  }
0x4be: {  	s0 =	sor.u32 s15, s28;
	[tilespmem:v5+s8+$0x0] =	vst.idx.add.f32.msk $0xffff, v2;
	v4 =	vadd.s32 v1, v4  }
0x4bf: {  	v5 =	vld [tilespmem:s0+$0x0]  }
0x4c0: {  	v7 =	vadd.s32 v1, v7;
	_ =	sdelay $0x1  }
0x4c1: {  	s5 =	sor.u32 $0x6380, s16;
	v6 =	vadd.s32 v1, v6  }
0x4c2: {  	s6 =	sor.u32 s17, s5;
	[tilespmem:v4+s9+$0x0] =	vst.idx.add.f32.msk $0xffff, v2  }
0x4c3: {  	s31 =	sor.u32 $0x6300, s20;
	v5 =	vadd.s32 v1, v5;
	v4 =	vld [tilespmem:s6+$0x0]  }
0x4c4: {  	s3 =	sor.u32 s19, s31;
	[tilespmem:v7+s8+$0x0] =	vst.idx.add.f32.msk $0xffff, v2  }
0x4c5: {  	v7 =	vld [tilespmem:s3+$0x0]  }
0x4c6: {  	s4 =	sor.u32 s18, s31;
	[tilespmem:v6+s8+$0x0] =	vst.idx.add.f32.msk $0xffff, v2  }
0x4c7: {  	v6 =	vld [tilespmem:s4+$0x0]  }
0x4c8: {  	s0 =	sor.u32 s15, s5;
	[tilespmem:v5+s9+$0x0] =	vst.idx.add.f32.msk $0xffff, v2;
	v4 =	vadd.s32 v1, v4  }
0x4c9: {  	v5 =	vld [tilespmem:s0+$0x0]  }
0x4ca: {  	v7 =	vadd.s32 v1, v7;
	_ =	sdelay $0x1  }
0x4cb: {  	s21 =	sor.u32 $0x7000, s16;
	v6 =	vadd.s32 v1, v6  }
0x4cc: {  	s22 =	sor.u32 s17, s21;
	[tilespmem:v4+s10+$0x0] =	vst.idx.add.f32.msk $0xffff, v2  }
0x4cd: {  	s11 =	sor.u32 $0x6380, s20;
	v5 =	vadd.s32 v1, v5;
	v4 =	vld [tilespmem:s22+$0x0]  }
0x4ce: {  	s12 =	sor.u32 s19, s11;
	[tilespmem:v7+s9+$0x0] =	vst.idx.add.f32.msk $0xffff, v2  }
0x4cf: {  	v7 =	vld [tilespmem:s12+$0x0]  }
0x4d0: {  	s13 =	sor.u32 s18, s11;
	[tilespmem:v6+s9+$0x0] =	vst.idx.add.f32.msk $0xffff, v2  }
0x4d1: {  	v6 =	vld [tilespmem:s13+$0x0]  }
0x4d2: {  	s0 =	sor.u32 s15, s21;
	[tilespmem:v5+s10+$0x0] =	vst.idx.add.f32.msk $0xffff, v2;
	v4 =	vadd.s32 v1, v4  }
0x4d3: {  	v5 =	vld [tilespmem:s0+$0x0]  }
0x4d4: {  	v7 =	vadd.s32 v1, v7;
	_ =	sdelay $0x1  }
0x4d5: {  	s28 =	sor.u32 $0x7080, s16;
	v6 =	vadd.s32 v1, v6  }
0x4d6: {  	s29 =	sor.u32 s17, s28;
	[tilespmem:v4+s7+$0x0] =	vst.idx.add.f32.msk $0xffff, v2  }
0x4d7: {  	s23 =	sor.u32 $0x7000, s20;
	v5 =	vadd.s32 v1, v5;
	v4 =	vld [tilespmem:s29+$0x0]  }
0x4d8: {  	s24 =	sor.u32 s19, s23;
	[tilespmem:v7+s10+$0x0] =	vst.idx.add.f32.msk $0xffff, v2  }
0x4d9: {  	v7 =	vld [tilespmem:s24+$0x0]  }
0x4da: {  	s26 =	sor.u32 s18, s23;
	[tilespmem:v6+s10+$0x0] =	vst.idx.add.f32.msk $0xffff, v2  }
0x4db: {  	v6 =	vld [tilespmem:s26+$0x0]  }
0x4dc: {  	s0 =	sor.u32 s15, s28;
	[tilespmem:v5+s7+$0x0] =	vst.idx.add.f32.msk $0xffff, v2;
	v4 =	vadd.s32 v1, v4  }
0x4dd: {  	v5 =	vld [tilespmem:s0+$0x0]  }
0x4de: {  	v7 =	vadd.s32 v1, v7;
	_ =	sdelay $0x1  }
0x4df: {  	s5 =	sor.u32 $0x7100, s16;
	v6 =	vadd.s32 v1, v6  }
0x4e0: {  	s6 =	sor.u32 s17, s5;
	[tilespmem:v4+s8+$0x0] =	vst.idx.add.f32.msk $0xffff, v2  }
0x4e1: {  	s31 =	sor.u32 $0x7080, s20;
	v5 =	vadd.s32 v1, v5;
	v4 =	vld [tilespmem:s6+$0x0]  }
0x4e2: {  	s3 =	sor.u32 s19, s31;
	[tilespmem:v7+s7+$0x0] =	vst.idx.add.f32.msk $0xffff, v2  }
0x4e3: {  	v7 =	vld [tilespmem:s3+$0x0]  }
0x4e4: {  	s4 =	sor.u32 s18, s31;
	[tilespmem:v6+s7+$0x0] =	vst.idx.add.f32.msk $0xffff, v2  }
0x4e5: {  	v6 =	vld [tilespmem:s4+$0x0]  }
0x4e6: {  	s0 =	sor.u32 s15, s5;
	[tilespmem:v5+s8+$0x0] =	vst.idx.add.f32.msk $0xffff, v2  }
0x4e7: {  	v5 =	vld [tilespmem:s0+$0x0];
	v4 =	vadd.s32 v1, v4  }
0x4e8: {  	v7 =	vadd.s32 v1, v7;
	_ =	sdelay $0x1  }
0x4e9: {  	v6 =	vadd.s32 v1, v6;
	_ =	sdelay $0x1  }
0x4ea: {  	s11 =	sor.u32 $0x7100, s20;
	v5 =	vadd.s32 v1, v5;
	[tilespmem:v4+s9+$0x0] =	vst.idx.add.f32.msk $0xffff, v2  }
0x4eb: {  	s12 =	sor.u32 s19, s11;
	[tilespmem:v7+s8+$0x0] =	vst.idx.add.f32.msk $0xffff, v2  }
0x4ec: {  	v7 =	vld [tilespmem:s12+$0x0]  }
0x4ed: {  	s13 =	sor.u32 s18, s11;
	[tilespmem:v6+s8+$0x0] =	vst.idx.add.f32.msk $0xffff, v2  }
0x4ee: {  	s21 =	sor.u32 $0x7180, s16;
	v6 =	vld [tilespmem:s13+$0x0]  }
0x4ef: {  	s22 =	sor.u32 s17, s21;
	[tilespmem:v5+s9+$0x0] =	vst.idx.add.f32.msk $0xffff, v2  }
0x4f0: {  	s0 =	sor.u32 s15, s21;
	v4 =	vld [tilespmem:s22+$0x0]  }
0x4f1: {  	v5 =	vld [tilespmem:s0+$0x0];
	v7 =	vadd.s32 v1, v7;
	_ =	sdelay $0x1  }
0x4f2: {  	v6 =	vadd.s32 v1, v6;
	_ =	sdelay $0x1  }
0x4f3: {  	s23 =	sor.u32 $0x7180, s20;
	v4 =	vadd.s32 v1, v4  }
0x4f4: {  	v5 =	vadd.s32 v1, v5;
	s24 =	sor.u32 s19, s23;
	[tilespmem:v7+s9+$0x0] =	vst.idx.add.f32.msk $0xffff, v2  }
0x4f5: {  	v7 =	vld [tilespmem:s24+$0x0]  }
0x4f6: {  	s26 =	sor.u32 s18, s23;
	[tilespmem:v6+s9+$0x0] =	vst.idx.add.f32.msk $0xffff, v2  }
0x4f7: {  	v6 =	vld [tilespmem:s26+$0x0]  }
0x4f8: {  	s28 =	sor.u32 $0x7200, s16;
	[tilespmem:v4+s10+$0x0] =	vst.idx.add.f32.msk $0xffff, v2  }
0x4f9: {  	v3 =	vadd.s32 v1, v3;
	s29 =	sor.u32 s17, s28;
	[tilespmem:v5+s10+$0x0] =	vst.idx.add.f32.msk $0xffff, v2  }
0x4fa: {  	s0 =	sor.u32 s15, s28;
	v4 =	vld [tilespmem:s29+$0x0];
	v7 =	vadd.s32 v1, v7  }
0x4fb: {  	v5 =	vld [tilespmem:s0+$0x0]  }
0x4fc: {  	v6 =	vadd.s32 v1, v6;
	_ =	sdelay $0x1  }
0x4fd: {  	[tilespmem:v3+s7+$0x0] =	vst.idx.add.f32.msk $0xffff, v2;
	s31 =	sor.u32 $0x7200, s20  }
0x4fe: {  	v4 =	vadd.s32 v1, v4;
	s3 =	sor.u32 s19, s31;
	[tilespmem:v7+s10+$0x0] =	vst.idx.add.f32.msk $0xffff, v2  }
0x4ff: {  	v5 =	vadd.s32 v1, v5;
	v7 =	vld [tilespmem:s3+$0x0]  }
0x500: {  	s4 =	sor.u32 s18, s31;
	[tilespmem:v6+s10+$0x0] =	vst.idx.add.f32.msk $0xffff, v2  }
0x501: {  	v6 =	vld [tilespmem:s4+$0x0]  }
0x502: {  	v3 =	vld [tilespmem:s30+$0x0]  }
0x503: {  	s5 =	sor.u32 $0x7280, s16;
	[tilespmem:v4+s7+$0x0] =	vst.idx.add.f32.msk $0xffff, v2  }
0x504: {  	s6 =	sor.u32 s17, s5;
	[tilespmem:v5+s7+$0x0] =	vst.idx.add.f32.msk $0xffff, v2;
	v7 =	vadd.s32 v1, v7  }
0x505: {  	s0 =	sor.u32 s15, s5;
	v4 =	vld [tilespmem:s6+$0x0]  }
0x506: {  	v5 =	vld [tilespmem:s0+$0x0];
	v6 =	vadd.s32 v1, v6;
	_ =	sdelay $0x1  }
0x507: {  	v3 =	vadd.s32 v1, v3;
	s11 =	sor.u32 $0x7280, s20  }
0x508: {  	s12 =	sor.u32 s19, s11;
	[tilespmem:v7+s7+$0x0] =	vst.idx.add.f32.msk $0xffff, v2  }
0x509: {  	v4 =	vadd.s32 v1, v4;
	v7 =	vld [tilespmem:s12+$0x0]  }
0x50a: {  	v5 =	vadd.s32 v1, v5;
	s13 =	sor.u32 s18, s11;
	[tilespmem:v6+s7+$0x0] =	vst.idx.add.f32.msk $0xffff, v2  }
0x50b: {  	v6 =	vld [tilespmem:s13+$0x0]  }
0x50c: {  	[tilespmem:v3+s8+$0x0] =	vst.idx.add.f32.msk $0xffff, v2  }
0x50d: {  	v3 =	vld [tilespmem:s25+$0x0]  }
0x50e: {  	s21 =	sor.u32 $0x7300, s16;
	[tilespmem:v4+s8+$0x0] =	vst.idx.add.f32.msk $0xffff, v2;
	v7 =	vadd.s32 v1, v7  }
0x50f: {  	s22 =	sor.u32 s17, s21;
	[tilespmem:v5+s8+$0x0] =	vst.idx.add.f32.msk $0xffff, v2  }
0x510: {  	s0 =	sor.u32 s15, s21;
	v4 =	vld [tilespmem:s22+$0x0];
	v6 =	vadd.s32 v1, v6  }
0x511: {  	v5 =	vld [tilespmem:s0+$0x0]  }
0x512: {  	s23 =	sor.u32 $0x7300, s20  }
0x513: {  	v3 =	vadd.s32 v1, v3;
	s24 =	sor.u32 s19, s23;
	[tilespmem:v7+s8+$0x0] =	vst.idx.add.f32.msk $0xffff, v2  }
0x514: {  	v7 =	vld [tilespmem:s24+$0x0]  }
0x515: {  	s25 =	sor.u32 s18, s23;
	v4 =	vadd.s32 v1, v4;
	[tilespmem:v6+s8+$0x0] =	vst.idx.add.f32.msk $0xffff, v2  }
0x516: {  	v5 =	vadd.s32 v1, v5;
	v6 =	vld [tilespmem:s25+$0x0];
	_ =	sdelay $0x1  }
0x517: {  	[tilespmem:v3+s9+$0x0] =	vst.idx.add.f32.msk $0xffff, v2  }
0x518: {  	v3 =	vld [tilespmem:s14+$0x0];
	v7 =	vadd.s32 v1, v7  }
0x519: {  	s26 =	sor.u32 $0x7380, s16;
	[tilespmem:v4+s9+$0x0] =	vst.idx.add.f32.msk $0xffff, v2  }
0x51a: {  	[tilespmem:v5+s9+$0x0] =	vst.idx.add.f32.msk $0xffff, v2;
	s28 =	sor.u32 s17, s26;
	v6 =	vadd.s32 v1, v6  }
0x51b: {  	s0 =	sor.u32 s15, s26;
	v4 =	vld [tilespmem:s28+$0x0]  }
0x51c: {  	s29 =	sor.u32 $0x7380, s20;
	v5 =	vld [tilespmem:s0+$0x0]  }
0x51d: {  	s30 =	sor.u32 s19, s29;
	[tilespmem:v7+s9+$0x0] =	vst.idx.add.f32.msk $0xffff, v2  }
0x51e: {  	v7 =	vld [tilespmem:s30+$0x0]  }
0x51f: {  	s31 =	sor.u32 s18, s29;
	[tilespmem:v6+s9+$0x0] =	vst.idx.add.f32.msk $0xffff, v2  }
0x520: {  	v6 =	vld [tilespmem:s31+$0x0]  }
0x521: {  	v3 =	vadd.s32 v1, v3  }
0x522: {  	v4 =	vadd.s32 v1, v4  }
0x523: {  	v5 =	vadd.s32 v1, v5  }
0x524: {  	v7 =	vadd.s32 v1, v7  }
0x525: {  	v6 =	vadd.s32 v1, v6  }
0x526: {  	[tilespmem:v3+s10+$0x0] =	vst.idx.add.f32.msk $0xffff, v2  }
0x527: {  	[tilespmem:v4+s10+$0x0] =	vst.idx.add.f32.msk $0xffff, v2  }
0x528: {  	[tilespmem:v5+s10+$0x0] =	vst.idx.add.f32.msk $0xffff, v2  }
0x529: {  	[tilespmem:v7+s10+$0x0] =	vst.idx.add.f32.msk $0xffff, v2  }
0x52a: {  	s0 =	simm.s32 $0x8020;
	[tilespmem:v6+s10+$0x0] =	vst.idx.add.f32.msk $0xffff, v2  }
0x52b: {  	s1 =	simm.s32 $0x97A0;
	v3 =	vld [tilespmem:s0+$0x10]  }
0x52c: {  	v4 =	vld [tilespmem:s1+$0x10]  }
0x52d: {  	s2 =	simm.s32 $0xAF20;
	v8 =	vld [tilespmem:s1+$0xFFFFFFE0]  }
0x52e: {  	v5 =	vld [tilespmem:s2+$0x10]  }
0x52f: {  	s3 =	simm.s32 $0xC6A0;
	v6 =	vld [tilespmem:s0+$0xFFFFFFF0]  }
0x530: {  	v9 =	vld [tilespmem:s3+$0x10]  }
0x531: {  	v10 =	vld [tilespmem:s1+$0xFFFFFFF0]  }
0x532: {  	v11 =	vld [tilespmem:s0+$0x0]  }
0x533: {  	v12 =	vld [tilespmem:s1+$0x0]  }
0x534: {  	v13 =	vld [tilespmem:s0+$0xFFFFFFE0];
	v4 =	vadd.f32 v4, v3  }
0x535: {  	p0 =	por $0x1, $0x1;
	v7 =	vld [tilespmem:s2+$0xFFFFFFF0]  }
.Ltmp2:
0x536: {  	v3 =	vld [tilespmem:s2+$0xFFFFFFE0];
	v5 =	vadd.f32 v5, v4;
	(pc) =	sbr.rel @!p0 .LBB2_7-.Ltmp2, $4  }
0x537: {  	v4 =	vld [tilespmem:s2+$0x0]  }
0x538: {  	v14 =	vadd.f32 v9, v5;
	v5 =	vld [tilespmem:s3+$0xFFFFFFE0];
	v9 =	vadd.f32 v10, v6  }
0x539: {  	v6 =	vld [tilespmem:s3+$0xFFFFFFF0];
	v10 =	vadd.f32 v12, v11;
	v11 =	vadd.f32 v8, v13  }
0x53a: {  	s5 =	simm.s32 $0x8060;
	s4 =	simm.s32 $0x0;
	v8 =	vld [tilespmem:s3+$0x0];
	[tilespmem:s0+$0x10] =	vst v14  }
.LBB2_6:
0x53b: {  	v12 =	vld [tilespmem:s5+$0x10];
	v3 =	vadd.f32 v3, v11;
	v7 =	vadd.f32 v7, v9;
	s1 =	sadd.s32 $0x40, s1  }
0x53c: {  	s4 =	sadd.s32 $0x4, s4;
	v9 =	vld [tilespmem:s1+$0x10];
	v4 =	vadd.f32 v4, v10  }
0x53d: {  	s2 =	sadd.s32 $0x40, s2;
	p0 =	slt.u32 s4, $0x16C;
	v11 =	vld [tilespmem:s1+$0xFFFFFFE0];
	v3 =	vadd.f32 v5, v3  }
0x53e: {  	v5 =	vld [tilespmem:s2+$0x10];
	v6 =	vadd.f32 v6, v7  }
0x53f: {  	s3 =	sadd.s32 $0x40, s3;
	v7 =	vld [tilespmem:s5+$0xFFFFFFF0];
	[tilespmem:s0+$0xFFFFFFE0] =	vst v3;
	v3 =	vadd.f32 v8, v4  }
0x540: {  	v4 =	vld [tilespmem:s3+$0x10];
	[tilespmem:s0+$0xFFFFFFF0] =	vst v6  }
0x541: {  	v6 =	vld [tilespmem:s1+$0xFFFFFFF0];
	v8 =	vadd.f32 v9, v12;
	[tilespmem:s0+$0x0] =	vst v3;
	s0 =	smov.u32 s5  }
0x542: {  	v10 =	vld [tilespmem:s5+$0x0]  }
0x543: {  	v12 =	vld [tilespmem:s1+$0x0];
	v5 =	vadd.f32 v5, v8  }
0x544: {  	v8 =	vld [tilespmem:s5+$0xFFFFFFE0]  }
0x545: {  	v3 =	vld [tilespmem:s2+$0xFFFFFFE0];
	v5 =	vadd.f32 v4, v5  }
.Ltmp3:
0x546: {  	v9 =	vadd.f32 v6, v7;
	v7 =	vld [tilespmem:s2+$0xFFFFFFF0];
	(pc) =	sbr.rel @p0 .LBB2_6-.Ltmp3, $4  }
0x547: {  	v4 =	vld [tilespmem:s2+$0x0];
	[tilespmem:s5+$0x10] =	vst v5  }
0x548: {  	v5 =	vld [tilespmem:s3+$0xFFFFFFE0];
	v10 =	vadd.f32 v12, v10  }
0x549: {  	v11 =	vadd.f32 v11, v8;
	v6 =	vld [tilespmem:s3+$0xFFFFFFF0]  }
0x54a: {  	s5 =	sadd.s32 $0x40, s5;
	v8 =	vld [tilespmem:s3+$0x0]  }
.LBB2_7:
0x54b: {  	v3 =	vadd.f32 v3, v11  }
0x54c: {  	v7 =	vadd.f32 v7, v9  }
0x54d: {  	v4 =	vadd.f32 v4, v10;
	v3 =	vadd.f32 v5, v3  }
0x54e: {  	v61 =	vadd.f32 v6, v7  }
0x54f: {  	[tilespmem:s0+$0xFFFFFFE0] =	vst v3;
	v3 =	vadd.f32 v8, v4  }
0x550: {  	[tilespmem:s0+$0xFFFFFFF0] =	vst v61  }
0x551: {  	[tilespmem:s0+$0x0] =	vst v3  }
0x552: {  	v3 =	vld [tilespmem:$0x9700]  }
0x553: {  	v62 =	vld [tilespmem:$0xAE80];
	_ =	sdelay $0x1  }
0x554: {  	v5 =	vld [tilespmem:$0xC600];
	_ =	sdelay $0x1  }
0x555: {  	v63 =	vld [tilespmem:$0xDD80]  }
0x556: {  	v3 =	vadd.f32 v62, v3;
	_ =	sdelay $0x1  }
0x557: {  	v3 =	vadd.f32 v5, v3;
	_ =	sdelay $0x1  }
0x558: {  	v3 =	vadd.f32 v63, v3  }
0x559: {  	s1 =	simm.s32 $0x80  }
0x55a: {  	s2 =	simm.s32 $0x400;
	s29 =	simm.s32 $0x2;
	s0 =	rddreg [dreg:$0x7];
	[tilespmem:$0x9700] =	vst v3  }
0x55b: {  	[hbm4b:s0+s1] =	stream.strided.scatter [tilespmem:s7], [sflag:$0x2], $0x1780, s2, s1, $0x38;
	[tilespmem:$0xDE00] =	vst v63  }
0x55c: {  	_ =	swait.ge [sflag:s29], $0x1780  }
0x55d: {  	s30 =	rddreg [dreg:$0x9]  }
0x55e: {  	s31 =	rddreg [dreg:$0x8];
	s2 =	sadd.s32 $0x1, s30  }
0x55f: {  	p0 =	sne.s32 s2, s31  }
.Ltmp4:
0x560: {  	_ = 	snop;
	(pc) =	sbr.rel @p0 .LBB2_1-.Ltmp4, $3  }
0x561: {  	_ =	sdelay $0x1  }
0x562: {  	[sflag:s29] =	ssyncset.done $0x0  }
0x563: {  	[sflag:s29] =	ssyncadd.s32 $0xFFFFE880  }
0x564: {  	_ =	sfence.sel $0x180000  }
0x565: {  	[bflag:$0x0] =	sbarrier.arrive $0xFFFF  }
0x566: {  	_ =	strace $0x90000047  }
0x567: {  	s0 =	stileid.u32;
	[bflag:$0x2] =	sbarrier.arrive $0xFFFF  }
0x568: {  	p0 =	sne.s32 s0, $0x0;
	s0 =	rddreg [dreg:$0x1]  }
0x569: {  	s0 =	sadd.s32 @!p0 $0x100000, s0  }
0x56a: {  	[sflag:s0] =	ssyncadd.tile.s32 @!p0 $0x1;
	_ =	shalt  }
.Lfunc_end2:
_tile_overlayer_lowered:
.L_overlay_start_2:
0x56b: {  	(tag) =	ssettag $0x2  }
0x56c: {  	s0 =	rddreg [dreg:$0x0];
	s2 =	stileid.u32  }
0x56d: {  	s1 =	rddreg [dreg:$0x1];
	p0 =	sne.s32 s2, $0x0  }
0x56e: {  	s3 =	rddreg [dreg:$0x2];
	[bflag:$0x3] =	sbarrier.arrive $0xFFFF;
	s2 =	simm.s32 @!p0 $0x1C02  }
0x56f: {  	[timem:s3], [sflag:s2] =	dma.local @!p0 [hbm:s0], s1  }
0x570: {  	s0 =	simm.s32 @!p0 $0x2  }
0x571: {  	_ =	swait.ge @!p0 [sflag:s0], s1  }
0x572: {  	s1 =	ssub.s32 @!p0 $0x0, s1;
	[sflag:s0] =	ssyncset.done @!p0 $0x0  }
0x573: {  	[sflag:s0] =	ssyncadd.s32 @!p0 s1  }
0x574: {  	[bflag:$0x3] =	sbarrier.arrive $0xFFFF  }
0x575: {  	_ =	shalt  }

// kernel: kernel.7.cloned.1.call-start
scs
__scs_entry_jumppad:
0x0: {  	(pc) =	sbr.rel $0x88, $3  }
0x1: {  	(tag) =	ssettag $0x0;
	lr =	simm.s32 $0x1  }
0x2: {  	[smem:$0x3F9F] =	sst lr;
	_ =	strace $0xD0000000  }
0x3: {  	_ = 	snop  }
0x4: {  	_ = 	snop  }
0x5: {  	_ = 	snop  }
0x6: {  	_ = 	snop  }
0x7: {  	_ = 	snop  }
__scs_overlays_trampoline_lowered:
0x8: {  	[smem:$0x3FAE] =	sst s0  }
0x9: {  	[smem:$0x3FAF] =	sst s1  }
0xa: {  	[smem:$0x3FB0] =	sst s2  }
0xb: {  	[smem:$0x3FB1] =	sst s3  }
0xc: {  	[smem:$0x3FB2] =	sst s4  }
0xd: {  	[smem:$0x3FB3] =	sst s5  }
0xe: {  	[smem:$0x3FB4] =	sst s6  }
0xf: {  	[smem:$0x3FB5] =	sst s7  }
0x10: {  	[smem:$0x3FB6] =	sst s8  }
0x11: {  	[smem:$0x3FB7] =	sst s9;
	s0 =	simm.s32 @!p0 $0x0  }
0x12: {  	s1 =	sld [smem:$0x3F9D];
	s0 =	simm.s32 @p0 $0x1  }
0x13: {  	[smem:$0x3FB8] =	sst s0;
	s0 =	simm.s32 @!p1 $0x0  }
0x14: {  	s2 =	sld [smem:$0x3F9C];
	s0 =	simm.s32 @p1 $0x1  }
0x15: {  	[smem:$0x3FB9] =	sst s0;
	s0 =	simm.s32 @!p2 $0x0  }
0x16: {  	s3 =	sld [smem:$0x3FDB];
	s0 =	simm.s32 @p2 $0x1  }
0x17: {  	s4 =	simm.s32 $0x1BF5;
	[smem:$0x3FBB] =	sst s0  }
0x18: {  	s0 =	sld [smem:$0x3F9E];
	_ =	swait.ge [sflag:s4], $0x0  }
0x19: {  	s7 =	sld [smem:$0x3F9F]  }
0x1a: {  	s8 =	sadd.s32 $0xFFFFE003, lr  }
0x1b: {  	s9 =	sadd.s32 $0xFFFFFEF7, lr;
	s5 =	simm.s32 $0xFFFFFFFF;
	p2 =	slt.u32 s8, $0xFFFFF086  }
0x1c: {  	p1 =	slt.u32 s9, $0xF7A;
	s5 =	simm.s32 @!p2 $0x0  }
0x1d: {  	s5 =	simm.s32 @p1 $0x1;
	p0 =	seq.s32 s7, s2  }
0x1e: {  	s7 =	smul.u32 @!p0 $0xF7A, s2;
	p2 =	seq.s32 @!p0 s5, $0x0  }
0x1f: {  	s9 =	smul.u32 $0xF7A, s1;
	s8 =	simm.s32 @!p0 $0x1BF5;
	p2 =	por !p2, p0  }
0x20: {  	[sflag:s8] =	ssyncset.s32 @!p0 $0xFFFFF086;
	s6 =	sadd.s32 @!p0 s3, s7;
	s7 =	simm.s32 @!p0 $0x108  }
0x21: {  	s3 =	sadd.s32 s3, s9;
	s6 =	sadd.s32 @!p0 $0x88, s6;
	s7 =	simm.s32 @p2 $0x1082  }
0x22: {  	[simem:s7], [sflag:s8] =	dma.local @!p0 [hbm:s6], $0xF7A  }
0x23: {  	s9 =	sor.u32 $0xD0000000, s2;
	s6 =	simm.s32 $0x108;
	_ =	swait.ge @!p0 [sflag:s8], $0x0  }
0x24: {  	s3 =	sadd.s32 $0x88, s3;
	s6 =	simm.s32 @!p1 $0x1082;
	[sflag:s4] =	ssyncset.s32 $0xFFFFF086  }
0x25: {  	[simem:s6], [sflag:s4] =	dma.local [hbm:s3], $0xF7A  }
0x26: {  	[smem:$0x3F9F] =	sst s1;
	(tag) =	ssettag s2;
	_ =	strace s9  }
0x27: {  	s1 =	sld [smem:$0x3FAF]  }
0x28: {  	s2 =	sld [smem:$0x3FB0]  }
0x29: {  	s4 =	sld [smem:$0x3FB2]  }
0x2a: {  	p0 =	seq.s32 s5, $0x0;
	s5 =	sld [smem:$0x3FB3]  }
0x2b: {  	s6 =	sld [smem:$0x3FB4]  }
0x2c: {  	s7 =	sld [smem:$0x3FB5]  }
0x2d: {  	s3 =	simm.s32 $0x108;
	s8 =	sld [smem:$0x3FB6]  }
0x2e: {  	s3 =	simm.s32 @!p0 $0x1082;
	s9 =	sld [smem:$0x3FB7]  }
0x2f: {  	lr =	sadd.s32 s0, s3;
	s0 =	sld [smem:$0x3FAE]  }
0x30: {  	s3 =	sld [smem:$0x3FB1]  }
0x31: {  	[smem:$0x3FBA] =	sst s10  }
0x32: {  	s10 =	sld [smem:$0x3FB8];
	_ =	sdelay $0x3  }
0x33: {  	p0 =	seq.s32 s10, $0x1;
	s10 =	sld [smem:$0x3FBA];
	_ =	sdelay $0x3  }
0x34: {  	[smem:$0x3FBA] =	sst s10  }
0x35: {  	s10 =	sld [smem:$0x3FB9];
	_ =	sdelay $0x3  }
0x36: {  	p1 =	seq.s32 s10, $0x1;
	s10 =	sld [smem:$0x3FBA];
	_ =	sdelay $0x3  }
0x37: {  	[smem:$0x3FBA] =	sst s10  }
0x38: {  	s10 =	sld [smem:$0x3FBB]  }
0x39: {  	_ = 	snop;
	(pc) =	sbr.ind lr, $3  }
0x3a: {  	_ = 	snop  }
0x3b: {  	_ = 	snop  }
0x3c: {  	p2 =	seq.s32 s10, $0x1;
	s10 =	sld [smem:$0x3FBA]  }
0x3d: {  	_ =	shalt  }
0x3e: {  	_ =	shalt  }
0x3f: {  	_ =	shalt  }
0x40: {  	_ =	shalt  }
0x41: {  	_ =	shalt  }
0x42: {  	_ =	shalt  }
0x43: {  	_ =	shalt  }
0x44: {  	_ =	shalt  }
0x45: {  	_ =	shalt  }
0x46: {  	_ =	shalt  }
0x47: {  	_ =	shalt  }
0x48: {  	_ =	shalt  }
0x49: {  	_ =	shalt  }
0x4a: {  	_ =	shalt  }
0x4b: {  	_ =	shalt  }
0x4c: {  	_ =	shalt  }
0x4d: {  	_ =	shalt  }
0x4e: {  	_ =	shalt  }
0x4f: {  	_ =	shalt  }
0x50: {  	_ =	shalt  }
0x51: {  	_ =	shalt  }
0x52: {  	_ =	shalt  }
0x53: {  	_ =	shalt  }
0x54: {  	_ =	shalt  }
0x55: {  	_ =	shalt  }
0x56: {  	_ =	shalt  }
0x57: {  	_ =	shalt  }
0x58: {  	_ =	shalt  }
0x59: {  	_ =	shalt  }
0x5a: {  	_ =	shalt  }
0x5b: {  	_ =	shalt  }
0x5c: {  	_ =	shalt  }
0x5d: {  	_ =	shalt  }
0x5e: {  	_ =	shalt  }
0x5f: {  	_ =	shalt  }
0x60: {  	_ =	shalt  }
0x61: {  	_ =	shalt  }
0x62: {  	_ =	shalt  }
0x63: {  	_ =	shalt  }
0x64: {  	_ =	shalt  }
0x65: {  	_ =	shalt  }
0x66: {  	_ =	shalt  }
0x67: {  	_ =	shalt  }
0x68: {  	_ =	shalt  }
0x69: {  	_ =	shalt  }
0x6a: {  	_ =	shalt  }
0x6b: {  	_ =	shalt  }
0x6c: {  	_ =	shalt  }
0x6d: {  	_ =	shalt  }
0x6e: {  	_ =	shalt  }
0x6f: {  	_ =	shalt  }
0x70: {  	_ =	shalt  }
0x71: {  	_ =	shalt  }
0x72: {  	_ =	shalt  }
0x73: {  	_ =	shalt  }
0x74: {  	_ =	shalt  }
0x75: {  	_ =	shalt  }
0x76: {  	_ =	shalt  }
0x77: {  	_ =	shalt  }
0x78: {  	_ =	shalt  }
0x79: {  	_ =	shalt  }
0x7a: {  	_ =	shalt  }
0x7b: {  	_ =	shalt  }
0x7c: {  	_ =	shalt  }
0x7d: {  	_ =	shalt  }
0x7e: {  	_ =	shalt  }
0x7f: {  	_ =	shalt  }
0x80: {  	_ =	shalt  }
0x81: {  	_ =	shalt  }
0x82: {  	_ =	shalt  }
0x83: {  	_ =	shalt  }
0x84: {  	_ =	shalt  }
0x85: {  	_ =	shalt  }
0x86: {  	_ =	shalt  }
0x87: {  	_ =	shalt  }
.Lfunc_end0:
.L_simem_size_0:
called_computation_lowered:
.L_overlay_start_0:
0x88: {  	s2 =	sld [smem:$0x3FD9]  }
0x89: {  	s3 =	sld [smem:$0x3FFE];
	_ =	sdelay $0x1  }
0x8a: {  	s1 =	srdreg.scid  }
0x8b: {  	s0 =	sand.u32 $0x1, s1  }
0x8c: {  	s17 =	sshll.u32 s0, $0xA;
	s2 =	sadd.s32 s3, s2  }
0x8d: {  	s2 =	sadd.s32 s2, s17  }
0x8e: {  	[smem:$0x3FC6] =	sst s2  }
0x8f: {  	_ = 	snop  }
0x90: {  	(tm) =	ssettm $0x1  }
0x91: {  	s18 =	sld [smem:$0x3FFB];
	_ =	sdelay $0x3  }
0x92: {  	_ =	strace s18  }
0x93: {  	s2 =	sld [smem:$0x3FFC];
	_ =	sdelay $0x3  }
0x94: {  	_ =	strace s2  }
0x95: {  	s2 =	sld [smem:$0x3FFD];
	_ =	sdelay $0x3  }
0x96: {  	_ =	strace s2  }
0x97: {  	_ =	strace $0x8FFFFFFF  }
0x98: {  	s19 =	sld [smem:$0x3FDB];
	_ =	sdelay $0x1  }
0x99: {  	s20 =	simm.s32 $_scs_section_size  }
0x9a: {  	s4 =	simm.s32 $_size__tile_overlayer_lowered;
	s5 =	simm.s32 $_tile_overlayer_lowered  }
0x9b: {  	s6 =	simm.s32 $0x1BFF;
	s21 =	sshll.u32 s5, $0x1;
	s3 =	sadd.s32 s20, s19  }
0x9c: {  	s22 =	simm.s32 $0x0;
	s4 =	sshll.u32 s4, $0x1;
	s5 =	sadd.s32 s21, s3  }
0x9d: {  	[timem:s22], [sflag:s6] =	dma.local [hbm:s5], s4  }
0x9e: {  	_ =	swait.ge [sflag:s6], s4  }
0x9f: {  	s4 =	ssub.s32 $0x0, s4;
	[sflag:s6] =	ssyncset.done $0x0  }
0xa0: {  	[sflag:s6] =	ssyncadd.s32 s4;
	_ =	sdelay $0x1  }
0xa1: {  	s23 =	simm.s32 $0x1B8B  }
0xa2: {  	_ =	swait.ge [sflag:s23], $0x1  }
0xa3: {  	[sflag:s23] =	ssyncset.done $0x0  }
0xa4: {  	[sflag:s23] =	ssyncadd.s32 $0xFFFFFFFF  }
0xa5: {  	s4 =	sld [smem:$0x0]  }
0xa6: {  	s5 =	sand.u32 $0xFFFFFFFE, s1  }
0xa7: {  	p0 =	sne.s32 s1, s5  }
0xa8: {  	s5 =	sshll.u32 @p0 s5, $0xE  }
0xa9: {  	s5 =	sadd.s32 @p0 $0x11B8D, s5;
	s6 =	sshll.u32 @p0 s4, $0x11  }
0xaa: {  	s5 =	sor.u32 @p0 s6, s5  }
0xab: {  	[sflag:s5] =	ssyncadd.remote.s32 @p0 $0x1;
	_ =	sdelay $0x1  }
0xac: {  	s5 =	simm.s32 @p0 $0x1B8D  }
0xad: {  	_ =	swait.eq @p0 [sflag:s5], $0x1  }
0xae: {  	[sflag:s5] =	ssyncadd.s32 @p0 $0xFFFFFFFF  }
0xaf: {  	s6 =	sshll.u32 @!p0 s1, $0xE  }
0xb0: {  	s6 =	sor.u32 @!p0 $0x4000, s6;
	s5 =	simm.s32 @!p0 $0x1B8D  }
0xb1: {  	s4 =	sshll.u32 @!p0 s4, $0x11;
	s6 =	sadd.s32 @!p0 $0x11B8D, s6;
	_ =	swait.eq @!p0 [sflag:s5], $0x1  }
0xb2: {  	s4 =	sor.u32 @!p0 s4, s6;
	[sflag:s5] =	ssyncadd.s32 @!p0 $0xFFFFFFFF  }
0xb3: {  	s25 =	simm.s32 $0x1B8E;
	s24 =	sld [smem:$0x3FFE];
	[sflag:s4] =	ssyncadd.remote.s32 @!p0 $0x1  }
0xb4: {  	s26 =	simm.s32 $execute0_lowered;
	[smem:$0x3FD2] =	sst s25  }
0xb5: {  	s5 =	sshll.u32 s26, $0x1;
	_ =	strace $0x80000049;
	[dreg:$0x1] =	wrdreg $0xFFFFFFFF  }
0xb6: {  	s28 =	simm.s32 $_size_execute0_lowered;
	s3 =	sadd.s32 s3, s5;
	[dreg:$0x0] =	wrdreg $0x0  }
0xb7: {  	s5 =	sshll.u32 s28, $0x1;
	[dreg:$0x2] =	wrdreg s3  }
0xb8: {  	[dreg:$0x3] =	wrdreg s5  }
0xb9: {  	[dreg:$0x4] =	wrdreg $0xC0  }
0xba: {  	_ =	task [dreg:s22], $0x5FFFF  }
0xbb: {  	[dreg:$0x1] =	wrdreg $0xFFFFFFFF  }
0xbc: {  	[dreg:$0x0] =	wrdreg $0x60  }
0xbd: {  	[dreg:$0x2] =	wrdreg s24  }
0xbe: {  	[dreg:$0x3] =	wrdreg $0x9  }
0xbf: {  	_ =	task.clear_ibuf [dreg:s22], $0x4FFFF;
	_ =	strace $0x90000049  }
0xc0: {  	s29 =	simm.s32 $0x9;
	_ =	strace $0x8000004B  }
0xc1: {  	_ =	swait.ge [sflag:s29], $0x1  }
0xc2: {  	[sflag:s29] =	ssyncadd.s32 $0xFFFFFFFF  }
0xc3: {  	_ =	strace $0x9000004B  }
0xc4: {  	_ =	sfence  }
0xc5: {  	s30 =	sld [smem:$0x0];
	_ =	sdelay $0x2  }
0xc6: {  	s31 =	sshll.u32 s1, $0xD;
	s1 =	sshrl.u32 s1, $0x2  }
0xc7: {  	s4 =	sand.u32 $0x4000, s31;
	s1 =	sadd.s32 s1, s30  }
0xc8: {  	s0 =	sor.u32 s4, s0;
	s1 =	sshll.u32 s1, $0x11  }
0xc9: {  	s0 =	sor.u32 s1, s0  }
0xca: {  	s0 =	sadd.s32 $0x8F2B, s0  }
0xcb: {  	[sflag:s0] =	ssyncadd.remote.s32 $0x1  }
0xcc: {  	_ =	sfence.sel $0xFFFF  }
0xcd: {  	[dreg:$0x0] =	wrdreg $0xFFFFFFFF;
	(pc) =	sbr.abs _section_cstart, $3  }
0xce: {  	[dreg:$0x1] =	wrdreg $0xFFFFFFFF  }
0xcf: {  	_ =	task.clear_ibuf [dreg:s22], $0x2FFFF;
	_ =	strace $0x9FFFFFFF  }
0xd0: {  	(tm) =	ssettm $0x7FFFFFFF  }
0xd1: {  	_ =	shalt  }
tec
execute0_lowered:
.L_overlay_start_1:
0x0: {  	(tag) =	ssettag $0x1  }
0x1: {  	s0 =	rddreg [dreg:$0x0];
	s2 =	simm.s32 $0x0;
	s4 =	stileid.u32  }
0x2: {  	s1 =	srdreg.scid;
	s7 =	simm.s32 $0x8000;
	s8 =	simm.s32 $0x9780  }
0x3: {  	[smem:$0x7FF] =	sst s2;
	s1 =	sand.u32 $0x1, s1;
	s29 =	sshll.u32 s4, $0x1  }
0x4: {  	s3 =	sshll.u32 s4, $0xD;
	s4 =	sshrl.u32 s4, $0x2;
	s2 =	sor.u32 s1, s29  }
0x5: {  	s3 =	sand.u32 $0x18000, s3;
	s4 =	smul.u32 $0xBC00, s4;
	_ =	strace $0x8000004A  }
0x6: {  	s1 =	ssub.s32 $0x2, s1;
	s5 =	sshll.u32 s2, $0x7;
	s3 =	sadd.s32 s3, s0  }
0x7: {  	s2 =	sshll.u32 s2, $0xC;
	s30 =	sshrl.u32 s1, $0x1;
	s5 =	sand.u32 $0x380, s5  }
0x8: {  	s2 =	sand.u32 $0x7000, s2;
	s1 =	ssub.s32 s1, s30;
	s4 =	sor.u32 s4, s5  }
0x9: {  	s2 =	sadd.s32 s2, s3;
	s31 =	smax.u32 s1, $0x1;
	s4 =	sshrl.u32 s4, $0x3  }
0xa: {  	s2 =	sadd.s32 $0x27600, s2;
	[dreg:$0x8] =	wrdreg s31;
	s0 =	sadd.s32 s4, s0  }
0xb: {  	v1 =	vlaneseq.u32;
	s9 =	simm.s32 $0xAF00;
	[dreg:$0x6] =	wrdreg s2;
	s0 =	sadd.s32 $0x47600, s0  }
0xc: {  	s10 =	simm.s32 $0xC680;
	v0 =	vimm.f32 $0.0e+00;
	v2 =	vimm.f32 $1.000000000e+00;
	v1 =	vmul.u32 $0x171, v1;
	s2 =	simm.s32 $0x0;
	[dreg:$0x7] =	wrdreg s0  }
.LBB2_1:
0xd: {  	[dreg:$0x9] =	wrdreg s2  }
0xe: {  	s0 =	simm.s32 $0x0;
	s1 =	rddreg [dreg:$0x6];
	s3 =	simm.s32 $0x8020  }
0xf: {  	[tilespmem:s0], [sflag:$0x1] =	stream.linear.gather [hbm4b:s1+s0], $0x8000, $0x38;
	[tilespmem:$0xDE00] =	vst v63  }
0x10: {  	[tilespmem:s3+$0xFFFFFFF0] =	vst v0  }
0x11: {  	[tilespmem:s3+$0x0] =	vst v0  }
0x12: {  	[tilespmem:s3+$0x10] =	vst v0  }
0x13: {  	s0 =	simm.s32 $0x97A0;
	[tilespmem:s3+$0xFFFFFFE0] =	vst v0  }
0x14: {  	[tilespmem:s0+$0xFFFFFFF0] =	vst v0  }
0x15: {  	[tilespmem:s0+$0x0] =	vst v0  }
0x16: {  	[tilespmem:s0+$0x10] =	vst v0  }
0x17: {  	s1 =	simm.s32 $0xAF20;
	[tilespmem:s0+$0xFFFFFFE0] =	vst v0  }
0x18: {  	[tilespmem:s1+$0xFFFFFFF0] =	vst v0  }
0x19: {  	[tilespmem:s1+$0x0] =	vst v0  }
0x1a: {  	[tilespmem:s1+$0x10] =	vst v0  }
0x1b: {  	s2 =	simm.s32 $0xC6A0;
	[tilespmem:s1+$0xFFFFFFE0] =	vst v0  }
0x1c: {  	[tilespmem:s2+$0xFFFFFFF0] =	vst v0  }
0x1d: {  	[tilespmem:s2+$0x0] =	vst v0  }
0x1e: {  	[tilespmem:s2+$0x10] =	vst v0  }
0x1f: {  	s4 =	simm.s32 $0x8060;
	s3 =	simm.s32 $0x0;
	[tilespmem:s2+$0xFFFFFFE0] =	vst v0  }
.LBB2_2:
0x20: {  	[tilespmem:s4+$0xFFFFFFF0] =	vst v0;
	s0 =	sadd.s32 $0x40, s0  }
0x21: {  	s1 =	sadd.s32 $0x40, s1;
	[tilespmem:s0+$0xFFFFFFF0] =	vst v0  }
0x22: {  	s2 =	sadd.s32 $0x40, s2;
	[tilespmem:s1+$0xFFFFFFF0] =	vst v0  }
0x23: {  	[tilespmem:s2+$0xFFFFFFF0] =	vst v0  }
0x24: {  	[tilespmem:s4+$0x0] =	vst v0  }
0x25: {  	[tilespmem:s0+$0x0] =	vst v0  }
0x26: {  	[tilespmem:s1+$0x0] =	vst v0  }
0x27: {  	[tilespmem:s2+$0x0] =	vst v0  }
0x28: {  	[tilespmem:s4+$0x10] =	vst v0  }
0x29: {  	s3 =	sadd.s32 $0x4, s3;
	[tilespmem:s0+$0x10] =	vst v0  }
0x2a: {  	p0 =	slt.u32 s3, $0x16C;
	[tilespmem:s1+$0x10] =	vst v0  }
.Ltmp0:
0x2b: {  	[tilespmem:s2+$0x10] =	vst v0;
	(pc) =	sbr.rel @p0 .LBB2_2-.Ltmp0, $4  }
0x2c: {  	[tilespmem:s4+$0xFFFFFFE0] =	vst v0  }
0x2d: {  	[tilespmem:s0+$0xFFFFFFE0] =	vst v0  }
0x2e: {  	[tilespmem:s1+$0xFFFFFFE0] =	vst v0  }
0x2f: {  	s4 =	sadd.s32 $0x40, s4;
	[tilespmem:s2+$0xFFFFFFE0] =	vst v0  }
0x30: {  	[tilespmem:$0x9700] =	vst v0  }
0x31: {  	[tilespmem:$0xAE80] =	vst v0  }
0x32: {  	[tilespmem:$0xC600] =	vst v0  }
0x33: {  	[tilespmem:$0xDD80] =	vst v0;
	s0 =	simm.s32 $0x0;
	s1 =	simm.s32 $0x1  }
0x34: {  	_ =	swait.ge [sflag:s1], $0x8000;
	s22 =	sand.u32 $0x60, s0  }
0x35: {  	s24 =	sand.u32 $0xC00, s0;
	[sflag:s1] =	ssyncset.done $0x0;
	s23 =	sor.u32 $0x10, s22  }
0x36: {  	[sflag:s1] =	ssyncadd.s32 $0xFFFF8000;
	s4 =	sor.u32 s23, s24  }
0x37: {  	v3 =	vld [tilespmem:s4+$0x0];
	_ =	sdelay $0x4  }
0x38: {  	v3 =	vadd.s32 v1, v3;
	_ =	sdelay $0x2  }
0x39: {  	s2 =	sor.u32 s22, s24  }
0x3a: {  	v4 =	vld [tilespmem:s2+$0x0]  }
0x3b: {  	[tilespmem:v3+s7+$0x0] =	vst.idx.add.f32.msk $0xffff, v2  }
0x3c: {  	v3 =	vld [tilespmem:s4+$0x80];
	_ =	sdelay $0x2  }
0x3d: {  	v4 =	vadd.s32 v1, v4;
	_ =	sdelay $0x1  }
0x3e: {  	v3 =	vadd.s32 v1, v3;
	_ =	sdelay $0x2  }
0x3f: {  	[tilespmem:v4+s7+$0x0] =	vst.idx.add.f32.msk $0xffff, v2  }
0x40: {  	v4 =	vld [tilespmem:s2+$0x80]  }
0x41: {  	[tilespmem:v3+s8+$0x0] =	vst.idx.add.f32.msk $0xffff, v2  }
0x42: {  	v3 =	vld [tilespmem:s4+$0x100];
	_ =	sdelay $0x2  }
0x43: {  	v4 =	vadd.s32 v1, v4;
	_ =	sdelay $0x1  }
0x44: {  	v3 =	vadd.s32 v1, v3;
	_ =	sdelay $0x2  }
0x45: {  	[tilespmem:v4+s8+$0x0] =	vst.idx.add.f32.msk $0xffff, v2  }
0x46: {  	v4 =	vld [tilespmem:s2+$0x100]  }
0x47: {  	[tilespmem:v3+s9+$0x0] =	vst.idx.add.f32.msk $0xffff, v2  }
0x48: {  	v3 =	vld [tilespmem:s4+$0x180];
	_ =	sdelay $0x2  }
0x49: {  	v4 =	vadd.s32 v1, v4;
	_ =	sdelay $0x1  }
0x4a: {  	v3 =	vadd.s32 v1, v3;
	_ =	sdelay $0x2  }
0x4b: {  	[tilespmem:v4+s9+$0x0] =	vst.idx.add.f32.msk $0xffff, v2  }
0x4c: {  	v4 =	vld [tilespmem:s2+$0x180]  }
0x4d: {  	[tilespmem:v3+s10+$0x0] =	vst.idx.add.f32.msk $0xffff, v2  }
0x4e: {  	v3 =	vld [tilespmem:s4+$0x200];
	_ =	sdelay $0x3  }
0x4f: {  	v4 =	vadd.s32 v1, v4  }
0x50: {  	v3 =	vadd.s32 v1, v3;
	_ =	sdelay $0x3  }
0x51: {  	[tilespmem:v4+s10+$0x0] =	vst.idx.add.f32.msk $0xffff, v2  }
0x52: {  	[tilespmem:v3+s7+$0x0] =	vst.idx.add.f32.msk $0xffff, v2  }
0x53: {  	v3 =	vld [tilespmem:s4+$0x280];
	_ =	sdelay $0x4  }
0x54: {  	v3 =	vadd.s32 v1, v3  }
0x55: {  	s5 =	sand.u32 $0x3, s0  }
0x56: {  	s1 =	sshll.u32 s5, $0x5  }
0x57: {  	s1 =	sadd.s32 $0x0, s1  }
0x58: {  	s3 =	sadd.s32 $0x10, s1  }
0x59: {  	s4 =	sor.u32 $0x300, s3;
	[tilespmem:v3+s8+$0x0] =	vst.idx.add.f32.msk $0xffff, v2  }
0x5a: {  	v3 =	vld [tilespmem:s4+$0x0];
	_ =	sdelay $0x4  }
0x5b: {  	v3 =	vadd.s32 v1, v3;
	_ =	sdelay $0x4  }
0x5c: {  	s3 =	sor.u32 $0x380, s3;
	[tilespmem:v3+s9+$0x0] =	vst.idx.add.f32.msk $0xffff, v2  }
0x5d: {  	v3 =	vld [tilespmem:s3+$0x0];
	_ =	sdelay $0x4  }
0x5e: {  	v3 =	vadd.s32 v1, v3;
	_ =	sdelay $0x3  }
0x5f: {  	s6 =	sor.u32 $0x1000, s24  }
0x60: {  	s11 =	sor.u32 s23, s6;
	[tilespmem:v3+s10+$0x0] =	vst.idx.add.f32.msk $0xffff, v2  }
0x61: {  	v3 =	vld [tilespmem:s11+$0x0];
	_ =	sdelay $0x1  }
0x62: {  	v4 =	vld [tilespmem:s2+$0x200];
	_ =	sdelay $0x2  }
0x63: {  	v3 =	vadd.s32 v1, v3;
	_ =	sdelay $0x1  }
0x64: {  	v4 =	vadd.s32 v1, v4;
	_ =	sdelay $0x1  }
0x65: {  	s12 =	sor.u32 $0x1080, s24  }
0x66: {  	s5 =	sor.u32 s23, s12;
	[tilespmem:v3+s7+$0x0] =	vst.idx.add.f32.msk $0xffff, v2  }
0x67: {  	v3 =	vld [tilespmem:s5+$0x0]  }
0x68: {  	[tilespmem:v4+s7+$0x0] =	vst.idx.add.f32.msk $0xffff, v2  }
0x69: {  	v4 =	vld [tilespmem:s2+$0x280];
	_ =	sdelay $0x2  }
0x6a: {  	v3 =	vadd.s32 v1, v3;
	_ =	sdelay $0x1  }
0x6b: {  	v4 =	vadd.s32 v1, v4;
	_ =	sdelay $0x1  }
0x6c: {  	s13 =	sor.u32 $0x1100, s24  }
0x6d: {  	s14 =	sor.u32 s23, s13;
	[tilespmem:v3+s8+$0x0] =	vst.idx.add.f32.msk $0xffff, v2  }
0x6e: {  	v3 =	vld [tilespmem:s14+$0x0]  }
0x6f: {  	s1 =	sor.u32 $0x300, s1;
	[tilespmem:v4+s8+$0x0] =	vst.idx.add.f32.msk $0xffff, v2  }
0x70: {  	v4 =	vld [tilespmem:s1+$0x0];
	_ =	sdelay $0x2  }
0x71: {  	v3 =	vadd.s32 v1, v3;
	_ =	sdelay $0x1  }
0x72: {  	v4 =	vadd.s32 v1, v4;
	_ =	sdelay $0x1  }
0x73: {  	s15 =	sor.u32 $0x1180, s24  }
0x74: {  	s16 =	sor.u32 s23, s15;
	[tilespmem:v3+s9+$0x0] =	vst.idx.add.f32.msk $0xffff, v2  }
0x75: {  	s0 =	sor.u32 s0, s0;
	v3 =	vld [tilespmem:s16+$0x0]  }
0x76: {  	s0 =	sor.u32 $0x380, s0;
	[tilespmem:v4+s9+$0x0] =	vst.idx.add.f32.msk $0xffff, v2  }
0x77: {  	v4 =	vld [tilespmem:s0+$0x0];
	_ =	sdelay $0x2  }
0x78: {  	v3 =	vadd.s32 v1, v3;
	_ =	sdelay $0x1  }
0x79: {  	v4 =	vadd.s32 v1, v4;
	_ =	sdelay $0x1  }
0x7a: {  	s17 =	sor.u32 $0x1200, s24  }
0x7b: {  	s18 =	sor.u32 s23, s17;
	[tilespmem:v3+s10+$0x0] =	vst.idx.add.f32.msk $0xffff, v2  }
0x7c: {  	v3 =	vld [tilespmem:s18+$0x0]  }
0x7d: {  	s3 =	sor.u32 s22, s6;
	[tilespmem:v4+s10+$0x0] =	vst.idx.add.f32.msk $0xffff, v2  }
0x7e: {  	v4 =	vld [tilespmem:s3+$0x0];
	_ =	sdelay $0x2  }
0x7f: {  	v3 =	vadd.s32 v1, v3;
	_ =	sdelay $0x1  }
0x80: {  	v4 =	vadd.s32 v1, v4;
	_ =	sdelay $0x1  }
0x81: {  	s19 =	sor.u32 $0x1280, s24  }
0x82: {  	s20 =	sor.u32 s23, s19;
	[tilespmem:v3+s7+$0x0] =	vst.idx.add.f32.msk $0xffff, v2  }
0x83: {  	v3 =	vld [tilespmem:s20+$0x0]  }
0x84: {  	s4 =	sor.u32 s22, s12;
	[tilespmem:v4+s7+$0x0] =	vst.idx.add.f32.msk $0xffff, v2  }
0x85: {  	v4 =	vld [tilespmem:s4+$0x0];
	_ =	sdelay $0x2  }
0x86: {  	v3 =	vadd.s32 v1, v3;
	_ =	sdelay $0x1  }
0x87: {  	v4 =	vadd.s32 v1, v4;
	_ =	sdelay $0x1  }
0x88: {  	s21 =	sor.u32 $0x1300, s24  }
0x89: {  	s25 =	sor.u32 s23, s21;
	[tilespmem:v3+s8+$0x0] =	vst.idx.add.f32.msk $0xffff, v2  }
0x8a: {  	v3 =	vld [tilespmem:s25+$0x0]  }
0x8b: {  	s2 =	sor.u32 s22, s13;
	[tilespmem:v4+s8+$0x0] =	vst.idx.add.f32.msk $0xffff, v2  }
0x8c: {  	v4 =	vld [tilespmem:s2+$0x0];
	_ =	sdelay $0x2  }
0x8d: {  	v3 =	vadd.s32 v1, v3;
	_ =	sdelay $0x1  }
0x8e: {  	v4 =	vadd.s32 v1, v4;
	_ =	sdelay $0x1  }
0x8f: {  	s26 =	sor.u32 $0x1380, s24  }
0x90: {  	s29 =	sor.u32 s23, s26;
	[tilespmem:v3+s9+$0x0] =	vst.idx.add.f32.msk $0xffff, v2  }
0x91: {  	v3 =	vld [tilespmem:s29+$0x0]  }
0x92: {  	s1 =	sor.u32 s22, s15;
	[tilespmem:v4+s9+$0x0] =	vst.idx.add.f32.msk $0xffff, v2  }
0x93: {  	v4 =	vld [tilespmem:s1+$0x0];
	_ =	sdelay $0x2  }
0x94: {  	v3 =	vadd.s32 v1, v3;
	_ =	sdelay $0x1  }
0x95: {  	v4 =	vadd.s32 v1, v4;
	_ =	sdelay $0x1  }
0x96: {  	s31 =	sor.u32 $0x2000, s24  }
0x97: {  	s11 =	sor.u32 s23, s31;
	[tilespmem:v3+s10+$0x0] =	vst.idx.add.f32.msk $0xffff, v2  }
0x98: {  	v3 =	vld [tilespmem:s11+$0x0]  }
0x99: {  	s0 =	sor.u32 s22, s17;
	[tilespmem:v4+s10+$0x0] =	vst.idx.add.f32.msk $0xffff, v2  }
0x9a: {  	v4 =	vld [tilespmem:s0+$0x0];
	_ =	sdelay $0x2  }
0x9b: {  	v3 =	vadd.s32 v1, v3;
	_ =	sdelay $0x1  }
0x9c: {  	v4 =	vadd.s32 v1, v4;
	_ =	sdelay $0x1  }
0x9d: {  	s12 =	sor.u32 $0x2080, s24  }
0x9e: {  	s13 =	sor.u32 s23, s12;
	[tilespmem:v3+s7+$0x0] =	vst.idx.add.f32.msk $0xffff, v2  }
0x9f: {  	v3 =	vld [tilespmem:s13+$0x0]  }
0xa0: {  	s3 =	sor.u32 s22, s19;
	[tilespmem:v4+s7+$0x0] =	vst.idx.add.f32.msk $0xffff, v2  }
0xa1: {  	v4 =	vld [tilespmem:s3+$0x0];
	_ =	sdelay $0x2  }
0xa2: {  	v3 =	vadd.s32 v1, v3;
	_ =	sdelay $0x1  }
0xa3: {  	v4 =	vadd.s32 v1, v4;
	_ =	sdelay $0x1  }
0xa4: {  	s14 =	sor.u32 $0x2100, s24  }
0xa5: {  	s17 =	sor.u32 s23, s14;
	[tilespmem:v3+s8+$0x0] =	vst.idx.add.f32.msk $0xffff, v2  }
0xa6: {  	v3 =	vld [tilespmem:s17+$0x0]  }
0xa7: {  	s4 =	sor.u32 s22, s21;
	[tilespmem:v4+s8+$0x0] =	vst.idx.add.f32.msk $0xffff, v2  }
0xa8: {  	v4 =	vld [tilespmem:s4+$0x0];
	_ =	sdelay $0x2  }
0xa9: {  	v3 =	vadd.s32 v1, v3;
	_ =	sdelay $0x1  }
0xaa: {  	v4 =	vadd.s32 v1, v4;
	_ =	sdelay $0x1  }
0xab: {  	s18 =	sor.u32 $0x2180, s24  }
0xac: {  	s19 =	sor.u32 s23, s18;
	[tilespmem:v3+s9+$0x0] =	vst.idx.add.f32.msk $0xffff, v2  }
0xad: {  	v3 =	vld [tilespmem:s19+$0x0]  }
0xae: {  	s2 =	sor.u32 s22, s26;
	[tilespmem:v4+s9+$0x0] =	vst.idx.add.f32.msk $0xffff, v2  }
0xaf: {  	v4 =	vld [tilespmem:s2+$0x0];
	_ =	sdelay $0x2  }
0xb0: {  	v3 =	vadd.s32 v1, v3;
	_ =	sdelay $0x1  }
0xb1: {  	v4 =	vadd.s32 v1, v4;
	_ =	sdelay $0x1  }
0xb2: {  	s6 =	sor.u32 $0x2200, s24  }
0xb3: {  	s20 =	sor.u32 s23, s6;
	[tilespmem:v3+s10+$0x0] =	vst.idx.add.f32.msk $0xffff, v2  }
0xb4: {  	v3 =	vld [tilespmem:s20+$0x0]  }
0xb5: {  	s1 =	sor.u32 s22, s31;
	[tilespmem:v4+s10+$0x0] =	vst.idx.add.f32.msk $0xffff, v2  }
0xb6: {  	v4 =	vld [tilespmem:s1+$0x0];
	_ =	sdelay $0x2  }
0xb7: {  	v3 =	vadd.s32 v1, v3;
	_ =	sdelay $0x1  }
0xb8: {  	v4 =	vadd.s32 v1, v4;
	_ =	sdelay $0x1  }
0xb9: {  	s21 =	sor.u32 $0x2280, s24  }
0xba: {  	s25 =	sor.u32 s23, s21;
	[tilespmem:v3+s7+$0x0] =	vst.idx.add.f32.msk $0xffff, v2  }
0xbb: {  	v3 =	vld [tilespmem:s25+$0x0]  }
0xbc: {  	s0 =	sor.u32 s22, s12;
	[tilespmem:v4+s7+$0x0] =	vst.idx.add.f32.msk $0xffff, v2  }
0xbd: {  	v4 =	vld [tilespmem:s0+$0x0];
	_ =	sdelay $0x2  }
0xbe: {  	s0 =	simm.s32 $0x20;
	v3 =	vadd.s32 v1, v3  }
0xbf: {  	s1 =	simm.s32 $0x100;
	s15 =	sand.u32 $0x60, s0  }
0xc0: {  	s16 =	sand.u32 $0xC00, s1;
	s17 =	sor.u32 $0x10, s15;
	v4 =	vadd.s32 v1, v4  }
0xc1: {  	s12 =	sor.u32 s17, s16  }
0xc2: {  	s26 =	sor.u32 $0x2300, s24;
	v5 =	vld [tilespmem:s12+$0x0]  }
0xc3: {  	s11 =	sor.u32 s23, s26;
	[tilespmem:v3+s8+$0x0] =	vst.idx.add.f32.msk $0xffff, v2  }
0xc4: {  	v3 =	vld [tilespmem:s11+$0x0]  }
0xc5: {  	s3 =	sor.u32 s22, s14;
	[tilespmem:v4+s8+$0x0] =	vst.idx.add.f32.msk $0xffff, v2  }
0xc6: {  	v4 =	vld [tilespmem:s3+$0x0]  }
0xc7: {  	v5 =	vadd.s32 v1, v5;
	_ =	sdelay $0x1  }
0xc8: {  	v3 =	vadd.s32 v1, v3;
	_ =	sdelay $0x1  }
0xc9: {  	v4 =	vadd.s32 v1, v4  }
0xca: {  	[tilespmem:v5+s7+$0x0] =	vst.idx.add.f32.msk $0xffff, v2  }
0xcb: {  	s13 =	sor.u32 $0x2380, s24;
	v5 =	vld [tilespmem:s12+$0x80]  }
0xcc: {  	s29 =	sor.u32 s23, s13;
	[tilespmem:v3+s9+$0x0] =	vst.idx.add.f32.msk $0xffff, v2  }
0xcd: {  	v3 =	vld [tilespmem:s29+$0x0]  }
0xce: {  	s5 =	sor.u32 s22, s18;
	[tilespmem:v4+s9+$0x0] =	vst.idx.add.f32.msk $0xffff, v2  }
0xcf: {  	v4 =	vld [tilespmem:s5+$0x0]  }
0xd0: {  	v5 =	vadd.s32 v1, v5;
	_ =	sdelay $0x1  }
0xd1: {  	s3 =	sor.u32 s15, s16;
	v3 =	vadd.s32 v1, v3  }
0xd2: {  	v6 =	vld [tilespmem:s3+$0x0]  }
0xd3: {  	v4 =	vadd.s32 v1, v4  }
0xd4: {  	[tilespmem:v5+s8+$0x0] =	vst.idx.add.f32.msk $0xffff, v2  }
0xd5: {  	s5 =	sor.u32 $0x3000, s24;
	v5 =	vld [tilespmem:s12+$0x100]  }
0xd6: {  	s31 =	sor.u32 s23, s5;
	[tilespmem:v3+s10+$0x0] =	vst.idx.add.f32.msk $0xffff, v2  }
0xd7: {  	v3 =	vadd.s32 v1, v6;
	v6 =	vld [tilespmem:s31+$0x0]  }
0xd8: {  	s6 =	sor.u32 s22, s6;
	[tilespmem:v4+s10+$0x0] =	vst.idx.add.f32.msk $0xffff, v2  }
0xd9: {  	v4 =	vld [tilespmem:s6+$0x0]  }
0xda: {  	v5 =	vadd.s32 v1, v5;
	_ =	sdelay $0x1  }
0xdb: {  	[tilespmem:v3+s7+$0x0] =	vst.idx.add.f32.msk $0xffff, v2;
	v3 =	vadd.s32 v1, v6  }
0xdc: {  	v6 =	vld [tilespmem:s3+$0x80]  }
0xdd: {  	v4 =	vadd.s32 v1, v4  }
0xde: {  	[tilespmem:v5+s9+$0x0] =	vst.idx.add.f32.msk $0xffff, v2  }
0xdf: {  	v5 =	vld [tilespmem:s12+$0x180];
	s11 =	sor.u32 $0x3080, s24  }
0xe0: {  	s14 =	sor.u32 s23, s11;
	[tilespmem:v3+s7+$0x0] =	vst.idx.add.f32.msk $0xffff, v2  }
0xe1: {  	v3 =	vadd.s32 v1, v6;
	v6 =	vld [tilespmem:s14+$0x0]  }
0xe2: {  	s4 =	sor.u32 s22, s21;
	[tilespmem:v4+s7+$0x0] =	vst.idx.add.f32.msk $0xffff, v2  }
0xe3: {  	v4 =	vld [tilespmem:s4+$0x0]  }
0xe4: {  	v5 =	vadd.s32 v1, v5;
	_ =	sdelay $0x1  }
0xe5: {  	[tilespmem:v3+s8+$0x0] =	vst.idx.add.f32.msk $0xffff, v2;
	v3 =	vadd.s32 v1, v6  }
0xe6: {  	v6 =	vld [tilespmem:s3+$0x100]  }
0xe7: {  	v4 =	vadd.s32 v1, v4  }
0xe8: {  	[tilespmem:v5+s10+$0x0] =	vst.idx.add.f32.msk $0xffff, v2  }
0xe9: {  	s6 =	sor.u32 $0x3100, s24;
	v5 =	vld [tilespmem:s12+$0x200]  }
0xea: {  	s18 =	sor.u32 s23, s6;
	[tilespmem:v3+s8+$0x0] =	vst.idx.add.f32.msk $0xffff, v2  }
0xeb: {  	v3 =	vadd.s32 v1, v6;
	v6 =	vld [tilespmem:s18+$0x0]  }
0xec: {  	s2 =	sor.u32 s22, s26;
	[tilespmem:v4+s8+$0x0] =	vst.idx.add.f32.msk $0xffff, v2  }
0xed: {  	v4 =	vld [tilespmem:s2+$0x0]  }
0xee: {  	v5 =	vadd.s32 v1, v5;
	_ =	sdelay $0x1  }
0xef: {  	[tilespmem:v3+s9+$0x0] =	vst.idx.add.f32.msk $0xffff, v2;
	v3 =	vadd.s32 v1, v6  }
0xf0: {  	v6 =	vld [tilespmem:s3+$0x180]  }
0xf1: {  	v4 =	vadd.s32 v1, v4  }
0xf2: {  	[tilespmem:v5+s7+$0x0] =	vst.idx.add.f32.msk $0xffff, v2  }
0xf3: {  	s4 =	sor.u32 $0x3180, s24;
	v5 =	vld [tilespmem:s12+$0x280]  }
0xf4: {  	s19 =	sor.u32 s23, s4;
	[tilespmem:v3+s9+$0x0] =	vst.idx.add.f32.msk $0xffff, v2  }
0xf5: {  	v3 =	vadd.s32 v1, v6;
	v6 =	vld [tilespmem:s19+$0x0]  }
0xf6: {  	s21 =	sor.u32 s22, s13;
	[tilespmem:v4+s9+$0x0] =	vst.idx.add.f32.msk $0xffff, v2  }
0xf7: {  	v4 =	vld [tilespmem:s21+$0x0]  }
0xf8: {  	s20 =	simm.s32 $0x1;
	v5 =	vadd.s32 v1, v5  }
0xf9: {  	s25 =	sand.u32 $0x3, s20  }
0xfa: {  	s26 =	sshll.u32 s25, $0x5;
	[tilespmem:v3+s10+$0x0] =	vst.idx.add.f32.msk $0xffff, v2;
	v3 =	vadd.s32 v1, v6  }
0xfb: {  	s12 =	sadd.s32 $0x100, s26;
	v6 =	vld [tilespmem:s3+$0x200]  }
0xfc: {  	s31 =	sadd.s32 $0x10, s12;
	v4 =	vadd.s32 v1, v4  }
0xfd: {  	[tilespmem:v5+s8+$0x0] =	vst.idx.add.f32.msk $0xffff, v2;
	s14 =	sor.u32 $0x300, s31  }
0xfe: {  	s2 =	sor.u32 $0x3200, s24;
	v5 =	vld [tilespmem:s14+$0x0]  }
0xff: {  	s29 =	sor.u32 s23, s2;
	[tilespmem:v3+s10+$0x0] =	vst.idx.add.f32.msk $0xffff, v2  }
0x100: {  	v3 =	vadd.s32 v1, v6;
	v6 =	vld [tilespmem:s29+$0x0]  }
0x101: {  	[tilespmem:v4+s10+$0x0] =	vst.idx.add.f32.msk $0xffff, v2;
	s18 =	sor.u32 s22, s5  }
0x102: {  	v4 =	vld [tilespmem:s18+$0x0]  }
0x103: {  	v5 =	vadd.s32 v1, v5;
	_ =	sdelay $0x1  }
0x104: {  	[tilespmem:v3+s7+$0x0] =	vst.idx.add.f32.msk $0xffff, v2;
	v3 =	vadd.s32 v1, v6  }
0x105: {  	v6 =	vld [tilespmem:s3+$0x280]  }
0x106: {  	v4 =	vadd.s32 v1, v4  }
0x107: {  	s20 =	sor.u32 $0x380, s31;
	[tilespmem:v5+s9+$0x0] =	vst.idx.add.f32.msk $0xffff, v2  }
0x108: {  	s5 =	sor.u32 $0x3280, s24;
	v5 =	vld [tilespmem:s20+$0x0]  }
0x109: {  	s19 =	sor.u32 s23, s5;
	[tilespmem:v3+s7+$0x0] =	vst.idx.add.f32.msk $0xffff, v2  }
0x10a: {  	v3 =	vadd.s32 v1, v6;
	v6 =	vld [tilespmem:s19+$0x0]  }
0x10b: {  	s25 =	sor.u32 s22, s11;
	[tilespmem:v4+s7+$0x0] =	vst.idx.add.f32.msk $0xffff, v2  }
0x10c: {  	v4 =	vld [tilespmem:s25+$0x0]  }
0x10d: {  	v5 =	vadd.s32 v1, v5;
	_ =	sdelay $0x1  }
0x10e: {  	s21 =	sor.u32 $0x300, s12;
	[tilespmem:v3+s8+$0x0] =	vst.idx.add.f32.msk $0xffff, v2;
	v3 =	vadd.s32 v1, v6  }
0x10f: {  	v6 =	vld [tilespmem:s21+$0x0]  }
0x110: {  	v4 =	vadd.s32 v1, v4;
	s29 =	sor.u32 $0x1000, s16  }
0x111: {  	[tilespmem:v5+s10+$0x0] =	vst.idx.add.f32.msk $0xffff, v2;
	s31 =	sor.u32 s17, s29  }
0x112: {  	v5 =	vld [tilespmem:s31+$0x0];
	s3 =	sor.u32 $0x3300, s24  }
0x113: {  	s26 =	sor.u32 s23, s3;
	[tilespmem:v3+s8+$0x0] =	vst.idx.add.f32.msk $0xffff, v2  }
0x114: {  	v3 =	vadd.s32 v1, v6;
	v6 =	vld [tilespmem:s26+$0x0]  }
0x115: {  	s12 =	sor.u32 s22, s6;
	[tilespmem:v4+s8+$0x0] =	vst.idx.add.f32.msk $0xffff, v2  }
0x116: {  	v4 =	vld [tilespmem:s12+$0x0]  }
0x117: {  	v5 =	vadd.s32 v1, v5  }
0x118: {  	s0 =	sor.u32 s1, s0  }
0x119: {  	s0 =	sor.u32 $0x380, s0;
	[tilespmem:v3+s9+$0x0] =	vst.idx.add.f32.msk $0xffff, v2;
	v3 =	vadd.s32 v1, v6  }
0x11a: {  	v6 =	vld [tilespmem:s0+$0x0]  }
0x11b: {  	s14 =	sor.u32 $0x1080, s16;
	v4 =	vadd.s32 v1, v4  }
0x11c: {  	s18 =	sor.u32 s17, s14;
	[tilespmem:v5+s7+$0x0] =	vst.idx.add.f32.msk $0xffff, v2  }
0x11d: {  	v5 =	vld [tilespmem:s18+$0x0];
	s0 =	sor.u32 $0x3380, s24  }
0x11e: {  	s13 =	sor.u32 s23, s0;
	[tilespmem:v3+s9+$0x0] =	vst.idx.add.f32.msk $0xffff, v2  }
0x11f: {  	v3 =	vadd.s32 v1, v6;
	v6 =	vld [tilespmem:s13+$0x0]  }
0x120: {  	s20 =	sor.u32 s22, s4;
	[tilespmem:v4+s9+$0x0] =	vst.idx.add.f32.msk $0xffff, v2  }
0x121: {  	v4 =	vld [tilespmem:s20+$0x0]  }
0x122: {  	v5 =	vadd.s32 v1, v5;
	_ =	sdelay $0x1  }
0x123: {  	s19 =	sor.u32 s15, s29;
	[tilespmem:v3+s10+$0x0] =	vst.idx.add.f32.msk $0xffff, v2;
	v3 =	vadd.s32 v1, v6  }
0x124: {  	v6 =	vld [tilespmem:s19+$0x0]  }
0x125: {  	s25 =	sor.u32 $0x1100, s16;
	v4 =	vadd.s32 v1, v4  }
0x126: {  	s26 =	sor.u32 s17, s25;
	[tilespmem:v5+s8+$0x0] =	vst.idx.add.f32.msk $0xffff, v2  }
0x127: {  	s1 =	sor.u32 $0x4000, s24;
	v5 =	vld [tilespmem:s26+$0x0]  }
0x128: {  	s21 =	sor.u32 s23, s1;
	[tilespmem:v3+s10+$0x0] =	vst.idx.add.f32.msk $0xffff, v2  }
0x129: {  	v3 =	vadd.s32 v1, v6;
	v6 =	vld [tilespmem:s21+$0x0]  }
0x12a: {  	s2 =	sor.u32 s22, s2;
	[tilespmem:v4+s10+$0x0] =	vst.idx.add.f32.msk $0xffff, v2  }
0x12b: {  	v4 =	vld [tilespmem:s2+$0x0]  }
0x12c: {  	v5 =	vadd.s32 v1, v5;
	_ =	sdelay $0x1  }
0x12d: {  	s6 =	sor.u32 s15, s14;
	[tilespmem:v3+s7+$0x0] =	vst.idx.add.f32.msk $0xffff, v2;
	v3 =	vadd.s32 v1, v6  }
0x12e: {  	v6 =	vld [tilespmem:s6+$0x0]  }
0x12f: {  	s31 =	sor.u32 $0x1180, s16;
	v4 =	vadd.s32 v1, v4  }
0x130: {  	s12 =	sor.u32 s17, s31;
	[tilespmem:v5+s9+$0x0] =	vst.idx.add.f32.msk $0xffff, v2  }
0x131: {  	s2 =	sor.u32 $0x4080, s24;
	v5 =	vld [tilespmem:s12+$0x0]  }
0x132: {  	s29 =	sor.u32 s23, s2;
	[tilespmem:v3+s7+$0x0] =	vst.idx.add.f32.msk $0xffff, v2  }
0x133: {  	v3 =	vadd.s32 v1, v6;
	v6 =	vld [tilespmem:s29+$0x0]  }
0x134: {  	s13 =	sor.u32 s22, s5;
	[tilespmem:v4+s7+$0x0] =	vst.idx.add.f32.msk $0xffff, v2  }
0x135: {  	v4 =	vld [tilespmem:s13+$0x0]  }
0x136: {  	v5 =	vadd.s32 v1, v5;
	_ =	sdelay $0x1  }
0x137: {  	s4 =	sor.u32 s15, s25;
	[tilespmem:v3+s8+$0x0] =	vst.idx.add.f32.msk $0xffff, v2;
	v3 =	vadd.s32 v1, v6  }
0x138: {  	v6 =	vld [tilespmem:s4+$0x0]  }
0x139: {  	s18 =	sor.u32 $0x1200, s16;
	v4 =	vadd.s32 v1, v4  }
0x13a: {  	s19 =	sor.u32 s17, s18;
	[tilespmem:v5+s10+$0x0] =	vst.idx.add.f32.msk $0xffff, v2  }
0x13b: {  	v5 =	vld [tilespmem:s19+$0x0];
	s4 =	sor.u32 $0x4100, s24  }
0x13c: {  	s14 =	sor.u32 s23, s4;
	[tilespmem:v3+s8+$0x0] =	vst.idx.add.f32.msk $0xffff, v2  }
0x13d: {  	v3 =	vadd.s32 v1, v6;
	v6 =	vld [tilespmem:s14+$0x0]  }
0x13e: {  	s3 =	sor.u32 s22, s3;
	[tilespmem:v4+s8+$0x0] =	vst.idx.add.f32.msk $0xffff, v2  }
0x13f: {  	v4 =	vld [tilespmem:s3+$0x0]  }
0x140: {  	v5 =	vadd.s32 v1, v5;
	_ =	sdelay $0x1  }
0x141: {  	s6 =	sor.u32 s15, s31;
	[tilespmem:v3+s9+$0x0] =	vst.idx.add.f32.msk $0xffff, v2;
	v3 =	vadd.s32 v1, v6  }
0x142: {  	v6 =	vld [tilespmem:s6+$0x0]  }
0x143: {  	s21 =	sor.u32 $0x1280, s16;
	v4 =	vadd.s32 v1, v4  }
0x144: {  	s25 =	sor.u32 s17, s21;
	[tilespmem:v5+s7+$0x0] =	vst.idx.add.f32.msk $0xffff, v2  }
0x145: {  	s3 =	sor.u32 $0x4180, s24;
	v5 =	vld [tilespmem:s25+$0x0]  }
0x146: {  	s20 =	sor.u32 s23, s3;
	[tilespmem:v3+s9+$0x0] =	vst.idx.add.f32.msk $0xffff, v2  }
0x147: {  	v3 =	vadd.s32 v1, v6;
	v6 =	vld [tilespmem:s20+$0x0]  }
0x148: {  	s0 =	sor.u32 s22, s0;
	[tilespmem:v4+s9+$0x0] =	vst.idx.add.f32.msk $0xffff, v2  }
0x149: {  	v4 =	vld [tilespmem:s0+$0x0]  }
0x14a: {  	v5 =	vadd.s32 v1, v5;
	_ =	sdelay $0x1  }
0x14b: {  	s5 =	sor.u32 s15, s18;
	[tilespmem:v3+s10+$0x0] =	vst.idx.add.f32.msk $0xffff, v2;
	v3 =	vadd.s32 v1, v6  }
0x14c: {  	v6 =	vld [tilespmem:s5+$0x0]  }
0x14d: {  	s29 =	sor.u32 $0x1300, s16;
	v4 =	vadd.s32 v1, v4  }
0x14e: {  	s31 =	sor.u32 s17, s29;
	[tilespmem:v5+s8+$0x0] =	vst.idx.add.f32.msk $0xffff, v2  }
0x14f: {  	s0 =	sor.u32 $0x4200, s24;
	v5 =	vld [tilespmem:s31+$0x0]  }
0x150: {  	s26 =	sor.u32 s23, s0;
	[tilespmem:v3+s10+$0x0] =	vst.idx.add.f32.msk $0xffff, v2  }
0x151: {  	v3 =	vadd.s32 v1, v6;
	v6 =	vld [tilespmem:s26+$0x0]  }
0x152: {  	s1 =	sor.u32 s22, s1;
	[tilespmem:v4+s10+$0x0] =	vst.idx.add.f32.msk $0xffff, v2  }
0x153: {  	v4 =	vld [tilespmem:s1+$0x0]  }
0x154: {  	v5 =	vadd.s32 v1, v5;
	_ =	sdelay $0x1  }
0x155: {  	s6 =	sor.u32 s15, s21;
	[tilespmem:v3+s7+$0x0] =	vst.idx.add.f32.msk $0xffff, v2;
	v3 =	vadd.s32 v1, v6  }
0x156: {  	v6 =	vld [tilespmem:s6+$0x0]  }
0x157: {  	s12 =	sor.u32 $0x1380, s16;
	v4 =	vadd.s32 v1, v4  }
0x158: {  	s13 =	sor.u32 s17, s12;
	[tilespmem:v5+s9+$0x0] =	vst.idx.add.f32.msk $0xffff, v2  }
0x159: {  	s1 =	sor.u32 $0x4280, s24;
	v5 =	vld [tilespmem:s13+$0x0]  }
0x15a: {  	s11 =	sor.u32 s23, s1;
	[tilespmem:v3+s7+$0x0] =	vst.idx.add.f32.msk $0xffff, v2  }
0x15b: {  	v3 =	vadd.s32 v1, v6;
	v6 =	vld [tilespmem:s11+$0x0]  }
0x15c: {  	s2 =	sor.u32 s22, s2;
	[tilespmem:v4+s7+$0x0] =	vst.idx.add.f32.msk $0xffff, v2  }
0x15d: {  	v4 =	vld [tilespmem:s2+$0x0]  }
0x15e: {  	v5 =	vadd.s32 v1, v5;
	_ =	sdelay $0x1  }
0x15f: {  	s5 =	sor.u32 s15, s29;
	[tilespmem:v3+s8+$0x0] =	vst.idx.add.f32.msk $0xffff, v2;
	v3 =	vadd.s32 v1, v6  }
0x160: {  	v6 =	vld [tilespmem:s5+$0x0]  }
0x161: {  	s18 =	sor.u32 $0x2000, s16;
	v4 =	vadd.s32 v1, v4  }
0x162: {  	s19 =	sor.u32 s17, s18;
	[tilespmem:v5+s10+$0x0] =	vst.idx.add.f32.msk $0xffff, v2  }
0x163: {  	s2 =	sor.u32 $0x4300, s24;
	v5 =	vld [tilespmem:s19+$0x0]  }
0x164: {  	s14 =	sor.u32 s23, s2;
	[tilespmem:v3+s8+$0x0] =	vst.idx.add.f32.msk $0xffff, v2  }
0x165: {  	v3 =	vadd.s32 v1, v6;
	v6 =	vld [tilespmem:s14+$0x0]  }
0x166: {  	s4 =	sor.u32 s22, s4;
	[tilespmem:v4+s8+$0x0] =	vst.idx.add.f32.msk $0xffff, v2  }
0x167: {  	v4 =	vld [tilespmem:s4+$0x0]  }
0x168: {  	v5 =	vadd.s32 v1, v5;
	_ =	sdelay $0x1  }
0x169: {  	s6 =	sor.u32 s15, s12;
	[tilespmem:v3+s9+$0x0] =	vst.idx.add.f32.msk $0xffff, v2;
	v3 =	vadd.s32 v1, v6  }
0x16a: {  	v6 =	vld [tilespmem:s6+$0x0]  }
0x16b: {  	s21 =	sor.u32 $0x2080, s16;
	v4 =	vadd.s32 v1, v4  }
0x16c: {  	s25 =	sor.u32 s17, s21;
	[tilespmem:v5+s7+$0x0] =	vst.idx.add.f32.msk $0xffff, v2  }
0x16d: {  	s4 =	sor.u32 $0x4380, s24;
	v5 =	vld [tilespmem:s25+$0x0]  }
0x16e: {  	s20 =	sor.u32 s23, s4;
	[tilespmem:v3+s9+$0x0] =	vst.idx.add.f32.msk $0xffff, v2  }
0x16f: {  	v3 =	vadd.s32 v1, v6;
	v6 =	vld [tilespmem:s20+$0x0]  }
0x170: {  	s3 =	sor.u32 s22, s3;
	[tilespmem:v4+s9+$0x0] =	vst.idx.add.f32.msk $0xffff, v2  }
0x171: {  	v4 =	vld [tilespmem:s3+$0x0]  }
0x172: {  	v5 =	vadd.s32 v1, v5;
	_ =	sdelay $0x1  }
0x173: {  	s5 =	sor.u32 s15, s18;
	[tilespmem:v3+s10+$0x0] =	vst.idx.add.f32.msk $0xffff, v2;
	v3 =	vadd.s32 v1, v6  }
0x174: {  	v6 =	vld [tilespmem:s5+$0x0]  }
0x175: {  	s29 =	sor.u32 $0x2100, s16;
	v4 =	vadd.s32 v1, v4  }
0x176: {  	s31 =	sor.u32 s17, s29;
	[tilespmem:v5+s8+$0x0] =	vst.idx.add.f32.msk $0xffff, v2  }
0x177: {  	s11 =	sor.u32 $0x5000, s24;
	v5 =	vld [tilespmem:s31+$0x0]  }
0x178: {  	s26 =	sor.u32 s23, s11;
	[tilespmem:v3+s10+$0x0] =	vst.idx.add.f32.msk $0xffff, v2  }
0x179: {  	v3 =	vadd.s32 v1, v6;
	v6 =	vld [tilespmem:s26+$0x0]  }
0x17a: {  	s0 =	sor.u32 s22, s0;
	[tilespmem:v4+s10+$0x0] =	vst.idx.add.f32.msk $0xffff, v2  }
0x17b: {  	v4 =	vld [tilespmem:s0+$0x0]  }
0x17c: {  	v5 =	vadd.s32 v1, v5;
	_ =	sdelay $0x1  }
0x17d: {  	s12 =	sor.u32 s15, s21;
	[tilespmem:v3+s7+$0x0] =	vst.idx.add.f32.msk $0xffff, v2;
	v3 =	vadd.s32 v1, v6  }
0x17e: {  	v6 =	vld [tilespmem:s12+$0x0]  }
0x17f: {  	s14 =	sor.u32 $0x2180, s16;
	v4 =	vadd.s32 v1, v4  }
0x180: {  	s18 =	sor.u32 s17, s14;
	[tilespmem:v5+s9+$0x0] =	vst.idx.add.f32.msk $0xffff, v2  }
0x181: {  	s3 =	sor.u32 $0x5080, s24;
	v5 =	vld [tilespmem:s18+$0x0]  }
0x182: {  	s13 =	sor.u32 s23, s3;
	[tilespmem:v3+s7+$0x0] =	vst.idx.add.f32.msk $0xffff, v2  }
0x183: {  	v3 =	vadd.s32 v1, v6;
	v6 =	vld [tilespmem:s13+$0x0]  }
0x184: {  	s1 =	sor.u32 s22, s1;
	[tilespmem:v4+s7+$0x0] =	vst.idx.add.f32.msk $0xffff, v2  }
0x185: {  	v4 =	vld [tilespmem:s1+$0x0]  }
0x186: {  	v5 =	vadd.s32 v1, v5;
	_ =	sdelay $0x1  }
0x187: {  	s5 =	sor.u32 s15, s29;
	[tilespmem:v3+s8+$0x0] =	vst.idx.add.f32.msk $0xffff, v2;
	v3 =	vadd.s32 v1, v6  }
0x188: {  	v6 =	vld [tilespmem:s5+$0x0]  }
0x189: {  	s20 =	sor.u32 $0x2200, s16;
	v4 =	vadd.s32 v1, v4  }
0x18a: {  	s21 =	sor.u32 s17, s20;
	[tilespmem:v5+s10+$0x0] =	vst.idx.add.f32.msk $0xffff, v2  }
0x18b: {  	v5 =	vld [tilespmem:s21+$0x0];
	s5 =	sor.u32 $0x5100, s24  }
0x18c: {  	s19 =	sor.u32 s23, s5;
	[tilespmem:v3+s8+$0x0] =	vst.idx.add.f32.msk $0xffff, v2  }
0x18d: {  	v3 =	vadd.s32 v1, v6;
	v6 =	vld [tilespmem:s19+$0x0]  }
0x18e: {  	s25 =	sor.u32 s22, s2;
	[tilespmem:v4+s8+$0x0] =	vst.idx.add.f32.msk $0xffff, v2  }
0x18f: {  	v4 =	vld [tilespmem:s25+$0x0]  }
0x190: {  	v5 =	vadd.s32 v1, v5;
	_ =	sdelay $0x1  }
0x191: {  	s0 =	sor.u32 s15, s14;
	[tilespmem:v3+s9+$0x0] =	vst.idx.add.f32.msk $0xffff, v2;
	v3 =	vadd.s32 v1, v6  }
0x192: {  	v6 =	vld [tilespmem:s0+$0x0]  }
0x193: {  	s29 =	sor.u32 $0x2280, s16;
	v4 =	vadd.s32 v1, v4  }
0x194: {  	s31 =	sor.u32 s17, s29;
	[tilespmem:v5+s7+$0x0] =	vst.idx.add.f32.msk $0xffff, v2  }
0x195: {  	s6 =	sor.u32 $0x5180, s24;
	v5 =	vld [tilespmem:s31+$0x0]  }
0x196: {  	s26 =	sor.u32 s23, s6;
	[tilespmem:v3+s9+$0x0] =	vst.idx.add.f32.msk $0xffff, v2  }
0x197: {  	v3 =	vadd.s32 v1, v6;
	v6 =	vld [tilespmem:s26+$0x0]  }
0x198: {  	s12 =	sor.u32 s22, s4;
	[tilespmem:v4+s9+$0x0] =	vst.idx.add.f32.msk $0xffff, v2  }
0x199: {  	v4 =	vld [tilespmem:s12+$0x0]  }
0x19a: {  	v5 =	vadd.s32 v1, v5;
	_ =	sdelay $0x1  }
0x19b: {  	s1 =	sor.u32 s15, s20;
	[tilespmem:v3+s10+$0x0] =	vst.idx.add.f32.msk $0xffff, v2;
	v3 =	vadd.s32 v1, v6  }
0x19c: {  	v6 =	vld [tilespmem:s1+$0x0]  }
0x19d: {  	s14 =	sor.u32 $0x2300, s16;
	v4 =	vadd.s32 v1, v4  }
0x19e: {  	s21 =	sor.u32 s17, s14;
	[tilespmem:v5+s8+$0x0] =	vst.idx.add.f32.msk $0xffff, v2  }
0x19f: {  	v5 =	vld [tilespmem:s21+$0x0];
	s0 =	sor.u32 $0x5200, s24  }
0x1a0: {  	s13 =	sor.u32 s23, s0;
	[tilespmem:v3+s10+$0x0] =	vst.idx.add.f32.msk $0xffff, v2  }
0x1a1: {  	v3 =	vadd.s32 v1, v6;
	v6 =	vld [tilespmem:s13+$0x0]  }
0x1a2: {  	[tilespmem:v4+s10+$0x0] =	vst.idx.add.f32.msk $0xffff, v2;
	s26 =	sor.u32 s22, s11  }
0x1a3: {  	v4 =	vld [tilespmem:s26+$0x0];
	_ =	sdelay $0x1  }
0x1a4: {  	s2 =	simm.s32 $0x40;
	v5 =	vadd.s32 v1, v5  }
0x1a5: {  	s18 =	sand.u32 $0x60, s2;
	s25 =	sor.u32 s15, s29;
	s21 =	simm.s32 $0x200;
	[tilespmem:v3+s7+$0x0] =	vst.idx.add.f32.msk $0xffff, v2;
	v3 =	vadd.s32 v1, v6  }
0x1a6: {  	s19 =	sor.u32 $0x10, s18;
	s20 =	sand.u32 $0xC00, s21;
	v6 =	vld [tilespmem:s25+$0x0]  }
0x1a7: {  	s12 =	sor.u32 s19, s20;
	v4 =	vadd.s32 v1, v4  }
0x1a8: {  	v7 =	vld [tilespmem:s12+$0x0]  }
0x1a9: {  	[tilespmem:v5+s9+$0x0] =	vst.idx.add.f32.msk $0xffff, v2;
	s1 =	sor.u32 $0x5280, s24  }
0x1aa: {  	s29 =	sor.u32 s23, s1;
	[tilespmem:v3+s7+$0x0] =	vst.idx.add.f32.msk $0xffff, v2  }
0x1ab: {  	s31 =	sor.u32 $0x2380, s16;
	v3 =	vadd.s32 v1, v6;
	v6 =	vld [tilespmem:s29+$0x0]  }
0x1ac: {  	s13 =	sor.u32 s17, s31;
	[tilespmem:v4+s7+$0x0] =	vst.idx.add.f32.msk $0xffff, v2  }
0x1ad: {  	s3 =	sor.u32 s22, s3;
	v7 =	vadd.s32 v1, v7;
	v5 =	vld [tilespmem:s13+$0x0]  }
0x1ae: {  	s13 =	sor.u32 s18, s20;
	v4 =	vld [tilespmem:s3+$0x0]  }
0x1af: {  	v8 =	vld [tilespmem:s13+$0x0]  }
0x1b0: {  	s4 =	sor.u32 s15, s14;
	[tilespmem:v3+s8+$0x0] =	vst.idx.add.f32.msk $0xffff, v2;
	v3 =	vadd.s32 v1, v6  }
0x1b1: {  	v6 =	vld [tilespmem:s4+$0x0]  }
0x1b2: {  	[tilespmem:v7+s7+$0x0] =	vst.idx.add.f32.msk $0xffff, v2;
	v5 =	vadd.s32 v1, v5  }
0x1b3: {  	v7 =	vld [tilespmem:s12+$0x80];
	v4 =	vadd.s32 v1, v4  }
0x1b4: {  	v8 =	vadd.s32 v1, v8;
	s4 =	sor.u32 $0x5300, s24  }
0x1b5: {  	s14 =	sor.u32 s23, s4;
	[tilespmem:v3+s8+$0x0] =	vst.idx.add.f32.msk $0xffff, v2  }
0x1b6: {  	v3 =	vadd.s32 v1, v6;
	v6 =	vld [tilespmem:s14+$0x0]  }
0x1b7: {  	[tilespmem:v5+s10+$0x0] =	vst.idx.add.f32.msk $0xffff, v2  }
0x1b8: {  	[tilespmem:v4+s8+$0x0] =	vst.idx.add.f32.msk $0xffff, v2;
	v4 =	vadd.s32 v1, v7;
	s14 =	sor.u32 $0x3000, s16  }
0x1b9: {  	[tilespmem:v8+s7+$0x0] =	vst.idx.add.f32.msk $0xffff, v2;
	s25 =	sor.u32 s17, s14  }
0x1ba: {  	v5 =	vld [tilespmem:s25+$0x0]  }
0x1bb: {  	s26 =	sor.u32 s15, s31;
	[tilespmem:v3+s9+$0x0] =	vst.idx.add.f32.msk $0xffff, v2;
	v3 =	vadd.s32 v1, v6  }
0x1bc: {  	v8 =	vld [tilespmem:s26+$0x0]  }
0x1bd: {  	[tilespmem:v4+s8+$0x0] =	vst.idx.add.f32.msk $0xffff, v2  }
0x1be: {  	v6 =	vld [tilespmem:s13+$0x80]  }
0x1bf: {  	s3 =	sor.u32 $0x5380, s24;
	v4 =	vld [tilespmem:s12+$0x100];
	v5 =	vadd.s32 v1, v5  }
0x1c0: {  	s29 =	sor.u32 s23, s3;
	[tilespmem:v3+s9+$0x0] =	vst.idx.add.f32.msk $0xffff, v2  }
0x1c1: {  	v7 =	vadd.s32 v1, v8;
	v3 =	vld [tilespmem:s29+$0x0]  }
0x1c2: {  	s5 =	sor.u32 s22, s5  }
0x1c3: {  	s26 =	sor.u32 $0x3080, s16;
	v6 =	vadd.s32 v1, v6;
	v8 =	vld [tilespmem:s5+$0x0]  }
0x1c4: {  	s31 =	sor.u32 s17, s26;
	[tilespmem:v5+s7+$0x0] =	vst.idx.add.f32.msk $0xffff, v2  }
0x1c5: {  	v4 =	vadd.s32 v1, v4;
	v5 =	vld [tilespmem:s31+$0x0]  }
0x1c6: {  	s14 =	sor.u32 s15, s14;
	[tilespmem:v7+s10+$0x0] =	vst.idx.add.f32.msk $0xffff, v2;
	v3 =	vadd.s32 v1, v3  }
0x1c7: {  	v7 =	vld [tilespmem:s14+$0x0]  }
0x1c8: {  	[tilespmem:v6+s8+$0x0] =	vst.idx.add.f32.msk $0xffff, v2  }
0x1c9: {  	v6 =	vld [tilespmem:s13+$0x100]  }
0x1ca: {  	[tilespmem:v4+s9+$0x0] =	vst.idx.add.f32.msk $0xffff, v2;
	v5 =	vadd.s32 v1, v5  }
0x1cb: {  	s5 =	sor.u32 $0x6000, s24;
	[tilespmem:v3+s10+$0x0] =	vst.idx.add.f32.msk $0xffff, v2  }
0x1cc: {  	s25 =	sor.u32 s23, s5;
	v4 =	vadd.s32 v1, v7;
	v7 =	vld [tilespmem:s12+$0x180]  }
0x1cd: {  	v3 =	vadd.s32 v1, v8;
	v8 =	vld [tilespmem:s25+$0x0]  }
0x1ce: {  	s28 =	sor.u32 $0x3100, s16;
	v6 =	vadd.s32 v1, v6  }
0x1cf: {  	s29 =	sor.u32 s17, s28;
	[tilespmem:v5+s8+$0x0] =	vst.idx.add.f32.msk $0xffff, v2  }
0x1d0: {  	v5 =	vld [tilespmem:s29+$0x0]  }
0x1d1: {  	[tilespmem:v4+s7+$0x0] =	vst.idx.add.f32.msk $0xffff, v2;
	v4 =	vadd.s32 v1, v7  }
0x1d2: {  	[tilespmem:v3+s9+$0x0] =	vst.idx.add.f32.msk $0xffff, v2;
	v3 =	vadd.s32 v1, v8  }
0x1d3: {  	[tilespmem:v6+s9+$0x0] =	vst.idx.add.f32.msk $0xffff, v2  }
0x1d4: {  	s6 =	sor.u32 s22, s6;
	v6 =	vld [tilespmem:s13+$0x180]  }
0x1d5: {  	v8 =	vld [tilespmem:s6+$0x0];
	v5 =	vadd.s32 v1, v5  }
0x1d6: {  	s11 =	sor.u32 $0x6080, s24;
	[tilespmem:v4+s10+$0x0] =	vst.idx.add.f32.msk $0xffff, v2  }
0x1d7: {  	s31 =	sor.u32 s23, s11;
	[tilespmem:v3+s7+$0x0] =	vst.idx.add.f32.msk $0xffff, v2  }
0x1d8: {  	v3 =	vld [tilespmem:s31+$0x0]  }
0x1d9: {  	s25 =	sor.u32 $0x3180, s16;
	v6 =	vadd.s32 v1, v6;
	v4 =	vld [tilespmem:s12+$0x200]  }
0x1da: {  	s14 =	sor.u32 s17, s25;
	v7 =	vadd.s32 v1, v8;
	[tilespmem:v5+s9+$0x0] =	vst.idx.add.f32.msk $0xffff, v2  }
0x1db: {  	v5 =	vld [tilespmem:s14+$0x0]  }
0x1dc: {  	s26 =	sor.u32 s15, s26  }
0x1dd: {  	v8 =	vld [tilespmem:s26+$0x0];
	v3 =	vadd.s32 v1, v3  }
0x1de: {  	[tilespmem:v6+s10+$0x0] =	vst.idx.add.f32.msk $0xffff, v2  }
0x1df: {  	[tilespmem:v7+s10+$0x0] =	vst.idx.add.f32.msk $0xffff, v2;
	v4 =	vadd.s32 v1, v4  }
0x1e0: {  	s0 =	sor.u32 s22, s0;
	v6 =	vld [tilespmem:s13+$0x200];
	v5 =	vadd.s32 v1, v5  }
0x1e1: {  	s6 =	sor.u32 $0x6100, s24;
	v7 =	vld [tilespmem:s0+$0x0]  }
0x1e2: {  	s29 =	sor.u32 s23, s6;
	[tilespmem:v3+s8+$0x0] =	vst.idx.add.f32.msk $0xffff, v2  }
0x1e3: {  	v3 =	vadd.s32 v1, v8;
	v8 =	vld [tilespmem:s29+$0x0]  }
0x1e4: {  	s14 =	sor.u32 $0x3200, s16;
	[tilespmem:v4+s7+$0x0] =	vst.idx.add.f32.msk $0xffff, v2  }
0x1e5: {  	s31 =	sor.u32 s17, s14;
	v6 =	vadd.s32 v1, v6;
	[tilespmem:v5+s10+$0x0] =	vst.idx.add.f32.msk $0xffff, v2  }
0x1e6: {  	v5 =	vld [tilespmem:s31+$0x0]  }
0x1e7: {  	v4 =	vadd.s32 v1, v7;
	v7 =	vld [tilespmem:s12+$0x280]  }
0x1e8: {  	[tilespmem:v3+s8+$0x0] =	vst.idx.add.f32.msk $0xffff, v2;
	v3 =	vadd.s32 v1, v8;
	_ =	sdelay $0x1  }
0x1e9: {  	[tilespmem:v6+s7+$0x0] =	vst.idx.add.f32.msk $0xffff, v2  }
0x1ea: {  	v6 =	vld [tilespmem:s13+$0x280];
	v5 =	vadd.s32 v1, v5  }
0x1eb: {  	s26 =	sor.u32 s15, s28;
	s29 =	simm.s32 $0x2;
	[tilespmem:v4+s7+$0x0] =	vst.idx.add.f32.msk $0xffff, v2;
	v4 =	vadd.s32 v1, v7  }
0x1ec: {  	s0 =	sor.u32 $0x6180, s24;
	s29 =	sand.u32 $0x3, s29;
	s31 =	simm.s32 $0x2;
	[tilespmem:v3+s9+$0x0] =	vst.idx.add.f32.msk $0xffff, v2  }
0x1ed: {  	s12 =	sor.u32 s23, s0;
	v8 =	vld [tilespmem:s26+$0x0];
	s13 =	sshll.u32 s29, $0x5;
	[dreg:$0x2] =	wrdreg s31  }
0x1ee: {  	s13 =	sadd.s32 $0x200, s13;
	v3 =	vld [tilespmem:s12+$0x0]  }
0x1ef: {  	s26 =	sadd.s32 $0x10, s13;
	v6 =	vadd.s32 v1, v6;
	[tilespmem:v5+s7+$0x0] =	vst.idx.add.f32.msk $0xffff, v2  }
0x1f0: {  	s28 =	sor.u32 $0x300, s26;
	s12 =	sor.u32 $0x3280, s16;
	[tilespmem:v4+s8+$0x0] =	vst.idx.add.f32.msk $0xffff, v2  }
0x1f1: {  	s31 =	sor.u32 s17, s12;
	v4 =	vld [tilespmem:s28+$0x0]  }
0x1f2: {  	s1 =	sor.u32 s22, s1;
	v7 =	vadd.s32 v1, v8;
	v5 =	vld [tilespmem:s31+$0x0]  }
0x1f3: {  	v8 =	vld [tilespmem:s1+$0x0]  }
0x1f4: {  	s13 =	sor.u32 $0x300, s13;
	[tilespmem:v6+s8+$0x0] =	vst.idx.add.f32.msk $0xffff, v2;
	v3 =	vadd.s32 v1, v3  }
0x1f5: {  	v6 =	vld [tilespmem:s13+$0x0]  }
0x1f6: {  	v4 =	vadd.s32 v1, v4  }
0x1f7: {  	s25 =	sor.u32 s15, s25;
	[tilespmem:v7+s9+$0x0] =	vst.idx.add.f32.msk $0xffff, v2;
	v5 =	vadd.s32 v1, v5  }
0x1f8: {  	s1 =	sor.u32 $0x6200, s24;
	v7 =	vld [tilespmem:s25+$0x0]  }
0x1f9: {  	s29 =	sor.u32 s23, s1;
	[tilespmem:v3+s10+$0x0] =	vst.idx.add.f32.msk $0xffff, v2  }
0x1fa: {  	v6 =	vadd.s32 v1, v6;
	v3 =	vadd.s32 v1, v8;
	v8 =	vld [tilespmem:s29+$0x0]  }
0x1fb: {  	[tilespmem:v4+s9+$0x0] =	vst.idx.add.f32.msk $0xffff, v2  }
0x1fc: {  	s13 =	sor.u32 $0x3300, s16;
	s29 =	sor.u32 $0x380, s26;
	[tilespmem:v5+s8+$0x0] =	vst.idx.add.f32.msk $0xffff, v2  }
0x1fd: {  	s31 =	sor.u32 s17, s13;
	v4 =	vadd.s32 v1, v7;
	v7 =	vld [tilespmem:s29+$0x0]  }
0x1fe: {  	v5 =	vld [tilespmem:s31+$0x0]  }
0x1ff: {  	s2 =	sor.u32 s21, s2;
	[tilespmem:v6+s9+$0x0] =	vst.idx.add.f32.msk $0xffff, v2  }
0x200: {  	s2 =	sor.u32 $0x380, s2;
	[tilespmem:v3+s8+$0x0] =	vst.idx.add.f32.msk $0xffff, v2;
	v3 =	vadd.s32 v1, v8  }
0x201: {  	v6 =	vld [tilespmem:s2+$0x0]  }
0x202: {  	[tilespmem:v4+s10+$0x0] =	vst.idx.add.f32.msk $0xffff, v2;
	v4 =	vadd.s32 v1, v7  }
0x203: {  	s4 =	sor.u32 s22, s4;
	v5 =	vadd.s32 v1, v5  }
0x204: {  	s2 =	sor.u32 $0x6280, s24;
	v8 =	vld [tilespmem:s4+$0x0]  }
0x205: {  	s31 =	sor.u32 s23, s2;
	[tilespmem:v3+s7+$0x0] =	vst.idx.add.f32.msk $0xffff, v2  }
0x206: {  	v3 =	vld [tilespmem:s31+$0x0]  }
0x207: {  	s29 =	sor.u32 $0x1000, s20;
	v6 =	vadd.s32 v1, v6;
	[tilespmem:v4+s10+$0x0] =	vst.idx.add.f32.msk $0xffff, v2  }
0x208: {  	s26 =	sor.u32 $0x3380, s16;
	s31 =	sor.u32 s19, s29;
	[tilespmem:v5+s9+$0x0] =	vst.idx.add.f32.msk $0xffff, v2  }
0x209: {  	s25 =	sor.u32 s17, s26;
	v4 =	vld [tilespmem:s31+$0x0]  }
0x20a: {  	s14 =	sor.u32 s15, s14;
	v7 =	vadd.s32 v1, v8;
	v5 =	vld [tilespmem:s25+$0x0]  }
0x20b: {  	v8 =	vld [tilespmem:s14+$0x0]  }
0x20c: {  	s4 =	sor.u32 s18, s29;
	[tilespmem:v6+s10+$0x0] =	vst.idx.add.f32.msk $0xffff, v2;
	v3 =	vadd.s32 v1, v3  }
0x20d: {  	v6 =	vld [tilespmem:s4+$0x0]  }
0x20e: {  	v4 =	vadd.s32 v1, v4  }
0x20f: {  	s3 =	sor.u32 s22, s3;
	[tilespmem:v7+s9+$0x0] =	vst.idx.add.f32.msk $0xffff, v2;
	v5 =	vadd.s32 v1, v5  }
0x210: {  	v7 =	vld [tilespmem:s3+$0x0];
	s3 =	sor.u32 $0x6300, s24  }
0x211: {  	s14 =	sor.u32 s23, s3;
	[tilespmem:v3+s8+$0x0] =	vst.idx.add.f32.msk $0xffff, v2  }
0x212: {  	v6 =	vadd.s32 v1, v6;
	v3 =	vadd.s32 v1, v8;
	v8 =	vld [tilespmem:s14+$0x0]  }
0x213: {  	s29 =	sor.u32 $0x1080, s20;
	[tilespmem:v4+s7+$0x0] =	vst.idx.add.f32.msk $0xffff, v2  }
0x214: {  	s31 =	sor.u32 s19, s29;
	s14 =	sor.u32 $0x4000, s16;
	[tilespmem:v5+s10+$0x0] =	vst.idx.add.f32.msk $0xffff, v2  }
0x215: {  	v4 =	vadd.s32 v1, v7;
	s25 =	sor.u32 s17, s14;
	v7 =	vld [tilespmem:s31+$0x0]  }
0x216: {  	v5 =	vld [tilespmem:s25+$0x0]  }
0x217: {  	[tilespmem:v6+s7+$0x0] =	vst.idx.add.f32.msk $0xffff, v2  }
0x218: {  	s4 =	sor.u32 s18, s29;
	[tilespmem:v3+s7+$0x0] =	vst.idx.add.f32.msk $0xffff, v2;
	v3 =	vadd.s32 v1, v8  }
0x219: {  	v6 =	vld [tilespmem:s4+$0x0]  }
0x21a: {  	[tilespmem:v4+s10+$0x0] =	vst.idx.add.f32.msk $0xffff, v2;
	v4 =	vadd.s32 v1, v7  }
0x21b: {  	s12 =	sor.u32 s15, s12;
	v5 =	vadd.s32 v1, v5  }
0x21c: {  	s4 =	sor.u32 $0x6380, s24;
	v8 =	vld [tilespmem:s12+$0x0]  }
0x21d: {  	s29 =	sor.u32 s23, s4;
	[tilespmem:v3+s9+$0x0] =	vst.idx.add.f32.msk $0xffff, v2  }
0x21e: {  	v3 =	vld [tilespmem:s29+$0x0]  }
0x21f: {  	s12 =	sor.u32 $0x4080, s16;
	v6 =	vadd.s32 v1, v6;
	[tilespmem:v4+s8+$0x0] =	vst.idx.add.f32.msk $0xffff, v2  }
0x220: {  	s31 =	sor.u32 s17, s12;
	s29 =	sor.u32 $0x1100, s20;
	[tilespmem:v5+s7+$0x0] =	vst.idx.add.f32.msk $0xffff, v2  }
0x221: {  	s28 =	sor.u32 s19, s29;
	v5 =	vld [tilespmem:s31+$0x0]  }
0x222: {  	s5 =	sor.u32 s22, s5;
	v7 =	vadd.s32 v1, v8;
	v4 =	vld [tilespmem:s28+$0x0]  }
0x223: {  	v8 =	vld [tilespmem:s5+$0x0]  }
0x224: {  	s31 =	sor.u32 s18, s29;
	[tilespmem:v6+s8+$0x0] =	vst.idx.add.f32.msk $0xffff, v2;
	v3 =	vadd.s32 v1, v3  }
0x225: {  	v6 =	vld [tilespmem:s31+$0x0]  }
0x226: {  	v5 =	vadd.s32 v1, v5  }
0x227: {  	s13 =	sor.u32 s15, s13;
	[tilespmem:v7+s8+$0x0] =	vst.idx.add.f32.msk $0xffff, v2;
	v4 =	vadd.s32 v1, v4  }
0x228: {  	s5 =	sor.u32 $0x7000, s24;
	v7 =	vld [tilespmem:s13+$0x0]  }
0x229: {  	s25 =	sor.u32 s23, s5;
	[tilespmem:v3+s10+$0x0] =	vst.idx.add.f32.msk $0xffff, v2  }
0x22a: {  	v6 =	vadd.s32 v1, v6;
	v3 =	vadd.s32 v1, v8;
	v8 =	vld [tilespmem:s25+$0x0]  }
0x22b: {  	s25 =	sor.u32 $0x4100, s16;
	[tilespmem:v5+s8+$0x0] =	vst.idx.add.f32.msk $0xffff, v2  }
0x22c: {  	s31 =	sor.u32 $0x1180, s20;
	s29 =	sor.u32 s17, s25;
	[tilespmem:v4+s9+$0x0] =	vst.idx.add.f32.msk $0xffff, v2  }
0x22d: {  	s28 =	sor.u32 s19, s31;
	v5 =	vld [tilespmem:s29+$0x0]  }
0x22e: {  	v4 =	vadd.s32 v1, v7;
	v7 =	vld [tilespmem:s28+$0x0]  }
0x22f: {  	[tilespmem:v6+s9+$0x0] =	vst.idx.add.f32.msk $0xffff, v2  }
0x230: {  	s13 =	sor.u32 s18, s31;
	[tilespmem:v3+s7+$0x0] =	vst.idx.add.f32.msk $0xffff, v2  }
0x231: {  	v6 =	vld [tilespmem:s13+$0x0];
	v3 =	vadd.s32 v1, v8;
	_ =	sdelay $0x1  }
0x232: {  	v5 =	vadd.s32 v1, v5  }
0x233: {  	s11 =	sor.u32 s22, s11;
	[tilespmem:v4+s9+$0x0] =	vst.idx.add.f32.msk $0xffff, v2;
	v4 =	vadd.s32 v1, v7  }
0x234: {  	v8 =	vld [tilespmem:s11+$0x0];
	s11 =	sor.u32 $0x7080, s24  }
0x235: {  	s29 =	sor.u32 s23, s11;
	v6 =	vadd.s32 v1, v6;
	[tilespmem:v3+s7+$0x0] =	vst.idx.add.f32.msk $0xffff, v2  }
0x236: {  	v3 =	vld [tilespmem:s29+$0x0]  }
0x237: {  	s13 =	sor.u32 $0x4180, s16;
	[tilespmem:v5+s9+$0x0] =	vst.idx.add.f32.msk $0xffff, v2  }
0x238: {  	s28 =	sor.u32 s17, s13;
	[tilespmem:v4+s10+$0x0] =	vst.idx.add.f32.msk $0xffff, v2  }
0x239: {  	v5 =	vld [tilespmem:s28+$0x0];
	s28 =	sor.u32 $0x1200, s20  }
0x23a: {  	v7 =	vadd.s32 v1, v8;
	s29 =	sor.u32 s19, s28;
	[tilespmem:v6+s10+$0x0] =	vst.idx.add.f32.msk $0xffff, v2  }
0x23b: {  	s31 =	sor.u32 s18, s28;
	v4 =	vld [tilespmem:s29+$0x0]  }
0x23c: {  	s26 =	sor.u32 s15, s26;
	v6 =	vld [tilespmem:s31+$0x0];
	v3 =	vadd.s32 v1, v3  }
0x23d: {  	v8 =	vld [tilespmem:s26+$0x0]  }
0x23e: {  	v5 =	vadd.s32 v1, v5  }
0x23f: {  	s6 =	sor.u32 s22, s6;
	[tilespmem:v7+s8+$0x0] =	vst.idx.add.f32.msk $0xffff, v2  }
0x240: {  	v7 =	vld [tilespmem:s6+$0x0];
	s6 =	sor.u32 $0x7100, s24;
	v4 =	vadd.s32 v1, v4  }
0x241: {  	s29 =	sor.u32 s23, s6;
	v6 =	vadd.s32 v1, v6;
	[tilespmem:v3+s8+$0x0] =	vst.idx.add.f32.msk $0xffff, v2  }
0x242: {  	s26 =	sor.u32 $0x4200, s16;
	v3 =	vadd.s32 v1, v8;
	v8 =	vld [tilespmem:s29+$0x0]  }
0x243: {  	s28 =	sor.u32 s17, s26;
	[tilespmem:v5+s10+$0x0] =	vst.idx.add.f32.msk $0xffff, v2  }
0x244: {  	v5 =	vld [tilespmem:s28+$0x0]  }
0x245: {  	s28 =	sor.u32 $0x1280, s20;
	[tilespmem:v4+s7+$0x0] =	vst.idx.add.f32.msk $0xffff, v2  }
0x246: {  	s31 =	sor.u32 s19, s28;
	[tilespmem:v6+s7+$0x0] =	vst.idx.add.f32.msk $0xffff, v2  }
0x247: {  	v4 =	vadd.s32 v1, v7;
	v7 =	vld [tilespmem:s31+$0x0]  }
0x248: {  	s28 =	sor.u32 s18, s28;
	[tilespmem:v3+s10+$0x0] =	vst.idx.add.f32.msk $0xffff, v2;
	v3 =	vadd.s32 v1, v8  }
0x249: {  	v6 =	vld [tilespmem:s28+$0x0]  }
0x24a: {  	s14 =	sor.u32 s15, s14;
	v5 =	vadd.s32 v1, v5  }
0x24b: {  	v8 =	vld [tilespmem:s14+$0x0]  }
0x24c: {  	[tilespmem:v4+s9+$0x0] =	vst.idx.add.f32.msk $0xffff, v2;
	v4 =	vadd.s32 v1, v7  }
0x24d: {  	s0 =	sor.u32 s22, s0;
	[tilespmem:v3+s9+$0x0] =	vst.idx.add.f32.msk $0xffff, v2  }
0x24e: {  	s14 =	sor.u32 $0x4280, s16;
	v6 =	vadd.s32 v1, v6;
	v3 =	vld [tilespmem:s0+$0x0]  }
0x24f: {  	s29 =	sor.u32 s17, s14;
	[tilespmem:v5+s7+$0x0] =	vst.idx.add.f32.msk $0xffff, v2  }
0x250: {  	s28 =	sor.u32 $0x1300, s20;
	v5 =	vld [tilespmem:s29+$0x0]  }
0x251: {  	s31 =	sor.u32 s19, s28;
	v7 =	vadd.s32 v1, v8;
	[tilespmem:v4+s8+$0x0] =	vst.idx.add.f32.msk $0xffff, v2  }
0x252: {  	s0 =	sor.u32 $0x7180, s24;
	v4 =	vld [tilespmem:s31+$0x0]  }
0x253: {  	[tilespmem:v6+s8+$0x0] =	vst.idx.add.f32.msk $0xffff, v2;
	s31 =	sor.u32 s23, s0;
	v3 =	vadd.s32 v1, v3  }
0x254: {  	s28 =	sor.u32 s18, s28;
	v8 =	vld [tilespmem:s31+$0x0]  }
0x255: {  	v6 =	vld [tilespmem:s28+$0x0];
	v5 =	vadd.s32 v1, v5  }
0x256: {  	s12 =	sor.u32 s15, s12;
	[tilespmem:v7+s7+$0x0] =	vst.idx.add.f32.msk $0xffff, v2  }
0x257: {  	v7 =	vld [tilespmem:s12+$0x0];
	v4 =	vadd.s32 v1, v4  }
0x258: {  	s1 =	sor.u32 s22, s1;
	[tilespmem:v3+s10+$0x0] =	vst.idx.add.f32.msk $0xffff, v2  }
0x259: {  	s28 =	sor.u32 $0x4300, s16;
	v3 =	vadd.s32 v1, v8;
	v8 =	vld [tilespmem:s1+$0x0]  }
0x25a: {  	s12 =	sor.u32 s17, s28;
	v6 =	vadd.s32 v1, v6;
	[tilespmem:v5+s8+$0x0] =	vst.idx.add.f32.msk $0xffff, v2  }
0x25b: {  	s29 =	sor.u32 $0x1380, s20;
	v5 =	vld [tilespmem:s12+$0x0]  }
0x25c: {  	s31 =	sor.u32 s19, s29;
	v7 =	vadd.s32 v1, v7;
	[tilespmem:v4+s9+$0x0] =	vst.idx.add.f32.msk $0xffff, v2  }
0x25d: {  	v4 =	vld [tilespmem:s31+$0x0]  }
0x25e: {  	[tilespmem:v3+s10+$0x0] =	vst.idx.add.f32.msk $0xffff, v2;
	v3 =	vadd.s32 v1, v8  }
0x25f: {  	s1 =	sor.u32 s18, s29;
	[tilespmem:v6+s9+$0x0] =	vst.idx.add.f32.msk $0xffff, v2  }
0x260: {  	v6 =	vld [tilespmem:s1+$0x0];
	v5 =	vadd.s32 v1, v5  }
0x261: {  	s12 =	sor.u32 s15, s25;
	[tilespmem:v7+s8+$0x0] =	vst.idx.add.f32.msk $0xffff, v2  }
0x262: {  	v7 =	vld [tilespmem:s12+$0x0];
	v4 =	vadd.s32 v1, v4  }
0x263: {  	s25 =	sor.u32 s22, s2;
	[tilespmem:v3+s7+$0x0] =	vst.idx.add.f32.msk $0xffff, v2  }
0x264: {  	v3 =	vld [tilespmem:s25+$0x0];
	s25 =	sor.u32 $0x4380, s16  }
0x265: {  	v6 =	vadd.s32 v1, v6;
	s29 =	sor.u32 s17, s25;
	[tilespmem:v5+s9+$0x0] =	vst.idx.add.f32.msk $0xffff, v2  }
0x266: {  	s2 =	sor.u32 $0x2000, s20;
	v5 =	vld [tilespmem:s29+$0x0]  }
0x267: {  	s1 =	sor.u32 $0x7200, s24;
	s31 =	sor.u32 s19, s2;
	v7 =	vadd.s32 v1, v7;
	[tilespmem:v4+s10+$0x0] =	vst.idx.add.f32.msk $0xffff, v2  }
0x268: {  	s29 =	sor.u32 s23, s1;
	v4 =	vld [tilespmem:s31+$0x0]  }
0x269: {  	v8 =	vld [tilespmem:s29+$0x0];
	v3 =	vadd.s32 v1, v3  }
0x26a: {  	s2 =	sor.u32 s18, s2;
	[tilespmem:v6+s10+$0x0] =	vst.idx.add.f32.msk $0xffff, v2  }
0x26b: {  	v6 =	vld [tilespmem:s2+$0x0];
	v5 =	vadd.s32 v1, v5  }
0x26c: {  	s31 =	sor.u32 s15, s13;
	[tilespmem:v7+s9+$0x0] =	vst.idx.add.f32.msk $0xffff, v2  }
0x26d: {  	v7 =	vld [tilespmem:s31+$0x0];
	v4 =	vadd.s32 v1, v4  }
0x26e: {  	s3 =	sor.u32 s22, s3;
	[tilespmem:v3+s8+$0x0] =	vst.idx.add.f32.msk $0xffff, v2  }
0x26f: {  	s12 =	sor.u32 $0x5000, s16;
	v3 =	vadd.s32 v1, v8;
	v8 =	vld [tilespmem:s3+$0x0]  }
0x270: {  	s13 =	sor.u32 s17, s12;
	v6 =	vadd.s32 v1, v6;
	[tilespmem:v5+s10+$0x0] =	vst.idx.add.f32.msk $0xffff, v2  }
0x271: {  	s29 =	sor.u32 $0x2080, s20;
	v5 =	vld [tilespmem:s13+$0x0]  }
0x272: {  	s31 =	sor.u32 s19, s29;
	v7 =	vadd.s32 v1, v7;
	[tilespmem:v4+s7+$0x0] =	vst.idx.add.f32.msk $0xffff, v2  }
0x273: {  	v4 =	vld [tilespmem:s31+$0x0]  }
0x274: {  	[tilespmem:v3+s7+$0x0] =	vst.idx.add.f32.msk $0xffff, v2;
	v3 =	vadd.s32 v1, v8  }
0x275: {  	s2 =	sor.u32 s18, s29;
	[tilespmem:v6+s7+$0x0] =	vst.idx.add.f32.msk $0xffff, v2  }
0x276: {  	v6 =	vld [tilespmem:s2+$0x0];
	v5 =	vadd.s32 v1, v5  }
0x277: {  	s3 =	sor.u32 s15, s26;
	[tilespmem:v7+s10+$0x0] =	vst.idx.add.f32.msk $0xffff, v2  }
0x278: {  	v7 =	vld [tilespmem:s3+$0x0];
	v4 =	vadd.s32 v1, v4  }
0x279: {  	s4 =	sor.u32 s22, s4;
	[tilespmem:v3+s9+$0x0] =	vst.idx.add.f32.msk $0xffff, v2  }
0x27a: {  	s2 =	sor.u32 $0x5080, s16;
	v3 =	vld [tilespmem:s4+$0x0]  }
0x27b: {  	s13 =	sor.u32 s17, s2;
	v6 =	vadd.s32 v1, v6;
	[tilespmem:v5+s7+$0x0] =	vst.idx.add.f32.msk $0xffff, v2  }
0x27c: {  	s26 =	sor.u32 $0x2100, s20;
	v5 =	vld [tilespmem:s13+$0x0]  }
0x27d: {  	s29 =	sor.u32 s19, s26;
	s3 =	sor.u32 $0x7280, s24;
	v7 =	vadd.s32 v1, v7;
	[tilespmem:v4+s8+$0x0] =	vst.idx.add.f32.msk $0xffff, v2  }
0x27e: {  	s31 =	sor.u32 s23, s3;
	v4 =	vld [tilespmem:s29+$0x0]  }
0x27f: {  	v8 =	vld [tilespmem:s31+$0x0];
	v3 =	vadd.s32 v1, v3  }
0x280: {  	s4 =	sor.u32 s18, s26;
	[tilespmem:v6+s8+$0x0] =	vst.idx.add.f32.msk $0xffff, v2  }
0x281: {  	v6 =	vld [tilespmem:s4+$0x0];
	v5 =	vadd.s32 v1, v5  }
0x282: {  	s14 =	sor.u32 s15, s14;
	[tilespmem:v7+s7+$0x0] =	vst.idx.add.f32.msk $0xffff, v2  }
0x283: {  	v7 =	vld [tilespmem:s14+$0x0];
	v4 =	vadd.s32 v1, v4  }
0x284: {  	s5 =	sor.u32 s22, s5;
	[tilespmem:v3+s10+$0x0] =	vst.idx.add.f32.msk $0xffff, v2;
	v3 =	vadd.s32 v1, v8  }
0x285: {  	s4 =	sor.u32 $0x5100, s16;
	v8 =	vld [tilespmem:s5+$0x0]  }
0x286: {  	s26 =	sor.u32 s17, s4;
	v6 =	vadd.s32 v1, v6;
	[tilespmem:v5+s8+$0x0] =	vst.idx.add.f32.msk $0xffff, v2  }
0x287: {  	v5 =	vld [tilespmem:s26+$0x0]  }
0x288: {  	s29 =	sor.u32 $0x2180, s20;
	v7 =	vadd.s32 v1, v7;
	[tilespmem:v4+s9+$0x0] =	vst.idx.add.f32.msk $0xffff, v2  }
0x289: {  	s31 =	sor.u32 s19, s29;
	[tilespmem:v3+s8+$0x0] =	vst.idx.add.f32.msk $0xffff, v2  }
0x28a: {  	v4 =	vld [tilespmem:s31+$0x0];
	v3 =	vadd.s32 v1, v8  }
0x28b: {  	s5 =	sor.u32 s18, s29;
	[tilespmem:v6+s9+$0x0] =	vst.idx.add.f32.msk $0xffff, v2  }
0x28c: {  	v6 =	vld [tilespmem:s5+$0x0];
	v5 =	vadd.s32 v1, v5  }
0x28d: {  	s13 =	sor.u32 s15, s28;
	[tilespmem:v7+s8+$0x0] =	vst.idx.add.f32.msk $0xffff, v2  }
0x28e: {  	v7 =	vld [tilespmem:s13+$0x0]  }
0x28f: {  	s11 =	sor.u32 s22, s11;
	v4 =	vadd.s32 v1, v4;
	[tilespmem:v3+s7+$0x0] =	vst.idx.add.f32.msk $0xffff, v2  }
0x290: {  	v3 =	vld [tilespmem:s11+$0x0];
	s11 =	sor.u32 $0x7300, s24  }
0x291: {  	s5 =	sor.u32 $0x5180, s16;
	v6 =	vadd.s32 v1, v6;
	s31 =	sor.u32 s23, s11;
	[tilespmem:v5+s9+$0x0] =	vst.idx.add.f32.msk $0xffff, v2  }
0x292: {  	s14 =	sor.u32 s17, s5;
	v8 =	vld [tilespmem:s31+$0x0]  }
0x293: {  	s26 =	sor.u32 $0x2200, s20;
	v7 =	vadd.s32 v1, v7;
	v5 =	vld [tilespmem:s14+$0x0]  }
0x294: {  	s29 =	sor.u32 s19, s26;
	[tilespmem:v4+s10+$0x0] =	vst.idx.add.f32.msk $0xffff, v2  }
0x295: {  	v4 =	vld [tilespmem:s29+$0x0]  }
0x296: {  	s13 =	sor.u32 s18, s26;
	[tilespmem:v6+s10+$0x0] =	vst.idx.add.f32.msk $0xffff, v2;
	v3 =	vadd.s32 v1, v3  }
0x297: {  	v6 =	vld [tilespmem:s13+$0x0]  }
0x298: {  	s25 =	sor.u32 s15, s25;
	[tilespmem:v7+s9+$0x0] =	vst.idx.add.f32.msk $0xffff, v2;
	v5 =	vadd.s32 v1, v5  }
0x299: {  	v7 =	vld [tilespmem:s25+$0x0]  }
0x29a: {  	v4 =	vadd.s32 v1, v4  }
0x29b: {  	s6 =	sor.u32 s22, s6;
	[tilespmem:v3+s8+$0x0] =	vst.idx.add.f32.msk $0xffff, v2;
	v3 =	vadd.s32 v1, v8  }
0x29c: {  	s13 =	sor.u32 $0x5200, s16;
	v8 =	vld [tilespmem:s6+$0x0]  }
0x29d: {  	s26 =	sor.u32 s17, s13;
	[tilespmem:v5+s10+$0x0] =	vst.idx.add.f32.msk $0xffff, v2  }
0x29e: {  	v7 =	vadd.s32 v1, v7;
	v5 =	vadd.s32 v1, v6;
	v6 =	vld [tilespmem:s26+$0x0]  }
0x29f: {  	s29 =	sor.u32 $0x2280, s20;
	[tilespmem:v4+s7+$0x0] =	vst.idx.add.f32.msk $0xffff, v2  }
0x2a0: {  	s24 =	sor.u32 $0x7380, s24;
	s31 =	sor.u32 s19, s29;
	[tilespmem:v3+s9+$0x0] =	vst.idx.add.f32.msk $0xffff, v2  }
0x2a1: {  	s23 =	sor.u32 s23, s24;
	v4 =	vld [tilespmem:s31+$0x0]  }
0x2a2: {  	v3 =	vld [tilespmem:s23+$0x0];
	v8 =	vadd.s32 v1, v8  }
0x2a3: {  	s25 =	sor.u32 s15, s12;
	[tilespmem:v7+s10+$0x0] =	vst.idx.add.f32.msk $0xffff, v2  }
0x2a4: {  	v7 =	vld [tilespmem:s25+$0x0];
	v6 =	vadd.s32 v1, v6  }
0x2a5: {  	s6 =	sor.u32 s18, s29;
	[tilespmem:v5+s7+$0x0] =	vst.idx.add.f32.msk $0xffff, v2  }
0x2a6: {  	v5 =	vld [tilespmem:s6+$0x0];
	v4 =	vadd.s32 v1, v4  }
0x2a7: {  	s0 =	sor.u32 s22, s0;
	[tilespmem:v8+s9+$0x0] =	vst.idx.add.f32.msk $0xffff, v2  }
0x2a8: {  	s6 =	sor.u32 $0x5280, s16;
	v3 =	vadd.s32 v1, v3;
	v8 =	vld [tilespmem:s0+$0x0]  }
0x2a9: {  	s26 =	sor.u32 s17, s6;
	v7 =	vadd.s32 v1, v7;
	[tilespmem:v6+s7+$0x0] =	vst.idx.add.f32.msk $0xffff, v2  }
0x2aa: {  	s29 =	sor.u32 $0x2300, s20;
	v6 =	vld [tilespmem:s26+$0x0]  }
0x2ab: {  	s31 =	sor.u32 s19, s29;
	v5 =	vadd.s32 v1, v5;
	[tilespmem:v4+s8+$0x0] =	vst.idx.add.f32.msk $0xffff, v2  }
0x2ac: {  	v4 =	vld [tilespmem:s31+$0x0]  }
0x2ad: {  	[tilespmem:v3+s10+$0x0] =	vst.idx.add.f32.msk $0xffff, v2;
	v3 =	vadd.s32 v1, v8  }
0x2ae: {  	s12 =	sor.u32 s15, s2;
	[tilespmem:v7+s7+$0x0] =	vst.idx.add.f32.msk $0xffff, v2  }
0x2af: {  	v7 =	vld [tilespmem:s12+$0x0];
	v6 =	vadd.s32 v1, v6  }
0x2b0: {  	s0 =	sor.u32 s18, s29;
	[tilespmem:v5+s8+$0x0] =	vst.idx.add.f32.msk $0xffff, v2  }
0x2b1: {  	s30 =	sor.u32 s22, s3;
	v5 =	vld [tilespmem:s0+$0x0];
	v8 =	vadd.s32 v1, v4  }
0x2b2: {  	s28 =	simm.s32 $0x60;
	s14 =	sor.u32 s22, s24;
	s23 =	sor.u32 s22, s1;
	[tilespmem:v3+s10+$0x0] =	vst.idx.add.f32.msk $0xffff, v2  }
0x2b3: {  	s24 =	sor.u32 $0x5300, s16;
	s2 =	sor.u32 s15, s4;
	s25 =	sor.u32 s22, s11;
	v3 =	vld [tilespmem:s23+$0x0]  }
0x2b4: {  	s11 =	sor.u32 s15, s13;
	s1 =	sor.u32 s15, s6;
	s29 =	sor.u32 s17, s24;
	[tilespmem:v6+s8+$0x0] =	vst.idx.add.f32.msk $0xffff, v2  }
0x2b5: {  	s26 =	simm.s32 $0x4;
	s31 =	sor.u32 $0x2380, s20;
	s12 =	sor.u32 s15, s5;
	v4 =	vld [tilespmem:s29+$0x0]  }
0x2b6: {  	s3 =	sor.u32 s18, s31;
	s4 =	sor.u32 s19, s31;
	s0 =	sor.u32 s15, s24;
	v6 =	vadd.s32 v1, v5;
	v5 =	vadd.s32 v1, v7;
	[tilespmem:v8+s9+$0x0] =	vst.idx.add.f32.msk $0xffff, v2  }
.LBB2_4:
0x2b7: {  	_ =	sdelay $0x2  }
0x2b8: {  	v7 =	vld [tilespmem:s4+$0x0];
	s21 =	sadd.s32 $0x100, s21  }
0x2b9: {  	s29 =	sand.u32 $0x60, s28;
	[tilespmem:v6+s9+$0x0] =	vst.idx.add.f32.msk $0xffff, v2;
	s31 =	sand.u32 $0xC00, s21  }
0x2ba: {  	[dreg:$0x4] =	wrdreg s30;
	s30 =	sor.u32 $0x10, s29;
	v6 =	vld [tilespmem:s3+$0x0];
	s6 =	sor.u32 s29, s31;
	v4 =	vadd.s32 v1, v4  }
0x2bb: {  	s22 =	sor.u32 s30, s31;
	v9 =	vld [tilespmem:s6+$0x0];
	v3 =	vadd.s32 v1, v3  }
0x2bc: {  	v8 =	vld [tilespmem:s22+$0x0]  }
0x2bd: {  	[tilespmem:v5+s8+$0x0] =	vst.idx.add.f32.msk $0xffff, v2;
	v7 =	vadd.s32 v1, v7  }
0x2be: {  	v5 =	vld [tilespmem:s2+$0x0]  }
0x2bf: {  	s24 =	sor.u32 $0x5380, s16;
	v6 =	vadd.s32 v1, v6;
	[tilespmem:v4+s9+$0x0] =	vst.idx.add.f32.msk $0xffff, v2  }
0x2c0: {  	s2 =	sor.u32 s17, s24;
	v9 =	vadd.s32 v1, v9;
	[tilespmem:v3+s7+$0x0] =	vst.idx.add.f32.msk $0xffff, v2  }
0x2c1: {  	s3 =	sor.u32 $0x3000, s20;
	v4 =	vadd.s32 v1, v8;
	v8 =	vld [tilespmem:s2+$0x0]  }
0x2c2: {  	[tilespmem:v7+s10+$0x0] =	vst.idx.add.f32.msk $0xffff, v2;
	s2 =	sor.u32 s19, s3  }
0x2c3: {  	v3 =	vld [tilespmem:s2+$0x0]  }
0x2c4: {  	[tilespmem:v6+s10+$0x0] =	vst.idx.add.f32.msk $0xffff, v2  }
0x2c5: {  	[tilespmem:v9+s7+$0x0] =	vst.idx.add.f32.msk $0xffff, v2  }
0x2c6: {  	v5 =	vadd.s32 v1, v5;
	[tilespmem:v4+s7+$0x0] =	vst.idx.add.f32.msk $0xffff, v2  }
0x2c7: {  	v7 =	vld [tilespmem:s6+$0x80];
	v4 =	vadd.s32 v1, v8  }
0x2c8: {  	v6 =	vld [tilespmem:s22+$0x80]  }
0x2c9: {  	s4 =	sor.u32 s18, s3;
	v3 =	vadd.s32 v1, v3  }
0x2ca: {  	v8 =	vld [tilespmem:s4+$0x0]  }
0x2cb: {  	s5 =	sor.u32 $0x6000, s16;
	[tilespmem:v5+s9+$0x0] =	vst.idx.add.f32.msk $0xffff, v2  }
0x2cc: {  	s3 =	sor.u32 s17, s5;
	v5 =	vadd.s32 v1, v7;
	[tilespmem:v4+s10+$0x0] =	vst.idx.add.f32.msk $0xffff, v2  }
0x2cd: {  	s23 =	sor.u32 s21, s28;
	v4 =	vadd.s32 v1, v6;
	v6 =	vld [tilespmem:s3+$0x0]  }
0x2ce: {  	s13 =	sor.u32 $0x380, s23;
	s23 =	sor.u32 $0x3080, s20;
	[tilespmem:v3+s7+$0x0] =	vst.idx.add.f32.msk $0xffff, v2  }
0x2cf: {  	s3 =	sor.u32 s19, s23;
	v3 =	vadd.s32 v1, v8;
	v8 =	vld [tilespmem:s12+$0x0]  }
0x2d0: {  	v7 =	vld [tilespmem:s3+$0x0]  }
0x2d1: {  	[tilespmem:v5+s8+$0x0] =	vst.idx.add.f32.msk $0xffff, v2  }
0x2d2: {  	[tilespmem:v4+s8+$0x0] =	vst.idx.add.f32.msk $0xffff, v2  }
0x2d3: {  	v5 =	vld [tilespmem:s6+$0x100];
	v4 =	vadd.s32 v1, v6  }
0x2d4: {  	v6 =	vld [tilespmem:s22+$0x100]  }
0x2d5: {  	[tilespmem:v3+s7+$0x0] =	vst.idx.add.f32.msk $0xffff, v2;
	v3 =	vadd.s32 v1, v8  }
0x2d6: {  	s2 =	sor.u32 s15, s5;
	s5 =	sor.u32 s18, s23;
	v7 =	vadd.s32 v1, v7  }
0x2d7: {  	[dreg:$0x3] =	wrdreg s14;
	s14 =	sor.u32 s15, s24;
	s24 =	sor.u32 $0x6080, s16;
	v8 =	vld [tilespmem:s5+$0x0]  }
0x2d8: {  	s3 =	sor.u32 s17, s24;
	v5 =	vadd.s32 v1, v5;
	[tilespmem:v4+s7+$0x0] =	vst.idx.add.f32.msk $0xffff, v2  }
0x2d9: {  	v4 =	vadd.s32 v1, v6;
	v6 =	vld [tilespmem:s3+$0x0]  }
0x2da: {  	s12 =	sor.u32 $0x3100, s20;
	[tilespmem:v3+s10+$0x0] =	vst.idx.add.f32.msk $0xffff, v2  }
0x2db: {  	[tilespmem:v7+s8+$0x0] =	vst.idx.add.f32.msk $0xffff, v2;
	s3 =	sor.u32 s19, s12  }
0x2dc: {  	v7 =	vld [tilespmem:s3+$0x0]  }
0x2dd: {  	[tilespmem:v5+s9+$0x0] =	vst.idx.add.f32.msk $0xffff, v2  }
0x2de: {  	[tilespmem:v4+s9+$0x0] =	vst.idx.add.f32.msk $0xffff, v2;
	v3 =	vadd.s32 v1, v6  }
0x2df: {  	v5 =	vld [tilespmem:s6+$0x180];
	v6 =	vadd.s32 v1, v8  }
0x2e0: {  	v4 =	vld [tilespmem:s22+$0x180]  }
0x2e1: {  	v7 =	vadd.s32 v1, v7  }
0x2e2: {  	v8 =	vld [tilespmem:s11+$0x0]  }
0x2e3: {  	s23 =	sor.u32 $0x6100, s16;
	[tilespmem:v3+s8+$0x0] =	vst.idx.add.f32.msk $0xffff, v2  }
0x2e4: {  	s11 =	sor.u32 s17, s23;
	v5 =	vadd.s32 v1, v5;
	[tilespmem:v6+s8+$0x0] =	vst.idx.add.f32.msk $0xffff, v2  }
0x2e5: {  	v3 =	vadd.s32 v1, v4;
	v4 =	vld [tilespmem:s11+$0x0]  }
0x2e6: {  	s4 =	sor.u32 s15, s24;
	s24 =	sor.u32 $0x3180, s20;
	s5 =	sor.u32 s18, s12;
	[tilespmem:v7+s9+$0x0] =	vst.idx.add.f32.msk $0xffff, v2  }
0x2e7: {  	s11 =	sor.u32 s19, s24;
	v7 =	vadd.s32 v1, v8;
	v8 =	vld [tilespmem:s5+$0x0]  }
0x2e8: {  	v6 =	vld [tilespmem:s11+$0x0]  }
0x2e9: {  	[tilespmem:v5+s10+$0x0] =	vst.idx.add.f32.msk $0xffff, v2  }
0x2ea: {  	[tilespmem:v3+s10+$0x0] =	vst.idx.add.f32.msk $0xffff, v2  }
0x2eb: {  	v5 =	vld [tilespmem:s6+$0x200];
	v3 =	vadd.s32 v1, v4  }
0x2ec: {  	v4 =	vld [tilespmem:s22+$0x200];
	v8 =	vadd.s32 v1, v8;
	_ =	sdelay $0x1  }
0x2ed: {  	[tilespmem:v7+s7+$0x0] =	vst.idx.add.f32.msk $0xffff, v2;
	v6 =	vadd.s32 v1, v6  }
0x2ee: {  	v7 =	vld [tilespmem:s1+$0x0]  }
0x2ef: {  	s3 =	sor.u32 s15, s23;
	s23 =	sor.u32 $0x6180, s16;
	v5 =	vadd.s32 v1, v5;
	[tilespmem:v3+s9+$0x0] =	vst.idx.add.f32.msk $0xffff, v2  }
0x2f0: {  	s11 =	sor.u32 s17, s23;
	v3 =	vadd.s32 v1, v4;
	[tilespmem:v8+s9+$0x0] =	vst.idx.add.f32.msk $0xffff, v2  }
0x2f1: {  	s5 =	sor.u32 s15, s23;
	s23 =	sor.u32 $0x3200, s20;
	v4 =	vld [tilespmem:s11+$0x0]  }
0x2f2: {  	s12 =	sor.u32 s18, s24;
	s24 =	sor.u32 s19, s23;
	[tilespmem:v6+s10+$0x0] =	vst.idx.add.f32.msk $0xffff, v2  }
0x2f3: {  	v6 =	vld [tilespmem:s24+$0x0]  }
0x2f4: {  	[tilespmem:v5+s7+$0x0] =	vst.idx.add.f32.msk $0xffff, v2  }
0x2f5: {  	v7 =	vadd.s32 v1, v7;
	[tilespmem:v3+s7+$0x0] =	vst.idx.add.f32.msk $0xffff, v2  }
0x2f6: {  	v5 =	vld [tilespmem:s6+$0x280];
	v3 =	vadd.s32 v1, v4  }
0x2f7: {  	v4 =	vld [tilespmem:s22+$0x280]  }
0x2f8: {  	v6 =	vadd.s32 v1, v6  }
0x2f9: {  	v8 =	vld [tilespmem:s12+$0x0]  }
0x2fa: {  	s11 =	sor.u32 s18, s23;
	s23 =	sor.u32 $0x6200, s16;
	[tilespmem:v7+s8+$0x0] =	vst.idx.add.f32.msk $0xffff, v2  }
0x2fb: {  	s1 =	sor.u32 s17, s23;
	v5 =	vadd.s32 v1, v5;
	[tilespmem:v3+s10+$0x0] =	vst.idx.add.f32.msk $0xffff, v2  }
0x2fc: {  	s24 =	rddreg [dreg:$0x2];
	v3 =	vadd.s32 v1, v4;
	v4 =	vld [tilespmem:s1+$0x0]  }
0x2fd: {  	s6 =	sor.u32 s15, s23;
	s12 =	sadd.s32 $0x1, s24;
	s23 =	sor.u32 $0x3280, s20;
	[tilespmem:v6+s7+$0x0] =	vst.idx.add.f32.msk $0xffff, v2  }
0x2fe: {  	[dreg:$0x2] =	wrdreg s12;
	s22 =	sand.u32 $0x3, s12;
	s12 =	sor.u32 s19, s23;
	v6 =	vadd.s32 v1, v8;
	v8 =	vld [tilespmem:s0+$0x0]  }
0x2ff: {  	s24 =	sshll.u32 s22, $0x5;
	v7 =	vld [tilespmem:s12+$0x0]  }
0x300: {  	s22 =	sadd.s32 s24, s21;
	[tilespmem:v5+s8+$0x0] =	vst.idx.add.f32.msk $0xffff, v2  }
0x301: {  	s1 =	sor.u32 s18, s23;
	s23 =	sor.u32 $0x300, s22;
	s22 =	sadd.s32 $0x10, s22;
	[tilespmem:v3+s8+$0x0] =	vst.idx.add.f32.msk $0xffff, v2  }
0x302: {  	s24 =	sor.u32 $0x300, s22;
	v5 =	vld [tilespmem:s23+$0x0]  }
0x303: {  	v3 =	vadd.s32 v1, v4;
	v4 =	vld [tilespmem:s24+$0x0]  }
0x304: {  	[tilespmem:v6+s10+$0x0] =	vst.idx.add.f32.msk $0xffff, v2;
	v6 =	vadd.s32 v1, v8;
	_ =	sdelay $0x1  }
0x305: {  	v7 =	vadd.s32 v1, v7  }
0x306: {  	v8 =	vld [tilespmem:s11+$0x0]  }
0x307: {  	s12 =	sor.u32 $0x6280, s16;
	v5 =	vadd.s32 v1, v5;
	[tilespmem:v3+s7+$0x0] =	vst.idx.add.f32.msk $0xffff, v2  }
0x308: {  	s0 =	sor.u32 s17, s12;
	v3 =	vadd.s32 v1, v4;
	[tilespmem:v6+s9+$0x0] =	vst.idx.add.f32.msk $0xffff, v2  }
0x309: {  	s24 =	sor.u32 $0x3300, s20;
	v4 =	vld [tilespmem:s0+$0x0]  }
0x30a: {  	[tilespmem:v7+s8+$0x0] =	vst.idx.add.f32.msk $0xffff, v2;
	s0 =	sor.u32 s19, s24  }
0x30b: {  	v7 =	vld [tilespmem:s0+$0x0]  }
0x30c: {  	[tilespmem:v5+s9+$0x0] =	vst.idx.add.f32.msk $0xffff, v2  }
0x30d: {  	v6 =	vadd.s32 v1, v8;
	[tilespmem:v3+s9+$0x0] =	vst.idx.add.f32.msk $0xffff, v2  }
0x30e: {  	s23 =	sor.u32 s15, s12;
	s12 =	sor.u32 $0x380, s22;
	v5 =	vld [tilespmem:s13+$0x0];
	v3 =	vadd.s32 v1, v4  }
0x30f: {  	v4 =	vld [tilespmem:s12+$0x0]  }
0x310: {  	v7 =	vadd.s32 v1, v7  }
0x311: {  	v8 =	vld [tilespmem:s14+$0x0]  }
0x312: {  	s14 =	sor.u32 $0x6300, s16;
	[tilespmem:v6+s7+$0x0] =	vst.idx.add.f32.msk $0xffff, v2  }
0x313: {  	s12 =	sor.u32 s17, s14;
	v5 =	vadd.s32 v1, v5;
	[tilespmem:v3+s8+$0x0] =	vst.idx.add.f32.msk $0xffff, v2  }
0x314: {  	v3 =	vadd.s32 v1, v4;
	v4 =	vld [tilespmem:s12+$0x0]  }
0x315: {  	s22 =	sor.u32 $0x3380, s20;
	[tilespmem:v7+s9+$0x0] =	vst.idx.add.f32.msk $0xffff, v2  }
0x316: {  	s12 =	sor.u32 s19, s22;
	v7 =	vadd.s32 v1, v8;
	v8 =	vld [tilespmem:s1+$0x0]  }
0x317: {  	v6 =	vld [tilespmem:s12+$0x0]  }
0x318: {  	s11 =	sor.u32 s18, s24;
	s24 =	sor.u32 $0x1000, s31;
	[tilespmem:v5+s10+$0x0] =	vst.idx.add.f32.msk $0xffff, v2  }
0x319: {  	s13 =	sor.u32 s29, s24;
	[tilespmem:v3+s10+$0x0] =	vst.idx.add.f32.msk $0xffff, v2  }
0x31a: {  	s12 =	sor.u32 s30, s24;
	v5 =	vld [tilespmem:s13+$0x0];
	v3 =	vadd.s32 v1, v4  }
0x31b: {  	v4 =	vld [tilespmem:s12+$0x0];
	v8 =	vadd.s32 v1, v8;
	_ =	sdelay $0x1  }
0x31c: {  	[tilespmem:v7+s10+$0x0] =	vst.idx.add.f32.msk $0xffff, v2;
	v6 =	vadd.s32 v1, v6  }
0x31d: {  	v7 =	vld [tilespmem:s2+$0x0]  }
0x31e: {  	s0 =	sor.u32 s15, s14;
	s14 =	sor.u32 s18, s22;
	s22 =	sor.u32 $0x6380, s16;
	v5 =	vadd.s32 v1, v5;
	[tilespmem:v3+s9+$0x0] =	vst.idx.add.f32.msk $0xffff, v2  }
0x31f: {  	s12 =	sor.u32 s17, s22;
	v3 =	vadd.s32 v1, v4;
	[tilespmem:v8+s8+$0x0] =	vst.idx.add.f32.msk $0xffff, v2  }
0x320: {  	s24 =	sor.u32 $0x4000, s20;
	v4 =	vld [tilespmem:s12+$0x0]  }
0x321: {  	s13 =	sor.u32 s19, s24;
	[tilespmem:v6+s10+$0x0] =	vst.idx.add.f32.msk $0xffff, v2  }
0x322: {  	v6 =	vld [tilespmem:s13+$0x0]  }
0x323: {  	s1 =	sor.u32 s15, s22;
	s22 =	sor.u32 $0x1080, s31;
	[tilespmem:v5+s7+$0x0] =	vst.idx.add.f32.msk $0xffff, v2  }
0x324: {  	s12 =	sor.u32 s18, s24;
	s24 =	sor.u32 s29, s22;
	v7 =	vadd.s32 v1, v7;
	[tilespmem:v3+s7+$0x0] =	vst.idx.add.f32.msk $0xffff, v2  }
0x325: {  	s2 =	sor.u32 s30, s22;
	v5 =	vld [tilespmem:s24+$0x0];
	v3 =	vadd.s32 v1, v4  }
0x326: {  	v4 =	vld [tilespmem:s2+$0x0]  }
0x327: {  	v6 =	vadd.s32 v1, v6  }
0x328: {  	v8 =	vld [tilespmem:s11+$0x0]  }
0x329: {  	s22 =	sor.u32 $0x7000, s16;
	[tilespmem:v7+s7+$0x0] =	vst.idx.add.f32.msk $0xffff, v2  }
0x32a: {  	s11 =	sor.u32 s17, s22;
	v5 =	vadd.s32 v1, v5;
	[tilespmem:v3+s10+$0x0] =	vst.idx.add.f32.msk $0xffff, v2  }
0x32b: {  	v3 =	vadd.s32 v1, v4;
	v4 =	vld [tilespmem:s11+$0x0]  }
0x32c: {  	s24 =	sor.u32 $0x4080, s20;
	[tilespmem:v6+s7+$0x0] =	vst.idx.add.f32.msk $0xffff, v2  }
0x32d: {  	s11 =	sor.u32 s19, s24;
	v6 =	vadd.s32 v1, v8;
	v8 =	vld [tilespmem:s4+$0x0]  }
0x32e: {  	v7 =	vld [tilespmem:s11+$0x0]  }
0x32f: {  	s2 =	sor.u32 s15, s22;
	s22 =	sor.u32 $0x1100, s31;
	[tilespmem:v5+s8+$0x0] =	vst.idx.add.f32.msk $0xffff, v2  }
0x330: {  	s13 =	sor.u32 s18, s24;
	s24 =	sor.u32 s29, s22;
	[tilespmem:v3+s8+$0x0] =	vst.idx.add.f32.msk $0xffff, v2  }
0x331: {  	s11 =	sor.u32 s30, s22;
	v5 =	vld [tilespmem:s24+$0x0]  }
0x332: {  	v3 =	vadd.s32 v1, v4;
	v4 =	vld [tilespmem:s11+$0x0]  }
0x333: {  	[tilespmem:v6+s9+$0x0] =	vst.idx.add.f32.msk $0xffff, v2;
	v6 =	vadd.s32 v1, v8;
	_ =	sdelay $0x1  }
0x334: {  	v7 =	vadd.s32 v1, v7  }
0x335: {  	v8 =	vld [tilespmem:s14+$0x0]  }
0x336: {  	s22 =	sor.u32 $0x7080, s16;
	v5 =	vadd.s32 v1, v5;
	[tilespmem:v3+s7+$0x0] =	vst.idx.add.f32.msk $0xffff, v2  }
0x337: {  	s4 =	sor.u32 s17, s22;
	v3 =	vadd.s32 v1, v4;
	[tilespmem:v6+s8+$0x0] =	vst.idx.add.f32.msk $0xffff, v2  }
0x338: {  	s24 =	sor.u32 $0x4100, s20;
	v4 =	vld [tilespmem:s4+$0x0]  }
0x339: {  	[tilespmem:v7+s8+$0x0] =	vst.idx.add.f32.msk $0xffff, v2;
	s4 =	sor.u32 s19, s24  }
0x33a: {  	v7 =	vld [tilespmem:s4+$0x0]  }
0x33b: {  	s14 =	sor.u32 $0x1180, s31;
	[tilespmem:v5+s9+$0x0] =	vst.idx.add.f32.msk $0xffff, v2  }
0x33c: {  	s11 =	sor.u32 s15, s22;
	s22 =	sor.u32 s18, s24;
	s24 =	sor.u32 s29, s14;
	v6 =	vadd.s32 v1, v8;
	[tilespmem:v3+s9+$0x0] =	vst.idx.add.f32.msk $0xffff, v2  }
0x33d: {  	s4 =	sor.u32 s30, s14;
	v5 =	vld [tilespmem:s24+$0x0];
	v3 =	vadd.s32 v1, v4  }
0x33e: {  	v4 =	vld [tilespmem:s4+$0x0]  }
0x33f: {  	v7 =	vadd.s32 v1, v7  }
0x340: {  	v8 =	vld [tilespmem:s3+$0x0]  }
0x341: {  	s24 =	sor.u32 $0x7100, s16;
	[tilespmem:v6+s10+$0x0] =	vst.idx.add.f32.msk $0xffff, v2  }
0x342: {  	s4 =	sor.u32 s17, s24;
	v5 =	vadd.s32 v1, v5;
	[tilespmem:v3+s8+$0x0] =	vst.idx.add.f32.msk $0xffff, v2  }
0x343: {  	v3 =	vadd.s32 v1, v4;
	v4 =	vld [tilespmem:s4+$0x0]  }
0x344: {  	s14 =	sor.u32 s15, s24;
	s24 =	sor.u32 $0x4180, s20;
	[tilespmem:v7+s9+$0x0] =	vst.idx.add.f32.msk $0xffff, v2  }
0x345: {  	s4 =	sor.u32 s19, s24;
	v7 =	vadd.s32 v1, v8;
	v8 =	vld [tilespmem:s12+$0x0]  }
0x346: {  	v6 =	vld [tilespmem:s4+$0x0]  }
0x347: {  	[dreg:$0x5] =	wrdreg s14;
	s14 =	sor.u32 $0x1200, s31;
	[tilespmem:v5+s10+$0x0] =	vst.idx.add.f32.msk $0xffff, v2  }
0x348: {  	s3 =	smov.u32 s25;
	s25 =	sor.u32 s18, s24;
	s24 =	sor.u32 s29, s14;
	[tilespmem:v3+s10+$0x0] =	vst.idx.add.f32.msk $0xffff, v2  }
0x349: {  	s4 =	sor.u32 s30, s14;
	v5 =	vld [tilespmem:s24+$0x0];
	v3 =	vadd.s32 v1, v4  }
0x34a: {  	v4 =	vld [tilespmem:s4+$0x0];
	v8 =	vadd.s32 v1, v8;
	_ =	sdelay $0x1  }
0x34b: {  	[tilespmem:v7+s9+$0x0] =	vst.idx.add.f32.msk $0xffff, v2;
	v6 =	vadd.s32 v1, v6  }
0x34c: {  	v7 =	vld [tilespmem:s5+$0x0]  }
0x34d: {  	s14 =	sor.u32 $0x7180, s16;
	v5 =	vadd.s32 v1, v5;
	[tilespmem:v3+s9+$0x0] =	vst.idx.add.f32.msk $0xffff, v2  }
0x34e: {  	s12 =	sor.u32 s17, s14;
	v3 =	vadd.s32 v1, v4;
	[tilespmem:v8+s7+$0x0] =	vst.idx.add.f32.msk $0xffff, v2  }
0x34f: {  	s24 =	sor.u32 $0x4200, s20;
	v4 =	vld [tilespmem:s12+$0x0]  }
0x350: {  	s4 =	sor.u32 s15, s14;
	s14 =	sor.u32 s18, s24;
	s24 =	sor.u32 s19, s24;
	[tilespmem:v6+s10+$0x0] =	vst.idx.add.f32.msk $0xffff, v2  }
0x351: {  	v6 =	vld [tilespmem:s24+$0x0]  }
0x352: {  	s12 =	sor.u32 $0x1280, s31;
	[tilespmem:v5+s7+$0x0] =	vst.idx.add.f32.msk $0xffff, v2  }
0x353: {  	v7 =	vadd.s32 v1, v7;
	s24 =	sor.u32 s29, s12;
	[tilespmem:v3+s7+$0x0] =	vst.idx.add.f32.msk $0xffff, v2  }
0x354: {  	s5 =	sor.u32 s30, s12;
	v5 =	vld [tilespmem:s24+$0x0];
	v3 =	vadd.s32 v1, v4  }
0x355: {  	v4 =	vld [tilespmem:s5+$0x0]  }
0x356: {  	v6 =	vadd.s32 v1, v6  }
0x357: {  	v8 =	vld [tilespmem:s13+$0x0]  }
0x358: {  	s13 =	sor.u32 $0x7200, s16;
	[tilespmem:v7+s10+$0x0] =	vst.idx.add.f32.msk $0xffff, v2  }
0x359: {  	s12 =	sor.u32 s17, s13;
	v5 =	vadd.s32 v1, v5;
	[tilespmem:v3+s10+$0x0] =	vst.idx.add.f32.msk $0xffff, v2  }
0x35a: {  	v3 =	vadd.s32 v1, v4;
	v4 =	vld [tilespmem:s12+$0x0]  }
0x35b: {  	s24 =	sor.u32 $0x4280, s20;
	[tilespmem:v6+s7+$0x0] =	vst.idx.add.f32.msk $0xffff, v2  }
0x35c: {  	s12 =	sor.u32 s19, s24;
	v6 =	vadd.s32 v1, v8;
	v8 =	vld [tilespmem:s6+$0x0]  }
0x35d: {  	v7 =	vld [tilespmem:s12+$0x0]  }
0x35e: {  	s12 =	sor.u32 $0x1300, s31;
	[tilespmem:v5+s8+$0x0] =	vst.idx.add.f32.msk $0xffff, v2  }
0x35f: {  	s5 =	sor.u32 s15, s13;
	s13 =	sor.u32 s18, s24;
	s24 =	sor.u32 s29, s12;
	[tilespmem:v3+s8+$0x0] =	vst.idx.add.f32.msk $0xffff, v2  }
0x360: {  	s12 =	sor.u32 s30, s12;
	v5 =	vld [tilespmem:s24+$0x0]  }
0x361: {  	v3 =	vadd.s32 v1, v4;
	v4 =	vld [tilespmem:s12+$0x0]  }
0x362: {  	[tilespmem:v6+s8+$0x0] =	vst.idx.add.f32.msk $0xffff, v2;
	v6 =	vadd.s32 v1, v8;
	_ =	sdelay $0x1  }
0x363: {  	v7 =	vadd.s32 v1, v7  }
0x364: {  	v8 =	vld [tilespmem:s22+$0x0]  }
0x365: {  	s24 =	sor.u32 $0x7280, s16;
	v5 =	vadd.s32 v1, v5;
	[tilespmem:v3+s7+$0x0] =	vst.idx.add.f32.msk $0xffff, v2  }
0x366: {  	s6 =	sor.u32 s17, s24;
	v3 =	vadd.s32 v1, v4;
	[tilespmem:v6+s7+$0x0] =	vst.idx.add.f32.msk $0xffff, v2  }
0x367: {  	s12 =	sor.u32 s15, s24;
	s24 =	sor.u32 $0x4300, s20;
	v4 =	vld [tilespmem:s6+$0x0]  }
0x368: {  	[tilespmem:v7+s8+$0x0] =	vst.idx.add.f32.msk $0xffff, v2;
	s6 =	sor.u32 s19, s24  }
0x369: {  	v7 =	vld [tilespmem:s6+$0x0]  }
0x36a: {  	s6 =	sor.u32 $0x1380, s31;
	[tilespmem:v5+s9+$0x0] =	vst.idx.add.f32.msk $0xffff, v2  }
0x36b: {  	s22 =	sor.u32 s18, s24;
	v6 =	vadd.s32 v1, v8;
	s24 =	sor.u32 s29, s6;
	[tilespmem:v3+s9+$0x0] =	vst.idx.add.f32.msk $0xffff, v2  }
0x36c: {  	s6 =	sor.u32 s30, s6;
	v5 =	vld [tilespmem:s24+$0x0];
	v3 =	vadd.s32 v1, v4  }
0x36d: {  	v4 =	vld [tilespmem:s6+$0x0]  }
0x36e: {  	v7 =	vadd.s32 v1, v7  }
0x36f: {  	v8 =	vld [tilespmem:s23+$0x0]  }
0x370: {  	s23 =	sor.u32 $0x7300, s16;
	[tilespmem:v6+s9+$0x0] =	vst.idx.add.f32.msk $0xffff, v2  }
0x371: {  	s6 =	sor.u32 s17, s23;
	v5 =	vadd.s32 v1, v5;
	[tilespmem:v3+s8+$0x0] =	vst.idx.add.f32.msk $0xffff, v2  }
0x372: {  	v3 =	vadd.s32 v1, v4;
	v4 =	vld [tilespmem:s6+$0x0]  }
0x373: {  	s6 =	sor.u32 $0x4380, s20;
	[tilespmem:v7+s9+$0x0] =	vst.idx.add.f32.msk $0xffff, v2  }
0x374: {  	s24 =	sor.u32 s15, s23;
	v7 =	vadd.s32 v1, v8;
	v8 =	vld [tilespmem:s25+$0x0];
	s23 =	sor.u32 s18, s6;
	s6 =	sor.u32 s19, s6  }
0x375: {  	v6 =	vld [tilespmem:s6+$0x0]  }
0x376: {  	s6 =	sor.u32 $0x2000, s31;
	[tilespmem:v5+s10+$0x0] =	vst.idx.add.f32.msk $0xffff, v2  }
0x377: {  	s25 =	sor.u32 s29, s6;
	[tilespmem:v3+s10+$0x0] =	vst.idx.add.f32.msk $0xffff, v2  }
0x378: {  	s6 =	sor.u32 s30, s6;
	v5 =	vld [tilespmem:s25+$0x0];
	v3 =	vadd.s32 v1, v4  }
0x379: {  	v4 =	vld [tilespmem:s6+$0x0];
	v8 =	vadd.s32 v1, v8;
	_ =	sdelay $0x1  }
0x37a: {  	[tilespmem:v7+s8+$0x0] =	vst.idx.add.f32.msk $0xffff, v2;
	v6 =	vadd.s32 v1, v6  }
0x37b: {  	v7 =	vld [tilespmem:s0+$0x0]  }
0x37c: {  	s25 =	sor.u32 $0x7380, s16;
	s16 =	smov.u32 s20;
	v5 =	vadd.s32 v1, v5;
	[tilespmem:v3+s9+$0x0] =	vst.idx.add.f32.msk $0xffff, v2  }
0x37d: {  	s20 =	smov.u32 s31;
	s6 =	sor.u32 s15, s25;
	s25 =	sor.u32 s17, s25;
	v3 =	vadd.s32 v1, v4;
	[tilespmem:v8+s10+$0x0] =	vst.idx.add.f32.msk $0xffff, v2  }
0x37e: {  	s15 =	smov.u32 s18;
	s17 =	smov.u32 s19;
	s31 =	sor.u32 $0x5000, s16;
	v4 =	vld [tilespmem:s25+$0x0]  }
0x37f: {  	s18 =	smov.u32 s29;
	s29 =	sor.u32 s15, s31;
	s31 =	sor.u32 s17, s31;
	[tilespmem:v6+s10+$0x0] =	vst.idx.add.f32.msk $0xffff, v2  }
0x380: {  	v6 =	vld [tilespmem:s31+$0x0]  }
0x381: {  	s25 =	sor.u32 $0x2080, s20;
	[tilespmem:v5+s7+$0x0] =	vst.idx.add.f32.msk $0xffff, v2  }
0x382: {  	s19 =	smov.u32 s30;
	v7 =	vadd.s32 v1, v7;
	s31 =	sor.u32 s18, s25;
	[tilespmem:v3+s7+$0x0] =	vst.idx.add.f32.msk $0xffff, v2  }
0x383: {  	s0 =	sor.u32 s19, s25;
	v5 =	vld [tilespmem:s31+$0x0];
	v3 =	vadd.s32 v1, v4  }
0x384: {  	v4 =	vld [tilespmem:s0+$0x0]  }
0x385: {  	v6 =	vadd.s32 v1, v6  }
0x386: {  	v8 =	vld [tilespmem:s14+$0x0]  }
0x387: {  	[tilespmem:v7+s9+$0x0] =	vst.idx.add.f32.msk $0xffff, v2  }
0x388: {  	v5 =	vadd.s32 v1, v5;
	[tilespmem:v3+s10+$0x0] =	vst.idx.add.f32.msk $0xffff, v2  }
0x389: {  	v3 =	vadd.s32 v1, v4;
	v4 =	vld [tilespmem:s1+$0x0]  }
0x38a: {  	s25 =	rddreg [dreg:$0x4];
	s31 =	sor.u32 $0x5080, s16;
	[tilespmem:v6+s7+$0x0] =	vst.idx.add.f32.msk $0xffff, v2  }
0x38b: {  	s14 =	sor.u32 s17, s31;
	v6 =	vadd.s32 v1, v8;
	v8 =	vld [tilespmem:s25+$0x0]  }
0x38c: {  	v7 =	vld [tilespmem:s14+$0x0]  }
0x38d: {  	s1 =	sor.u32 $0x2100, s20;
	[tilespmem:v5+s8+$0x0] =	vst.idx.add.f32.msk $0xffff, v2  }
0x38e: {  	s0 =	sor.u32 s15, s31;
	s31 =	sor.u32 s18, s1;
	[tilespmem:v3+s8+$0x0] =	vst.idx.add.f32.msk $0xffff, v2  }
0x38f: {  	s1 =	sor.u32 s19, s1;
	v4 =	vadd.s32 v1, v4;
	v5 =	vld [tilespmem:s31+$0x0]  }
0x390: {  	v3 =	vld [tilespmem:s1+$0x0]  }
0x391: {  	[tilespmem:v6+s7+$0x0] =	vst.idx.add.f32.msk $0xffff, v2;
	v6 =	vadd.s32 v1, v8  }
0x392: {  	v7 =	vadd.s32 v1, v7  }
0x393: {  	v8 =	vld [tilespmem:s13+$0x0]  }
0x394: {  	[tilespmem:v4+s10+$0x0] =	vst.idx.add.f32.msk $0xffff, v2;
	v5 =	vadd.s32 v1, v5  }
0x395: {  	v3 =	vadd.s32 v1, v3;
	v4 =	vld [tilespmem:s2+$0x0]  }
0x396: {  	s14 =	sor.u32 $0x5100, s16;
	[tilespmem:v6+s8+$0x0] =	vst.idx.add.f32.msk $0xffff, v2  }
0x397: {  	s1 =	sor.u32 s17, s14;
	[tilespmem:v7+s8+$0x0] =	vst.idx.add.f32.msk $0xffff, v2  }
0x398: {  	v7 =	vld [tilespmem:s1+$0x0]  }
0x399: {  	s25 =	sor.u32 $0x2180, s20;
	v8 =	vadd.s32 v1, v8;
	[tilespmem:v5+s9+$0x0] =	vst.idx.add.f32.msk $0xffff, v2  }
0x39a: {  	s31 =	sor.u32 s18, s25;
	[tilespmem:v3+s9+$0x0] =	vst.idx.add.f32.msk $0xffff, v2  }
0x39b: {  	s1 =	sor.u32 s19, s25;
	v4 =	vadd.s32 v1, v4;
	v5 =	vld [tilespmem:s31+$0x0]  }
0x39c: {  	v3 =	vld [tilespmem:s1+$0x0];
	_ =	sdelay $0x1  }
0x39d: {  	[tilespmem:v8+s8+$0x0] =	vst.idx.add.f32.msk $0xffff, v2;
	v6 =	vadd.s32 v1, v7  }
0x39e: {  	v7 =	vld [tilespmem:s22+$0x0]  }
0x39f: {  	[tilespmem:v4+s7+$0x0] =	vst.idx.add.f32.msk $0xffff, v2;
	v5 =	vadd.s32 v1, v5  }
0x3a0: {  	v3 =	vadd.s32 v1, v3;
	v4 =	vld [tilespmem:s11+$0x0]  }
0x3a1: {  	s13 =	sor.u32 $0x5180, s16;
	v8 =	vld [tilespmem:s3+$0x0]  }
0x3a2: {  	s1 =	sor.u32 s17, s13;
	[tilespmem:v6+s9+$0x0] =	vst.idx.add.f32.msk $0xffff, v2  }
0x3a3: {  	v7 =	vadd.s32 v1, v7;
	v6 =	vld [tilespmem:s1+$0x0]  }
0x3a4: {  	s2 =	sor.u32 s15, s14;
	s14 =	sor.u32 $0x2200, s20;
	[tilespmem:v5+s10+$0x0] =	vst.idx.add.f32.msk $0xffff, v2  }
0x3a5: {  	s22 =	sor.u32 s18, s14;
	[tilespmem:v3+s10+$0x0] =	vst.idx.add.f32.msk $0xffff, v2  }
0x3a6: {  	s1 =	sor.u32 s19, s14;
	v4 =	vadd.s32 v1, v4;
	v5 =	vld [tilespmem:s22+$0x0]  }
0x3a7: {  	v3 =	vld [tilespmem:s1+$0x0]  }
0x3a8: {  	[tilespmem:v7+s9+$0x0] =	vst.idx.add.f32.msk $0xffff, v2;
	v7 =	vadd.s32 v1, v8  }
0x3a9: {  	v6 =	vadd.s32 v1, v6  }
0x3aa: {  	v8 =	vld [tilespmem:s23+$0x0]  }
0x3ab: {  	s31 =	rddreg [dreg:$0x5];
	[tilespmem:v4+s8+$0x0] =	vst.idx.add.f32.msk $0xffff, v2;
	v5 =	vadd.s32 v1, v5  }
0x3ac: {  	v3 =	vadd.s32 v1, v3;
	v4 =	vld [tilespmem:s31+$0x0]  }
0x3ad: {  	s25 =	smov.u32 s24;
	s24 =	sor.u32 $0x5200, s16;
	[tilespmem:v7+s9+$0x0] =	vst.idx.add.f32.msk $0xffff, v2  }
0x3ae: {  	s1 =	sor.u32 s17, s24;
	[tilespmem:v6+s10+$0x0] =	vst.idx.add.f32.msk $0xffff, v2  }
0x3af: {  	v6 =	vld [tilespmem:s1+$0x0]  }
0x3b0: {  	s3 =	sor.u32 $0x2280, s20;
	v8 =	vadd.s32 v1, v8;
	[tilespmem:v5+s7+$0x0] =	vst.idx.add.f32.msk $0xffff, v2  }
0x3b1: {  	s30 =	smov.u32 s12;
	s12 =	sor.u32 s15, s13;
	s13 =	sor.u32 s18, s3;
	[tilespmem:v3+s7+$0x0] =	vst.idx.add.f32.msk $0xffff, v2  }
0x3b2: {  	s1 =	sor.u32 s19, s3;
	v4 =	vadd.s32 v1, v4;
	v5 =	vld [tilespmem:s13+$0x0]  }
0x3b3: {  	v3 =	vld [tilespmem:s1+$0x0];
	_ =	sdelay $0x1  }
0x3b4: {  	[tilespmem:v8+s10+$0x0] =	vst.idx.add.f32.msk $0xffff, v2;
	v6 =	vadd.s32 v1, v6  }
0x3b5: {  	v7 =	vld [tilespmem:s29+$0x0]  }
0x3b6: {  	[tilespmem:v4+s9+$0x0] =	vst.idx.add.f32.msk $0xffff, v2;
	v5 =	vadd.s32 v1, v5  }
0x3b7: {  	s23 =	rddreg [dreg:$0x3];
	v3 =	vadd.s32 v1, v3;
	v4 =	vld [tilespmem:s4+$0x0]  }
0x3b8: {  	s14 =	sor.u32 $0x5280, s16;
	v8 =	vld [tilespmem:s23+$0x0]  }
0x3b9: {  	s3 =	sor.u32 s17, s14;
	[tilespmem:v6+s7+$0x0] =	vst.idx.add.f32.msk $0xffff, v2  }
0x3ba: {  	v7 =	vadd.s32 v1, v7;
	v6 =	vld [tilespmem:s3+$0x0]  }
0x3bb: {  	s22 =	sor.u32 $0x2300, s20;
	[tilespmem:v5+s8+$0x0] =	vst.idx.add.f32.msk $0xffff, v2  }
0x3bc: {  	s3 =	sor.u32 s19, s22;
	[tilespmem:v3+s8+$0x0] =	vst.idx.add.f32.msk $0xffff, v2  }
0x3bd: {  	s11 =	sor.u32 s15, s24;
	s24 =	sor.u32 s18, s22;
	v4 =	vadd.s32 v1, v4;
	v3 =	vld [tilespmem:s3+$0x0]  }
0x3be: {  	v5 =	vld [tilespmem:s24+$0x0]  }
0x3bf: {  	[tilespmem:v7+s7+$0x0] =	vst.idx.add.f32.msk $0xffff, v2;
	v7 =	vadd.s32 v1, v8  }
0x3c0: {  	v63 =	vadd.s32 v1, v6  }
0x3c1: {  	s26 =	sadd.s32 $0x2, s26;
	v8 =	vld [tilespmem:s0+$0x0]  }
0x3c2: {  	p0 =	slt.u32 s26, $0x1E;
	[tilespmem:v4+s10+$0x0] =	vst.idx.add.f32.msk $0xffff, v2;
	v10 =	vadd.s32 v1, v3  }
.Ltmp1:
0x3c3: {  	v3 =	vld [tilespmem:s5+$0x0];
	(pc) =	sbr.rel @p0 .LBB2_4-.Ltmp1, $4  }
0x3c4: {  	s29 =	sor.u32 $0x5300, s16;
	[tilespmem:v7+s10+$0x0] =	vst.idx.add.f32.msk $0xffff, v2  }
0x3c5: {  	s28 =	sadd.s32 $0x20, s28;
	s3 =	sor.u32 s17, s29;
	[tilespmem:v63+s8+$0x0] =	vst.idx.add.f32.msk $0xffff, v2  }
0x3c6: {  	s31 =	sor.u32 $0x2380, s20;
	s1 =	sor.u32 s15, s14;
	s14 =	smov.u32 s6;
	v4 =	vld [tilespmem:s3+$0x0]  }
0x3c7: {  	s4 =	sor.u32 s19, s31;
	s0 =	sor.u32 s15, s29;
	v6 =	vadd.s32 v1, v5;
	v5 =	vadd.s32 v1, v8;
	s3 =	sor.u32 s18, s31;
	[tilespmem:v10+s9+$0x0] =	vst.idx.add.f32.msk $0xffff, v2  }
0x3c8: {  	_ =	sdelay $0x2  }
0x3c9: {  	v7 =	vld [tilespmem:s4+$0x0]  }
0x3ca: {  	[tilespmem:v6+s9+$0x0] =	vst.idx.add.f32.msk $0xffff, v2  }
0x3cb: {  	v6 =	vld [tilespmem:s3+$0x0];
	_ =	sdelay $0x2  }
0x3cc: {  	v7 =	vadd.s32 v1, v7;
	_ =	sdelay $0x1  }
0x3cd: {  	v6 =	vadd.s32 v1, v6;
	_ =	sdelay $0x1  }
0x3ce: {  	s6 =	sor.u32 $0x3000, s20  }
0x3cf: {  	s13 =	sor.u32 s19, s6;
	[tilespmem:v7+s10+$0x0] =	vst.idx.add.f32.msk $0xffff, v2  }
0x3d0: {  	v7 =	vld [tilespmem:s13+$0x0]  }
0x3d1: {  	s3 =	sor.u32 s18, s6;
	[tilespmem:v6+s10+$0x0] =	vst.idx.add.f32.msk $0xffff, v2  }
0x3d2: {  	v6 =	vld [tilespmem:s3+$0x0];
	_ =	sdelay $0x2  }
0x3d3: {  	v7 =	vadd.s32 v1, v7;
	_ =	sdelay $0x1  }
0x3d4: {  	v6 =	vadd.s32 v1, v6;
	_ =	sdelay $0x1  }
0x3d5: {  	s21 =	sor.u32 $0x3080, s20  }
0x3d6: {  	s22 =	sor.u32 s19, s21;
	[tilespmem:v7+s7+$0x0] =	vst.idx.add.f32.msk $0xffff, v2  }
0x3d7: {  	v7 =	vld [tilespmem:s22+$0x0]  }
0x3d8: {  	s3 =	sor.u32 s18, s21;
	[tilespmem:v6+s7+$0x0] =	vst.idx.add.f32.msk $0xffff, v2  }
0x3d9: {  	v6 =	vld [tilespmem:s3+$0x0];
	_ =	sdelay $0x2  }
0x3da: {  	v7 =	vadd.s32 v1, v7;
	_ =	sdelay $0x1  }
0x3db: {  	v6 =	vadd.s32 v1, v6;
	_ =	sdelay $0x1  }
0x3dc: {  	s23 =	sor.u32 $0x3100, s20  }
0x3dd: {  	s24 =	sor.u32 s19, s23;
	[tilespmem:v7+s8+$0x0] =	vst.idx.add.f32.msk $0xffff, v2  }
0x3de: {  	v7 =	vld [tilespmem:s24+$0x0]  }
0x3df: {  	s3 =	sor.u32 s18, s23;
	[tilespmem:v6+s8+$0x0] =	vst.idx.add.f32.msk $0xffff, v2  }
0x3e0: {  	v6 =	vld [tilespmem:s3+$0x0];
	_ =	sdelay $0x2  }
0x3e1: {  	v7 =	vadd.s32 v1, v7;
	_ =	sdelay $0x1  }
0x3e2: {  	v6 =	vadd.s32 v1, v6;
	_ =	sdelay $0x1  }
0x3e3: {  	s26 =	sor.u32 $0x3180, s20  }
0x3e4: {  	s28 =	sor.u32 s19, s26;
	[tilespmem:v7+s9+$0x0] =	vst.idx.add.f32.msk $0xffff, v2  }
0x3e5: {  	v7 =	vld [tilespmem:s28+$0x0]  }
0x3e6: {  	s3 =	sor.u32 s18, s26;
	[tilespmem:v6+s9+$0x0] =	vst.idx.add.f32.msk $0xffff, v2  }
0x3e7: {  	v6 =	vld [tilespmem:s3+$0x0];
	_ =	sdelay $0x2  }
0x3e8: {  	v7 =	vadd.s32 v1, v7;
	_ =	sdelay $0x1  }
0x3e9: {  	v6 =	vadd.s32 v1, v6;
	_ =	sdelay $0x1  }
0x3ea: {  	s29 =	sor.u32 $0x3200, s20  }
0x3eb: {  	s31 =	sor.u32 s19, s29;
	[tilespmem:v7+s10+$0x0] =	vst.idx.add.f32.msk $0xffff, v2  }
0x3ec: {  	v7 =	vld [tilespmem:s31+$0x0]  }
0x3ed: {  	s3 =	sor.u32 s18, s29;
	[tilespmem:v6+s10+$0x0] =	vst.idx.add.f32.msk $0xffff, v2  }
0x3ee: {  	v6 =	vld [tilespmem:s3+$0x0];
	_ =	sdelay $0x2  }
0x3ef: {  	v7 =	vadd.s32 v1, v7;
	_ =	sdelay $0x1  }
0x3f0: {  	v6 =	vadd.s32 v1, v6;
	_ =	sdelay $0x1  }
0x3f1: {  	s5 =	sor.u32 $0x3280, s20  }
0x3f2: {  	s6 =	sor.u32 s19, s5;
	[tilespmem:v7+s7+$0x0] =	vst.idx.add.f32.msk $0xffff, v2  }
0x3f3: {  	v7 =	vld [tilespmem:s6+$0x0]  }
0x3f4: {  	s3 =	sor.u32 s18, s5;
	[tilespmem:v6+s7+$0x0] =	vst.idx.add.f32.msk $0xffff, v2  }
0x3f5: {  	v6 =	vld [tilespmem:s3+$0x0];
	_ =	sdelay $0x2  }
0x3f6: {  	v7 =	vadd.s32 v1, v7;
	_ =	sdelay $0x1  }
0x3f7: {  	v6 =	vadd.s32 v1, v6;
	_ =	sdelay $0x1  }
0x3f8: {  	s13 =	sor.u32 $0x3300, s20  }
0x3f9: {  	s21 =	sor.u32 s19, s13;
	[tilespmem:v7+s8+$0x0] =	vst.idx.add.f32.msk $0xffff, v2  }
0x3fa: {  	v7 =	vld [tilespmem:s21+$0x0]  }
0x3fb: {  	s3 =	sor.u32 s18, s13;
	[tilespmem:v6+s8+$0x0] =	vst.idx.add.f32.msk $0xffff, v2  }
0x3fc: {  	v6 =	vld [tilespmem:s3+$0x0];
	_ =	sdelay $0x2  }
0x3fd: {  	v7 =	vadd.s32 v1, v7;
	_ =	sdelay $0x1  }
0x3fe: {  	v6 =	vadd.s32 v1, v6;
	_ =	sdelay $0x1  }
0x3ff: {  	s22 =	sor.u32 $0x3380, s20  }
0x400: {  	s23 =	sor.u32 s19, s22;
	[tilespmem:v7+s9+$0x0] =	vst.idx.add.f32.msk $0xffff, v2  }
0x401: {  	v7 =	vld [tilespmem:s23+$0x0]  }
0x402: {  	s3 =	sor.u32 s18, s22;
	[tilespmem:v6+s9+$0x0] =	vst.idx.add.f32.msk $0xffff, v2  }
0x403: {  	v6 =	vld [tilespmem:s3+$0x0];
	_ =	sdelay $0x2  }
0x404: {  	v7 =	vadd.s32 v1, v7;
	_ =	sdelay $0x1  }
0x405: {  	v6 =	vadd.s32 v1, v6;
	_ =	sdelay $0x1  }
0x406: {  	s24 =	sor.u32 $0x4000, s20  }
0x407: {  	s26 =	sor.u32 s19, s24;
	[tilespmem:v7+s10+$0x0] =	vst.idx.add.f32.msk $0xffff, v2  }
0x408: {  	v7 =	vld [tilespmem:s26+$0x0]  }
0x409: {  	s3 =	sor.u32 s18, s24;
	[tilespmem:v6+s10+$0x0] =	vst.idx.add.f32.msk $0xffff, v2  }
0x40a: {  	v6 =	vld [tilespmem:s3+$0x0];
	_ =	sdelay $0x2  }
0x40b: {  	v7 =	vadd.s32 v1, v7;
	_ =	sdelay $0x1  }
0x40c: {  	v6 =	vadd.s32 v1, v6;
	_ =	sdelay $0x1  }
0x40d: {  	s28 =	sor.u32 $0x4080, s20  }
0x40e: {  	s29 =	sor.u32 s19, s28;
	[tilespmem:v7+s7+$0x0] =	vst.idx.add.f32.msk $0xffff, v2  }
0x40f: {  	v7 =	vld [tilespmem:s29+$0x0]  }
0x410: {  	s3 =	sor.u32 s18, s28;
	[tilespmem:v6+s7+$0x0] =	vst.idx.add.f32.msk $0xffff, v2  }
0x411: {  	v6 =	vld [tilespmem:s3+$0x0];
	_ =	sdelay $0x2  }
0x412: {  	v7 =	vadd.s32 v1, v7;
	_ =	sdelay $0x1  }
0x413: {  	v6 =	vadd.s32 v1, v6;
	_ =	sdelay $0x1  }
0x414: {  	s31 =	sor.u32 $0x4100, s20  }
0x415: {  	s5 =	sor.u32 s19, s31;
	[tilespmem:v7+s8+$0x0] =	vst.idx.add.f32.msk $0xffff, v2  }
0x416: {  	v7 =	vld [tilespmem:s5+$0x0]  }
0x417: {  	s3 =	sor.u32 s18, s31;
	[tilespmem:v6+s8+$0x0] =	vst.idx.add.f32.msk $0xffff, v2  }
0x418: {  	v6 =	vld [tilespmem:s3+$0x0];
	_ =	sdelay $0x2  }
0x419: {  	v7 =	vadd.s32 v1, v7;
	_ =	sdelay $0x1  }
0x41a: {  	v6 =	vadd.s32 v1, v6;
	_ =	sdelay $0x1  }
0x41b: {  	s6 =	sor.u32 $0x4180, s20  }
0x41c: {  	s13 =	sor.u32 s19, s6;
	[tilespmem:v7+s9+$0x0] =	vst.idx.add.f32.msk $0xffff, v2  }
0x41d: {  	v7 =	vld [tilespmem:s13+$0x0]  }
0x41e: {  	s3 =	sor.u32 s18, s6;
	[tilespmem:v6+s9+$0x0] =	vst.idx.add.f32.msk $0xffff, v2  }
0x41f: {  	v6 =	vld [tilespmem:s3+$0x0];
	_ =	sdelay $0x2  }
0x420: {  	v7 =	vadd.s32 v1, v7;
	_ =	sdelay $0x1  }
0x421: {  	v6 =	vadd.s32 v1, v6;
	_ =	sdelay $0x1  }
0x422: {  	s21 =	sor.u32 $0x4200, s20  }
0x423: {  	s22 =	sor.u32 s19, s21;
	[tilespmem:v7+s10+$0x0] =	vst.idx.add.f32.msk $0xffff, v2  }
0x424: {  	v7 =	vld [tilespmem:s22+$0x0]  }
0x425: {  	s3 =	sor.u32 s18, s21;
	[tilespmem:v6+s10+$0x0] =	vst.idx.add.f32.msk $0xffff, v2  }
0x426: {  	v6 =	vld [tilespmem:s3+$0x0];
	_ =	sdelay $0x2  }
0x427: {  	v7 =	vadd.s32 v1, v7;
	_ =	sdelay $0x1  }
0x428: {  	v6 =	vadd.s32 v1, v6;
	_ =	sdelay $0x1  }
0x429: {  	s23 =	sor.u32 $0x4280, s20  }
0x42a: {  	s24 =	sor.u32 s19, s23;
	[tilespmem:v7+s7+$0x0] =	vst.idx.add.f32.msk $0xffff, v2  }
0x42b: {  	v7 =	vld [tilespmem:s24+$0x0]  }
0x42c: {  	s3 =	sor.u32 s18, s23;
	[tilespmem:v6+s7+$0x0] =	vst.idx.add.f32.msk $0xffff, v2  }
0x42d: {  	v6 =	vld [tilespmem:s3+$0x0];
	_ =	sdelay $0x2  }
0x42e: {  	v7 =	vadd.s32 v1, v7;
	_ =	sdelay $0x1  }
0x42f: {  	v6 =	vadd.s32 v1, v6;
	_ =	sdelay $0x1  }
0x430: {  	s26 =	sor.u32 $0x4300, s20  }
0x431: {  	s28 =	sor.u32 s19, s26;
	[tilespmem:v7+s8+$0x0] =	vst.idx.add.f32.msk $0xffff, v2  }
0x432: {  	v7 =	vld [tilespmem:s28+$0x0]  }
0x433: {  	s3 =	sor.u32 s18, s26;
	[tilespmem:v6+s8+$0x0] =	vst.idx.add.f32.msk $0xffff, v2  }
0x434: {  	v6 =	vld [tilespmem:s3+$0x0];
	_ =	sdelay $0x2  }
0x435: {  	v7 =	vadd.s32 v1, v7;
	_ =	sdelay $0x1  }
0x436: {  	v6 =	vadd.s32 v1, v6;
	_ =	sdelay $0x1  }
0x437: {  	s29 =	sor.u32 $0x4380, s20  }
0x438: {  	s31 =	sor.u32 s19, s29;
	[tilespmem:v7+s9+$0x0] =	vst.idx.add.f32.msk $0xffff, v2  }
0x439: {  	v7 =	vld [tilespmem:s31+$0x0]  }
0x43a: {  	s3 =	sor.u32 s18, s29;
	[tilespmem:v6+s9+$0x0] =	vst.idx.add.f32.msk $0xffff, v2  }
0x43b: {  	v6 =	vld [tilespmem:s3+$0x0];
	_ =	sdelay $0x2  }
0x43c: {  	v7 =	vadd.s32 v1, v7;
	_ =	sdelay $0x1  }
0x43d: {  	v6 =	vadd.s32 v1, v6;
	_ =	sdelay $0x1  }
0x43e: {  	s5 =	sor.u32 $0x5000, s20  }
0x43f: {  	s6 =	sor.u32 s19, s5;
	[tilespmem:v7+s10+$0x0] =	vst.idx.add.f32.msk $0xffff, v2  }
0x440: {  	v7 =	vld [tilespmem:s6+$0x0]  }
0x441: {  	s3 =	sor.u32 s18, s5;
	[tilespmem:v6+s10+$0x0] =	vst.idx.add.f32.msk $0xffff, v2  }
0x442: {  	v6 =	vld [tilespmem:s3+$0x0];
	_ =	sdelay $0x2  }
0x443: {  	v7 =	vadd.s32 v1, v7;
	_ =	sdelay $0x1  }
0x444: {  	v6 =	vadd.s32 v1, v6;
	_ =	sdelay $0x1  }
0x445: {  	s13 =	sor.u32 $0x5080, s20  }
0x446: {  	s21 =	sor.u32 s19, s13;
	[tilespmem:v7+s7+$0x0] =	vst.idx.add.f32.msk $0xffff, v2  }
0x447: {  	v7 =	vld [tilespmem:s21+$0x0]  }
0x448: {  	s3 =	sor.u32 s18, s13;
	[tilespmem:v6+s7+$0x0] =	vst.idx.add.f32.msk $0xffff, v2  }
0x449: {  	v6 =	vld [tilespmem:s3+$0x0]  }
0x44a: {  	[tilespmem:v5+s8+$0x0] =	vst.idx.add.f32.msk $0xffff, v2  }
0x44b: {  	v5 =	vld [tilespmem:s2+$0x0]  }
0x44c: {  	v7 =	vadd.s32 v1, v7;
	_ =	sdelay $0x1  }
0x44d: {  	v6 =	vadd.s32 v1, v6;
	_ =	sdelay $0x1  }
0x44e: {  	v5 =	vadd.s32 v1, v5;
	s22 =	sor.u32 $0x5100, s20  }
0x44f: {  	s23 =	sor.u32 s19, s22;
	[tilespmem:v7+s8+$0x0] =	vst.idx.add.f32.msk $0xffff, v2  }
0x450: {  	v7 =	vld [tilespmem:s23+$0x0]  }
0x451: {  	s24 =	sor.u32 s18, s22;
	[tilespmem:v6+s8+$0x0] =	vst.idx.add.f32.msk $0xffff, v2  }
0x452: {  	v6 =	vld [tilespmem:s24+$0x0]  }
0x453: {  	[tilespmem:v5+s9+$0x0] =	vst.idx.add.f32.msk $0xffff, v2  }
0x454: {  	v5 =	vld [tilespmem:s12+$0x0]  }
0x455: {  	v7 =	vadd.s32 v1, v7;
	_ =	sdelay $0x1  }
0x456: {  	v6 =	vadd.s32 v1, v6;
	_ =	sdelay $0x1  }
0x457: {  	v5 =	vadd.s32 v1, v5;
	s26 =	sor.u32 $0x5180, s20  }
0x458: {  	s28 =	sor.u32 s19, s26;
	[tilespmem:v7+s9+$0x0] =	vst.idx.add.f32.msk $0xffff, v2  }
0x459: {  	v7 =	vld [tilespmem:s28+$0x0]  }
0x45a: {  	s2 =	sor.u32 s18, s26;
	[tilespmem:v6+s9+$0x0] =	vst.idx.add.f32.msk $0xffff, v2  }
0x45b: {  	v6 =	vld [tilespmem:s2+$0x0]  }
0x45c: {  	[tilespmem:v5+s10+$0x0] =	vst.idx.add.f32.msk $0xffff, v2  }
0x45d: {  	v5 =	vld [tilespmem:s11+$0x0]  }
0x45e: {  	v7 =	vadd.s32 v1, v7;
	_ =	sdelay $0x1  }
0x45f: {  	v6 =	vadd.s32 v1, v6;
	_ =	sdelay $0x1  }
0x460: {  	v5 =	vadd.s32 v1, v5;
	s29 =	sor.u32 $0x5200, s20  }
0x461: {  	s31 =	sor.u32 s19, s29;
	[tilespmem:v7+s10+$0x0] =	vst.idx.add.f32.msk $0xffff, v2  }
0x462: {  	v7 =	vld [tilespmem:s31+$0x0]  }
0x463: {  	s2 =	sor.u32 s18, s29;
	[tilespmem:v6+s10+$0x0] =	vst.idx.add.f32.msk $0xffff, v2  }
0x464: {  	v6 =	vld [tilespmem:s2+$0x0]  }
0x465: {  	[tilespmem:v5+s7+$0x0] =	vst.idx.add.f32.msk $0xffff, v2  }
0x466: {  	v5 =	vld [tilespmem:s1+$0x0]  }
0x467: {  	v7 =	vadd.s32 v1, v7;
	_ =	sdelay $0x1  }
0x468: {  	v6 =	vadd.s32 v1, v6;
	_ =	sdelay $0x1  }
0x469: {  	s4 =	sor.u32 $0x5280, s20;
	v5 =	vadd.s32 v1, v5  }
0x46a: {  	s5 =	sor.u32 s19, s4;
	[tilespmem:v7+s7+$0x0] =	vst.idx.add.f32.msk $0xffff, v2  }
0x46b: {  	v7 =	vld [tilespmem:s5+$0x0]  }
0x46c: {  	s6 =	sor.u32 s18, s4;
	[tilespmem:v6+s7+$0x0] =	vst.idx.add.f32.msk $0xffff, v2  }
0x46d: {  	v6 =	vld [tilespmem:s6+$0x0]  }
0x46e: {  	v4 =	vadd.s32 v1, v4;
	[tilespmem:v5+s8+$0x0] =	vst.idx.add.f32.msk $0xffff, v2  }
0x46f: {  	v5 =	vld [tilespmem:s0+$0x0]  }
0x470: {  	v7 =	vadd.s32 v1, v7;
	_ =	sdelay $0x1  }
0x471: {  	s21 =	sor.u32 $0x5380, s16;
	v6 =	vadd.s32 v1, v6  }
0x472: {  	[tilespmem:v4+s9+$0x0] =	vst.idx.add.f32.msk $0xffff, v2;
	s22 =	sor.u32 s17, s21  }
0x473: {  	s11 =	sor.u32 $0x5300, s20;
	v5 =	vadd.s32 v1, v5;
	v4 =	vld [tilespmem:s22+$0x0]  }
0x474: {  	s12 =	sor.u32 s19, s11;
	[tilespmem:v7+s8+$0x0] =	vst.idx.add.f32.msk $0xffff, v2  }
0x475: {  	v7 =	vld [tilespmem:s12+$0x0]  }
0x476: {  	s13 =	sor.u32 s18, s11;
	[tilespmem:v6+s8+$0x0] =	vst.idx.add.f32.msk $0xffff, v2  }
0x477: {  	v6 =	vld [tilespmem:s13+$0x0]  }
0x478: {  	[tilespmem:v5+s9+$0x0] =	vst.idx.add.f32.msk $0xffff, v2;
	s0 =	sor.u32 s15, s21;
	v4 =	vadd.s32 v1, v4  }
0x479: {  	v5 =	vld [tilespmem:s0+$0x0]  }
0x47a: {  	v7 =	vadd.s32 v1, v7;
	_ =	sdelay $0x1  }
0x47b: {  	s28 =	sor.u32 $0x6000, s16;
	v6 =	vadd.s32 v1, v6  }
0x47c: {  	[tilespmem:v4+s10+$0x0] =	vst.idx.add.f32.msk $0xffff, v2;
	s29 =	sor.u32 s17, s28  }
0x47d: {  	v5 =	vadd.s32 v1, v5;
	s23 =	sor.u32 $0x5380, s20;
	v4 =	vld [tilespmem:s29+$0x0]  }
0x47e: {  	s24 =	sor.u32 s19, s23;
	[tilespmem:v7+s9+$0x0] =	vst.idx.add.f32.msk $0xffff, v2  }
0x47f: {  	v7 =	vld [tilespmem:s24+$0x0]  }
0x480: {  	s26 =	sor.u32 s18, s23;
	[tilespmem:v6+s9+$0x0] =	vst.idx.add.f32.msk $0xffff, v2  }
0x481: {  	v6 =	vld [tilespmem:s26+$0x0]  }
0x482: {  	[tilespmem:v5+s10+$0x0] =	vst.idx.add.f32.msk $0xffff, v2;
	s0 =	sor.u32 s15, s28;
	v4 =	vadd.s32 v1, v4  }
0x483: {  	v5 =	vld [tilespmem:s0+$0x0]  }
0x484: {  	v7 =	vadd.s32 v1, v7;
	_ =	sdelay $0x1  }
0x485: {  	s5 =	sor.u32 $0x6080, s16;
	v6 =	vadd.s32 v1, v6  }
0x486: {  	[tilespmem:v4+s7+$0x0] =	vst.idx.add.f32.msk $0xffff, v2;
	s6 =	sor.u32 s17, s5  }
0x487: {  	v5 =	vadd.s32 v1, v5;
	s31 =	sor.u32 $0x6000, s20;
	v4 =	vld [tilespmem:s6+$0x0]  }
0x488: {  	s3 =	sor.u32 s19, s31;
	[tilespmem:v7+s10+$0x0] =	vst.idx.add.f32.msk $0xffff, v2  }
0x489: {  	v7 =	vld [tilespmem:s3+$0x0]  }
0x48a: {  	s4 =	sor.u32 s18, s31;
	[tilespmem:v6+s10+$0x0] =	vst.idx.add.f32.msk $0xffff, v2  }
0x48b: {  	v6 =	vld [tilespmem:s4+$0x0]  }
0x48c: {  	[tilespmem:v5+s7+$0x0] =	vst.idx.add.f32.msk $0xffff, v2;
	s0 =	sor.u32 s15, s5;
	v4 =	vadd.s32 v1, v4  }
0x48d: {  	v5 =	vld [tilespmem:s0+$0x0]  }
0x48e: {  	v7 =	vadd.s32 v1, v7;
	_ =	sdelay $0x1  }
0x48f: {  	s21 =	sor.u32 $0x6100, s16;
	v6 =	vadd.s32 v1, v6  }
0x490: {  	s22 =	sor.u32 s17, s21;
	[tilespmem:v4+s8+$0x0] =	vst.idx.add.f32.msk $0xffff, v2  }
0x491: {  	s11 =	sor.u32 $0x6080, s20;
	v5 =	vadd.s32 v1, v5;
	v4 =	vld [tilespmem:s22+$0x0]  }
0x492: {  	s12 =	sor.u32 s19, s11;
	[tilespmem:v7+s7+$0x0] =	vst.idx.add.f32.msk $0xffff, v2  }
0x493: {  	v7 =	vld [tilespmem:s12+$0x0]  }
0x494: {  	s13 =	sor.u32 s18, s11;
	[tilespmem:v6+s7+$0x0] =	vst.idx.add.f32.msk $0xffff, v2  }
0x495: {  	v6 =	vld [tilespmem:s13+$0x0]  }
0x496: {  	s0 =	sor.u32 s15, s21;
	[tilespmem:v5+s8+$0x0] =	vst.idx.add.f32.msk $0xffff, v2;
	v4 =	vadd.s32 v1, v4  }
0x497: {  	v5 =	vld [tilespmem:s0+$0x0]  }
0x498: {  	v7 =	vadd.s32 v1, v7;
	_ =	sdelay $0x1  }
0x499: {  	s28 =	sor.u32 $0x6180, s16;
	v6 =	vadd.s32 v1, v6  }
0x49a: {  	s29 =	sor.u32 s17, s28;
	[tilespmem:v4+s9+$0x0] =	vst.idx.add.f32.msk $0xffff, v2  }
0x49b: {  	s23 =	sor.u32 $0x6100, s20;
	v5 =	vadd.s32 v1, v5;
	v4 =	vld [tilespmem:s29+$0x0]  }
0x49c: {  	s24 =	sor.u32 s19, s23;
	[tilespmem:v7+s8+$0x0] =	vst.idx.add.f32.msk $0xffff, v2  }
0x49d: {  	v7 =	vld [tilespmem:s24+$0x0]  }
0x49e: {  	s26 =	sor.u32 s18, s23;
	[tilespmem:v6+s8+$0x0] =	vst.idx.add.f32.msk $0xffff, v2  }
0x49f: {  	v6 =	vld [tilespmem:s26+$0x0]  }
0x4a0: {  	s0 =	sor.u32 s15, s28;
	[tilespmem:v5+s9+$0x0] =	vst.idx.add.f32.msk $0xffff, v2;
	v4 =	vadd.s32 v1, v4  }
0x4a1: {  	v5 =	vld [tilespmem:s0+$0x0]  }
0x4a2: {  	v7 =	vadd.s32 v1, v7;
	_ =	sdelay $0x1  }
0x4a3: {  	s5 =	sor.u32 $0x6200, s16;
	v6 =	vadd.s32 v1, v6  }
0x4a4: {  	s6 =	sor.u32 s17, s5;
	[tilespmem:v4+s10+$0x0] =	vst.idx.add.f32.msk $0xffff, v2  }
0x4a5: {  	s31 =	sor.u32 $0x6180, s20;
	v5 =	vadd.s32 v1, v5;
	v4 =	vld [tilespmem:s6+$0x0]  }
0x4a6: {  	s3 =	sor.u32 s19, s31;
	[tilespmem:v7+s9+$0x0] =	vst.idx.add.f32.msk $0xffff, v2  }
0x4a7: {  	v7 =	vld [tilespmem:s3+$0x0]  }
0x4a8: {  	s4 =	sor.u32 s18, s31;
	[tilespmem:v6+s9+$0x0] =	vst.idx.add.f32.msk $0xffff, v2  }
0x4a9: {  	v6 =	vld [tilespmem:s4+$0x0]  }
0x4aa: {  	s0 =	sor.u32 s15, s5;
	[tilespmem:v5+s10+$0x0] =	vst.idx.add.f32.msk $0xffff, v2;
	v4 =	vadd.s32 v1, v4  }
0x4ab: {  	v5 =	vld [tilespmem:s0+$0x0]  }
0x4ac: {  	v7 =	vadd.s32 v1, v7;
	_ =	sdelay $0x1  }
0x4ad: {  	s21 =	sor.u32 $0x6280, s16;
	v6 =	vadd.s32 v1, v6  }
0x4ae: {  	s22 =	sor.u32 s17, s21;
	[tilespmem:v4+s7+$0x0] =	vst.idx.add.f32.msk $0xffff, v2  }
0x4af: {  	s11 =	sor.u32 $0x6200, s20;
	v5 =	vadd.s32 v1, v5;
	v4 =	vld [tilespmem:s22+$0x0]  }
0x4b0: {  	s12 =	sor.u32 s19, s11;
	[tilespmem:v7+s10+$0x0] =	vst.idx.add.f32.msk $0xffff, v2  }
0x4b1: {  	v7 =	vld [tilespmem:s12+$0x0]  }
0x4b2: {  	s13 =	sor.u32 s18, s11;
	[tilespmem:v6+s10+$0x0] =	vst.idx.add.f32.msk $0xffff, v2  }
0x4b3: {  	v6 =	vld [tilespmem:s13+$0x0]  }
0x4b4: {  	s0 =	sor.u32 s15, s21;
	[tilespmem:v5+s7+$0x0] =	vst.idx.add.f32.msk $0xffff, v2;
	v4 =	vadd.s32 v1, v4  }
0x4b5: {  	v5 =	vld [tilespmem:s0+$0x0]  }
0x4b6: {  	v7 =	vadd.s32 v1, v7;
	_ =	sdelay $0x1  }
0x4b7: {  	s28 =	sor.u32 $0x6300, s16;
	v6 =	vadd.s32 v1, v6  }
0x4b8: {  	s29 =	sor.u32 s17, s28;
	[tilespmem:v4+s8+$0x0] =	vst.idx.add.f32.msk $0xffff, v2  }
0x4b9: {  	s23 =	sor.u32 $0x6280, s20;
	v5 =	vadd.s32 v1, v5;
	v4 =	vld [tilespmem:s29+$0x0]  }
0x4ba: {  	s24 =	sor.u32 s19, s23;
	[tilespmem:v7+s7+$0x0] =	vst.idx.add.f32.msk $0xffff, v2  }
0x4bb: {  	v7 =	vld [tilespmem:s24+$0x0]  }
0x4bc: {  	s26 =	sor.u32 s18, s23;
	[tilespmem:v6+s7+$0x0] =	vst.idx.add.f32.msk $0xffff, v2  }
0x4bd: {  	v6 =	vld [tilespmem:s26+$0x0]  }
0x4be: {  	s0 =	sor.u32 s15, s28;
	[tilespmem:v5+s8+$0x0] =	vst.idx.add.f32.msk $0xffff, v2;
	v4 =	vadd.s32 v1, v4  }
0x4bf: {  	v5 =	vld [tilespmem:s0+$0x0]  }
0x4c0: {  	v7 =	vadd.s32 v1, v7;
	_ =	sdelay $0x1  }
0x4c1: {  	s5 =	sor.u32 $0x6380, s16;
	v6 =	vadd.s32 v1, v6  }
0x4c2: {  	s6 =	sor.u32 s17, s5;
	[tilespmem:v4+s9+$0x0] =	vst.idx.add.f32.msk $0xffff, v2  }
0x4c3: {  	s31 =	sor.u32 $0x6300, s20;
	v5 =	vadd.s32 v1, v5;
	v4 =	vld [tilespmem:s6+$0x0]  }
0x4c4: {  	s3 =	sor.u32 s19, s31;
	[tilespmem:v7+s8+$0x0] =	vst.idx.add.f32.msk $0xffff, v2  }
0x4c5: {  	v7 =	vld [tilespmem:s3+$0x0]  }
0x4c6: {  	s4 =	sor.u32 s18, s31;
	[tilespmem:v6+s8+$0x0] =	vst.idx.add.f32.msk $0xffff, v2  }
0x4c7: {  	v6 =	vld [tilespmem:s4+$0x0]  }
0x4c8: {  	s0 =	sor.u32 s15, s5;
	[tilespmem:v5+s9+$0x0] =	vst.idx.add.f32.msk $0xffff, v2;
	v4 =	vadd.s32 v1, v4  }
0x4c9: {  	v5 =	vld [tilespmem:s0+$0x0]  }
0x4ca: {  	v7 =	vadd.s32 v1, v7;
	_ =	sdelay $0x1  }
0x4cb: {  	s21 =	sor.u32 $0x7000, s16;
	v6 =	vadd.s32 v1, v6  }
0x4cc: {  	s22 =	sor.u32 s17, s21;
	[tilespmem:v4+s10+$0x0] =	vst.idx.add.f32.msk $0xffff, v2  }
0x4cd: {  	s11 =	sor.u32 $0x6380, s20;
	v5 =	vadd.s32 v1, v5;
	v4 =	vld [tilespmem:s22+$0x0]  }
0x4ce: {  	s12 =	sor.u32 s19, s11;
	[tilespmem:v7+s9+$0x0] =	vst.idx.add.f32.msk $0xffff, v2  }
0x4cf: {  	v7 =	vld [tilespmem:s12+$0x0]  }
0x4d0: {  	s13 =	sor.u32 s18, s11;
	[tilespmem:v6+s9+$0x0] =	vst.idx.add.f32.msk $0xffff, v2  }
0x4d1: {  	v6 =	vld [tilespmem:s13+$0x0]  }
0x4d2: {  	s0 =	sor.u32 s15, s21;
	[tilespmem:v5+s10+$0x0] =	vst.idx.add.f32.msk $0xffff, v2;
	v4 =	vadd.s32 v1, v4  }
0x4d3: {  	v5 =	vld [tilespmem:s0+$0x0]  }
0x4d4: {  	v7 =	vadd.s32 v1, v7;
	_ =	sdelay $0x1  }
0x4d5: {  	s28 =	sor.u32 $0x7080, s16;
	v6 =	vadd.s32 v1, v6  }
0x4d6: {  	s29 =	sor.u32 s17, s28;
	[tilespmem:v4+s7+$0x0] =	vst.idx.add.f32.msk $0xffff, v2  }
0x4d7: {  	s23 =	sor.u32 $0x7000, s20;
	v5 =	vadd.s32 v1, v5;
	v4 =	vld [tilespmem:s29+$0x0]  }
0x4d8: {  	s24 =	sor.u32 s19, s23;
	[tilespmem:v7+s10+$0x0] =	vst.idx.add.f32.msk $0xffff, v2  }
0x4d9: {  	v7 =	vld [tilespmem:s24+$0x0]  }
0x4da: {  	s26 =	sor.u32 s18, s23;
	[tilespmem:v6+s10+$0x0] =	vst.idx.add.f32.msk $0xffff, v2  }
0x4db: {  	v6 =	vld [tilespmem:s26+$0x0]  }
0x4dc: {  	s0 =	sor.u32 s15, s28;
	[tilespmem:v5+s7+$0x0] =	vst.idx.add.f32.msk $0xffff, v2;
	v4 =	vadd.s32 v1, v4  }
0x4dd: {  	v5 =	vld [tilespmem:s0+$0x0]  }
0x4de: {  	v7 =	vadd.s32 v1, v7;
	_ =	sdelay $0x1  }
0x4df: {  	s5 =	sor.u32 $0x7100, s16;
	v6 =	vadd.s32 v1, v6  }
0x4e0: {  	s6 =	sor.u32 s17, s5;
	[tilespmem:v4+s8+$0x0] =	vst.idx.add.f32.msk $0xffff, v2  }
0x4e1: {  	s31 =	sor.u32 $0x7080, s20;
	v5 =	vadd.s32 v1, v5;
	v4 =	vld [tilespmem:s6+$0x0]  }
0x4e2: {  	s3 =	sor.u32 s19, s31;
	[tilespmem:v7+s7+$0x0] =	vst.idx.add.f32.msk $0xffff, v2  }
0x4e3: {  	v7 =	vld [tilespmem:s3+$0x0]  }
0x4e4: {  	s4 =	sor.u32 s18, s31;
	[tilespmem:v6+s7+$0x0] =	vst.idx.add.f32.msk $0xffff, v2  }
0x4e5: {  	v6 =	vld [tilespmem:s4+$0x0]  }
0x4e6: {  	s0 =	sor.u32 s15, s5;
	[tilespmem:v5+s8+$0x0] =	vst.idx.add.f32.msk $0xffff, v2  }
0x4e7: {  	v5 =	vld [tilespmem:s0+$0x0];
	v4 =	vadd.s32 v1, v4  }
0x4e8: {  	v7 =	vadd.s32 v1, v7;
	_ =	sdelay $0x1  }
0x4e9: {  	v6 =	vadd.s32 v1, v6;
	_ =	sdelay $0x1  }
0x4ea: {  	s11 =	sor.u32 $0x7100, s20;
	v5 =	vadd.s32 v1, v5;
	[tilespmem:v4+s9+$0x0] =	vst.idx.add.f32.msk $0xffff, v2  }
0x4eb: {  	s12 =	sor.u32 s19, s11;
	[tilespmem:v7+s8+$0x0] =	vst.idx.add.f32.msk $0xffff, v2  }
0x4ec: {  	v7 =	vld [tilespmem:s12+$0x0]  }
0x4ed: {  	s13 =	sor.u32 s18, s11;
	[tilespmem:v6+s8+$0x0] =	vst.idx.add.f32.msk $0xffff, v2  }
0x4ee: {  	s21 =	sor.u32 $0x7180, s16;
	v6 =	vld [tilespmem:s13+$0x0]  }
0x4ef: {  	s22 =	sor.u32 s17, s21;
	[tilespmem:v5+s9+$0x0] =	vst.idx.add.f32.msk $0xffff, v2  }
0x4f0: {  	s0 =	sor.u32 s15, s21;
	v4 =	vld [tilespmem:s22+$0x0]  }
0x4f1: {  	v5 =	vld [tilespmem:s0+$0x0];
	v7 =	vadd.s32 v1, v7;
	_ =	sdelay $0x1  }
0x4f2: {  	v6 =	vadd.s32 v1, v6;
	_ =	sdelay $0x1  }
0x4f3: {  	s23 =	sor.u32 $0x7180, s20;
	v4 =	vadd.s32 v1, v4  }
0x4f4: {  	v5 =	vadd.s32 v1, v5;
	s24 =	sor.u32 s19, s23;
	[tilespmem:v7+s9+$0x0] =	vst.idx.add.f32.msk $0xffff, v2  }
0x4f5: {  	v7 =	vld [tilespmem:s24+$0x0]  }
0x4f6: {  	s26 =	sor.u32 s18, s23;
	[tilespmem:v6+s9+$0x0] =	vst.idx.add.f32.msk $0xffff, v2  }
0x4f7: {  	v6 =	vld [tilespmem:s26+$0x0]  }
0x4f8: {  	s28 =	sor.u32 $0x7200, s16;
	[tilespmem:v4+s10+$0x0] =	vst.idx.add.f32.msk $0xffff, v2  }
0x4f9: {  	v3 =	vadd.s32 v1, v3;
	s29 =	sor.u32 s17, s28;
	[tilespmem:v5+s10+$0x0] =	vst.idx.add.f32.msk $0xffff, v2  }
0x4fa: {  	s0 =	sor.u32 s15, s28;
	v4 =	vld [tilespmem:s29+$0x0];
	v7 =	vadd.s32 v1, v7  }
0x4fb: {  	v5 =	vld [tilespmem:s0+$0x0]  }
0x4fc: {  	v6 =	vadd.s32 v1, v6;
	_ =	sdelay $0x1  }
0x4fd: {  	[tilespmem:v3+s7+$0x0] =	vst.idx.add.f32.msk $0xffff, v2;
	s31 =	sor.u32 $0x7200, s20  }
0x4fe: {  	v4 =	vadd.s32 v1, v4;
	s3 =	sor.u32 s19, s31;
	[tilespmem:v7+s10+$0x0] =	vst.idx.add.f32.msk $0xffff, v2  }
0x4ff: {  	v5 =	vadd.s32 v1, v5;
	v7 =	vld [tilespmem:s3+$0x0]  }
0x500: {  	s4 =	sor.u32 s18, s31;
	[tilespmem:v6+s10+$0x0] =	vst.idx.add.f32.msk $0xffff, v2  }
0x501: {  	v6 =	vld [tilespmem:s4+$0x0]  }
0x502: {  	v3 =	vld [tilespmem:s30+$0x0]  }
0x503: {  	s5 =	sor.u32 $0x7280, s16;
	[tilespmem:v4+s7+$0x0] =	vst.idx.add.f32.msk $0xffff, v2  }
0x504: {  	s6 =	sor.u32 s17, s5;
	[tilespmem:v5+s7+$0x0] =	vst.idx.add.f32.msk $0xffff, v2;
	v7 =	vadd.s32 v1, v7  }
0x505: {  	s0 =	sor.u32 s15, s5;
	v4 =	vld [tilespmem:s6+$0x0]  }
0x506: {  	v5 =	vld [tilespmem:s0+$0x0];
	v6 =	vadd.s32 v1, v6;
	_ =	sdelay $0x1  }
0x507: {  	v3 =	vadd.s32 v1, v3;
	s11 =	sor.u32 $0x7280, s20  }
0x508: {  	s12 =	sor.u32 s19, s11;
	[tilespmem:v7+s7+$0x0] =	vst.idx.add.f32.msk $0xffff, v2  }
0x509: {  	v4 =	vadd.s32 v1, v4;
	v7 =	vld [tilespmem:s12+$0x0]  }
0x50a: {  	v5 =	vadd.s32 v1, v5;
	s13 =	sor.u32 s18, s11;
	[tilespmem:v6+s7+$0x0] =	vst.idx.add.f32.msk $0xffff, v2  }
0x50b: {  	v6 =	vld [tilespmem:s13+$0x0]  }
0x50c: {  	[tilespmem:v3+s8+$0x0] =	vst.idx.add.f32.msk $0xffff, v2  }
0x50d: {  	v3 =	vld [tilespmem:s25+$0x0]  }
0x50e: {  	s21 =	sor.u32 $0x7300, s16;
	[tilespmem:v4+s8+$0x0] =	vst.idx.add.f32.msk $0xffff, v2;
	v7 =	vadd.s32 v1, v7  }
0x50f: {  	s22 =	sor.u32 s17, s21;
	[tilespmem:v5+s8+$0x0] =	vst.idx.add.f32.msk $0xffff, v2  }
0x510: {  	s0 =	sor.u32 s15, s21;
	v4 =	vld [tilespmem:s22+$0x0];
	v6 =	vadd.s32 v1, v6  }
0x511: {  	v5 =	vld [tilespmem:s0+$0x0]  }
0x512: {  	s23 =	sor.u32 $0x7300, s20  }
0x513: {  	v3 =	vadd.s32 v1, v3;
	s24 =	sor.u32 s19, s23;
	[tilespmem:v7+s8+$0x0] =	vst.idx.add.f32.msk $0xffff, v2  }
0x514: {  	v7 =	vld [tilespmem:s24+$0x0]  }
0x515: {  	s25 =	sor.u32 s18, s23;
	v4 =	vadd.s32 v1, v4;
	[tilespmem:v6+s8+$0x0] =	vst.idx.add.f32.msk $0xffff, v2  }
0x516: {  	v5 =	vadd.s32 v1, v5;
	v6 =	vld [tilespmem:s25+$0x0];
	_ =	sdelay $0x1  }
0x517: {  	[tilespmem:v3+s9+$0x0] =	vst.idx.add.f32.msk $0xffff, v2  }
0x518: {  	v3 =	vld [tilespmem:s14+$0x0];
	v7 =	vadd.s32 v1, v7  }
0x519: {  	s26 =	sor.u32 $0x7380, s16;
	[tilespmem:v4+s9+$0x0] =	vst.idx.add.f32.msk $0xffff, v2  }
0x51a: {  	[tilespmem:v5+s9+$0x0] =	vst.idx.add.f32.msk $0xffff, v2;
	s28 =	sor.u32 s17, s26;
	v6 =	vadd.s32 v1, v6  }
0x51b: {  	s0 =	sor.u32 s15, s26;
	v4 =	vld [tilespmem:s28+$0x0]  }
0x51c: {  	s29 =	sor.u32 $0x7380, s20;
	v5 =	vld [tilespmem:s0+$0x0]  }
0x51d: {  	s30 =	sor.u32 s19, s29;
	[tilespmem:v7+s9+$0x0] =	vst.idx.add.f32.msk $0xffff, v2  }
0x51e: {  	v7 =	vld [tilespmem:s30+$0x0]  }
0x51f: {  	s31 =	sor.u32 s18, s29;
	[tilespmem:v6+s9+$0x0] =	vst.idx.add.f32.msk $0xffff, v2  }
0x520: {  	v6 =	vld [tilespmem:s31+$0x0]  }
0x521: {  	v3 =	vadd.s32 v1, v3  }
0x522: {  	v4 =	vadd.s32 v1, v4  }
0x523: {  	v5 =	vadd.s32 v1, v5  }
0x524: {  	v7 =	vadd.s32 v1, v7  }
0x525: {  	v6 =	vadd.s32 v1, v6  }
0x526: {  	[tilespmem:v3+s10+$0x0] =	vst.idx.add.f32.msk $0xffff, v2  }
0x527: {  	[tilespmem:v4+s10+$0x0] =	vst.idx.add.f32.msk $0xffff, v2  }
0x528: {  	[tilespmem:v5+s10+$0x0] =	vst.idx.add.f32.msk $0xffff, v2  }
0x529: {  	[tilespmem:v7+s10+$0x0] =	vst.idx.add.f32.msk $0xffff, v2  }
0x52a: {  	s0 =	simm.s32 $0x8020;
	[tilespmem:v6+s10+$0x0] =	vst.idx.add.f32.msk $0xffff, v2  }
0x52b: {  	s1 =	simm.s32 $0x97A0;
	v3 =	vld [tilespmem:s0+$0x10]  }
0x52c: {  	v4 =	vld [tilespmem:s1+$0x10]  }
0x52d: {  	s2 =	simm.s32 $0xAF20;
	v8 =	vld [tilespmem:s1+$0xFFFFFFE0]  }
0x52e: {  	v5 =	vld [tilespmem:s2+$0x10]  }
0x52f: {  	s3 =	simm.s32 $0xC6A0;
	v6 =	vld [tilespmem:s0+$0xFFFFFFF0]  }
0x530: {  	v9 =	vld [tilespmem:s3+$0x10]  }
0x531: {  	v10 =	vld [tilespmem:s1+$0xFFFFFFF0]  }
0x532: {  	v11 =	vld [tilespmem:s0+$0x0]  }
0x533: {  	v12 =	vld [tilespmem:s1+$0x0]  }
0x534: {  	v13 =	vld [tilespmem:s0+$0xFFFFFFE0];
	v4 =	vadd.f32 v4, v3  }
0x535: {  	p0 =	por $0x1, $0x1;
	v7 =	vld [tilespmem:s2+$0xFFFFFFF0]  }
.Ltmp2:
0x536: {  	v3 =	vld [tilespmem:s2+$0xFFFFFFE0];
	v5 =	vadd.f32 v5, v4;
	(pc) =	sbr.rel @!p0 .LBB2_7-.Ltmp2, $4  }
0x537: {  	v4 =	vld [tilespmem:s2+$0x0]  }
0x538: {  	v14 =	vadd.f32 v9, v5;
	v5 =	vld [tilespmem:s3+$0xFFFFFFE0];
	v9 =	vadd.f32 v10, v6  }
0x539: {  	v6 =	vld [tilespmem:s3+$0xFFFFFFF0];
	v10 =	vadd.f32 v12, v11;
	v11 =	vadd.f32 v8, v13  }
0x53a: {  	s5 =	simm.s32 $0x8060;
	s4 =	simm.s32 $0x0;
	v8 =	vld [tilespmem:s3+$0x0];
	[tilespmem:s0+$0x10] =	vst v14  }
.LBB2_6:
0x53b: {  	v12 =	vld [tilespmem:s5+$0x10];
	v3 =	vadd.f32 v3, v11;
	v7 =	vadd.f32 v7, v9;
	s1 =	sadd.s32 $0x40, s1  }
0x53c: {  	s4 =	sadd.s32 $0x4, s4;
	v9 =	vld [tilespmem:s1+$0x10];
	v4 =	vadd.f32 v4, v10  }
0x53d: {  	s2 =	sadd.s32 $0x40, s2;
	p0 =	slt.u32 s4, $0x16C;
	v11 =	vld [tilespmem:s1+$0xFFFFFFE0];
	v3 =	vadd.f32 v5, v3  }
0x53e: {  	v5 =	vld [tilespmem:s2+$0x10];
	v6 =	vadd.f32 v6, v7  }
0x53f: {  	s3 =	sadd.s32 $0x40, s3;
	v7 =	vld [tilespmem:s5+$0xFFFFFFF0];
	[tilespmem:s0+$0xFFFFFFE0] =	vst v3;
	v3 =	vadd.f32 v8, v4  }
0x540: {  	v4 =	vld [tilespmem:s3+$0x10];
	[tilespmem:s0+$0xFFFFFFF0] =	vst v6  }
0x541: {  	v6 =	vld [tilespmem:s1+$0xFFFFFFF0];
	v8 =	vadd.f32 v9, v12;
	[tilespmem:s0+$0x0] =	vst v3;
	s0 =	smov.u32 s5  }
0x542: {  	v10 =	vld [tilespmem:s5+$0x0]  }
0x543: {  	v12 =	vld [tilespmem:s1+$0x0];
	v5 =	vadd.f32 v5, v8  }
0x544: {  	v8 =	vld [tilespmem:s5+$0xFFFFFFE0]  }
0x545: {  	v3 =	vld [tilespmem:s2+$0xFFFFFFE0];
	v5 =	vadd.f32 v4, v5  }
.Ltmp3:
0x546: {  	v9 =	vadd.f32 v6, v7;
	v7 =	vld [tilespmem:s2+$0xFFFFFFF0];
	(pc) =	sbr.rel @p0 .LBB2_6-.Ltmp3, $4  }
0x547: {  	v4 =	vld [tilespmem:s2+$0x0];
	[tilespmem:s5+$0x10] =	vst v5  }
0x548: {  	v5 =	vld [tilespmem:s3+$0xFFFFFFE0];
	v10 =	vadd.f32 v12, v10  }
0x549: {  	v11 =	vadd.f32 v11, v8;
	v6 =	vld [tilespmem:s3+$0xFFFFFFF0]  }
0x54a: {  	s5 =	sadd.s32 $0x40, s5;
	v8 =	vld [tilespmem:s3+$0x0]  }
.LBB2_7:
0x54b: {  	v3 =	vadd.f32 v3, v11  }
0x54c: {  	v7 =	vadd.f32 v7, v9  }
0x54d: {  	v4 =	vadd.f32 v4, v10;
	v3 =	vadd.f32 v5, v3  }
0x54e: {  	v61 =	vadd.f32 v6, v7  }
0x54f: {  	[tilespmem:s0+$0xFFFFFFE0] =	vst v3;
	v3 =	vadd.f32 v8, v4  }
0x550: {  	[tilespmem:s0+$0xFFFFFFF0] =	vst v61  }
0x551: {  	[tilespmem:s0+$0x0] =	vst v3  }
0x552: {  	v3 =	vld [tilespmem:$0x9700]  }
0x553: {  	v62 =	vld [tilespmem:$0xAE80];
	_ =	sdelay $0x1  }
0x554: {  	v5 =	vld [tilespmem:$0xC600];
	_ =	sdelay $0x1  }
0x555: {  	v63 =	vld [tilespmem:$0xDD80]  }
0x556: {  	v3 =	vadd.f32 v62, v3;
	_ =	sdelay $0x1  }
0x557: {  	v3 =	vadd.f32 v5, v3;
	_ =	sdelay $0x1  }
0x558: {  	v3 =	vadd.f32 v63, v3  }
0x559: {  	s1 =	simm.s32 $0x80  }
0x55a: {  	s2 =	simm.s32 $0x400;
	s29 =	simm.s32 $0x2;
	s0 =	rddreg [dreg:$0x7];
	[tilespmem:$0x9700] =	vst v3  }
0x55b: {  	[hbm4b:s0+s1] =	stream.strided.scatter [tilespmem:s7], [sflag:$0x2], $0x1780, s2, s1, $0x38;
	[tilespmem:$0xDE00] =	vst v63  }
0x55c: {  	_ =	swait.ge [sflag:s29], $0x1780  }
0x55d: {  	s30 =	rddreg [dreg:$0x9]  }
0x55e: {  	s31 =	rddreg [dreg:$0x8];
	s2 =	sadd.s32 $0x1, s30  }
0x55f: {  	p0 =	sne.s32 s2, s31  }
.Ltmp4:
0x560: {  	_ = 	snop;
	(pc) =	sbr.rel @p0 .LBB2_1-.Ltmp4, $3  }
0x561: {  	_ =	sdelay $0x1  }
0x562: {  	[sflag:s29] =	ssyncset.done $0x0  }
0x563: {  	[sflag:s29] =	ssyncadd.s32 $0xFFFFE880  }
0x564: {  	_ =	sfence.sel $0x180000  }
0x565: {  	[bflag:$0x0] =	sbarrier.arrive $0xFFFF  }
0x566: {  	_ =	strace $0x9000004A  }
0x567: {  	s0 =	stileid.u32;
	[bflag:$0x2] =	sbarrier.arrive $0xFFFF  }
0x568: {  	p0 =	sne.s32 s0, $0x0;
	s0 =	rddreg [dreg:$0x1]  }
0x569: {  	s0 =	sadd.s32 @!p0 $0x100000, s0  }
0x56a: {  	[sflag:s0] =	ssyncadd.tile.s32 @!p0 $0x1;
	_ =	shalt  }
.Lfunc_end2:
_tile_overlayer_lowered:
.L_overlay_start_2:
0x56b: {  	(tag) =	ssettag $0x2  }
0x56c: {  	s0 =	rddreg [dreg:$0x0];
	s2 =	stileid.u32  }
0x56d: {  	s1 =	rddreg [dreg:$0x1];
	p0 =	sne.s32 s2, $0x0  }
0x56e: {  	s3 =	rddreg [dreg:$0x2];
	[bflag:$0x3] =	sbarrier.arrive $0xFFFF;
	s2 =	simm.s32 @!p0 $0x1C02  }
0x56f: {  	[timem:s3], [sflag:s2] =	dma.local @!p0 [hbm:s0], s1  }
0x570: {  	s0 =	simm.s32 @!p0 $0x2  }
0x571: {  	_ =	swait.ge @!p0 [sflag:s0], s1  }
0x572: {  	s1 =	ssub.s32 @!p0 $0x0, s1;
	[sflag:s0] =	ssyncset.done @!p0 $0x0  }
0x573: {  	[sflag:s0] =	ssyncadd.s32 @!p0 s1  }
0x574: {  	[bflag:$0x3] =	sbarrier.arrive $0xFFFF  }
0x575: {  	_ =	shalt  }

</sc_bundles>
